<compile_context>
chip_gen: v7x
topology: tpu7x:2x2x1
jax: 0.10.2.dev20260603
libtpu: 0.0.44.dev20260713+nightly
codegen_flags: <defaults>
</compile_context>

<pallas_src>
import functools

import jax
import jax.numpy as jnp
import numpy as np
from jax import lax
from jax.experimental import pallas as pl
from jax.experimental.pallas import tpu as pltpu
from jax.experimental.pallas import tpu_sc as plsc

N = 10000
E = 320000
D = 128
K = 8
KD = K * D
NC = 2
NS = 16
NW = NC * NS
E2 = 327680
C = 16
ROWS = E2 // C
RPW = ROWS // NW
RSB = 32
SB = RPW // RSB
NPAD = 10240
HR = NPAD // 128
RPT = NPAD // NS
EPS = 1e-5
NBLK = 5
BN = N // NBLK

_PERM = np.empty((KD,), np.int32)
for _k in range(K):
    for _q in range(4):
        _base = _k * 128 + _q * 32
        for _i in range(16):
            _PERM[_base + 2 * _i] = _base + _i
            _PERM[_base + 2 * _i + 1] = _base + 16 + _i


def _pre_body(x_ref, wcat_ref, xwk_ref, xr_ref):
    acc = jnp.dot(x_ref[...], wcat_ref[...], preferred_element_type=jnp.float32)
    xwk_ref[...] = acc[:, :KD].astype(jnp.bfloat16)
    xr_ref[...] = acc[:, KD:]


def _precompute(x, wcat):
    return pl.pallas_call(
        _pre_body,
        grid=(NBLK,),
        in_specs=[
            pl.BlockSpec((BN, D), lambda i: (i, 0)),
            pl.BlockSpec((D, KD + D), lambda i: (0, 0)),
        ],
        out_specs=[
            pl.BlockSpec((BN, KD), lambda i: (i, 0)),
            pl.BlockSpec((BN, D), lambda i: (i, 0)),
        ],
        out_shape=[
            jax.ShapeDtypeStruct((N, KD), jnp.bfloat16),
            jax.ShapeDtypeStruct((N, D), jnp.float32),
        ],
    )(x, wcat)


_mesh = plsc.VectorSubcoreMesh(core_axis_name="c", subcore_axis_name="s")


@functools.partial(
    pl.kernel,
    out_type=[
        jax.ShapeDtypeStruct((NC, NPAD, D), jnp.float32),
        jax.ShapeDtypeStruct((NC, NS, HR, 128), jnp.float32),
    ],
    mesh=_mesh,
    compiler_params=pltpu.CompilerParams(needs_layout_passes=False),
    scratch_types=[
        pltpu.VMEM((RSB, C), jnp.int32),
        pltpu.VMEM((RSB, C), jnp.int32),
        pltpu.VMEM((RSB, 128), jnp.float32),
        pltpu.VMEM((RSB * C,), jnp.int32),
        pltpu.VMEM((C, KD // 2), jnp.float32),
        pltpu.VMEM((C, KD // 2), jnp.float32),
        pltpu.VMEM((C, D), jnp.float32),
        pltpu.VMEM((C, D), jnp.float32),
        pltpu.VMEM((HR, 128), jnp.float32),
        pltpu.SMEM((3, C), jnp.float32),
        pltpu.VMEM_SHARED((NPAD, D), jnp.float32),
        pltpu.SemaphoreType.DMA,
        pltpu.SemaphoreType.DMA,
        pltpu.SemaphoreType.DMA,
        pltpu.SemaphoreType.DMA,
        pltpu.SemaphoreType.DMA,
    ],
)
def _sc_aggregate(xwk_hbm, src_hbm, dst_hbm, dstf_hbm, attr_hbm, zeros_hbm,
                  feat_hbm, cnt_hbm,
                  srcb, dstb, attrb, dstc1, row0, row1, msg0, msg1, hist, fsm,
                  agg_sh, sem0, sem1, ssem0, ssem1, stsem):
    cid = lax.axis_index("c")
    sid = lax.axis_index("s")
    wid = sid * NC + cid

    ones16 = jnp.full((16,), 1.0, jnp.float32)

    zbase = sid * RPT
    pltpu.async_copy(zeros_hbm, agg_sh.at[pl.ds(zbase, RPT)], stsem)
    pltpu.async_copy(zeros_hbm.at[pl.ds(0, HR)], hist, stsem)
    pltpu.make_async_copy(zeros_hbm, agg_sh.at[pl.ds(zbase, RPT)],
                          stsem).wait()
    pltpu.make_async_copy(zeros_hbm.at[pl.ds(0, HR)], hist, stsem).wait()
    plsc.subcore_barrier()

    def compute_chunk(ch, rowref, msgref):
        f0v = attrb[ch, pl.ds(0, 16)]
        f1v = attrb[ch, pl.ds(16, 16)]
        f2v = attrb[ch, pl.ds(32, 16)]
        for l in range(C):
            fsm[0, l] = f0v[l]
            fsm[1, l] = f1v[l]
            fsm[2, l] = f2v[l]

        @plsc.parallel_loop(0, C, unroll=4)
        def edge_body(e):
            f0 = fsm[0, e]
            f1 = fsm[1, e]
            f2 = fsm[2, e]
            g0 = 1.0 - f0
            g1 = 1.0 - f1
            g2 = 1.0 - f2
            t0 = g1 * g2
            t1 = f1 * g2
            t2 = g1 * f2
            t3 = f1 * f2
            cs = (g0 * t0, f0 * t0, g0 * t1, f0 * t1,
                  g0 * t2, f0 * t2, g0 * t3, f0 * t3)
            for q in range(4):
                va = plsc.bitcast(rowref[e, pl.ds(q * 16, 16)], jnp.bfloat16)
                a, b = plsc.unpack(va, format=plsc.PackFormat.INTERLEAVED)
                acca = cs[0] * a
                accb = cs[0] * b
                for k in range(1, 8):
                    v = plsc.bitcast(
                        rowref[e, pl.ds(k * 64 + q * 16, 16)], jnp.bfloat16)
                    a, b = plsc.unpack(v, format=plsc.PackFormat.INTERLEAVED)
                    acca = acca + cs[k] * a
                    accb = accb + cs[k] * b
                msgref[e, pl.ds(q * 32, 16)] = acca
                msgref[e, pl.ds(q * 32 + 16, 16)] = accb

    row_base = wid * RPW

    def sb_body(sb, carry):
        r0 = row_base + sb * RSB
        pltpu.async_copy(src_hbm.at[pl.ds(r0, RSB)], srcb, stsem)
        pltpu.async_copy(dst_hbm.at[pl.ds(r0, RSB)], dstb, stsem)
        pltpu.async_copy(attr_hbm.at[pl.ds(r0, RSB)], attrb, stsem)
        pltpu.async_copy(dstf_hbm.at[pl.ds(r0 * C, RSB * C)], dstc1, stsem)
        pltpu.make_async_copy(src_hbm.at[pl.ds(r0, RSB)], srcb, stsem).wait()
        pltpu.make_async_copy(dst_hbm.at[pl.ds(r0, RSB)], dstb, stsem).wait()
        pltpu.make_async_copy(attr_hbm.at[pl.ds(r0, RSB)], attrb,
                              stsem).wait()
        pltpu.make_async_copy(dstf_hbm.at[pl.ds(r0 * C, RSB * C)], dstc1,
                              stsem).wait()
        pltpu.async_copy(xwk_hbm.at[srcb.at[0]], row0, sem0)

        for chs in range(RSB):
            dv = dstc1[pl.ds(chs * C, 16)]
            plsc.addupdate_scatter(
                hist,
                [lax.shift_right_logical(dv, 7),
                 lax.bitwise_and(dv, 127)],
                ones16)

        def pair_body(p, carry2):
            ch0 = 2 * p
            pltpu.async_copy(xwk_hbm.at[srcb.at[ch0 + 1]], row1, sem1)
            pltpu.make_async_copy(xwk_hbm.at[srcb.at[ch0]], row0, sem0).wait()

            @pl.when(p > 0)
            def _():
                pltpu.make_async_copy(msg0, agg_sh.at[dstb.at[ch0]],
                                      ssem0).wait()

            compute_chunk(ch0, row0, msg0)
            pltpu.async_copy(msg0, agg_sh.at[dstb.at[ch0]], ssem0, add=True)

            @pl.when(p + 1 < RSB // 2)
            def _():
                pltpu.async_copy(xwk_hbm.at[srcb.at[ch0 + 2]], row0, sem0)

            pltpu.make_async_copy(xwk_hbm.at[srcb.at[ch0 + 1]], row1,
                                  sem1).wait()

            @pl.when(p > 0)
            def _():
                pltpu.make_async_copy(msg1, agg_sh.at[dstb.at[ch0 + 1]],
                                      ssem1).wait()

            compute_chunk(ch0 + 1, row1, msg1)
            pltpu.async_copy(msg1, agg_sh.at[dstb.at[ch0 + 1]], ssem1,
                             add=True)
            return carry2

        lax.fori_loop(0, RSB // 2, pair_body, 0)
        pltpu.make_async_copy(msg0, agg_sh.at[dstb.at[RSB - 2]], ssem0).wait()
        pltpu.make_async_copy(msg1, agg_sh.at[dstb.at[RSB - 1]], ssem1).wait()
        return carry

    lax.fori_loop(0, SB, sb_body, 0)

    plsc.subcore_barrier()
    pltpu.sync_copy(agg_sh.at[pl.ds(sid * RPT, RPT)],
                    feat_hbm.at[cid].at[pl.ds(sid * RPT, RPT)])
    pltpu.sync_copy(hist, cnt_hbm.at[cid].at[sid])


def _final_body(feat_ref, cnt_ref, xr_ref, bias_ref, gamma_ref, beta_ref,
                out_ref):
    a = feat_ref[0, :N, :] + feat_ref[1, :N, :]
    ct = jnp.transpose(cnt_ref[...])
    cnt = jnp.sum(ct[:N, :], axis=1, keepdims=True)
    h = a / jnp.maximum(cnt, 1.0) + xr_ref[...] + bias_ref[...]
    h = jnp.where(h > 0, h, jnp.exp(jnp.minimum(h, 0.0)) - 1.0)
    mean = jnp.mean(h, axis=0, keepdims=True)
    var = jnp.mean((h - mean) ** 2, axis=0, keepdims=True)
    out_ref[...] = ((h - mean) / jnp.sqrt(var + EPS) * gamma_ref[...]
                    + beta_ref[...])


def _final(feat2, cnts, xr, bias, gamma, beta):
    return pl.pallas_call(
        _final_body,
        out_shape=jax.ShapeDtypeStruct((N, D), jnp.float32),
    )(feat2, cnts, xr, bias, gamma, beta)


def kernel(x, edge_index, edge_attr, W, root, bias, gamma, beta):
    wflat = jnp.transpose(W, (1, 0, 2)).reshape(D, KD)
    wcat = jnp.concatenate([wflat[:, _PERM], root], axis=1)
    xwk, xr = _precompute(x, wcat)
    xwk = jax.lax.bitcast_convert_type(
        xwk.reshape(N, KD // 2, 2), jnp.float32)
    src2d = jnp.pad(edge_index[0], (0, E2 - E)).reshape(ROWS, C)
    dstp = jnp.pad(edge_index[1], (0, E2 - E), constant_values=N)
    dst2d = dstp.reshape(ROWS, C)
    attr128 = jnp.pad(
        jnp.transpose(
            jnp.pad(edge_attr, ((0, E2 - E), (0, 0))).reshape(ROWS, C, 3),
            (0, 2, 1)),
        ((0, 0), (0, 5), (0, 0))).reshape(ROWS, 128)
    zeros2d = jnp.zeros((RPT, 128), jnp.float32)
    feat2, cnt4 = _sc_aggregate(xwk, src2d, dst2d, dstp, attr128, zeros2d)
    return _final(feat2, cnt4.reshape(NW, NPAD), xr, bias.reshape(1, D),
                  gamma.reshape(1, D), beta.reshape(1, D))

# --- scband reference (transcript-rebuilt; emitter-appended) ---
"""Pipeline reference for scband-spline-block-43843026158076 (READ-ONLY COPY).

The authoritative reference and input builder live on the scoring server;
editing this copy changes nothing except your own understanding.
"""

import jax, jax.numpy as jnp
import numpy as np

N = 10000
E = 320000
D_IN = 128
D_OUT = 128
DIM = 3
KS = 2
DEG = 1
K = KS ** DIM          # 8 kernel weight matrices
S = (DEG + 1) ** DIM   # 8 nonzero basis products per edge
EPS = 1e-5

_OFF = np.array(list(np.ndindex(*([DEG + 1] * DIM))), dtype=np.int32)  # [S, DIM]
_RADIX = (KS ** np.arange(DIM)).astype(np.int32)                       # [DIM]


def setup_inputs(seed: int = 0) -> dict:
    key = jax.random.key(seed)
    k1, k2, k3, k4, k5 = jax.random.split(key, 5)
    x = jax.random.normal(k1, (N, D_IN), dtype=jnp.float32)
    edge_index = jax.random.randint(k2, (2, E), 0, N, dtype=jnp.int32)
    edge_attr = jax.random.uniform(k3, (E, DIM), dtype=jnp.float32)
    W = jax.random.normal(k4, (K, D_IN, D_OUT), dtype=jnp.float32) / np.sqrt(D_IN * S)
    root = jax.random.normal(k5, (D_IN, D_OUT), dtype=jnp.float32) / np.sqrt(D_IN)
    bias = jnp.zeros((D_OUT,), dtype=jnp.float32)
    gamma = jnp.ones((D_OUT,), dtype=jnp.float32)
    beta = jnp.zeros((D_OUT,), dtype=jnp.float32)
    return {"x": x, "edge_index": edge_index, "edge_attr": edge_attr,
            "W": W, "root": root, "bias": bias, "gamma": gamma, "beta": beta}


def _spline_conv(x, edge_index, edge_attr, W, root, bias):
    src = edge_index[0]
    dst = edge_index[1]
    # open B-spline basis, degree 1
    v = edge_attr * float(KS - DEG)                 # [E, DIM] in [0, 1)
    bot = jnp.clip(jnp.floor(v), 0.0, float(KS - DEG - 1))
    frac = v - bot                                  # [E, DIM]
    bot_i = bot.astype(jnp.int32)
    off = jnp.asarray(_OFF)                          # [S, DIM]
    frac_e = frac[:, None, :]                        # [E, 1, DIM]
    b = jnp.where(off[None, :, :] == 0, 1.0 - frac_e, frac_e)  # [E, S, DIM]
    basis = jnp.prod(b, axis=-1)                     # [E, S]
    idx = bot_i[:, None, :] + off[None, :, :]        # [E, S, DIM]
    wi = jnp.sum(idx * jnp.asarray(_RADIX)[None, None, :], axis=-1)  # [E, S]
    # per-kernel node transforms, then edge-level gather + basis-weighted sum
    xWk = jnp.einsum('ni,kio->nko', x, W)            # [N, K, D_OUT]
    g = jnp.take(xWk, src, axis=0)                   # [E, K, D_OUT]
    sel = jnp.take_along_axis(g, wi[:, :, None], axis=1)  # [E, S, D_OUT]
    msg = jnp.sum(basis[:, :, None] * sel, axis=1)   # [E, D_OUT]
    # mean aggregation by destination node
    agg = jax.ops.segment_sum(msg, dst, num_segments=N)
    cnt = jax.ops.segment_sum(jnp.ones((E,), jnp.float32), dst, num_segments=N)
    out = agg / jnp.clip(cnt, 1.0)[:, None]
    out = out + x @ root + bias
    return out


def reference(x, edge_index, edge_attr, W, root, bias, gamma, beta):
    out = _spline_conv(x, edge_index, edge_attr, W, root, bias)
    out = jax.nn.elu(out)
    # BatchNorm1d over nodes, training-mode batch statistics (biased var)
    mean = jnp.mean(out, axis=0)
    var = jnp.var(out, axis=0)
    out = (out - mean) / jnp.sqrt(var + EPS) * gamma + beta
    return out

if __name__ == "__main__":
    import jax
    _d = setup_inputs()
    print(jax.jit(kernel)(*tuple(_d.values())))

</pallas_src>

<mosaic_0001>
#map = affine_map<(d0, d1) -> (0, 0)>
#map1 = affine_map<(d0, d1) -> (0)>
#map2 = affine_map<(d0, d1) -> (0, 0, 0)>
#map3 = affine_map<(d0, d1) -> (0, 0, 0, 0)>
module attributes {stable_mosaic.version = 14 : i64} {
  func.func @_sc_aggregate(%arg0: i32, %arg1: i32, %arg2: memref<10000x512xf32, #tpu.memory_space<hbm>>, %arg3: memref<20480x16xi32, #tpu.memory_space<hbm>>, %arg4: memref<20480x16xi32, #tpu.memory_space<hbm>>, %arg5: memref<327680xi32, #tpu.memory_space<hbm>>, %arg6: memref<20480x128xf32, #tpu.memory_space<hbm>>, %arg7: memref<640x128xf32, #tpu.memory_space<hbm>>, %arg8: memref<2x10240x128xf32, #tpu.memory_space<hbm>>, %arg9: memref<2x16x80x128xf32, #tpu.memory_space<hbm>>, %arg10: memref<32x16xi32, #tpu.memory_space<vmem>>, %arg11: memref<32x16xi32, #tpu.memory_space<vmem>>, %arg12: memref<32x128xf32, #tpu.memory_space<vmem>>, %arg13: memref<512xi32, #tpu.memory_space<vmem>>, %arg14: memref<16x512xf32, #tpu.memory_space<vmem>>, %arg15: memref<16x512xf32, #tpu.memory_space<vmem>>, %arg16: memref<16x128xf32, #tpu.memory_space<vmem>>, %arg17: memref<16x128xf32, #tpu.memory_space<vmem>>, %arg18: memref<80x128xf32, #tpu.memory_space<vmem>>, %arg19: memref<3x16xf32, #tpu.memory_space<smem>>, %arg20: memref<10240x128xf32, #tpu.memory_space<vmem_shared>>, %arg21: memref<!tpu.dma_semaphore, #tpu.memory_space<semaphore_mem>>, %arg22: memref<!tpu.dma_semaphore, #tpu.memory_space<semaphore_mem>>, %arg23: memref<!tpu.dma_semaphore, #tpu.memory_space<semaphore_mem>>, %arg24: memref<!tpu.dma_semaphore, #tpu.memory_space<semaphore_mem>>, %arg25: memref<!tpu.dma_semaphore, #tpu.memory_space<semaphore_mem>>) attributes {dimension_semantics = [#tpu.dimension_semantics<core_parallel>, #tpu.dimension_semantics<subcore_parallel>], iteration_bounds = array<i64: 2, 16>, scalar_prefetch = 0 : i64, scratch_operands = 16 : i64, tpu.core_type = #tpu.core_type<sc_vector_subcore>, window_params = [{transform_indices = #map}, {transform_indices = #map}, {transform_indices = #map}, {transform_indices = #map1}, {transform_indices = #map}, {transform_indices = #map}, {transform_indices = #map2}, {transform_indices = #map3}]} {
    %mul3A = arith.constant 2 : i32
    %mul3A_0 = arith.muli %arg1, %mul3A : i32
    %add3A = arith.addi %mul3A_0, %arg0 : i32
    %broadcast_in_dim3A = arith.constant 1.000000e+00 : f32
    %broadcast_in_dim3A_1 = vector.broadcast %broadcast_in_dim3A : f32 to vector<16xf32>
    %mul3A_2 = arith.constant 640 : i32
    %mul3A_3 = arith.muli %arg1, %mul3A_2 : i32
    %dma_start3A = arith.constant 0 : i32
    %dma_start3A_4 = tpu.memref_slice %arg20[%mul3A_3, %dma_start3A] : memref<10240x128xf32, #tpu.memory_space<vmem_shared>> -> memref<640x128xf32, #tpu.memory_space<vmem_shared>>
    tpu.enqueue_dma source(%arg7 : memref<640x128xf32, #tpu.memory_space<hbm>>) target(%dma_start3A_4 : memref<640x128xf32, #tpu.memory_space<vmem_shared>>) target_semaphore(%arg25 : memref<!tpu.dma_semaphore, #tpu.memory_space<semaphore_mem>>)
    %dma_start3A_5 = arith.constant 0 : i32
    %dma_start3A_6 = arith.constant 0 : i32
    %dma_start3A_7 = tpu.memref_slice %arg7[%dma_start3A_5, %dma_start3A_6] : memref<640x128xf32, #tpu.memory_space<hbm>> -> memref<80x128xf32, #tpu.memory_space<hbm>>
    %dma_start3A_8 = arith.constant 0 : i32
    %dma_start3A_9 = arith.constant 0 : i32
    %dma_start3A_10 = tpu.memref_slice %arg7[%dma_start3A_8, %dma_start3A_9] : memref<640x128xf32, #tpu.memory_space<hbm>> -> memref<80x128xf32, #tpu.memory_space<hbm>>
    tpu.enqueue_dma source(%dma_start3A_10 : memref<80x128xf32, #tpu.memory_space<hbm>>) target(%arg18 : memref<80x128xf32, #tpu.memory_space<vmem>>) target_semaphore(%arg25 : memref<!tpu.dma_semaphore, #tpu.memory_space<semaphore_mem>>)
    %dma_wait3A = arith.constant 0 : i32
    %dma_wait3A_11 = tpu.memref_slice %arg20[%mul3A_3, %dma_wait3A] : memref<10240x128xf32, #tpu.memory_space<vmem_shared>> -> memref<640x128xf32, #tpu.memory_space<vmem_shared>>
    tpu.wait_dma2 semaphore(%arg25 : memref<!tpu.dma_semaphore, #tpu.memory_space<semaphore_mem>>) src(%arg7 : memref<640x128xf32, #tpu.memory_space<hbm>>) dst(%dma_wait3A_11 : memref<640x128xf32, #tpu.memory_space<vmem_shared>>)
    %dma_wait3A_12 = arith.constant 0 : i32
    %dma_wait3A_13 = arith.constant 0 : i32
    %dma_wait3A_14 = tpu.memref_slice %arg7[%dma_wait3A_12, %dma_wait3A_13] : memref<640x128xf32, #tpu.memory_space<hbm>> -> memref<80x128xf32, #tpu.memory_space<hbm>>
    %dma_wait3A_15 = arith.constant 0 : i32
    %dma_wait3A_16 = arith.constant 0 : i32
    %dma_wait3A_17 = tpu.memref_slice %arg7[%dma_wait3A_15, %dma_wait3A_16] : memref<640x128xf32, #tpu.memory_space<hbm>> -> memref<80x128xf32, #tpu.memory_space<hbm>>
    tpu.wait_dma2 semaphore(%arg25 : memref<!tpu.dma_semaphore, #tpu.memory_space<semaphore_mem>>) src(%dma_wait3A_17 : memref<80x128xf32, #tpu.memory_space<hbm>>) dst(%arg18 : memref<80x128xf32, #tpu.memory_space<vmem>>)
    %barrier3A = arith.constant 0 : index
    tpu.barrier barrier_id(%barrier3A)
    %mul3A_18 = arith.constant 640 : i32
    %mul3A_19 = arith.muli %add3A, %mul3A_18 : i32
    %scan3A = arith.constant 0 : i32
    %scan3A_20 = arith.constant 0 : i32
    %scan3A_21 = arith.constant 20 : i32
    %scan3A_22 = arith.addi %scan3A_20, %scan3A_21 : i32
    %scan3A_23 = arith.constant 1 : i32
    scf.for %scan3A_30 = %scan3A_20 to %scan3A_22 step %scan3A_23  : i32 {
      %mul3A_31 = arith.constant 32 : i32
      %mul3A_32 = arith.muli %scan3A_30, %mul3A_31 : i32
      %add3A_33 = arith.addi %mul3A_19, %mul3A_32 : i32
      %dma_start3A_34 = arith.constant 0 : i32
      %dma_start3A_35 = tpu.memref_slice %arg3[%add3A_33, %dma_start3A_34] : memref<20480x16xi32, #tpu.memory_space<hbm>> -> memref<32x16xi32, #tpu.memory_space<hbm>>
      %dma_start3A_36 = arith.constant 0 : i32
      %dma_start3A_37 = tpu.memref_slice %arg3[%add3A_33, %dma_start3A_36] : memref<20480x16xi32, #tpu.memory_space<hbm>> -> memref<32x16xi32, #tpu.memory_space<hbm>>
      tpu.enqueue_dma source(%dma_start3A_37 : memref<32x16xi32, #tpu.memory_space<hbm>>) target(%arg10 : memref<32x16xi32, #tpu.memory_space<vmem>>) target_semaphore(%arg25 : memref<!tpu.dma_semaphore, #tpu.memory_space<semaphore_mem>>)
      %dma_start3A_38 = arith.constant 0 : i32
      %dma_start3A_39 = tpu.memref_slice %arg4[%add3A_33, %dma_start3A_38] : memref<20480x16xi32, #tpu.memory_space<hbm>> -> memref<32x16xi32, #tpu.memory_space<hbm>>
      %dma_start3A_40 = arith.constant 0 : i32
      %dma_start3A_41 = tpu.memref_slice %arg4[%add3A_33, %dma_start3A_40] : memref<20480x16xi32, #tpu.memory_space<hbm>> -> memref<32x16xi32, #tpu.memory_space<hbm>>
      tpu.enqueue_dma source(%dma_start3A_41 : memref<32x16xi32, #tpu.memory_space<hbm>>) target(%arg11 : memref<32x16xi32, #tpu.memory_space<vmem>>) target_semaphore(%arg25 : memref<!tpu.dma_semaphore, #tpu.memory_space<semaphore_mem>>)
      %dma_start3A_42 = arith.constant 0 : i32
      %dma_start3A_43 = tpu.memref_slice %arg6[%add3A_33, %dma_start3A_42] : memref<20480x128xf32, #tpu.memory_space<hbm>> -> memref<32x128xf32, #tpu.memory_space<hbm>>
      %dma_start3A_44 = arith.constant 0 : i32
      %dma_start3A_45 = tpu.memref_slice %arg6[%add3A_33, %dma_start3A_44] : memref<20480x128xf32, #tpu.memory_space<hbm>> -> memref<32x128xf32, #tpu.memory_space<hbm>>
      tpu.enqueue_dma source(%dma_start3A_45 : memref<32x128xf32, #tpu.memory_space<hbm>>) target(%arg12 : memref<32x128xf32, #tpu.memory_space<vmem>>) target_semaphore(%arg25 : memref<!tpu.dma_semaphore, #tpu.memory_space<semaphore_mem>>)
      %mul3A_46 = arith.constant 16 : i32
      %mul3A_47 = arith.muli %add3A_33, %mul3A_46 : i32
      %dma_start3A_48 = tpu.memref_slice %arg5[%mul3A_47] : memref<327680xi32, #tpu.memory_space<hbm>> -> memref<512xi32, #tpu.memory_space<hbm>>
      %dma_start3A_49 = tpu.memref_slice %arg5[%mul3A_47] : memref<327680xi32, #tpu.memory_space<hbm>> -> memref<512xi32, #tpu.memory_space<hbm>>
      tpu.enqueue_dma source(%dma_start3A_49 : memref<512xi32, #tpu.memory_space<hbm>>) target(%arg13 : memref<512xi32, #tpu.memory_space<vmem>>) target_semaphore(%arg25 : memref<!tpu.dma_semaphore, #tpu.memory_space<semaphore_mem>>)
      %dma_wait3A_50 = arith.constant 0 : i32
      %dma_wait3A_51 = tpu.memref_slice %arg3[%add3A_33, %dma_wait3A_50] : memref<20480x16xi32, #tpu.memory_space<hbm>> -> memref<32x16xi32, #tpu.memory_space<hbm>>
      %dma_wait3A_52 = arith.constant 0 : i32
      %dma_wait3A_53 = tpu.memref_slice %arg3[%add3A_33, %dma_wait3A_52] : memref<20480x16xi32, #tpu.memory_space<hbm>> -> memref<32x16xi32, #tpu.memory_space<hbm>>
      tpu.wait_dma2 semaphore(%arg25 : memref<!tpu.dma_semaphore, #tpu.memory_space<semaphore_mem>>) src(%dma_wait3A_53 : memref<32x16xi32, #tpu.memory_space<hbm>>) dst(%arg10 : memref<32x16xi32, #tpu.memory_space<vmem>>)
      %dma_wait3A_54 = arith.constant 0 : i32
      %dma_wait3A_55 = tpu.memref_slice %arg4[%add3A_33, %dma_wait3A_54] : memref<20480x16xi32, #tpu.memory_space<hbm>> -> memref<32x16xi32, #tpu.memory_space<hbm>>
      %dma_wait3A_56 = arith.constant 0 : i32
      %dma_wait3A_57 = tpu.memref_slice %arg4[%add3A_33, %dma_wait3A_56] : memref<20480x16xi32, #tpu.memory_space<hbm>> -> memref<32x16xi32, #tpu.memory_space<hbm>>
      tpu.wait_dma2 semaphore(%arg25 : memref<!tpu.dma_semaphore, #tpu.memory_space<semaphore_mem>>) src(%dma_wait3A_57 : memref<32x16xi32, #tpu.memory_space<hbm>>) dst(%arg11 : memref<32x16xi32, #tpu.memory_space<vmem>>)
      %dma_wait3A_58 = arith.constant 0 : i32
      %dma_wait3A_59 = tpu.memref_slice %arg6[%add3A_33, %dma_wait3A_58] : memref<20480x128xf32, #tpu.memory_space<hbm>> -> memref<32x128xf32, #tpu.memory_space<hbm>>
      %dma_wait3A_60 = arith.constant 0 : i32
      %dma_wait3A_61 = tpu.memref_slice %arg6[%add3A_33, %dma_wait3A_60] : memref<20480x128xf32, #tpu.memory_space<hbm>> -> memref<32x128xf32, #tpu.memory_space<hbm>>
      tpu.wait_dma2 semaphore(%arg25 : memref<!tpu.dma_semaphore, #tpu.memory_space<semaphore_mem>>) src(%dma_wait3A_61 : memref<32x128xf32, #tpu.memory_space<hbm>>) dst(%arg12 : memref<32x128xf32, #tpu.memory_space<vmem>>)
      %mul3A_62 = arith.constant 16 : i32
      %mul3A_63 = arith.muli %add3A_33, %mul3A_62 : i32
      %dma_wait3A_64 = tpu.memref_slice %arg5[%mul3A_63] : memref<327680xi32, #tpu.memory_space<hbm>> -> memref<512xi32, #tpu.memory_space<hbm>>
      %dma_wait3A_65 = tpu.memref_slice %arg5[%mul3A_63] : memref<327680xi32, #tpu.memory_space<hbm>> -> memref<512xi32, #tpu.memory_space<hbm>>
      tpu.wait_dma2 semaphore(%arg25 : memref<!tpu.dma_semaphore, #tpu.memory_space<semaphore_mem>>) src(%dma_wait3A_65 : memref<512xi32, #tpu.memory_space<hbm>>) dst(%arg13 : memref<512xi32, #tpu.memory_space<vmem>>)
      %dma_start3A_66 = arith.constant 0 : i32
      %dma_start3A_67 = arith.constant 0 : i32
      %dma_start3A_68 = tpu.memref_slice %arg10[%dma_start3A_66, %dma_start3A_67] : memref<32x16xi32, #tpu.memory_space<vmem>> -> memref<1x16xi32, #tpu.memory_space<vmem>>
      %dma_start3A_69 = tpu.memref_squeeze %dma_start3A_68 : memref<1x16xi32, #tpu.memory_space<vmem>> -> memref<16xi32, #tpu.memory_space<vmem>>
      %dma_start3A_70 = arith.constant 0 : i32
      %dma_start3A_71 = arith.constant 0 : i32
      %dma_start3A_72 = tpu.memref_slice %arg2[%dma_start3A_70, %dma_start3A_71] : memref<10000x512xf32, #tpu.memory_space<hbm>> -> memref<10000x512xf32, #tpu.memory_space<hbm>>
      tpu.enqueue_indirect_dma source(%dma_start3A_72 : memref<10000x512xf32, #tpu.memory_space<hbm>>) target(%arg14 : memref<16x512xf32, #tpu.memory_space<vmem>>) offsets(%dma_start3A_69 : memref<16xi32, #tpu.memory_space<vmem>>) semaphore(%arg21 : memref<!tpu.dma_semaphore, #tpu.memory_space<semaphore_mem>>)
      %get3A = arith.constant 0 : index
      %get3A_73 = tpu.vector_load %arg13[%get3A] {strides = array<i32>} : memref<512xi32, #tpu.memory_space<vmem>>, vector<16xi32>,
      %shift_right_logical3A = arith.constant 7 : i32
      %shift_right_logical3A_74 = vector.broadcast %shift_right_logical3A : i32 to vector<16xi32>
      %shift_right_logical3A_75 = arith.shrui %get3A_73, %shift_right_logical3A_74 : vector<16xi32>
      %and3A = arith.constant 127 : i32
      %and3A_76 = vector.broadcast %and3A : i32 to vector<16xi32>
      %and3A_77 = arith.andi %get3A_73, %and3A_76 : vector<16xi32>
      tpu.vector_store_idx %arg18[%shift_right_logical3A_75, %and3A_77], %broadcast_in_dim3A_1 {add = true} : memref<80x128xf32, #tpu.memory_space<vmem>>[vector<16xi32>, vector<16xi32>], vector<16xf32>,
      %get3A_78 = arith.constant 16 : index
      %get3A_79 = tpu.vector_load %arg13[%get3A_78] {strides = array<i32>} : memref<512xi32, #tpu.memory_space<vmem>>, vector<16xi32>,
      %shift_right_logical3A_80 = arith.constant 7 : i32
      %shift_right_logical3A_81 = vector.broadcast %shift_right_logical3A_80 : i32 to vector<16xi32>
      %shift_right_logical3A_82 = arith.shrui %get3A_79, %shift_right_logical3A_81 : vector<16xi32>
      %and3A_83 = arith.constant 127 : i32
      %and3A_84 = vector.broadcast %and3A_83 : i32 to vector<16xi32>
      %and3A_85 = arith.andi %get3A_79, %and3A_84 : vector<16xi32>
      tpu.vector_store_idx %arg18[%shift_right_logical3A_82, %and3A_85], %broadcast_in_dim3A_1 {add = true} : memref<80x128xf32, #tpu.memory_space<vmem>>[vector<16xi32>, vector<16xi32>], vector<16xf32>,
      %get3A_86 = arith.constant 32 : index
      %get3A_87 = tpu.vector_load %arg13[%get3A_86] {strides = array<i32>} : memref<512xi32, #tpu.memory_space<vmem>>, vector<16xi32>,
      %shift_right_logical3A_88 = arith.constant 7 : i32
      %shift_right_logical3A_89 = vector.broadcast %shift_right_logical3A_88 : i32 to vector<16xi32>
      %shift_right_logical3A_90 = arith.shrui %get3A_87, %shift_right_logical3A_89 : vector<16xi32>
      %and3A_91 = arith.constant 127 : i32
      %and3A_92 = vector.broadcast %and3A_91 : i32 to vector<16xi32>
      %and3A_93 = arith.andi %get3A_87, %and3A_92 : vector<16xi32>
      tpu.vector_store_idx %arg18[%shift_right_logical3A_90, %and3A_93], %broadcast_in_dim3A_1 {add = true} : memref<80x128xf32, #tpu.memory_space<vmem>>[vector<16xi32>, vector<16xi32>], vector<16xf32>,
      %get3A_94 = arith.constant 48 : index
      %get3A_95 = tpu.vector_load %arg13[%get3A_94] {strides = array<i32>} : memref<512xi32, #tpu.memory_space<vmem>>, vector<16xi32>,
      %shift_right_logical3A_96 = arith.constant 7 : i32
      %shift_right_logical3A_97 = vector.broadcast %shift_right_logical3A_96 : i32 to vector<16xi32>
      %shift_right_logical3A_98 = arith.shrui %get3A_95, %shift_right_logical3A_97 : vector<16xi32>
      %and3A_99 = arith.constant 127 : i32
      %and3A_100 = vector.broadcast %and3A_99 : i32 to vector<16xi32>
      %and3A_101 = arith.andi %get3A_95, %and3A_100 : vector<16xi32>
      tpu.vector_store_idx %arg18[%shift_right_logical3A_98, %and3A_101], %broadcast_in_dim3A_1 {add = true} : memref<80x128xf32, #tpu.memory_space<vmem>>[vector<16xi32>, vector<16xi32>], vector<16xf32>,
      %get3A_102 = arith.constant 64 : index
      %get3A_103 = tpu.vector_load %arg13[%get3A_102] {strides = array<i32>} : memref<512xi32, #tpu.memory_space<vmem>>, vector<16xi32>,
      %shift_right_logical3A_104 = arith.constant 7 : i32
      %shift_right_logical3A_105 = vector.broadcast %shift_right_logical3A_104 : i32 to vector<16xi32>
      %shift_right_logical3A_106 = arith.shrui %get3A_103, %shift_right_logical3A_105 : vector<16xi32>
      %and3A_107 = arith.constant 127 : i32
      %and3A_108 = vector.broadcast %and3A_107 : i32 to vector<16xi32>
      %and3A_109 = arith.andi %get3A_103, %and3A_108 : vector<16xi32>
      tpu.vector_store_idx %arg18[%shift_right_logical3A_106, %and3A_109], %broadcast_in_dim3A_1 {add = true} : memref<80x128xf32, #tpu.memory_space<vmem>>[vector<16xi32>, vector<16xi32>], vector<16xf32>,
      %get3A_110 = arith.constant 80 : index
      %get3A_111 = tpu.vector_load %arg13[%get3A_110] {strides = array<i32>} : memref<512xi32, #tpu.memory_space<vmem>>, vector<16xi32>,
      %shift_right_logical3A_112 = arith.constant 7 : i32
      %shift_right_logical3A_113 = vector.broadcast %shift_right_logical3A_112 : i32 to vector<16xi32>
      %shift_right_logical3A_114 = arith.shrui %get3A_111, %shift_right_logical3A_113 : vector<16xi32>
      %and3A_115 = arith.constant 127 : i32
      %and3A_116 = vector.broadcast %and3A_115 : i32 to vector<16xi32>
      %and3A_117 = arith.andi %get3A_111, %and3A_116 : vector<16xi32>
      tpu.vector_store_idx %arg18[%shift_right_logical3A_114, %and3A_117], %broadcast_in_dim3A_1 {add = true} : memref<80x128xf32, #tpu.memory_space<vmem>>[vector<16xi32>, vector<16xi32>], vector<16xf32>,
      %get3A_118 = arith.constant 96 : index
      %get3A_119 = tpu.vector_load %arg13[%get3A_118] {strides = array<i32>} : memref<512xi32, #tpu.memory_space<vmem>>, vector<16xi32>,
      %shift_right_logical3A_120 = arith.constant 7 : i32
      %shift_right_logical3A_121 = vector.broadcast %shift_right_logical3A_120 : i32 to vector<16xi32>
      %shift_right_logical3A_122 = arith.shrui %get3A_119, %shift_right_logical3A_121 : vector<16xi32>
      %and3A_123 = arith.constant 127 : i32
      %and3A_124 = vector.broadcast %and3A_123 : i32 to vector<16xi32>
      %and3A_125 = arith.andi %get3A_119, %and3A_124 : vector<16xi32>
      tpu.vector_store_idx %arg18[%shift_right_logical3A_122, %and3A_125], %broadcast_in_dim3A_1 {add = true} : memref<80x128xf32, #tpu.memory_space<vmem>>[vector<16xi32>, vector<16xi32>], vector<16xf32>,
      %get3A_126 = arith.constant 112 : index
      %get3A_127 = tpu.vector_load %arg13[%get3A_126] {strides = array<i32>} : memref<512xi32, #tpu.memory_space<vmem>>, vector<16xi32>,
      %shift_right_logical3A_128 = arith.constant 7 : i32
      %shift_right_logical3A_129 = vector.broadcast %shift_right_logical3A_128 : i32 to vector<16xi32>
      %shift_right_logical3A_130 = arith.shrui %get3A_127, %shift_right_logical3A_129 : vector<16xi32>
      %and3A_131 = arith.constant 127 : i32
      %and3A_132 = vector.broadcast %and3A_131 : i32 to vector<16xi32>
      %and3A_133 = arith.andi %get3A_127, %and3A_132 : vector<16xi32>
      tpu.vector_store_idx %arg18[%shift_right_logical3A_130, %and3A_133], %broadcast_in_dim3A_1 {add = true} : memref<80x128xf32, #tpu.memory_space<vmem>>[vector<16xi32>, vector<16xi32>], vector<16xf32>,
      %get3A_134 = arith.constant 128 : index
      %get3A_135 = tpu.vector_load %arg13[%get3A_134] {strides = array<i32>} : memref<512xi32, #tpu.memory_space<vmem>>, vector<16xi32>,
      %shift_right_logical3A_136 = arith.constant 7 : i32
      %shift_right_logical3A_137 = vector.broadcast %shift_right_logical3A_136 : i32 to vector<16xi32>
      %shift_right_logical3A_138 = arith.shrui %get3A_135, %shift_right_logical3A_137 : vector<16xi32>
      %and3A_139 = arith.constant 127 : i32
      %and3A_140 = vector.broadcast %and3A_139 : i32 to vector<16xi32>
      %and3A_141 = arith.andi %get3A_135, %and3A_140 : vector<16xi32>
      tpu.vector_store_idx %arg18[%shift_right_logical3A_138, %and3A_141], %broadcast_in_dim3A_1 {add = true} : memref<80x128xf32, #tpu.memory_space<vmem>>[vector<16xi32>, vector<16xi32>], vector<16xf32>,
      %get3A_142 = arith.constant 144 : index
      %get3A_143 = tpu.vector_load %arg13[%get3A_142] {strides = array<i32>} : memref<512xi32, #tpu.memory_space<vmem>>, vector<16xi32>,
      %shift_right_logical3A_144 = arith.constant 7 : i32
      %shift_right_logical3A_145 = vector.broadcast %shift_right_logical3A_144 : i32 to vector<16xi32>
      %shift_right_logical3A_146 = arith.shrui %get3A_143, %shift_right_logical3A_145 : vector<16xi32>
      %and3A_147 = arith.constant 127 : i32
      %and3A_148 = vector.broadcast %and3A_147 : i32 to vector<16xi32>
      %and3A_149 = arith.andi %get3A_143, %and3A_148 : vector<16xi32>
      tpu.vector_store_idx %arg18[%shift_right_logical3A_146, %and3A_149], %broadcast_in_dim3A_1 {add = true} : memref<80x128xf32, #tpu.memory_space<vmem>>[vector<16xi32>, vector<16xi32>], vector<16xf32>,
      %get3A_150 = arith.constant 160 : index
      %get3A_151 = tpu.vector_load %arg13[%get3A_150] {strides = array<i32>} : memref<512xi32, #tpu.memory_space<vmem>>, vector<16xi32>,
      %shift_right_logical3A_152 = arith.constant 7 : i32
      %shift_right_logical3A_153 = vector.broadcast %shift_right_logical3A_152 : i32 to vector<16xi32>
      %shift_right_logical3A_154 = arith.shrui %get3A_151, %shift_right_logical3A_153 : vector<16xi32>
      %and3A_155 = arith.constant 127 : i32
      %and3A_156 = vector.broadcast %and3A_155 : i32 to vector<16xi32>
      %and3A_157 = arith.andi %get3A_151, %and3A_156 : vector<16xi32>
      tpu.vector_store_idx %arg18[%shift_right_logical3A_154, %and3A_157], %broadcast_in_dim3A_1 {add = true} : memref<80x128xf32, #tpu.memory_space<vmem>>[vector<16xi32>, vector<16xi32>], vector<16xf32>,
      %get3A_158 = arith.constant 176 : index
      %get3A_159 = tpu.vector_load %arg13[%get3A_158] {strides = array<i32>} : memref<512xi32, #tpu.memory_space<vmem>>, vector<16xi32>,
      %shift_right_logical3A_160 = arith.constant 7 : i32
      %shift_right_logical3A_161 = vector.broadcast %shift_right_logical3A_160 : i32 to vector<16xi32>
      %shift_right_logical3A_162 = arith.shrui %get3A_159, %shift_right_logical3A_161 : vector<16xi32>
      %and3A_163 = arith.constant 127 : i32
      %and3A_164 = vector.broadcast %and3A_163 : i32 to vector<16xi32>
      %and3A_165 = arith.andi %get3A_159, %and3A_164 : vector<16xi32>
      tpu.vector_store_idx %arg18[%shift_right_logical3A_162, %and3A_165], %broadcast_in_dim3A_1 {add = true} : memref<80x128xf32, #tpu.memory_space<vmem>>[vector<16xi32>, vector<16xi32>], vector<16xf32>,
      %get3A_166 = arith.constant 192 : index
      %get3A_167 = tpu.vector_load %arg13[%get3A_166] {strides = array<i32>} : memref<512xi32, #tpu.memory_space<vmem>>, vector<16xi32>,
      %shift_right_logical3A_168 = arith.constant 7 : i32
      %shift_right_logical3A_169 = vector.broadcast %shift_right_logical3A_168 : i32 to vector<16xi32>
      %shift_right_logical3A_170 = arith.shrui %get3A_167, %shift_right_logical3A_169 : vector<16xi32>
      %and3A_171 = arith.constant 127 : i32
      %and3A_172 = vector.broadcast %and3A_171 : i32 to vector<16xi32>
      %and3A_173 = arith.andi %get3A_167, %and3A_172 : vector<16xi32>
      tpu.vector_store_idx %arg18[%shift_right_logical3A_170, %and3A_173], %broadcast_in_dim3A_1 {add = true} : memref<80x128xf32, #tpu.memory_space<vmem>>[vector<16xi32>, vector<16xi32>], vector<16xf32>,
      %get3A_174 = arith.constant 208 : index
      %get3A_175 = tpu.vector_load %arg13[%get3A_174] {strides = array<i32>} : memref<512xi32, #tpu.memory_space<vmem>>, vector<16xi32>,
      %shift_right_logical3A_176 = arith.constant 7 : i32
      %shift_right_logical3A_177 = vector.broadcast %shift_right_logical3A_176 : i32 to vector<16xi32>
      %shift_right_logical3A_178 = arith.shrui %get3A_175, %shift_right_logical3A_177 : vector<16xi32>
      %and3A_179 = arith.constant 127 : i32
      %and3A_180 = vector.broadcast %and3A_179 : i32 to vector<16xi32>
      %and3A_181 = arith.andi %get3A_175, %and3A_180 : vector<16xi32>
      tpu.vector_store_idx %arg18[%shift_right_logical3A_178, %and3A_181], %broadcast_in_dim3A_1 {add = true} : memref<80x128xf32, #tpu.memory_space<vmem>>[vector<16xi32>, vector<16xi32>], vector<16xf32>,
      %get3A_182 = arith.constant 224 : index
      %get3A_183 = tpu.vector_load %arg13[%get3A_182] {strides = array<i32>} : memref<512xi32, #tpu.memory_space<vmem>>, vector<16xi32>,
      %shift_right_logical3A_184 = arith.constant 7 : i32
      %shift_right_logical3A_185 = vector.broadcast %shift_right_logical3A_184 : i32 to vector<16xi32>
      %shift_right_logical3A_186 = arith.shrui %get3A_183, %shift_right_logical3A_185 : vector<16xi32>
      %and3A_187 = arith.constant 127 : i32
      %and3A_188 = vector.broadcast %and3A_187 : i32 to vector<16xi32>
      %and3A_189 = arith.andi %get3A_183, %and3A_188 : vector<16xi32>
      tpu.vector_store_idx %arg18[%shift_right_logical3A_186, %and3A_189], %broadcast_in_dim3A_1 {add = true} : memref<80x128xf32, #tpu.memory_space<vmem>>[vector<16xi32>, vector<16xi32>], vector<16xf32>,
      %get3A_190 = arith.constant 240 : index
      %get3A_191 = tpu.vector_load %arg13[%get3A_190] {strides = array<i32>} : memref<512xi32, #tpu.memory_space<vmem>>, vector<16xi32>,
      %shift_right_logical3A_192 = arith.constant 7 : i32
      %shift_right_logical3A_193 = vector.broadcast %shift_right_logical3A_192 : i32 to vector<16xi32>
      %shift_right_logical3A_194 = arith.shrui %get3A_191, %shift_right_logical3A_193 : vector<16xi32>
      %and3A_195 = arith.constant 127 : i32
      %and3A_196 = vector.broadcast %and3A_195 : i32 to vector<16xi32>
      %and3A_197 = arith.andi %get3A_191, %and3A_196 : vector<16xi32>
      tpu.vector_store_idx %arg18[%shift_right_logical3A_194, %and3A_197], %broadcast_in_dim3A_1 {add = true} : memref<80x128xf32, #tpu.memory_space<vmem>>[vector<16xi32>, vector<16xi32>], vector<16xf32>,
      %get3A_198 = arith.constant 256 : index
      %get3A_199 = tpu.vector_load %arg13[%get3A_198] {strides = array<i32>} : memref<512xi32, #tpu.memory_space<vmem>>, vector<16xi32>,
      %shift_right_logical3A_200 = arith.constant 7 : i32
      %shift_right_logical3A_201 = vector.broadcast %shift_right_logical3A_200 : i32 to vector<16xi32>
      %shift_right_logical3A_202 = arith.shrui %get3A_199, %shift_right_logical3A_201 : vector<16xi32>
      %and3A_203 = arith.constant 127 : i32
      %and3A_204 = vector.broadcast %and3A_203 : i32 to vector<16xi32>
      %and3A_205 = arith.andi %get3A_199, %and3A_204 : vector<16xi32>
      tpu.vector_store_idx %arg18[%shift_right_logical3A_202, %and3A_205], %broadcast_in_dim3A_1 {add = true} : memref<80x128xf32, #tpu.memory_space<vmem>>[vector<16xi32>, vector<16xi32>], vector<16xf32>,
      %get3A_206 = arith.constant 272 : index
      %get3A_207 = tpu.vector_load %arg13[%get3A_206] {strides = array<i32>} : memref<512xi32, #tpu.memory_space<vmem>>, vector<16xi32>,
      %shift_right_logical3A_208 = arith.constant 7 : i32
      %shift_right_logical3A_209 = vector.broadcast %shift_right_logical3A_208 : i32 to vector<16xi32>
      %shift_right_logical3A_210 = arith.shrui %get3A_207, %shift_right_logical3A_209 : vector<16xi32>
      %and3A_211 = arith.constant 127 : i32
      %and3A_212 = vector.broadcast %and3A_211 : i32 to vector<16xi32>
      %and3A_213 = arith.andi %get3A_207, %and3A_212 : vector<16xi32>
      tpu.vector_store_idx %arg18[%shift_right_logical3A_210, %and3A_213], %broadcast_in_dim3A_1 {add = true} : memref<80x128xf32, #tpu.memory_space<vmem>>[vector<16xi32>, vector<16xi32>], vector<16xf32>,
      %get3A_214 = arith.constant 288 : index
      %get3A_215 = tpu.vector_load %arg13[%get3A_214] {strides = array<i32>} : memref<512xi32, #tpu.memory_space<vmem>>, vector<16xi32>,
      %shift_right_logical3A_216 = arith.constant 7 : i32
      %shift_right_logical3A_217 = vector.broadcast %shift_right_logical3A_216 : i32 to vector<16xi32>
      %shift_right_logical3A_218 = arith.shrui %get3A_215, %shift_right_logical3A_217 : vector<16xi32>
      %and3A_219 = arith.constant 127 : i32
      %and3A_220 = vector.broadcast %and3A_219 : i32 to vector<16xi32>
      %and3A_221 = arith.andi %get3A_215, %and3A_220 : vector<16xi32>
      tpu.vector_store_idx %arg18[%shift_right_logical3A_218, %and3A_221], %broadcast_in_dim3A_1 {add = true} : memref<80x128xf32, #tpu.memory_space<vmem>>[vector<16xi32>, vector<16xi32>], vector<16xf32>,
      %get3A_222 = arith.constant 304 : index
      %get3A_223 = tpu.vector_load %arg13[%get3A_222] {strides = array<i32>} : memref<512xi32, #tpu.memory_space<vmem>>, vector<16xi32>,
      %shift_right_logical3A_224 = arith.constant 7 : i32
      %shift_right_logical3A_225 = vector.broadcast %shift_right_logical3A_224 : i32 to vector<16xi32>
      %shift_right_logical3A_226 = arith.shrui %get3A_223, %shift_right_logical3A_225 : vector<16xi32>
      %and3A_227 = arith.constant 127 : i32
      %and3A_228 = vector.broadcast %and3A_227 : i32 to vector<16xi32>
      %and3A_229 = arith.andi %get3A_223, %and3A_228 : vector<16xi32>
      tpu.vector_store_idx %arg18[%shift_right_logical3A_226, %and3A_229], %broadcast_in_dim3A_1 {add = true} : memref<80x128xf32, #tpu.memory_space<vmem>>[vector<16xi32>, vector<16xi32>], vector<16xf32>,
      %get3A_230 = arith.constant 320 : index
      %get3A_231 = tpu.vector_load %arg13[%get3A_230] {strides = array<i32>} : memref<512xi32, #tpu.memory_space<vmem>>, vector<16xi32>,
      %shift_right_logical3A_232 = arith.constant 7 : i32
      %shift_right_logical3A_233 = vector.broadcast %shift_right_logical3A_232 : i32 to vector<16xi32>
      %shift_right_logical3A_234 = arith.shrui %get3A_231, %shift_right_logical3A_233 : vector<16xi32>
      %and3A_235 = arith.constant 127 : i32
      %and3A_236 = vector.broadcast %and3A_235 : i32 to vector<16xi32>
      %and3A_237 = arith.andi %get3A_231, %and3A_236 : vector<16xi32>
      tpu.vector_store_idx %arg18[%shift_right_logical3A_234, %and3A_237], %broadcast_in_dim3A_1 {add = true} : memref<80x128xf32, #tpu.memory_space<vmem>>[vector<16xi32>, vector<16xi32>], vector<16xf32>,
      %get3A_238 = arith.constant 336 : index
      %get3A_239 = tpu.vector_load %arg13[%get3A_238] {strides = array<i32>} : memref<512xi32, #tpu.memory_space<vmem>>, vector<16xi32>,
      %shift_right_logical3A_240 = arith.constant 7 : i32
      %shift_right_logical3A_241 = vector.broadcast %shift_right_logical3A_240 : i32 to vector<16xi32>
      %shift_right_logical3A_242 = arith.shrui %get3A_239, %shift_right_logical3A_241 : vector<16xi32>
      %and3A_243 = arith.constant 127 : i32
      %and3A_244 = vector.broadcast %and3A_243 : i32 to vector<16xi32>
      %and3A_245 = arith.andi %get3A_239, %and3A_244 : vector<16xi32>
      tpu.vector_store_idx %arg18[%shift_right_logical3A_242, %and3A_245], %broadcast_in_dim3A_1 {add = true} : memref<80x128xf32, #tpu.memory_space<vmem>>[vector<16xi32>, vector<16xi32>], vector<16xf32>,
      %get3A_246 = arith.constant 352 : index
      %get3A_247 = tpu.vector_load %arg13[%get3A_246] {strides = array<i32>} : memref<512xi32, #tpu.memory_space<vmem>>, vector<16xi32>,
      %shift_right_logical3A_248 = arith.constant 7 : i32
      %shift_right_logical3A_249 = vector.broadcast %shift_right_logical3A_248 : i32 to vector<16xi32>
      %shift_right_logical3A_250 = arith.shrui %get3A_247, %shift_right_logical3A_249 : vector<16xi32>
      %and3A_251 = arith.constant 127 : i32
      %and3A_252 = vector.broadcast %and3A_251 : i32 to vector<16xi32>
      %and3A_253 = arith.andi %get3A_247, %and3A_252 : vector<16xi32>
      tpu.vector_store_idx %arg18[%shift_right_logical3A_250, %and3A_253], %broadcast_in_dim3A_1 {add = true} : memref<80x128xf32, #tpu.memory_space<vmem>>[vector<16xi32>, vector<16xi32>], vector<16xf32>,
      %get3A_254 = arith.constant 368 : index
      %get3A_255 = tpu.vector_load %arg13[%get3A_254] {strides = array<i32>} : memref<512xi32, #tpu.memory_space<vmem>>, vector<16xi32>,
      %shift_right_logical3A_256 = arith.constant 7 : i32
      %shift_right_logical3A_257 = vector.broadcast %shift_right_logical3A_256 : i32 to vector<16xi32>
      %shift_right_logical3A_258 = arith.shrui %get3A_255, %shift_right_logical3A_257 : vector<16xi32>
      %and3A_259 = arith.constant 127 : i32
      %and3A_260 = vector.broadcast %and3A_259 : i32 to vector<16xi32>
      %and3A_261 = arith.andi %get3A_255, %and3A_260 : vector<16xi32>
      tpu.vector_store_idx %arg18[%shift_right_logical3A_258, %and3A_261], %broadcast_in_dim3A_1 {add = true} : memref<80x128xf32, #tpu.memory_space<vmem>>[vector<16xi32>, vector<16xi32>], vector<16xf32>,
      %get3A_262 = arith.constant 384 : index
      %get3A_263 = tpu.vector_load %arg13[%get3A_262] {strides = array<i32>} : memref<512xi32, #tpu.memory_space<vmem>>, vector<16xi32>,
      %shift_right_logical3A_264 = arith.constant 7 : i32
      %shift_right_logical3A_265 = vector.broadcast %shift_right_logical3A_264 : i32 to vector<16xi32>
      %shift_right_logical3A_266 = arith.shrui %get3A_263, %shift_right_logical3A_265 : vector<16xi32>
      %and3A_267 = arith.constant 127 : i32
      %and3A_268 = vector.broadcast %and3A_267 : i32 to vector<16xi32>
      %and3A_269 = arith.andi %get3A_263, %and3A_268 : vector<16xi32>
      tpu.vector_store_idx %arg18[%shift_right_logical3A_266, %and3A_269], %broadcast_in_dim3A_1 {add = true} : memref<80x128xf32, #tpu.memory_space<vmem>>[vector<16xi32>, vector<16xi32>], vector<16xf32>,
      %get3A_270 = arith.constant 400 : index
      %get3A_271 = tpu.vector_load %arg13[%get3A_270] {strides = array<i32>} : memref<512xi32, #tpu.memory_space<vmem>>, vector<16xi32>,
      %shift_right_logical3A_272 = arith.constant 7 : i32
      %shift_right_logical3A_273 = vector.broadcast %shift_right_logical3A_272 : i32 to vector<16xi32>
      %shift_right_logical3A_274 = arith.shrui %get3A_271, %shift_right_logical3A_273 : vector<16xi32>
      %and3A_275 = arith.constant 127 : i32
      %and3A_276 = vector.broadcast %and3A_275 : i32 to vector<16xi32>
      %and3A_277 = arith.andi %get3A_271, %and3A_276 : vector<16xi32>
      tpu.vector_store_idx %arg18[%shift_right_logical3A_274, %and3A_277], %broadcast_in_dim3A_1 {add = true} : memref<80x128xf32, #tpu.memory_space<vmem>>[vector<16xi32>, vector<16xi32>], vector<16xf32>,
      %get3A_278 = arith.constant 416 : index
      %get3A_279 = tpu.vector_load %arg13[%get3A_278] {strides = array<i32>} : memref<512xi32, #tpu.memory_space<vmem>>, vector<16xi32>,
      %shift_right_logical3A_280 = arith.constant 7 : i32
      %shift_right_logical3A_281 = vector.broadcast %shift_right_logical3A_280 : i32 to vector<16xi32>
      %shift_right_logical3A_282 = arith.shrui %get3A_279, %shift_right_logical3A_281 : vector<16xi32>
      %and3A_283 = arith.constant 127 : i32
      %and3A_284 = vector.broadcast %and3A_283 : i32 to vector<16xi32>
      %and3A_285 = arith.andi %get3A_279, %and3A_284 : vector<16xi32>
      tpu.vector_store_idx %arg18[%shift_right_logical3A_282, %and3A_285], %broadcast_in_dim3A_1 {add = true} : memref<80x128xf32, #tpu.memory_space<vmem>>[vector<16xi32>, vector<16xi32>], vector<16xf32>,
      %get3A_286 = arith.constant 432 : index
      %get3A_287 = tpu.vector_load %arg13[%get3A_286] {strides = array<i32>} : memref<512xi32, #tpu.memory_space<vmem>>, vector<16xi32>,
      %shift_right_logical3A_288 = arith.constant 7 : i32
      %shift_right_logical3A_289 = vector.broadcast %shift_right_logical3A_288 : i32 to vector<16xi32>
      %shift_right_logical3A_290 = arith.shrui %get3A_287, %shift_right_logical3A_289 : vector<16xi32>
      %and3A_291 = arith.constant 127 : i32
      %and3A_292 = vector.broadcast %and3A_291 : i32 to vector<16xi32>
      %and3A_293 = arith.andi %get3A_287, %and3A_292 : vector<16xi32>
      tpu.vector_store_idx %arg18[%shift_right_logical3A_290, %and3A_293], %broadcast_in_dim3A_1 {add = true} : memref<80x128xf32, #tpu.memory_space<vmem>>[vector<16xi32>, vector<16xi32>], vector<16xf32>,
      %get3A_294 = arith.constant 448 : index
      %get3A_295 = tpu.vector_load %arg13[%get3A_294] {strides = array<i32>} : memref<512xi32, #tpu.memory_space<vmem>>, vector<16xi32>,
      %shift_right_logical3A_296 = arith.constant 7 : i32
      %shift_right_logical3A_297 = vector.broadcast %shift_right_logical3A_296 : i32 to vector<16xi32>
      %shift_right_logical3A_298 = arith.shrui %get3A_295, %shift_right_logical3A_297 : vector<16xi32>
      %and3A_299 = arith.constant 127 : i32
      %and3A_300 = vector.broadcast %and3A_299 : i32 to vector<16xi32>
      %and3A_301 = arith.andi %get3A_295, %and3A_300 : vector<16xi32>
      tpu.vector_store_idx %arg18[%shift_right_logical3A_298, %and3A_301], %broadcast_in_dim3A_1 {add = true} : memref<80x128xf32, #tpu.memory_space<vmem>>[vector<16xi32>, vector<16xi32>], vector<16xf32>,
      %get3A_302 = arith.constant 464 : index
      %get3A_303 = tpu.vector_load %arg13[%get3A_302] {strides = array<i32>} : memref<512xi32, #tpu.memory_space<vmem>>, vector<16xi32>,
      %shift_right_logical3A_304 = arith.constant 7 : i32
      %shift_right_logical3A_305 = vector.broadcast %shift_right_logical3A_304 : i32 to vector<16xi32>
      %shift_right_logical3A_306 = arith.shrui %get3A_303, %shift_right_logical3A_305 : vector<16xi32>
      %and3A_307 = arith.constant 127 : i32
      %and3A_308 = vector.broadcast %and3A_307 : i32 to vector<16xi32>
      %and3A_309 = arith.andi %get3A_303, %and3A_308 : vector<16xi32>
      tpu.vector_store_idx %arg18[%shift_right_logical3A_306, %and3A_309], %broadcast_in_dim3A_1 {add = true} : memref<80x128xf32, #tpu.memory_space<vmem>>[vector<16xi32>, vector<16xi32>], vector<16xf32>,
      %get3A_310 = arith.constant 480 : index
      %get3A_311 = tpu.vector_load %arg13[%get3A_310] {strides = array<i32>} : memref<512xi32, #tpu.memory_space<vmem>>, vector<16xi32>,
      %shift_right_logical3A_312 = arith.constant 7 : i32
      %shift_right_logical3A_313 = vector.broadcast %shift_right_logical3A_312 : i32 to vector<16xi32>
      %shift_right_logical3A_314 = arith.shrui %get3A_311, %shift_right_logical3A_313 : vector<16xi32>
      %and3A_315 = arith.constant 127 : i32
      %and3A_316 = vector.broadcast %and3A_315 : i32 to vector<16xi32>
      %and3A_317 = arith.andi %get3A_311, %and3A_316 : vector<16xi32>
      tpu.vector_store_idx %arg18[%shift_right_logical3A_314, %and3A_317], %broadcast_in_dim3A_1 {add = true} : memref<80x128xf32, #tpu.memory_space<vmem>>[vector<16xi32>, vector<16xi32>], vector<16xf32>,
      %get3A_318 = arith.constant 496 : index
      %get3A_319 = tpu.vector_load %arg13[%get3A_318] {strides = array<i32>} : memref<512xi32, #tpu.memory_space<vmem>>, vector<16xi32>,
      %shift_right_logical3A_320 = arith.constant 7 : i32
      %shift_right_logical3A_321 = vector.broadcast %shift_right_logical3A_320 : i32 to vector<16xi32>
      %shift_right_logical3A_322 = arith.shrui %get3A_319, %shift_right_logical3A_321 : vector<16xi32>
      %and3A_323 = arith.constant 127 : i32
      %and3A_324 = vector.broadcast %and3A_323 : i32 to vector<16xi32>
      %and3A_325 = arith.andi %get3A_319, %and3A_324 : vector<16xi32>
      tpu.vector_store_idx %arg18[%shift_right_logical3A_322, %and3A_325], %broadcast_in_dim3A_1 {add = true} : memref<80x128xf32, #tpu.memory_space<vmem>>[vector<16xi32>, vector<16xi32>], vector<16xf32>,
      %scan3A_326 = arith.constant 0 : i32
      %scan3A_327 = arith.constant 0 : i32
      %scan3A_328 = arith.constant 16 : i32
      %scan3A_329 = arith.addi %scan3A_327, %scan3A_328 : i32
      %scan3A_330 = arith.constant 1 : i32
      scf.for %scan3A_346 = %scan3A_327 to %scan3A_329 step %scan3A_330  : i32 {
        %mul3A_347 = arith.constant 2 : i32
        %mul3A_348 = arith.muli %mul3A_347, %scan3A_346 : i32
        %add3A_349 = arith.constant 1 : i32
        %add3A_350 = arith.addi %mul3A_348, %add3A_349 : i32
        %dma_start3A_351 = arith.constant 0 : i32
        %dma_start3A_352 = tpu.memref_slice %arg10[%add3A_350, %dma_start3A_351] : memref<32x16xi32, #tpu.memory_space<vmem>> -> memref<1x16xi32, #tpu.memory_space<vmem>>
        %dma_start3A_353 = tpu.memref_squeeze %dma_start3A_352 : memref<1x16xi32, #tpu.memory_space<vmem>> -> memref<16xi32, #tpu.memory_space<vmem>>
        %dma_start3A_354 = arith.constant 0 : i32
        %dma_start3A_355 = arith.constant 0 : i32
        %dma_start3A_356 = tpu.memref_slice %arg2[%dma_start3A_354, %dma_start3A_355] : memref<10000x512xf32, #tpu.memory_space<hbm>> -> memref<10000x512xf32, #tpu.memory_space<hbm>>
        tpu.enqueue_indirect_dma source(%dma_start3A_356 : memref<10000x512xf32, #tpu.memory_space<hbm>>) target(%arg15 : memref<16x512xf32, #tpu.memory_space<vmem>>) offsets(%dma_start3A_353 : memref<16xi32, #tpu.memory_space<vmem>>) semaphore(%arg22 : memref<!tpu.dma_semaphore, #tpu.memory_space<semaphore_mem>>)
        %dma_wait3A_357 = arith.constant 0 : i32
        %dma_wait3A_358 = tpu.memref_slice %arg10[%mul3A_348, %dma_wait3A_357] : memref<32x16xi32, #tpu.memory_space<vmem>> -> memref<1x16xi32, #tpu.memory_space<vmem>>
        %dma_wait3A_359 = tpu.memref_squeeze %dma_wait3A_358 : memref<1x16xi32, #tpu.memory_space<vmem>> -> memref<16xi32, #tpu.memory_space<vmem>>
        %dma_wait3A_360 = arith.constant 0 : i32
        %dma_wait3A_361 = arith.constant 0 : i32
        %dma_wait3A_362 = tpu.memref_slice %arg2[%dma_wait3A_360, %dma_wait3A_361] : memref<10000x512xf32, #tpu.memory_space<hbm>> -> memref<10000x512xf32, #tpu.memory_space<hbm>>
        tpu.wait_indirect_dma semaphore(%arg21 : memref<!tpu.dma_semaphore, #tpu.memory_space<semaphore_mem>>) src(%dma_wait3A_362 : memref<10000x512xf32, #tpu.memory_space<hbm>>) dst(%arg14 : memref<16x512xf32, #tpu.memory_space<vmem>>)
        %gt3A = arith.constant 0 : i32
        %gt3A_363 = arith.cmpi sgt, %scan3A_346, %gt3A : i32
        %convert_element_type3A = arith.extui %gt3A_363 : i1 to i32
        %cond3A = arith.constant 0 : i32
        %cond3A_364 = arith.cmpi ne, %convert_element_type3A, %cond3A : i32
        scf.if %cond3A_364 {
          %dma_wait3A_1092 = arith.constant 0 : i32
          %dma_wait3A_1093 = tpu.memref_slice %arg11[%mul3A_348, %dma_wait3A_1092] : memref<32x16xi32, #tpu.memory_space<vmem>> -> memref<1x16xi32, #tpu.memory_space<vmem>>
          %dma_wait3A_1094 = tpu.memref_squeeze %dma_wait3A_1093 : memref<1x16xi32, #tpu.memory_space<vmem>> -> memref<16xi32, #tpu.memory_space<vmem>>
          %dma_wait3A_1095 = arith.constant 0 : i32
          %dma_wait3A_1096 = arith.constant 0 : i32
          %dma_wait3A_1097 = tpu.memref_slice %arg20[%dma_wait3A_1095, %dma_wait3A_1096] : memref<10240x128xf32, #tpu.memory_space<vmem_shared>> -> memref<10240x128xf32, #tpu.memory_space<vmem_shared>>
          tpu.wait_indirect_dma semaphore(%arg23 : memref<!tpu.dma_semaphore, #tpu.memory_space<semaphore_mem>>) src(%arg16 : memref<16x128xf32, #tpu.memory_space<vmem>>) dst(%dma_wait3A_1097 : memref<10240x128xf32, #tpu.memory_space<vmem_shared>>)
        } else {
        }
        %get3A_365 = arith.index_cast %mul3A_348 : i32 to index
        %get3A_366 = arith.constant 0 : index
        %get3A_367 = tpu.vector_load %arg12[%get3A_365, %get3A_366] {strides = array<i32>} : memref<32x128xf32, #tpu.memory_space<vmem>>, vector<16xf32>,
        %get3A_368 = arith.index_cast %mul3A_348 : i32 to index
        %get3A_369 = arith.constant 16 : index
        %get3A_370 = tpu.vector_load %arg12[%get3A_368, %get3A_369] {strides = array<i32>} : memref<32x128xf32, #tpu.memory_space<vmem>>, vector<16xf32>,
        %get3A_371 = arith.index_cast %mul3A_348 : i32 to index
        %get3A_372 = arith.constant 32 : index
        %get3A_373 = tpu.vector_load %arg12[%get3A_371, %get3A_372] {strides = array<i32>} : memref<32x128xf32, #tpu.memory_space<vmem>>, vector<16xf32>,
        %slice3A = vector.extract_strided_slice %get3A_367 {offsets = [0], sizes = [1], strides = [1]} : vector<16xf32> to vector<1xf32>
        %squeeze3A = vector.extract %slice3A[0] : f32 from vector<1xf32>
        %swap3A = arith.constant 0 : i32
        %swap3A_374 = arith.constant 0 : i32
        %swap3A_375 = arith.index_cast %swap3A : i32 to index
        %swap3A_376 = arith.index_cast %swap3A_374 : i32 to index
        %swap3A_377 = memref.load %arg19[%swap3A_375, %swap3A_376] : memref<3x16xf32, #tpu.memory_space<smem>>
        memref.store %squeeze3A, %arg19[%swap3A_375, %swap3A_376] : memref<3x16xf32, #tpu.memory_space<smem>>
        %slice3A_378 = vector.extract_strided_slice %get3A_370 {offsets = [0], sizes = [1], strides = [1]} : vector<16xf32> to vector<1xf32>
        %squeeze3A_379 = vector.extract %slice3A_378[0] : f32 from vector<1xf32>
        %swap3A_380 = arith.constant 1 : i32
        %swap3A_381 = arith.constant 0 : i32
        %swap3A_382 = arith.index_cast %swap3A_380 : i32 to index
        %swap3A_383 = arith.index_cast %swap3A_381 : i32 to index
        %swap3A_384 = memref.load %arg19[%swap3A_382, %swap3A_383] : memref<3x16xf32, #tpu.memory_space<smem>>
        memref.store %squeeze3A_379, %arg19[%swap3A_382, %swap3A_383] : memref<3x16xf32, #tpu.memory_space<smem>>
        %slice3A_385 = vector.extract_strided_slice %get3A_373 {offsets = [0], sizes = [1], strides = [1]} : vector<16xf32> to vector<1xf32>
        %squeeze3A_386 = vector.extract %slice3A_385[0] : f32 from vector<1xf32>
        %swap3A_387 = arith.constant 2 : i32
        %swap3A_388 = arith.constant 0 : i32
        %swap3A_389 = arith.index_cast %swap3A_387 : i32 to index
        %swap3A_390 = arith.index_cast %swap3A_388 : i32 to index
        %swap3A_391 = memref.load %arg19[%swap3A_389, %swap3A_390] : memref<3x16xf32, #tpu.memory_space<smem>>
        memref.store %squeeze3A_386, %arg19[%swap3A_389, %swap3A_390] : memref<3x16xf32, #tpu.memory_space<smem>>
        %slice3A_392 = vector.extract_strided_slice %get3A_367 {offsets = [1], sizes = [1], strides = [1]} : vector<16xf32> to vector<1xf32>
        %squeeze3A_393 = vector.extract %slice3A_392[0] : f32 from vector<1xf32>
        %swap3A_394 = arith.constant 0 : i32
        %swap3A_395 = arith.constant 1 : i32
        %swap3A_396 = arith.index_cast %swap3A_394 : i32 to index
        %swap3A_397 = arith.index_cast %swap3A_395 : i32 to index
        %swap3A_398 = memref.load %arg19[%swap3A_396, %swap3A_397] : memref<3x16xf32, #tpu.memory_space<smem>>
        memref.store %squeeze3A_393, %arg19[%swap3A_396, %swap3A_397] : memref<3x16xf32, #tpu.memory_space<smem>>
        %slice3A_399 = vector.extract_strided_slice %get3A_370 {offsets = [1], sizes = [1], strides = [1]} : vector<16xf32> to vector<1xf32>
        %squeeze3A_400 = vector.extract %slice3A_399[0] : f32 from vector<1xf32>
        %swap3A_401 = arith.constant 1 : i32
        %swap3A_402 = arith.constant 1 : i32
        %swap3A_403 = arith.index_cast %swap3A_401 : i32 to index
        %swap3A_404 = arith.index_cast %swap3A_402 : i32 to index
        %swap3A_405 = memref.load %arg19[%swap3A_403, %swap3A_404] : memref<3x16xf32, #tpu.memory_space<smem>>
        memref.store %squeeze3A_400, %arg19[%swap3A_403, %swap3A_404] : memref<3x16xf32, #tpu.memory_space<smem>>
        %slice3A_406 = vector.extract_strided_slice %get3A_373 {offsets = [1], sizes = [1], strides = [1]} : vector<16xf32> to vector<1xf32>
        %squeeze3A_407 = vector.extract %slice3A_406[0] : f32 from vector<1xf32>
        %swap3A_408 = arith.constant 2 : i32
        %swap3A_409 = arith.constant 1 : i32
        %swap3A_410 = arith.index_cast %swap3A_408 : i32 to index
        %swap3A_411 = arith.index_cast %swap3A_409 : i32 to index
        %swap3A_412 = memref.load %arg19[%swap3A_410, %swap3A_411] : memref<3x16xf32, #tpu.memory_space<smem>>
        memref.store %squeeze3A_407, %arg19[%swap3A_410, %swap3A_411] : memref<3x16xf32, #tpu.memory_space<smem>>
        %slice3A_413 = vector.extract_strided_slice %get3A_367 {offsets = [2], sizes = [1], strides = [1]} : vector<16xf32> to vector<1xf32>
        %squeeze3A_414 = vector.extract %slice3A_413[0] : f32 from vector<1xf32>
        %swap3A_415 = arith.constant 0 : i32
        %swap3A_416 = arith.constant 2 : i32
        %swap3A_417 = arith.index_cast %swap3A_415 : i32 to index
        %swap3A_418 = arith.index_cast %swap3A_416 : i32 to index
        %swap3A_419 = memref.load %arg19[%swap3A_417, %swap3A_418] : memref<3x16xf32, #tpu.memory_space<smem>>
        memref.store %squeeze3A_414, %arg19[%swap3A_417, %swap3A_418] : memref<3x16xf32, #tpu.memory_space<smem>>
        %slice3A_420 = vector.extract_strided_slice %get3A_370 {offsets = [2], sizes = [1], strides = [1]} : vector<16xf32> to vector<1xf32>
        %squeeze3A_421 = vector.extract %slice3A_420[0] : f32 from vector<1xf32>
        %swap3A_422 = arith.constant 1 : i32
        %swap3A_423 = arith.constant 2 : i32
        %swap3A_424 = arith.index_cast %swap3A_422 : i32 to index
        %swap3A_425 = arith.index_cast %swap3A_423 : i32 to index
        %swap3A_426 = memref.load %arg19[%swap3A_424, %swap3A_425] : memref<3x16xf32, #tpu.memory_space<smem>>
        memref.store %squeeze3A_421, %arg19[%swap3A_424, %swap3A_425] : memref<3x16xf32, #tpu.memory_space<smem>>
        %slice3A_427 = vector.extract_strided_slice %get3A_373 {offsets = [2], sizes = [1], strides = [1]} : vector<16xf32> to vector<1xf32>
        %squeeze3A_428 = vector.extract %slice3A_427[0] : f32 from vector<1xf32>
        %swap3A_429 = arith.constant 2 : i32
        %swap3A_430 = arith.constant 2 : i32
        %swap3A_431 = arith.index_cast %swap3A_429 : i32 to index
        %swap3A_432 = arith.index_cast %swap3A_430 : i32 to index
        %swap3A_433 = memref.load %arg19[%swap3A_431, %swap3A_432] : memref<3x16xf32, #tpu.memory_space<smem>>
        memref.store %squeeze3A_428, %arg19[%swap3A_431, %swap3A_432] : memref<3x16xf32, #tpu.memory_space<smem>>
        %slice3A_434 = vector.extract_strided_slice %get3A_367 {offsets = [3], sizes = [1], strides = [1]} : vector<16xf32> to vector<1xf32>
        %squeeze3A_435 = vector.extract %slice3A_434[0] : f32 from vector<1xf32>
        %swap3A_436 = arith.constant 0 : i32
        %swap3A_437 = arith.constant 3 : i32
        %swap3A_438 = arith.index_cast %swap3A_436 : i32 to index
        %swap3A_439 = arith.index_cast %swap3A_437 : i32 to index
        %swap3A_440 = memref.load %arg19[%swap3A_438, %swap3A_439] : memref<3x16xf32, #tpu.memory_space<smem>>
        memref.store %squeeze3A_435, %arg19[%swap3A_438, %swap3A_439] : memref<3x16xf32, #tpu.memory_space<smem>>
        %slice3A_441 = vector.extract_strided_slice %get3A_370 {offsets = [3], sizes = [1], strides = [1]} : vector<16xf32> to vector<1xf32>
        %squeeze3A_442 = vector.extract %slice3A_441[0] : f32 from vector<1xf32>
        %swap3A_443 = arith.constant 1 : i32
        %swap3A_444 = arith.constant 3 : i32
        %swap3A_445 = arith.index_cast %swap3A_443 : i32 to index
        %swap3A_446 = arith.index_cast %swap3A_444 : i32 to index
        %swap3A_447 = memref.load %arg19[%swap3A_445, %swap3A_446] : memref<3x16xf32, #tpu.memory_space<smem>>
        memref.store %squeeze3A_442, %arg19[%swap3A_445, %swap3A_446] : memref<3x16xf32, #tpu.memory_space<smem>>
        %slice3A_448 = vector.extract_strided_slice %get3A_373 {offsets = [3], sizes = [1], strides = [1]} : vector<16xf32> to vector<1xf32>
        %squeeze3A_449 = vector.extract %slice3A_448[0] : f32 from vector<1xf32>
        %swap3A_450 = arith.constant 2 : i32
        %swap3A_451 = arith.constant 3 : i32
        %swap3A_452 = arith.index_cast %swap3A_450 : i32 to index
        %swap3A_453 = arith.index_cast %swap3A_451 : i32 to index
        %swap3A_454 = memref.load %arg19[%swap3A_452, %swap3A_453] : memref<3x16xf32, #tpu.memory_space<smem>>
        memref.store %squeeze3A_449, %arg19[%swap3A_452, %swap3A_453] : memref<3x16xf32, #tpu.memory_space<smem>>
        %slice3A_455 = vector.extract_strided_slice %get3A_367 {offsets = [4], sizes = [1], strides = [1]} : vector<16xf32> to vector<1xf32>
        %squeeze3A_456 = vector.extract %slice3A_455[0] : f32 from vector<1xf32>
        %swap3A_457 = arith.constant 0 : i32
        %swap3A_458 = arith.constant 4 : i32
        %swap3A_459 = arith.index_cast %swap3A_457 : i32 to index
        %swap3A_460 = arith.index_cast %swap3A_458 : i32 to index
        %swap3A_461 = memref.load %arg19[%swap3A_459, %swap3A_460] : memref<3x16xf32, #tpu.memory_space<smem>>
        memref.store %squeeze3A_456, %arg19[%swap3A_459, %swap3A_460] : memref<3x16xf32, #tpu.memory_space<smem>>
        %slice3A_462 = vector.extract_strided_slice %get3A_370 {offsets = [4], sizes = [1], strides = [1]} : vector<16xf32> to vector<1xf32>
        %squeeze3A_463 = vector.extract %slice3A_462[0] : f32 from vector<1xf32>
        %swap3A_464 = arith.constant 1 : i32
        %swap3A_465 = arith.constant 4 : i32
        %swap3A_466 = arith.index_cast %swap3A_464 : i32 to index
        %swap3A_467 = arith.index_cast %swap3A_465 : i32 to index
        %swap3A_468 = memref.load %arg19[%swap3A_466, %swap3A_467] : memref<3x16xf32, #tpu.memory_space<smem>>
        memref.store %squeeze3A_463, %arg19[%swap3A_466, %swap3A_467] : memref<3x16xf32, #tpu.memory_space<smem>>
        %slice3A_469 = vector.extract_strided_slice %get3A_373 {offsets = [4], sizes = [1], strides = [1]} : vector<16xf32> to vector<1xf32>
        %squeeze3A_470 = vector.extract %slice3A_469[0] : f32 from vector<1xf32>
        %swap3A_471 = arith.constant 2 : i32
        %swap3A_472 = arith.constant 4 : i32
        %swap3A_473 = arith.index_cast %swap3A_471 : i32 to index
        %swap3A_474 = arith.index_cast %swap3A_472 : i32 to index
        %swap3A_475 = memref.load %arg19[%swap3A_473, %swap3A_474] : memref<3x16xf32, #tpu.memory_space<smem>>
        memref.store %squeeze3A_470, %arg19[%swap3A_473, %swap3A_474] : memref<3x16xf32, #tpu.memory_space<smem>>
        %slice3A_476 = vector.extract_strided_slice %get3A_367 {offsets = [5], sizes = [1], strides = [1]} : vector<16xf32> to vector<1xf32>
        %squeeze3A_477 = vector.extract %slice3A_476[0] : f32 from vector<1xf32>
        %swap3A_478 = arith.constant 0 : i32
        %swap3A_479 = arith.constant 5 : i32
        %swap3A_480 = arith.index_cast %swap3A_478 : i32 to index
        %swap3A_481 = arith.index_cast %swap3A_479 : i32 to index
        %swap3A_482 = memref.load %arg19[%swap3A_480, %swap3A_481] : memref<3x16xf32, #tpu.memory_space<smem>>
        memref.store %squeeze3A_477, %arg19[%swap3A_480, %swap3A_481] : memref<3x16xf32, #tpu.memory_space<smem>>
        %slice3A_483 = vector.extract_strided_slice %get3A_370 {offsets = [5], sizes = [1], strides = [1]} : vector<16xf32> to vector<1xf32>
        %squeeze3A_484 = vector.extract %slice3A_483[0] : f32 from vector<1xf32>
        %swap3A_485 = arith.constant 1 : i32
        %swap3A_486 = arith.constant 5 : i32
        %swap3A_487 = arith.index_cast %swap3A_485 : i32 to index
        %swap3A_488 = arith.index_cast %swap3A_486 : i32 to index
        %swap3A_489 = memref.load %arg19[%swap3A_487, %swap3A_488] : memref<3x16xf32, #tpu.memory_space<smem>>
        memref.store %squeeze3A_484, %arg19[%swap3A_487, %swap3A_488] : memref<3x16xf32, #tpu.memory_space<smem>>
        %slice3A_490 = vector.extract_strided_slice %get3A_373 {offsets = [5], sizes = [1], strides = [1]} : vector<16xf32> to vector<1xf32>
        %squeeze3A_491 = vector.extract %slice3A_490[0] : f32 from vector<1xf32>
        %swap3A_492 = arith.constant 2 : i32
        %swap3A_493 = arith.constant 5 : i32
        %swap3A_494 = arith.index_cast %swap3A_492 : i32 to index
        %swap3A_495 = arith.index_cast %swap3A_493 : i32 to index
        %swap3A_496 = memref.load %arg19[%swap3A_494, %swap3A_495] : memref<3x16xf32, #tpu.memory_space<smem>>
        memref.store %squeeze3A_491, %arg19[%swap3A_494, %swap3A_495] : memref<3x16xf32, #tpu.memory_space<smem>>
        %slice3A_497 = vector.extract_strided_slice %get3A_367 {offsets = [6], sizes = [1], strides = [1]} : vector<16xf32> to vector<1xf32>
        %squeeze3A_498 = vector.extract %slice3A_497[0] : f32 from vector<1xf32>
        %swap3A_499 = arith.constant 0 : i32
        %swap3A_500 = arith.constant 6 : i32
        %swap3A_501 = arith.index_cast %swap3A_499 : i32 to index
        %swap3A_502 = arith.index_cast %swap3A_500 : i32 to index
        %swap3A_503 = memref.load %arg19[%swap3A_501, %swap3A_502] : memref<3x16xf32, #tpu.memory_space<smem>>
        memref.store %squeeze3A_498, %arg19[%swap3A_501, %swap3A_502] : memref<3x16xf32, #tpu.memory_space<smem>>
        %slice3A_504 = vector.extract_strided_slice %get3A_370 {offsets = [6], sizes = [1], strides = [1]} : vector<16xf32> to vector<1xf32>
        %squeeze3A_505 = vector.extract %slice3A_504[0] : f32 from vector<1xf32>
        %swap3A_506 = arith.constant 1 : i32
        %swap3A_507 = arith.constant 6 : i32
        %swap3A_508 = arith.index_cast %swap3A_506 : i32 to index
        %swap3A_509 = arith.index_cast %swap3A_507 : i32 to index
        %swap3A_510 = memref.load %arg19[%swap3A_508, %swap3A_509] : memref<3x16xf32, #tpu.memory_space<smem>>
        memref.store %squeeze3A_505, %arg19[%swap3A_508, %swap3A_509] : memref<3x16xf32, #tpu.memory_space<smem>>
        %slice3A_511 = vector.extract_strided_slice %get3A_373 {offsets = [6], sizes = [1], strides = [1]} : vector<16xf32> to vector<1xf32>
        %squeeze3A_512 = vector.extract %slice3A_511[0] : f32 from vector<1xf32>
        %swap3A_513 = arith.constant 2 : i32
        %swap3A_514 = arith.constant 6 : i32
        %swap3A_515 = arith.index_cast %swap3A_513 : i32 to index
        %swap3A_516 = arith.index_cast %swap3A_514 : i32 to index
        %swap3A_517 = memref.load %arg19[%swap3A_515, %swap3A_516] : memref<3x16xf32, #tpu.memory_space<smem>>
        memref.store %squeeze3A_512, %arg19[%swap3A_515, %swap3A_516] : memref<3x16xf32, #tpu.memory_space<smem>>
        %slice3A_518 = vector.extract_strided_slice %get3A_367 {offsets = [7], sizes = [1], strides = [1]} : vector<16xf32> to vector<1xf32>
        %squeeze3A_519 = vector.extract %slice3A_518[0] : f32 from vector<1xf32>
        %swap3A_520 = arith.constant 0 : i32
        %swap3A_521 = arith.constant 7 : i32
        %swap3A_522 = arith.index_cast %swap3A_520 : i32 to index
        %swap3A_523 = arith.index_cast %swap3A_521 : i32 to index
        %swap3A_524 = memref.load %arg19[%swap3A_522, %swap3A_523] : memref<3x16xf32, #tpu.memory_space<smem>>
        memref.store %squeeze3A_519, %arg19[%swap3A_522, %swap3A_523] : memref<3x16xf32, #tpu.memory_space<smem>>
        %slice3A_525 = vector.extract_strided_slice %get3A_370 {offsets = [7], sizes = [1], strides = [1]} : vector<16xf32> to vector<1xf32>
        %squeeze3A_526 = vector.extract %slice3A_525[0] : f32 from vector<1xf32>
        %swap3A_527 = arith.constant 1 : i32
        %swap3A_528 = arith.constant 7 : i32
        %swap3A_529 = arith.index_cast %swap3A_527 : i32 to index
        %swap3A_530 = arith.index_cast %swap3A_528 : i32 to index
        %swap3A_531 = memref.load %arg19[%swap3A_529, %swap3A_530] : memref<3x16xf32, #tpu.memory_space<smem>>
        memref.store %squeeze3A_526, %arg19[%swap3A_529, %swap3A_530] : memref<3x16xf32, #tpu.memory_space<smem>>
        %slice3A_532 = vector.extract_strided_slice %get3A_373 {offsets = [7], sizes = [1], strides = [1]} : vector<16xf32> to vector<1xf32>
        %squeeze3A_533 = vector.extract %slice3A_532[0] : f32 from vector<1xf32>
        %swap3A_534 = arith.constant 2 : i32
        %swap3A_535 = arith.constant 7 : i32
        %swap3A_536 = arith.index_cast %swap3A_534 : i32 to index
        %swap3A_537 = arith.index_cast %swap3A_535 : i32 to index
        %swap3A_538 = memref.load %arg19[%swap3A_536, %swap3A_537] : memref<3x16xf32, #tpu.memory_space<smem>>
        memref.store %squeeze3A_533, %arg19[%swap3A_536, %swap3A_537] : memref<3x16xf32, #tpu.memory_space<smem>>
        %slice3A_539 = vector.extract_strided_slice %get3A_367 {offsets = [8], sizes = [1], strides = [1]} : vector<16xf32> to vector<1xf32>
        %squeeze3A_540 = vector.extract %slice3A_539[0] : f32 from vector<1xf32>
        %swap3A_541 = arith.constant 0 : i32
        %swap3A_542 = arith.constant 8 : i32
        %swap3A_543 = arith.index_cast %swap3A_541 : i32 to index
        %swap3A_544 = arith.index_cast %swap3A_542 : i32 to index
        %swap3A_545 = memref.load %arg19[%swap3A_543, %swap3A_544] : memref<3x16xf32, #tpu.memory_space<smem>>
        memref.store %squeeze3A_540, %arg19[%swap3A_543, %swap3A_544] : memref<3x16xf32, #tpu.memory_space<smem>>
        %slice3A_546 = vector.extract_strided_slice %get3A_370 {offsets = [8], sizes = [1], strides = [1]} : vector<16xf32> to vector<1xf32>
        %squeeze3A_547 = vector.extract %slice3A_546[0] : f32 from vector<1xf32>
        %swap3A_548 = arith.constant 1 : i32
        %swap3A_549 = arith.constant 8 : i32
        %swap3A_550 = arith.index_cast %swap3A_548 : i32 to index
        %swap3A_551 = arith.index_cast %swap3A_549 : i32 to index
        %swap3A_552 = memref.load %arg19[%swap3A_550, %swap3A_551] : memref<3x16xf32, #tpu.memory_space<smem>>
        memref.store %squeeze3A_547, %arg19[%swap3A_550, %swap3A_551] : memref<3x16xf32, #tpu.memory_space<smem>>
        %slice3A_553 = vector.extract_strided_slice %get3A_373 {offsets = [8], sizes = [1], strides = [1]} : vector<16xf32> to vector<1xf32>
        %squeeze3A_554 = vector.extract %slice3A_553[0] : f32 from vector<1xf32>
        %swap3A_555 = arith.constant 2 : i32
        %swap3A_556 = arith.constant 8 : i32
        %swap3A_557 = arith.index_cast %swap3A_555 : i32 to index
        %swap3A_558 = arith.index_cast %swap3A_556 : i32 to index
        %swap3A_559 = memref.load %arg19[%swap3A_557, %swap3A_558] : memref<3x16xf32, #tpu.memory_space<smem>>
        memref.store %squeeze3A_554, %arg19[%swap3A_557, %swap3A_558] : memref<3x16xf32, #tpu.memory_space<smem>>
        %slice3A_560 = vector.extract_strided_slice %get3A_367 {offsets = [9], sizes = [1], strides = [1]} : vector<16xf32> to vector<1xf32>
        %squeeze3A_561 = vector.extract %slice3A_560[0] : f32 from vector<1xf32>
        %swap3A_562 = arith.constant 0 : i32
        %swap3A_563 = arith.constant 9 : i32
        %swap3A_564 = arith.index_cast %swap3A_562 : i32 to index
        %swap3A_565 = arith.index_cast %swap3A_563 : i32 to index
        %swap3A_566 = memref.load %arg19[%swap3A_564, %swap3A_565] : memref<3x16xf32, #tpu.memory_space<smem>>
        memref.store %squeeze3A_561, %arg19[%swap3A_564, %swap3A_565] : memref<3x16xf32, #tpu.memory_space<smem>>
        %slice3A_567 = vector.extract_strided_slice %get3A_370 {offsets = [9], sizes = [1], strides = [1]} : vector<16xf32> to vector<1xf32>
        %squeeze3A_568 = vector.extract %slice3A_567[0] : f32 from vector<1xf32>
        %swap3A_569 = arith.constant 1 : i32
        %swap3A_570 = arith.constant 9 : i32
        %swap3A_571 = arith.index_cast %swap3A_569 : i32 to index
        %swap3A_572 = arith.index_cast %swap3A_570 : i32 to index
        %swap3A_573 = memref.load %arg19[%swap3A_571, %swap3A_572] : memref<3x16xf32, #tpu.memory_space<smem>>
        memref.store %squeeze3A_568, %arg19[%swap3A_571, %swap3A_572] : memref<3x16xf32, #tpu.memory_space<smem>>
        %slice3A_574 = vector.extract_strided_slice %get3A_373 {offsets = [9], sizes = [1], strides = [1]} : vector<16xf32> to vector<1xf32>
        %squeeze3A_575 = vector.extract %slice3A_574[0] : f32 from vector<1xf32>
        %swap3A_576 = arith.constant 2 : i32
        %swap3A_577 = arith.constant 9 : i32
        %swap3A_578 = arith.index_cast %swap3A_576 : i32 to index
        %swap3A_579 = arith.index_cast %swap3A_577 : i32 to index
        %swap3A_580 = memref.load %arg19[%swap3A_578, %swap3A_579] : memref<3x16xf32, #tpu.memory_space<smem>>
        memref.store %squeeze3A_575, %arg19[%swap3A_578, %swap3A_579] : memref<3x16xf32, #tpu.memory_space<smem>>
        %slice3A_581 = vector.extract_strided_slice %get3A_367 {offsets = [10], sizes = [1], strides = [1]} : vector<16xf32> to vector<1xf32>
        %squeeze3A_582 = vector.extract %slice3A_581[0] : f32 from vector<1xf32>
        %swap3A_583 = arith.constant 0 : i32
        %swap3A_584 = arith.constant 10 : i32
        %swap3A_585 = arith.index_cast %swap3A_583 : i32 to index
        %swap3A_586 = arith.index_cast %swap3A_584 : i32 to index
        %swap3A_587 = memref.load %arg19[%swap3A_585, %swap3A_586] : memref<3x16xf32, #tpu.memory_space<smem>>
        memref.store %squeeze3A_582, %arg19[%swap3A_585, %swap3A_586] : memref<3x16xf32, #tpu.memory_space<smem>>
        %slice3A_588 = vector.extract_strided_slice %get3A_370 {offsets = [10], sizes = [1], strides = [1]} : vector<16xf32> to vector<1xf32>
        %squeeze3A_589 = vector.extract %slice3A_588[0] : f32 from vector<1xf32>
        %swap3A_590 = arith.constant 1 : i32
        %swap3A_591 = arith.constant 10 : i32
        %swap3A_592 = arith.index_cast %swap3A_590 : i32 to index
        %swap3A_593 = arith.index_cast %swap3A_591 : i32 to index
        %swap3A_594 = memref.load %arg19[%swap3A_592, %swap3A_593] : memref<3x16xf32, #tpu.memory_space<smem>>
        memref.store %squeeze3A_589, %arg19[%swap3A_592, %swap3A_593] : memref<3x16xf32, #tpu.memory_space<smem>>
        %slice3A_595 = vector.extract_strided_slice %get3A_373 {offsets = [10], sizes = [1], strides = [1]} : vector<16xf32> to vector<1xf32>
        %squeeze3A_596 = vector.extract %slice3A_595[0] : f32 from vector<1xf32>
        %swap3A_597 = arith.constant 2 : i32
        %swap3A_598 = arith.constant 10 : i32
        %swap3A_599 = arith.index_cast %swap3A_597 : i32 to index
        %swap3A_600 = arith.index_cast %swap3A_598 : i32 to index
        %swap3A_601 = memref.load %arg19[%swap3A_599, %swap3A_600] : memref<3x16xf32, #tpu.memory_space<smem>>
        memref.store %squeeze3A_596, %arg19[%swap3A_599, %swap3A_600] : memref<3x16xf32, #tpu.memory_space<smem>>
        %slice3A_602 = vector.extract_strided_slice %get3A_367 {offsets = [11], sizes = [1], strides = [1]} : vector<16xf32> to vector<1xf32>
        %squeeze3A_603 = vector.extract %slice3A_602[0] : f32 from vector<1xf32>
        %swap3A_604 = arith.constant 0 : i32
        %swap3A_605 = arith.constant 11 : i32
        %swap3A_606 = arith.index_cast %swap3A_604 : i32 to index
        %swap3A_607 = arith.index_cast %swap3A_605 : i32 to index
        %swap3A_608 = memref.load %arg19[%swap3A_606, %swap3A_607] : memref<3x16xf32, #tpu.memory_space<smem>>
        memref.store %squeeze3A_603, %arg19[%swap3A_606, %swap3A_607] : memref<3x16xf32, #tpu.memory_space<smem>>
        %slice3A_609 = vector.extract_strided_slice %get3A_370 {offsets = [11], sizes = [1], strides = [1]} : vector<16xf32> to vector<1xf32>
        %squeeze3A_610 = vector.extract %slice3A_609[0] : f32 from vector<1xf32>
        %swap3A_611 = arith.constant 1 : i32
        %swap3A_612 = arith.constant 11 : i32
        %swap3A_613 = arith.index_cast %swap3A_611 : i32 to index
        %swap3A_614 = arith.index_cast %swap3A_612 : i32 to index
        %swap3A_615 = memref.load %arg19[%swap3A_613, %swap3A_614] : memref<3x16xf32, #tpu.memory_space<smem>>
        memref.store %squeeze3A_610, %arg19[%swap3A_613, %swap3A_614] : memref<3x16xf32, #tpu.memory_space<smem>>
        %slice3A_616 = vector.extract_strided_slice %get3A_373 {offsets = [11], sizes = [1], strides = [1]} : vector<16xf32> to vector<1xf32>
        %squeeze3A_617 = vector.extract %slice3A_616[0] : f32 from vector<1xf32>
        %swap3A_618 = arith.constant 2 : i32
        %swap3A_619 = arith.constant 11 : i32
        %swap3A_620 = arith.index_cast %swap3A_618 : i32 to index
        %swap3A_621 = arith.index_cast %swap3A_619 : i32 to index
        %swap3A_622 = memref.load %arg19[%swap3A_620, %swap3A_621] : memref<3x16xf32, #tpu.memory_space<smem>>
        memref.store %squeeze3A_617, %arg19[%swap3A_620, %swap3A_621] : memref<3x16xf32, #tpu.memory_space<smem>>
        %slice3A_623 = vector.extract_strided_slice %get3A_367 {offsets = [12], sizes = [1], strides = [1]} : vector<16xf32> to vector<1xf32>
        %squeeze3A_624 = vector.extract %slice3A_623[0] : f32 from vector<1xf32>
        %swap3A_625 = arith.constant 0 : i32
        %swap3A_626 = arith.constant 12 : i32
        %swap3A_627 = arith.index_cast %swap3A_625 : i32 to index
        %swap3A_628 = arith.index_cast %swap3A_626 : i32 to index
        %swap3A_629 = memref.load %arg19[%swap3A_627, %swap3A_628] : memref<3x16xf32, #tpu.memory_space<smem>>
        memref.store %squeeze3A_624, %arg19[%swap3A_627, %swap3A_628] : memref<3x16xf32, #tpu.memory_space<smem>>
        %slice3A_630 = vector.extract_strided_slice %get3A_370 {offsets = [12], sizes = [1], strides = [1]} : vector<16xf32> to vector<1xf32>
        %squeeze3A_631 = vector.extract %slice3A_630[0] : f32 from vector<1xf32>
        %swap3A_632 = arith.constant 1 : i32
        %swap3A_633 = arith.constant 12 : i32
        %swap3A_634 = arith.index_cast %swap3A_632 : i32 to index
        %swap3A_635 = arith.index_cast %swap3A_633 : i32 to index
        %swap3A_636 = memref.load %arg19[%swap3A_634, %swap3A_635] : memref<3x16xf32, #tpu.memory_space<smem>>
        memref.store %squeeze3A_631, %arg19[%swap3A_634, %swap3A_635] : memref<3x16xf32, #tpu.memory_space<smem>>
        %slice3A_637 = vector.extract_strided_slice %get3A_373 {offsets = [12], sizes = [1], strides = [1]} : vector<16xf32> to vector<1xf32>
        %squeeze3A_638 = vector.extract %slice3A_637[0] : f32 from vector<1xf32>
        %swap3A_639 = arith.constant 2 : i32
        %swap3A_640 = arith.constant 12 : i32
        %swap3A_641 = arith.index_cast %swap3A_639 : i32 to index
        %swap3A_642 = arith.index_cast %swap3A_640 : i32 to index
        %swap3A_643 = memref.load %arg19[%swap3A_641, %swap3A_642] : memref<3x16xf32, #tpu.memory_space<smem>>
        memref.store %squeeze3A_638, %arg19[%swap3A_641, %swap3A_642] : memref<3x16xf32, #tpu.memory_space<smem>>
        %slice3A_644 = vector.extract_strided_slice %get3A_367 {offsets = [13], sizes = [1], strides = [1]} : vector<16xf32> to vector<1xf32>
        %squeeze3A_645 = vector.extract %slice3A_644[0] : f32 from vector<1xf32>
        %swap3A_646 = arith.constant 0 : i32
        %swap3A_647 = arith.constant 13 : i32
        %swap3A_648 = arith.index_cast %swap3A_646 : i32 to index
        %swap3A_649 = arith.index_cast %swap3A_647 : i32 to index
        %swap3A_650 = memref.load %arg19[%swap3A_648, %swap3A_649] : memref<3x16xf32, #tpu.memory_space<smem>>
        memref.store %squeeze3A_645, %arg19[%swap3A_648, %swap3A_649] : memref<3x16xf32, #tpu.memory_space<smem>>
        %slice3A_651 = vector.extract_strided_slice %get3A_370 {offsets = [13], sizes = [1], strides = [1]} : vector<16xf32> to vector<1xf32>
        %squeeze3A_652 = vector.extract %slice3A_651[0] : f32 from vector<1xf32>
        %swap3A_653 = arith.constant 1 : i32
        %swap3A_654 = arith.constant 13 : i32
        %swap3A_655 = arith.index_cast %swap3A_653 : i32 to index
        %swap3A_656 = arith.index_cast %swap3A_654 : i32 to index
        %swap3A_657 = memref.load %arg19[%swap3A_655, %swap3A_656] : memref<3x16xf32, #tpu.memory_space<smem>>
        memref.store %squeeze3A_652, %arg19[%swap3A_655, %swap3A_656] : memref<3x16xf32, #tpu.memory_space<smem>>
        %slice3A_658 = vector.extract_strided_slice %get3A_373 {offsets = [13], sizes = [1], strides = [1]} : vector<16xf32> to vector<1xf32>
        %squeeze3A_659 = vector.extract %slice3A_658[0] : f32 from vector<1xf32>
        %swap3A_660 = arith.constant 2 : i32
        %swap3A_661 = arith.constant 13 : i32
        %swap3A_662 = arith.index_cast %swap3A_660 : i32 to index
        %swap3A_663 = arith.index_cast %swap3A_661 : i32 to index
        %swap3A_664 = memref.load %arg19[%swap3A_662, %swap3A_663] : memref<3x16xf32, #tpu.memory_space<smem>>
        memref.store %squeeze3A_659, %arg19[%swap3A_662, %swap3A_663] : memref<3x16xf32, #tpu.memory_space<smem>>
        %slice3A_665 = vector.extract_strided_slice %get3A_367 {offsets = [14], sizes = [1], strides = [1]} : vector<16xf32> to vector<1xf32>
        %squeeze3A_666 = vector.extract %slice3A_665[0] : f32 from vector<1xf32>
        %swap3A_667 = arith.constant 0 : i32
        %swap3A_668 = arith.constant 14 : i32
        %swap3A_669 = arith.index_cast %swap3A_667 : i32 to index
        %swap3A_670 = arith.index_cast %swap3A_668 : i32 to index
        %swap3A_671 = memref.load %arg19[%swap3A_669, %swap3A_670] : memref<3x16xf32, #tpu.memory_space<smem>>
        memref.store %squeeze3A_666, %arg19[%swap3A_669, %swap3A_670] : memref<3x16xf32, #tpu.memory_space<smem>>
        %slice3A_672 = vector.extract_strided_slice %get3A_370 {offsets = [14], sizes = [1], strides = [1]} : vector<16xf32> to vector<1xf32>
        %squeeze3A_673 = vector.extract %slice3A_672[0] : f32 from vector<1xf32>
        %swap3A_674 = arith.constant 1 : i32
        %swap3A_675 = arith.constant 14 : i32
        %swap3A_676 = arith.index_cast %swap3A_674 : i32 to index
        %swap3A_677 = arith.index_cast %swap3A_675 : i32 to index
        %swap3A_678 = memref.load %arg19[%swap3A_676, %swap3A_677] : memref<3x16xf32, #tpu.memory_space<smem>>
        memref.store %squeeze3A_673, %arg19[%swap3A_676, %swap3A_677] : memref<3x16xf32, #tpu.memory_space<smem>>
        %slice3A_679 = vector.extract_strided_slice %get3A_373 {offsets = [14], sizes = [1], strides = [1]} : vector<16xf32> to vector<1xf32>
        %squeeze3A_680 = vector.extract %slice3A_679[0] : f32 from vector<1xf32>
        %swap3A_681 = arith.constant 2 : i32
        %swap3A_682 = arith.constant 14 : i32
        %swap3A_683 = arith.index_cast %swap3A_681 : i32 to index
        %swap3A_684 = arith.index_cast %swap3A_682 : i32 to index
        %swap3A_685 = memref.load %arg19[%swap3A_683, %swap3A_684] : memref<3x16xf32, #tpu.memory_space<smem>>
        memref.store %squeeze3A_680, %arg19[%swap3A_683, %swap3A_684] : memref<3x16xf32, #tpu.memory_space<smem>>
        %slice3A_686 = vector.extract_strided_slice %get3A_367 {offsets = [15], sizes = [1], strides = [1]} : vector<16xf32> to vector<1xf32>
        %squeeze3A_687 = vector.extract %slice3A_686[0] : f32 from vector<1xf32>
        %swap3A_688 = arith.constant 0 : i32
        %swap3A_689 = arith.constant 15 : i32
        %swap3A_690 = arith.index_cast %swap3A_688 : i32 to index
        %swap3A_691 = arith.index_cast %swap3A_689 : i32 to index
        %swap3A_692 = memref.load %arg19[%swap3A_690, %swap3A_691] : memref<3x16xf32, #tpu.memory_space<smem>>
        memref.store %squeeze3A_687, %arg19[%swap3A_690, %swap3A_691] : memref<3x16xf32, #tpu.memory_space<smem>>
        %slice3A_693 = vector.extract_strided_slice %get3A_370 {offsets = [15], sizes = [1], strides = [1]} : vector<16xf32> to vector<1xf32>
        %squeeze3A_694 = vector.extract %slice3A_693[0] : f32 from vector<1xf32>
        %swap3A_695 = arith.constant 1 : i32
        %swap3A_696 = arith.constant 15 : i32
        %swap3A_697 = arith.index_cast %swap3A_695 : i32 to index
        %swap3A_698 = arith.index_cast %swap3A_696 : i32 to index
        %swap3A_699 = memref.load %arg19[%swap3A_697, %swap3A_698] : memref<3x16xf32, #tpu.memory_space<smem>>
        memref.store %squeeze3A_694, %arg19[%swap3A_697, %swap3A_698] : memref<3x16xf32, #tpu.memory_space<smem>>
        %slice3A_700 = vector.extract_strided_slice %get3A_373 {offsets = [15], sizes = [1], strides = [1]} : vector<16xf32> to vector<1xf32>
        %squeeze3A_701 = vector.extract %slice3A_700[0] : f32 from vector<1xf32>
        %swap3A_702 = arith.constant 2 : i32
        %swap3A_703 = arith.constant 15 : i32
        %swap3A_704 = arith.index_cast %swap3A_702 : i32 to index
        %swap3A_705 = arith.index_cast %swap3A_703 : i32 to index
        %swap3A_706 = memref.load %arg19[%swap3A_704, %swap3A_705] : memref<3x16xf32, #tpu.memory_space<smem>>
        memref.store %squeeze3A_701, %arg19[%swap3A_704, %swap3A_705] : memref<3x16xf32, #tpu.memory_space<smem>>
        %parallel_loop3A = arith.constant 0 : i32
        %parallel_loop3A_707 = arith.constant 16 : i32
        %parallel_loop3A_708 = arith.constant 1 : i32
        scf.for %parallel_loop3A_1092 = %parallel_loop3A to %parallel_loop3A_707 step %parallel_loop3A_708  : i32 {
          %parallel_loop3A_1093 = arith.constant 0 : i32
          %parallel_loop3A_1094 = arith.index_cast %parallel_loop3A_1093 : i32 to index
          %parallel_loop3A_1095 = arith.index_cast %parallel_loop3A_1092 : i32 to index
          %parallel_loop3A_1096 = memref.load %arg19[%parallel_loop3A_1094, %parallel_loop3A_1095] : memref<3x16xf32, #tpu.memory_space<smem>>
          %parallel_loop3A_1097 = arith.constant 1 : i32
          %parallel_loop3A_1098 = arith.index_cast %parallel_loop3A_1097 : i32 to index
          %parallel_loop3A_1099 = arith.index_cast %parallel_loop3A_1092 : i32 to index
          %parallel_loop3A_1100 = memref.load %arg19[%parallel_loop3A_1098, %parallel_loop3A_1099] : memref<3x16xf32, #tpu.memory_space<smem>>
          %parallel_loop3A_1101 = arith.constant 2 : i32
          %parallel_loop3A_1102 = arith.index_cast %parallel_loop3A_1101 : i32 to index
          %parallel_loop3A_1103 = arith.index_cast %parallel_loop3A_1092 : i32 to index
          %parallel_loop3A_1104 = memref.load %arg19[%parallel_loop3A_1102, %parallel_loop3A_1103] : memref<3x16xf32, #tpu.memory_space<smem>>
          %parallel_loop3A_1105 = arith.constant 1.000000e+00 : f32
          %parallel_loop3A_1106 = arith.subf %parallel_loop3A_1105, %parallel_loop3A_1096 : f32
          %parallel_loop3A_1107 = arith.constant 1.000000e+00 : f32
          %parallel_loop3A_1108 = arith.subf %parallel_loop3A_1107, %parallel_loop3A_1100 : f32
          %parallel_loop3A_1109 = arith.constant 1.000000e+00 : f32
          %parallel_loop3A_1110 = arith.subf %parallel_loop3A_1109, %parallel_loop3A_1104 : f32
          %parallel_loop3A_1111 = arith.mulf %parallel_loop3A_1108, %parallel_loop3A_1110 : f32
          %parallel_loop3A_1112 = arith.mulf %parallel_loop3A_1100, %parallel_loop3A_1110 : f32
          %parallel_loop3A_1113 = arith.mulf %parallel_loop3A_1108, %parallel_loop3A_1104 : f32
          %parallel_loop3A_1114 = arith.mulf %parallel_loop3A_1100, %parallel_loop3A_1104 : f32
          %parallel_loop3A_1115 = arith.mulf %parallel_loop3A_1106, %parallel_loop3A_1111 : f32
          %parallel_loop3A_1116 = arith.mulf %parallel_loop3A_1096, %parallel_loop3A_1111 : f32
          %parallel_loop3A_1117 = arith.mulf %parallel_loop3A_1106, %parallel_loop3A_1112 : f32
          %parallel_loop3A_1118 = arith.mulf %parallel_loop3A_1096, %parallel_loop3A_1112 : f32
          %parallel_loop3A_1119 = arith.mulf %parallel_loop3A_1106, %parallel_loop3A_1113 : f32
          %parallel_loop3A_1120 = arith.mulf %parallel_loop3A_1096, %parallel_loop3A_1113 : f32
          %parallel_loop3A_1121 = arith.mulf %parallel_loop3A_1106, %parallel_loop3A_1114 : f32
          %parallel_loop3A_1122 = arith.mulf %parallel_loop3A_1096, %parallel_loop3A_1114 : f32
          %parallel_loop3A_1123 = arith.index_cast %parallel_loop3A_1092 : i32 to index
          %parallel_loop3A_1124 = arith.constant 0 : index
          %parallel_loop3A_1125 = tpu.vector_load %arg14[%parallel_loop3A_1123, %parallel_loop3A_1124] {strides = array<i32>} : memref<16x512xf32, #tpu.memory_space<vmem>>, vector<16xf32>,
          %parallel_loop3A_1126 = vector.bitcast %parallel_loop3A_1125 : vector<16xf32> to vector<32xbf16>
          %parallel_loop3A_1127 = tpu.unpack_subelements %parallel_loop3A_1126, 0 {pack_format = #tpu.pack_format<interleaved>} : vector<32xbf16> -> vector<16xf32>
          %parallel_loop3A_1128 = tpu.unpack_subelements %parallel_loop3A_1126, 1 {pack_format = #tpu.pack_format<interleaved>} : vector<32xbf16> -> vector<16xf32>
          %parallel_loop3A_1129 = vector.broadcast %parallel_loop3A_1115 : f32 to vector<16xf32>
          %parallel_loop3A_1130 = arith.mulf %parallel_loop3A_1129, %parallel_loop3A_1127 : vector<16xf32>
          %parallel_loop3A_1131 = vector.broadcast %parallel_loop3A_1115 : f32 to vector<16xf32>
          %parallel_loop3A_1132 = arith.mulf %parallel_loop3A_1131, %parallel_loop3A_1128 : vector<16xf32>
          %parallel_loop3A_1133 = arith.index_cast %parallel_loop3A_1092 : i32 to index
          %parallel_loop3A_1134 = arith.constant 64 : index
          %parallel_loop3A_1135 = tpu.vector_load %arg14[%parallel_loop3A_1133, %parallel_loop3A_1134] {strides = array<i32>} : memref<16x512xf32, #tpu.memory_space<vmem>>, vector<16xf32>,
          %parallel_loop3A_1136 = vector.bitcast %parallel_loop3A_1135 : vector<16xf32> to vector<32xbf16>
          %parallel_loop3A_1137 = tpu.unpack_subelements %parallel_loop3A_1136, 0 {pack_format = #tpu.pack_format<interleaved>} : vector<32xbf16> -> vector<16xf32>
          %parallel_loop3A_1138 = tpu.unpack_subelements %parallel_loop3A_1136, 1 {pack_format = #tpu.pack_format<interleaved>} : vector<32xbf16> -> vector<16xf32>
          %parallel_loop3A_1139 = vector.broadcast %parallel_loop3A_1116 : f32 to vector<16xf32>
          %parallel_loop3A_1140 = arith.mulf %parallel_loop3A_1139, %parallel_loop3A_1137 : vector<16xf32>
          %parallel_loop3A_1141 = arith.addf %parallel_loop3A_1130, %parallel_loop3A_1140 : vector<16xf32>
          %parallel_loop3A_1142 = vector.broadcast %parallel_loop3A_1116 : f32 to vector<16xf32>
          %parallel_loop3A_1143 = arith.mulf %parallel_loop3A_1142, %parallel_loop3A_1138 : vector<16xf32>
          %parallel_loop3A_1144 = arith.addf %parallel_loop3A_1132, %parallel_loop3A_1143 : vector<16xf32>
          %parallel_loop3A_1145 = arith.index_cast %parallel_loop3A_1092 : i32 to index
          %parallel_loop3A_1146 = arith.constant 128 : index
          %parallel_loop3A_1147 = tpu.vector_load %arg14[%parallel_loop3A_1145, %parallel_loop3A_1146] {strides = array<i32>} : memref<16x512xf32, #tpu.memory_space<vmem>>, vector<16xf32>,
          %parallel_loop3A_1148 = vector.bitcast %parallel_loop3A_1147 : vector<16xf32> to vector<32xbf16>
          %parallel_loop3A_1149 = tpu.unpack_subelements %parallel_loop3A_1148, 0 {pack_format = #tpu.pack_format<interleaved>} : vector<32xbf16> -> vector<16xf32>
          %parallel_loop3A_1150 = tpu.unpack_subelements %parallel_loop3A_1148, 1 {pack_format = #tpu.pack_format<interleaved>} : vector<32xbf16> -> vector<16xf32>
          %parallel_loop3A_1151 = vector.broadcast %parallel_loop3A_1117 : f32 to vector<16xf32>
          %parallel_loop3A_1152 = arith.mulf %parallel_loop3A_1151, %parallel_loop3A_1149 : vector<16xf32>
          %parallel_loop3A_1153 = arith.addf %parallel_loop3A_1141, %parallel_loop3A_1152 : vector<16xf32>
          %parallel_loop3A_1154 = vector.broadcast %parallel_loop3A_1117 : f32 to vector<16xf32>
          %parallel_loop3A_1155 = arith.mulf %parallel_loop3A_1154, %parallel_loop3A_1150 : vector<16xf32>
          %parallel_loop3A_1156 = arith.addf %parallel_loop3A_1144, %parallel_loop3A_1155 : vector<16xf32>
          %parallel_loop3A_1157 = arith.index_cast %parallel_loop3A_1092 : i32 to index
          %parallel_loop3A_1158 = arith.constant 192 : index
          %parallel_loop3A_1159 = tpu.vector_load %arg14[%parallel_loop3A_1157, %parallel_loop3A_1158] {strides = array<i32>} : memref<16x512xf32, #tpu.memory_space<vmem>>, vector<16xf32>,
          %parallel_loop3A_1160 = vector.bitcast %parallel_loop3A_1159 : vector<16xf32> to vector<32xbf16>
          %parallel_loop3A_1161 = tpu.unpack_subelements %parallel_loop3A_1160, 0 {pack_format = #tpu.pack_format<interleaved>} : vector<32xbf16> -> vector<16xf32>
          %parallel_loop3A_1162 = tpu.unpack_subelements %parallel_loop3A_1160, 1 {pack_format = #tpu.pack_format<interleaved>} : vector<32xbf16> -> vector<16xf32>
          %parallel_loop3A_1163 = vector.broadcast %parallel_loop3A_1118 : f32 to vector<16xf32>
          %parallel_loop3A_1164 = arith.mulf %parallel_loop3A_1163, %parallel_loop3A_1161 : vector<16xf32>
          %parallel_loop3A_1165 = arith.addf %parallel_loop3A_1153, %parallel_loop3A_1164 : vector<16xf32>
          %parallel_loop3A_1166 = vector.broadcast %parallel_loop3A_1118 : f32 to vector<16xf32>
          %parallel_loop3A_1167 = arith.mulf %parallel_loop3A_1166, %parallel_loop3A_1162 : vector<16xf32>
          %parallel_loop3A_1168 = arith.addf %parallel_loop3A_1156, %parallel_loop3A_1167 : vector<16xf32>
          %parallel_loop3A_1169 = arith.index_cast %parallel_loop3A_1092 : i32 to index
          %parallel_loop3A_1170 = arith.constant 256 : index
          %parallel_loop3A_1171 = tpu.vector_load %arg14[%parallel_loop3A_1169, %parallel_loop3A_1170] {strides = array<i32>} : memref<16x512xf32, #tpu.memory_space<vmem>>, vector<16xf32>,
          %parallel_loop3A_1172 = vector.bitcast %parallel_loop3A_1171 : vector<16xf32> to vector<32xbf16>
          %parallel_loop3A_1173 = tpu.unpack_subelements %parallel_loop3A_1172, 0 {pack_format = #tpu.pack_format<interleaved>} : vector<32xbf16> -> vector<16xf32>
          %parallel_loop3A_1174 = tpu.unpack_subelements %parallel_loop3A_1172, 1 {pack_format = #tpu.pack_format<interleaved>} : vector<32xbf16> -> vector<16xf32>
          %parallel_loop3A_1175 = vector.broadcast %parallel_loop3A_1119 : f32 to vector<16xf32>
          %parallel_loop3A_1176 = arith.mulf %parallel_loop3A_1175, %parallel_loop3A_1173 : vector<16xf32>
          %parallel_loop3A_1177 = arith.addf %parallel_loop3A_1165, %parallel_loop3A_1176 : vector<16xf32>
          %parallel_loop3A_1178 = vector.broadcast %parallel_loop3A_1119 : f32 to vector<16xf32>
          %parallel_loop3A_1179 = arith.mulf %parallel_loop3A_1178, %parallel_loop3A_1174 : vector<16xf32>
          %parallel_loop3A_1180 = arith.addf %parallel_loop3A_1168, %parallel_loop3A_1179 : vector<16xf32>
          %parallel_loop3A_1181 = arith.index_cast %parallel_loop3A_1092 : i32 to index
          %parallel_loop3A_1182 = arith.constant 320 : index
          %parallel_loop3A_1183 = tpu.vector_load %arg14[%parallel_loop3A_1181, %parallel_loop3A_1182] {strides = array<i32>} : memref<16x512xf32, #tpu.memory_space<vmem>>, vector<16xf32>,
          %parallel_loop3A_1184 = vector.bitcast %parallel_loop3A_1183 : vector<16xf32> to vector<32xbf16>
          %parallel_loop3A_1185 = tpu.unpack_subelements %parallel_loop3A_1184, 0 {pack_format = #tpu.pack_format<interleaved>} : vector<32xbf16> -> vector<16xf32>
          %parallel_loop3A_1186 = tpu.unpack_subelements %parallel_loop3A_1184, 1 {pack_format = #tpu.pack_format<interleaved>} : vector<32xbf16> -> vector<16xf32>
          %parallel_loop3A_1187 = vector.broadcast %parallel_loop3A_1120 : f32 to vector<16xf32>
          %parallel_loop3A_1188 = arith.mulf %parallel_loop3A_1187, %parallel_loop3A_1185 : vector<16xf32>
          %parallel_loop3A_1189 = arith.addf %parallel_loop3A_1177, %parallel_loop3A_1188 : vector<16xf32>
          %parallel_loop3A_1190 = vector.broadcast %parallel_loop3A_1120 : f32 to vector<16xf32>
          %parallel_loop3A_1191 = arith.mulf %parallel_loop3A_1190, %parallel_loop3A_1186 : vector<16xf32>
          %parallel_loop3A_1192 = arith.addf %parallel_loop3A_1180, %parallel_loop3A_1191 : vector<16xf32>
          %parallel_loop3A_1193 = arith.index_cast %parallel_loop3A_1092 : i32 to index
          %parallel_loop3A_1194 = arith.constant 384 : index
          %parallel_loop3A_1195 = tpu.vector_load %arg14[%parallel_loop3A_1193, %parallel_loop3A_1194] {strides = array<i32>} : memref<16x512xf32, #tpu.memory_space<vmem>>, vector<16xf32>,
          %parallel_loop3A_1196 = vector.bitcast %parallel_loop3A_1195 : vector<16xf32> to vector<32xbf16>
          %parallel_loop3A_1197 = tpu.unpack_subelements %parallel_loop3A_1196, 0 {pack_format = #tpu.pack_format<interleaved>} : vector<32xbf16> -> vector<16xf32>
          %parallel_loop3A_1198 = tpu.unpack_subelements %parallel_loop3A_1196, 1 {pack_format = #tpu.pack_format<interleaved>} : vector<32xbf16> -> vector<16xf32>
          %parallel_loop3A_1199 = vector.broadcast %parallel_loop3A_1121 : f32 to vector<16xf32>
          %parallel_loop3A_1200 = arith.mulf %parallel_loop3A_1199, %parallel_loop3A_1197 : vector<16xf32>
          %parallel_loop3A_1201 = arith.addf %parallel_loop3A_1189, %parallel_loop3A_1200 : vector<16xf32>
          %parallel_loop3A_1202 = vector.broadcast %parallel_loop3A_1121 : f32 to vector<16xf32>
          %parallel_loop3A_1203 = arith.mulf %parallel_loop3A_1202, %parallel_loop3A_1198 : vector<16xf32>
          %parallel_loop3A_1204 = arith.addf %parallel_loop3A_1192, %parallel_loop3A_1203 : vector<16xf32>
          %parallel_loop3A_1205 = arith.index_cast %parallel_loop3A_1092 : i32 to index
          %parallel_loop3A_1206 = arith.constant 448 : index
          %parallel_loop3A_1207 = tpu.vector_load %arg14[%parallel_loop3A_1205, %parallel_loop3A_1206] {strides = array<i32>} : memref<16x512xf32, #tpu.memory_space<vmem>>, vector<16xf32>,
          %parallel_loop3A_1208 = vector.bitcast %parallel_loop3A_1207 : vector<16xf32> to vector<32xbf16>
          %parallel_loop3A_1209 = tpu.unpack_subelements %parallel_loop3A_1208, 0 {pack_format = #tpu.pack_format<interleaved>} : vector<32xbf16> -> vector<16xf32>
          %parallel_loop3A_1210 = tpu.unpack_subelements %parallel_loop3A_1208, 1 {pack_format = #tpu.pack_format<interleaved>} : vector<32xbf16> -> vector<16xf32>
          %parallel_loop3A_1211 = vector.broadcast %parallel_loop3A_1122 : f32 to vector<16xf32>
          %parallel_loop3A_1212 = arith.mulf %parallel_loop3A_1211, %parallel_loop3A_1209 : vector<16xf32>
          %parallel_loop3A_1213 = arith.addf %parallel_loop3A_1201, %parallel_loop3A_1212 : vector<16xf32>
          %parallel_loop3A_1214 = vector.broadcast %parallel_loop3A_1122 : f32 to vector<16xf32>
          %parallel_loop3A_1215 = arith.mulf %parallel_loop3A_1214, %parallel_loop3A_1210 : vector<16xf32>
          %parallel_loop3A_1216 = arith.addf %parallel_loop3A_1204, %parallel_loop3A_1215 : vector<16xf32>
          %parallel_loop3A_1217 = arith.index_cast %parallel_loop3A_1092 : i32 to index
          %parallel_loop3A_1218 = arith.constant 0 : index
          %parallel_loop3A_1219 = tpu.vector_load %arg16[%parallel_loop3A_1217, %parallel_loop3A_1218] {strides = array<i32>} : memref<16x128xf32, #tpu.memory_space<vmem>>, vector<16xf32>,
          tpu.vector_store %arg16[%parallel_loop3A_1217, %parallel_loop3A_1218], %parallel_loop3A_1213 {strides = array<i32>} : memref<16x128xf32, #tpu.memory_space<vmem>>, vector<16xf32>,
          %parallel_loop3A_1220 = arith.index_cast %parallel_loop3A_1092 : i32 to index
          %parallel_loop3A_1221 = arith.constant 16 : index
          %parallel_loop3A_1222 = tpu.vector_load %arg16[%parallel_loop3A_1220, %parallel_loop3A_1221] {strides = array<i32>} : memref<16x128xf32, #tpu.memory_space<vmem>>, vector<16xf32>,
          tpu.vector_store %arg16[%parallel_loop3A_1220, %parallel_loop3A_1221], %parallel_loop3A_1216 {strides = array<i32>} : memref<16x128xf32, #tpu.memory_space<vmem>>, vector<16xf32>,
          %parallel_loop3A_1223 = arith.index_cast %parallel_loop3A_1092 : i32 to index
          %parallel_loop3A_1224 = arith.constant 16 : index
          %parallel_loop3A_1225 = tpu.vector_load %arg14[%parallel_loop3A_1223, %parallel_loop3A_1224] {strides = array<i32>} : memref<16x512xf32, #tpu.memory_space<vmem>>, vector<16xf32>,
          %parallel_loop3A_1226 = vector.bitcast %parallel_loop3A_1225 : vector<16xf32> to vector<32xbf16>
          %parallel_loop3A_1227 = tpu.unpack_subelements %parallel_loop3A_1226, 0 {pack_format = #tpu.pack_format<interleaved>} : vector<32xbf16> -> vector<16xf32>
          %parallel_loop3A_1228 = tpu.unpack_subelements %parallel_loop3A_1226, 1 {pack_format = #tpu.pack_format<interleaved>} : vector<32xbf16> -> vector<16xf32>
          %parallel_loop3A_1229 = vector.broadcast %parallel_loop3A_1115 : f32 to vector<16xf32>
          %parallel_loop3A_1230 = arith.mulf %parallel_loop3A_1229, %parallel_loop3A_1227 : vector<16xf32>
          %parallel_loop3A_1231 = vector.broadcast %parallel_loop3A_1115 : f32 to vector<16xf32>
          %parallel_loop3A_1232 = arith.mulf %parallel_loop3A_1231, %parallel_loop3A_1228 : vector<16xf32>
          %parallel_loop3A_1233 = arith.index_cast %parallel_loop3A_1092 : i32 to index
          %parallel_loop3A_1234 = arith.constant 80 : index
          %parallel_loop3A_1235 = tpu.vector_load %arg14[%parallel_loop3A_1233, %parallel_loop3A_1234] {strides = array<i32>} : memref<16x512xf32, #tpu.memory_space<vmem>>, vector<16xf32>,
          %parallel_loop3A_1236 = vector.bitcast %parallel_loop3A_1235 : vector<16xf32> to vector<32xbf16>
          %parallel_loop3A_1237 = tpu.unpack_subelements %parallel_loop3A_1236, 0 {pack_format = #tpu.pack_format<interleaved>} : vector<32xbf16> -> vector<16xf32>
          %parallel_loop3A_1238 = tpu.unpack_subelements %parallel_loop3A_1236, 1 {pack_format = #tpu.pack_format<interleaved>} : vector<32xbf16> -> vector<16xf32>
          %parallel_loop3A_1239 = vector.broadcast %parallel_loop3A_1116 : f32 to vector<16xf32>
          %parallel_loop3A_1240 = arith.mulf %parallel_loop3A_1239, %parallel_loop3A_1237 : vector<16xf32>
          %parallel_loop3A_1241 = arith.addf %parallel_loop3A_1230, %parallel_loop3A_1240 : vector<16xf32>
          %parallel_loop3A_1242 = vector.broadcast %parallel_loop3A_1116 : f32 to vector<16xf32>
          %parallel_loop3A_1243 = arith.mulf %parallel_loop3A_1242, %parallel_loop3A_1238 : vector<16xf32>
          %parallel_loop3A_1244 = arith.addf %parallel_loop3A_1232, %parallel_loop3A_1243 : vector<16xf32>
          %parallel_loop3A_1245 = arith.index_cast %parallel_loop3A_1092 : i32 to index
          %parallel_loop3A_1246 = arith.constant 144 : index
          %parallel_loop3A_1247 = tpu.vector_load %arg14[%parallel_loop3A_1245, %parallel_loop3A_1246] {strides = array<i32>} : memref<16x512xf32, #tpu.memory_space<vmem>>, vector<16xf32>,
          %parallel_loop3A_1248 = vector.bitcast %parallel_loop3A_1247 : vector<16xf32> to vector<32xbf16>
          %parallel_loop3A_1249 = tpu.unpack_subelements %parallel_loop3A_1248, 0 {pack_format = #tpu.pack_format<interleaved>} : vector<32xbf16> -> vector<16xf32>
          %parallel_loop3A_1250 = tpu.unpack_subelements %parallel_loop3A_1248, 1 {pack_format = #tpu.pack_format<interleaved>} : vector<32xbf16> -> vector<16xf32>
          %parallel_loop3A_1251 = vector.broadcast %parallel_loop3A_1117 : f32 to vector<16xf32>
          %parallel_loop3A_1252 = arith.mulf %parallel_loop3A_1251, %parallel_loop3A_1249 : vector<16xf32>
          %parallel_loop3A_1253 = arith.addf %parallel_loop3A_1241, %parallel_loop3A_1252 : vector<16xf32>
          %parallel_loop3A_1254 = vector.broadcast %parallel_loop3A_1117 : f32 to vector<16xf32>
          %parallel_loop3A_1255 = arith.mulf %parallel_loop3A_1254, %parallel_loop3A_1250 : vector<16xf32>
          %parallel_loop3A_1256 = arith.addf %parallel_loop3A_1244, %parallel_loop3A_1255 : vector<16xf32>
          %parallel_loop3A_1257 = arith.index_cast %parallel_loop3A_1092 : i32 to index
          %parallel_loop3A_1258 = arith.constant 208 : index
          %parallel_loop3A_1259 = tpu.vector_load %arg14[%parallel_loop3A_1257, %parallel_loop3A_1258] {strides = array<i32>} : memref<16x512xf32, #tpu.memory_space<vmem>>, vector<16xf32>,
          %parallel_loop3A_1260 = vector.bitcast %parallel_loop3A_1259 : vector<16xf32> to vector<32xbf16>
          %parallel_loop3A_1261 = tpu.unpack_subelements %parallel_loop3A_1260, 0 {pack_format = #tpu.pack_format<interleaved>} : vector<32xbf16> -> vector<16xf32>
          %parallel_loop3A_1262 = tpu.unpack_subelements %parallel_loop3A_1260, 1 {pack_format = #tpu.pack_format<interleaved>} : vector<32xbf16> -> vector<16xf32>
          %parallel_loop3A_1263 = vector.broadcast %parallel_loop3A_1118 : f32 to vector<16xf32>
          %parallel_loop3A_1264 = arith.mulf %parallel_loop3A_1263, %parallel_loop3A_1261 : vector<16xf32>
          %parallel_loop3A_1265 = arith.addf %parallel_loop3A_1253, %parallel_loop3A_1264 : vector<16xf32>
          %parallel_loop3A_1266 = vector.broadcast %parallel_loop3A_1118 : f32 to vector<16xf32>
          %parallel_loop3A_1267 = arith.mulf %parallel_loop3A_1266, %parallel_loop3A_1262 : vector<16xf32>
          %parallel_loop3A_1268 = arith.addf %parallel_loop3A_1256, %parallel_loop3A_1267 : vector<16xf32>
          %parallel_loop3A_1269 = arith.index_cast %parallel_loop3A_1092 : i32 to index
          %parallel_loop3A_1270 = arith.constant 272 : index
          %parallel_loop3A_1271 = tpu.vector_load %arg14[%parallel_loop3A_1269, %parallel_loop3A_1270] {strides = array<i32>} : memref<16x512xf32, #tpu.memory_space<vmem>>, vector<16xf32>,
          %parallel_loop3A_1272 = vector.bitcast %parallel_loop3A_1271 : vector<16xf32> to vector<32xbf16>
          %parallel_loop3A_1273 = tpu.unpack_subelements %parallel_loop3A_1272, 0 {pack_format = #tpu.pack_format<interleaved>} : vector<32xbf16> -> vector<16xf32>
          %parallel_loop3A_1274 = tpu.unpack_subelements %parallel_loop3A_1272, 1 {pack_format = #tpu.pack_format<interleaved>} : vector<32xbf16> -> vector<16xf32>
          %parallel_loop3A_1275 = vector.broadcast %parallel_loop3A_1119 : f32 to vector<16xf32>
          %parallel_loop3A_1276 = arith.mulf %parallel_loop3A_1275, %parallel_loop3A_1273 : vector<16xf32>
          %parallel_loop3A_1277 = arith.addf %parallel_loop3A_1265, %parallel_loop3A_1276 : vector<16xf32>
          %parallel_loop3A_1278 = vector.broadcast %parallel_loop3A_1119 : f32 to vector<16xf32>
          %parallel_loop3A_1279 = arith.mulf %parallel_loop3A_1278, %parallel_loop3A_1274 : vector<16xf32>
          %parallel_loop3A_1280 = arith.addf %parallel_loop3A_1268, %parallel_loop3A_1279 : vector<16xf32>
          %parallel_loop3A_1281 = arith.index_cast %parallel_loop3A_1092 : i32 to index
          %parallel_loop3A_1282 = arith.constant 336 : index
          %parallel_loop3A_1283 = tpu.vector_load %arg14[%parallel_loop3A_1281, %parallel_loop3A_1282] {strides = array<i32>} : memref<16x512xf32, #tpu.memory_space<vmem>>, vector<16xf32>,
          %parallel_loop3A_1284 = vector.bitcast %parallel_loop3A_1283 : vector<16xf32> to vector<32xbf16>
          %parallel_loop3A_1285 = tpu.unpack_subelements %parallel_loop3A_1284, 0 {pack_format = #tpu.pack_format<interleaved>} : vector<32xbf16> -> vector<16xf32>
          %parallel_loop3A_1286 = tpu.unpack_subelements %parallel_loop3A_1284, 1 {pack_format = #tpu.pack_format<interleaved>} : vector<32xbf16> -> vector<16xf32>
          %parallel_loop3A_1287 = vector.broadcast %parallel_loop3A_1120 : f32 to vector<16xf32>
          %parallel_loop3A_1288 = arith.mulf %parallel_loop3A_1287, %parallel_loop3A_1285 : vector<16xf32>
          %parallel_loop3A_1289 = arith.addf %parallel_loop3A_1277, %parallel_loop3A_1288 : vector<16xf32>
          %parallel_loop3A_1290 = vector.broadcast %parallel_loop3A_1120 : f32 to vector<16xf32>
          %parallel_loop3A_1291 = arith.mulf %parallel_loop3A_1290, %parallel_loop3A_1286 : vector<16xf32>
          %parallel_loop3A_1292 = arith.addf %parallel_loop3A_1280, %parallel_loop3A_1291 : vector<16xf32>
          %parallel_loop3A_1293 = arith.index_cast %parallel_loop3A_1092 : i32 to index
          %parallel_loop3A_1294 = arith.constant 400 : index
          %parallel_loop3A_1295 = tpu.vector_load %arg14[%parallel_loop3A_1293, %parallel_loop3A_1294] {strides = array<i32>} : memref<16x512xf32, #tpu.memory_space<vmem>>, vector<16xf32>,
          %parallel_loop3A_1296 = vector.bitcast %parallel_loop3A_1295 : vector<16xf32> to vector<32xbf16>
          %parallel_loop3A_1297 = tpu.unpack_subelements %parallel_loop3A_1296, 0 {pack_format = #tpu.pack_format<interleaved>} : vector<32xbf16> -> vector<16xf32>
          %parallel_loop3A_1298 = tpu.unpack_subelements %parallel_loop3A_1296, 1 {pack_format = #tpu.pack_format<interleaved>} : vector<32xbf16> -> vector<16xf32>
          %parallel_loop3A_1299 = vector.broadcast %parallel_loop3A_1121 : f32 to vector<16xf32>
          %parallel_loop3A_1300 = arith.mulf %parallel_loop3A_1299, %parallel_loop3A_1297 : vector<16xf32>
          %parallel_loop3A_1301 = arith.addf %parallel_loop3A_1289, %parallel_loop3A_1300 : vector<16xf32>
          %parallel_loop3A_1302 = vector.broadcast %parallel_loop3A_1121 : f32 to vector<16xf32>
          %parallel_loop3A_1303 = arith.mulf %parallel_loop3A_1302, %parallel_loop3A_1298 : vector<16xf32>
          %parallel_loop3A_1304 = arith.addf %parallel_loop3A_1292, %parallel_loop3A_1303 : vector<16xf32>
          %parallel_loop3A_1305 = arith.index_cast %parallel_loop3A_1092 : i32 to index
          %parallel_loop3A_1306 = arith.constant 464 : index
          %parallel_loop3A_1307 = tpu.vector_load %arg14[%parallel_loop3A_1305, %parallel_loop3A_1306] {strides = array<i32>} : memref<16x512xf32, #tpu.memory_space<vmem>>, vector<16xf32>,
          %parallel_loop3A_1308 = vector.bitcast %parallel_loop3A_1307 : vector<16xf32> to vector<32xbf16>
          %parallel_loop3A_1309 = tpu.unpack_subelements %parallel_loop3A_1308, 0 {pack_format = #tpu.pack_format<interleaved>} : vector<32xbf16> -> vector<16xf32>
          %parallel_loop3A_1310 = tpu.unpack_subelements %parallel_loop3A_1308, 1 {pack_format = #tpu.pack_format<interleaved>} : vector<32xbf16> -> vector<16xf32>
          %parallel_loop3A_1311 = vector.broadcast %parallel_loop3A_1122 : f32 to vector<16xf32>
          %parallel_loop3A_1312 = arith.mulf %parallel_loop3A_1311, %parallel_loop3A_1309 : vector<16xf32>
          %parallel_loop3A_1313 = arith.addf %parallel_loop3A_1301, %parallel_loop3A_1312 : vector<16xf32>
          %parallel_loop3A_1314 = vector.broadcast %parallel_loop3A_1122 : f32 to vector<16xf32>
          %parallel_loop3A_1315 = arith.mulf %parallel_loop3A_1314, %parallel_loop3A_1310 : vector<16xf32>
          %parallel_loop3A_1316 = arith.addf %parallel_loop3A_1304, %parallel_loop3A_1315 : vector<16xf32>
          %parallel_loop3A_1317 = arith.index_cast %parallel_loop3A_1092 : i32 to index
          %parallel_loop3A_1318 = arith.constant 32 : index
          %parallel_loop3A_1319 = tpu.vector_load %arg16[%parallel_loop3A_1317, %parallel_loop3A_1318] {strides = array<i32>} : memref<16x128xf32, #tpu.memory_space<vmem>>, vector<16xf32>,
          tpu.vector_store %arg16[%parallel_loop3A_1317, %parallel_loop3A_1318], %parallel_loop3A_1313 {strides = array<i32>} : memref<16x128xf32, #tpu.memory_space<vmem>>, vector<16xf32>,
          %parallel_loop3A_1320 = arith.index_cast %parallel_loop3A_1092 : i32 to index
          %parallel_loop3A_1321 = arith.constant 48 : index
          %parallel_loop3A_1322 = tpu.vector_load %arg16[%parallel_loop3A_1320, %parallel_loop3A_1321] {strides = array<i32>} : memref<16x128xf32, #tpu.memory_space<vmem>>, vector<16xf32>,
          tpu.vector_store %arg16[%parallel_loop3A_1320, %parallel_loop3A_1321], %parallel_loop3A_1316 {strides = array<i32>} : memref<16x128xf32, #tpu.memory_space<vmem>>, vector<16xf32>,
          %parallel_loop3A_1323 = arith.index_cast %parallel_loop3A_1092 : i32 to index
          %parallel_loop3A_1324 = arith.constant 32 : index
          %parallel_loop3A_1325 = tpu.vector_load %arg14[%parallel_loop3A_1323, %parallel_loop3A_1324] {strides = array<i32>} : memref<16x512xf32, #tpu.memory_space<vmem>>, vector<16xf32>,
          %parallel_loop3A_1326 = vector.bitcast %parallel_loop3A_1325 : vector<16xf32> to vector<32xbf16>
          %parallel_loop3A_1327 = tpu.unpack_subelements %parallel_loop3A_1326, 0 {pack_format = #tpu.pack_format<interleaved>} : vector<32xbf16> -> vector<16xf32>
          %parallel_loop3A_1328 = tpu.unpack_subelements %parallel_loop3A_1326, 1 {pack_format = #tpu.pack_format<interleaved>} : vector<32xbf16> -> vector<16xf32>
          %parallel_loop3A_1329 = vector.broadcast %parallel_loop3A_1115 : f32 to vector<16xf32>
          %parallel_loop3A_1330 = arith.mulf %parallel_loop3A_1329, %parallel_loop3A_1327 : vector<16xf32>
          %parallel_loop3A_1331 = vector.broadcast %parallel_loop3A_1115 : f32 to vector<16xf32>
          %parallel_loop3A_1332 = arith.mulf %parallel_loop3A_1331, %parallel_loop3A_1328 : vector<16xf32>
          %parallel_loop3A_1333 = arith.index_cast %parallel_loop3A_1092 : i32 to index
          %parallel_loop3A_1334 = arith.constant 96 : index
          %parallel_loop3A_1335 = tpu.vector_load %arg14[%parallel_loop3A_1333, %parallel_loop3A_1334] {strides = array<i32>} : memref<16x512xf32, #tpu.memory_space<vmem>>, vector<16xf32>,
          %parallel_loop3A_1336 = vector.bitcast %parallel_loop3A_1335 : vector<16xf32> to vector<32xbf16>
          %parallel_loop3A_1337 = tpu.unpack_subelements %parallel_loop3A_1336, 0 {pack_format = #tpu.pack_format<interleaved>} : vector<32xbf16> -> vector<16xf32>
          %parallel_loop3A_1338 = tpu.unpack_subelements %parallel_loop3A_1336, 1 {pack_format = #tpu.pack_format<interleaved>} : vector<32xbf16> -> vector<16xf32>
          %parallel_loop3A_1339 = vector.broadcast %parallel_loop3A_1116 : f32 to vector<16xf32>
          %parallel_loop3A_1340 = arith.mulf %parallel_loop3A_1339, %parallel_loop3A_1337 : vector<16xf32>
          %parallel_loop3A_1341 = arith.addf %parallel_loop3A_1330, %parallel_loop3A_1340 : vector<16xf32>
          %parallel_loop3A_1342 = vector.broadcast %parallel_loop3A_1116 : f32 to vector<16xf32>
          %parallel_loop3A_1343 = arith.mulf %parallel_loop3A_1342, %parallel_loop3A_1338 : vector<16xf32>
          %parallel_loop3A_1344 = arith.addf %parallel_loop3A_1332, %parallel_loop3A_1343 : vector<16xf32>
          %parallel_loop3A_1345 = arith.index_cast %parallel_loop3A_1092 : i32 to index
          %parallel_loop3A_1346 = arith.constant 160 : index
          %parallel_loop3A_1347 = tpu.vector_load %arg14[%parallel_loop3A_1345, %parallel_loop3A_1346] {strides = array<i32>} : memref<16x512xf32, #tpu.memory_space<vmem>>, vector<16xf32>,
          %parallel_loop3A_1348 = vector.bitcast %parallel_loop3A_1347 : vector<16xf32> to vector<32xbf16>
          %parallel_loop3A_1349 = tpu.unpack_subelements %parallel_loop3A_1348, 0 {pack_format = #tpu.pack_format<interleaved>} : vector<32xbf16> -> vector<16xf32>
          %parallel_loop3A_1350 = tpu.unpack_subelements %parallel_loop3A_1348, 1 {pack_format = #tpu.pack_format<interleaved>} : vector<32xbf16> -> vector<16xf32>
          %parallel_loop3A_1351 = vector.broadcast %parallel_loop3A_1117 : f32 to vector<16xf32>
          %parallel_loop3A_1352 = arith.mulf %parallel_loop3A_1351, %parallel_loop3A_1349 : vector<16xf32>
          %parallel_loop3A_1353 = arith.addf %parallel_loop3A_1341, %parallel_loop3A_1352 : vector<16xf32>
          %parallel_loop3A_1354 = vector.broadcast %parallel_loop3A_1117 : f32 to vector<16xf32>
          %parallel_loop3A_1355 = arith.mulf %parallel_loop3A_1354, %parallel_loop3A_1350 : vector<16xf32>
          %parallel_loop3A_1356 = arith.addf %parallel_loop3A_1344, %parallel_loop3A_1355 : vector<16xf32>
          %parallel_loop3A_1357 = arith.index_cast %parallel_loop3A_1092 : i32 to index
          %parallel_loop3A_1358 = arith.constant 224 : index
          %parallel_loop3A_1359 = tpu.vector_load %arg14[%parallel_loop3A_1357, %parallel_loop3A_1358] {strides = array<i32>} : memref<16x512xf32, #tpu.memory_space<vmem>>, vector<16xf32>,
          %parallel_loop3A_1360 = vector.bitcast %parallel_loop3A_1359 : vector<16xf32> to vector<32xbf16>
          %parallel_loop3A_1361 = tpu.unpack_subelements %parallel_loop3A_1360, 0 {pack_format = #tpu.pack_format<interleaved>} : vector<32xbf16> -> vector<16xf32>
          %parallel_loop3A_1362 = tpu.unpack_subelements %parallel_loop3A_1360, 1 {pack_format = #tpu.pack_format<interleaved>} : vector<32xbf16> -> vector<16xf32>
          %parallel_loop3A_1363 = vector.broadcast %parallel_loop3A_1118 : f32 to vector<16xf32>
          %parallel_loop3A_1364 = arith.mulf %parallel_loop3A_1363, %parallel_loop3A_1361 : vector<16xf32>
          %parallel_loop3A_1365 = arith.addf %parallel_loop3A_1353, %parallel_loop3A_1364 : vector<16xf32>
          %parallel_loop3A_1366 = vector.broadcast %parallel_loop3A_1118 : f32 to vector<16xf32>
          %parallel_loop3A_1367 = arith.mulf %parallel_loop3A_1366, %parallel_loop3A_1362 : vector<16xf32>
          %parallel_loop3A_1368 = arith.addf %parallel_loop3A_1356, %parallel_loop3A_1367 : vector<16xf32>
          %parallel_loop3A_1369 = arith.index_cast %parallel_loop3A_1092 : i32 to index
          %parallel_loop3A_1370 = arith.constant 288 : index
          %parallel_loop3A_1371 = tpu.vector_load %arg14[%parallel_loop3A_1369, %parallel_loop3A_1370] {strides = array<i32>} : memref<16x512xf32, #tpu.memory_space<vmem>>, vector<16xf32>,
          %parallel_loop3A_1372 = vector.bitcast %parallel_loop3A_1371 : vector<16xf32> to vector<32xbf16>
          %parallel_loop3A_1373 = tpu.unpack_subelements %parallel_loop3A_1372, 0 {pack_format = #tpu.pack_format<interleaved>} : vector<32xbf16> -> vector<16xf32>
          %parallel_loop3A_1374 = tpu.unpack_subelements %parallel_loop3A_1372, 1 {pack_format = #tpu.pack_format<interleaved>} : vector<32xbf16> -> vector<16xf32>
          %parallel_loop3A_1375 = vector.broadcast %parallel_loop3A_1119 : f32 to vector<16xf32>
          %parallel_loop3A_1376 = arith.mulf %parallel_loop3A_1375, %parallel_loop3A_1373 : vector<16xf32>
          %parallel_loop3A_1377 = arith.addf %parallel_loop3A_1365, %parallel_loop3A_1376 : vector<16xf32>
          %parallel_loop3A_1378 = vector.broadcast %parallel_loop3A_1119 : f32 to vector<16xf32>
          %parallel_loop3A_1379 = arith.mulf %parallel_loop3A_1378, %parallel_loop3A_1374 : vector<16xf32>
          %parallel_loop3A_1380 = arith.addf %parallel_loop3A_1368, %parallel_loop3A_1379 : vector<16xf32>
          %parallel_loop3A_1381 = arith.index_cast %parallel_loop3A_1092 : i32 to index
          %parallel_loop3A_1382 = arith.constant 352 : index
          %parallel_loop3A_1383 = tpu.vector_load %arg14[%parallel_loop3A_1381, %parallel_loop3A_1382] {strides = array<i32>} : memref<16x512xf32, #tpu.memory_space<vmem>>, vector<16xf32>,
          %parallel_loop3A_1384 = vector.bitcast %parallel_loop3A_1383 : vector<16xf32> to vector<32xbf16>
          %parallel_loop3A_1385 = tpu.unpack_subelements %parallel_loop3A_1384, 0 {pack_format = #tpu.pack_format<interleaved>} : vector<32xbf16> -> vector<16xf32>
          %parallel_loop3A_1386 = tpu.unpack_subelements %parallel_loop3A_1384, 1 {pack_format = #tpu.pack_format<interleaved>} : vector<32xbf16> -> vector<16xf32>
          %parallel_loop3A_1387 = vector.broadcast %parallel_loop3A_1120 : f32 to vector<16xf32>
          %parallel_loop3A_1388 = arith.mulf %parallel_loop3A_1387, %parallel_loop3A_1385 : vector<16xf32>
          %parallel_loop3A_1389 = arith.addf %parallel_loop3A_1377, %parallel_loop3A_1388 : vector<16xf32>
          %parallel_loop3A_1390 = vector.broadcast %parallel_loop3A_1120 : f32 to vector<16xf32>
          %parallel_loop3A_1391 = arith.mulf %parallel_loop3A_1390, %parallel_loop3A_1386 : vector<16xf32>
          %parallel_loop3A_1392 = arith.addf %parallel_loop3A_1380, %parallel_loop3A_1391 : vector<16xf32>
          %parallel_loop3A_1393 = arith.index_cast %parallel_loop3A_1092 : i32 to index
          %parallel_loop3A_1394 = arith.constant 416 : index
          %parallel_loop3A_1395 = tpu.vector_load %arg14[%parallel_loop3A_1393, %parallel_loop3A_1394] {strides = array<i32>} : memref<16x512xf32, #tpu.memory_space<vmem>>, vector<16xf32>,
          %parallel_loop3A_1396 = vector.bitcast %parallel_loop3A_1395 : vector<16xf32> to vector<32xbf16>
          %parallel_loop3A_1397 = tpu.unpack_subelements %parallel_loop3A_1396, 0 {pack_format = #tpu.pack_format<interleaved>} : vector<32xbf16> -> vector<16xf32>
          %parallel_loop3A_1398 = tpu.unpack_subelements %parallel_loop3A_1396, 1 {pack_format = #tpu.pack_format<interleaved>} : vector<32xbf16> -> vector<16xf32>
          %parallel_loop3A_1399 = vector.broadcast %parallel_loop3A_1121 : f32 to vector<16xf32>
          %parallel_loop3A_1400 = arith.mulf %parallel_loop3A_1399, %parallel_loop3A_1397 : vector<16xf32>
          %parallel_loop3A_1401 = arith.addf %parallel_loop3A_1389, %parallel_loop3A_1400 : vector<16xf32>
          %parallel_loop3A_1402 = vector.broadcast %parallel_loop3A_1121 : f32 to vector<16xf32>
          %parallel_loop3A_1403 = arith.mulf %parallel_loop3A_1402, %parallel_loop3A_1398 : vector<16xf32>
          %parallel_loop3A_1404 = arith.addf %parallel_loop3A_1392, %parallel_loop3A_1403 : vector<16xf32>
          %parallel_loop3A_1405 = arith.index_cast %parallel_loop3A_1092 : i32 to index
          %parallel_loop3A_1406 = arith.constant 480 : index
          %parallel_loop3A_1407 = tpu.vector_load %arg14[%parallel_loop3A_1405, %parallel_loop3A_1406] {strides = array<i32>} : memref<16x512xf32, #tpu.memory_space<vmem>>, vector<16xf32>,
          %parallel_loop3A_1408 = vector.bitcast %parallel_loop3A_1407 : vector<16xf32> to vector<32xbf16>
          %parallel_loop3A_1409 = tpu.unpack_subelements %parallel_loop3A_1408, 0 {pack_format = #tpu.pack_format<interleaved>} : vector<32xbf16> -> vector<16xf32>
          %parallel_loop3A_1410 = tpu.unpack_subelements %parallel_loop3A_1408, 1 {pack_format = #tpu.pack_format<interleaved>} : vector<32xbf16> -> vector<16xf32>
          %parallel_loop3A_1411 = vector.broadcast %parallel_loop3A_1122 : f32 to vector<16xf32>
          %parallel_loop3A_1412 = arith.mulf %parallel_loop3A_1411, %parallel_loop3A_1409 : vector<16xf32>
          %parallel_loop3A_1413 = arith.addf %parallel_loop3A_1401, %parallel_loop3A_1412 : vector<16xf32>
          %parallel_loop3A_1414 = vector.broadcast %parallel_loop3A_1122 : f32 to vector<16xf32>
          %parallel_loop3A_1415 = arith.mulf %parallel_loop3A_1414, %parallel_loop3A_1410 : vector<16xf32>
          %parallel_loop3A_1416 = arith.addf %parallel_loop3A_1404, %parallel_loop3A_1415 : vector<16xf32>
          %parallel_loop3A_1417 = arith.index_cast %parallel_loop3A_1092 : i32 to index
          %parallel_loop3A_1418 = arith.constant 64 : index
          %parallel_loop3A_1419 = tpu.vector_load %arg16[%parallel_loop3A_1417, %parallel_loop3A_1418] {strides = array<i32>} : memref<16x128xf32, #tpu.memory_space<vmem>>, vector<16xf32>,
          tpu.vector_store %arg16[%parallel_loop3A_1417, %parallel_loop3A_1418], %parallel_loop3A_1413 {strides = array<i32>} : memref<16x128xf32, #tpu.memory_space<vmem>>, vector<16xf32>,
          %parallel_loop3A_1420 = arith.index_cast %parallel_loop3A_1092 : i32 to index
          %parallel_loop3A_1421 = arith.constant 80 : index
          %parallel_loop3A_1422 = tpu.vector_load %arg16[%parallel_loop3A_1420, %parallel_loop3A_1421] {strides = array<i32>} : memref<16x128xf32, #tpu.memory_space<vmem>>, vector<16xf32>,
          tpu.vector_store %arg16[%parallel_loop3A_1420, %parallel_loop3A_1421], %parallel_loop3A_1416 {strides = array<i32>} : memref<16x128xf32, #tpu.memory_space<vmem>>, vector<16xf32>,
          %parallel_loop3A_1423 = arith.index_cast %parallel_loop3A_1092 : i32 to index
          %parallel_loop3A_1424 = arith.constant 48 : index
          %parallel_loop3A_1425 = tpu.vector_load %arg14[%parallel_loop3A_1423, %parallel_loop3A_1424] {strides = array<i32>} : memref<16x512xf32, #tpu.memory_space<vmem>>, vector<16xf32>,
          %parallel_loop3A_1426 = vector.bitcast %parallel_loop3A_1425 : vector<16xf32> to vector<32xbf16>
          %parallel_loop3A_1427 = tpu.unpack_subelements %parallel_loop3A_1426, 0 {pack_format = #tpu.pack_format<interleaved>} : vector<32xbf16> -> vector<16xf32>
          %parallel_loop3A_1428 = tpu.unpack_subelements %parallel_loop3A_1426, 1 {pack_format = #tpu.pack_format<interleaved>} : vector<32xbf16> -> vector<16xf32>
          %parallel_loop3A_1429 = vector.broadcast %parallel_loop3A_1115 : f32 to vector<16xf32>
          %parallel_loop3A_1430 = arith.mulf %parallel_loop3A_1429, %parallel_loop3A_1427 : vector<16xf32>
          %parallel_loop3A_1431 = vector.broadcast %parallel_loop3A_1115 : f32 to vector<16xf32>
          %parallel_loop3A_1432 = arith.mulf %parallel_loop3A_1431, %parallel_loop3A_1428 : vector<16xf32>
          %parallel_loop3A_1433 = arith.index_cast %parallel_loop3A_1092 : i32 to index
          %parallel_loop3A_1434 = arith.constant 112 : index
          %parallel_loop3A_1435 = tpu.vector_load %arg14[%parallel_loop3A_1433, %parallel_loop3A_1434] {strides = array<i32>} : memref<16x512xf32, #tpu.memory_space<vmem>>, vector<16xf32>,
          %parallel_loop3A_1436 = vector.bitcast %parallel_loop3A_1435 : vector<16xf32> to vector<32xbf16>
          %parallel_loop3A_1437 = tpu.unpack_subelements %parallel_loop3A_1436, 0 {pack_format = #tpu.pack_format<interleaved>} : vector<32xbf16> -> vector<16xf32>
          %parallel_loop3A_1438 = tpu.unpack_subelements %parallel_loop3A_1436, 1 {pack_format = #tpu.pack_format<interleaved>} : vector<32xbf16> -> vector<16xf32>
          %parallel_loop3A_1439 = vector.broadcast %parallel_loop3A_1116 : f32 to vector<16xf32>
          %parallel_loop3A_1440 = arith.mulf %parallel_loop3A_1439, %parallel_loop3A_1437 : vector<16xf32>
          %parallel_loop3A_1441 = arith.addf %parallel_loop3A_1430, %parallel_loop3A_1440 : vector<16xf32>
          %parallel_loop3A_1442 = vector.broadcast %parallel_loop3A_1116 : f32 to vector<16xf32>
          %parallel_loop3A_1443 = arith.mulf %parallel_loop3A_1442, %parallel_loop3A_1438 : vector<16xf32>
          %parallel_loop3A_1444 = arith.addf %parallel_loop3A_1432, %parallel_loop3A_1443 : vector<16xf32>
          %parallel_loop3A_1445 = arith.index_cast %parallel_loop3A_1092 : i32 to index
          %parallel_loop3A_1446 = arith.constant 176 : index
          %parallel_loop3A_1447 = tpu.vector_load %arg14[%parallel_loop3A_1445, %parallel_loop3A_1446] {strides = array<i32>} : memref<16x512xf32, #tpu.memory_space<vmem>>, vector<16xf32>,
          %parallel_loop3A_1448 = vector.bitcast %parallel_loop3A_1447 : vector<16xf32> to vector<32xbf16>
          %parallel_loop3A_1449 = tpu.unpack_subelements %parallel_loop3A_1448, 0 {pack_format = #tpu.pack_format<interleaved>} : vector<32xbf16> -> vector<16xf32>
          %parallel_loop3A_1450 = tpu.unpack_subelements %parallel_loop3A_1448, 1 {pack_format = #tpu.pack_format<interleaved>} : vector<32xbf16> -> vector<16xf32>
          %parallel_loop3A_1451 = vector.broadcast %parallel_loop3A_1117 : f32 to vector<16xf32>
          %parallel_loop3A_1452 = arith.mulf %parallel_loop3A_1451, %parallel_loop3A_1449 : vector<16xf32>
          %parallel_loop3A_1453 = arith.addf %parallel_loop3A_1441, %parallel_loop3A_1452 : vector<16xf32>
          %parallel_loop3A_1454 = vector.broadcast %parallel_loop3A_1117 : f32 to vector<16xf32>
          %parallel_loop3A_1455 = arith.mulf %parallel_loop3A_1454, %parallel_loop3A_1450 : vector<16xf32>
          %parallel_loop3A_1456 = arith.addf %parallel_loop3A_1444, %parallel_loop3A_1455 : vector<16xf32>
          %parallel_loop3A_1457 = arith.index_cast %parallel_loop3A_1092 : i32 to index
          %parallel_loop3A_1458 = arith.constant 240 : index
          %parallel_loop3A_1459 = tpu.vector_load %arg14[%parallel_loop3A_1457, %parallel_loop3A_1458] {strides = array<i32>} : memref<16x512xf32, #tpu.memory_space<vmem>>, vector<16xf32>,
          %parallel_loop3A_1460 = vector.bitcast %parallel_loop3A_1459 : vector<16xf32> to vector<32xbf16>
          %parallel_loop3A_1461 = tpu.unpack_subelements %parallel_loop3A_1460, 0 {pack_format = #tpu.pack_format<interleaved>} : vector<32xbf16> -> vector<16xf32>
          %parallel_loop3A_1462 = tpu.unpack_subelements %parallel_loop3A_1460, 1 {pack_format = #tpu.pack_format<interleaved>} : vector<32xbf16> -> vector<16xf32>
          %parallel_loop3A_1463 = vector.broadcast %parallel_loop3A_1118 : f32 to vector<16xf32>
          %parallel_loop3A_1464 = arith.mulf %parallel_loop3A_1463, %parallel_loop3A_1461 : vector<16xf32>
          %parallel_loop3A_1465 = arith.addf %parallel_loop3A_1453, %parallel_loop3A_1464 : vector<16xf32>
          %parallel_loop3A_1466 = vector.broadcast %parallel_loop3A_1118 : f32 to vector<16xf32>
          %parallel_loop3A_1467 = arith.mulf %parallel_loop3A_1466, %parallel_loop3A_1462 : vector<16xf32>
          %parallel_loop3A_1468 = arith.addf %parallel_loop3A_1456, %parallel_loop3A_1467 : vector<16xf32>
          %parallel_loop3A_1469 = arith.index_cast %parallel_loop3A_1092 : i32 to index
          %parallel_loop3A_1470 = arith.constant 304 : index
          %parallel_loop3A_1471 = tpu.vector_load %arg14[%parallel_loop3A_1469, %parallel_loop3A_1470] {strides = array<i32>} : memref<16x512xf32, #tpu.memory_space<vmem>>, vector<16xf32>,
          %parallel_loop3A_1472 = vector.bitcast %parallel_loop3A_1471 : vector<16xf32> to vector<32xbf16>
          %parallel_loop3A_1473 = tpu.unpack_subelements %parallel_loop3A_1472, 0 {pack_format = #tpu.pack_format<interleaved>} : vector<32xbf16> -> vector<16xf32>
          %parallel_loop3A_1474 = tpu.unpack_subelements %parallel_loop3A_1472, 1 {pack_format = #tpu.pack_format<interleaved>} : vector<32xbf16> -> vector<16xf32>
          %parallel_loop3A_1475 = vector.broadcast %parallel_loop3A_1119 : f32 to vector<16xf32>
          %parallel_loop3A_1476 = arith.mulf %parallel_loop3A_1475, %parallel_loop3A_1473 : vector<16xf32>
          %parallel_loop3A_1477 = arith.addf %parallel_loop3A_1465, %parallel_loop3A_1476 : vector<16xf32>
          %parallel_loop3A_1478 = vector.broadcast %parallel_loop3A_1119 : f32 to vector<16xf32>
          %parallel_loop3A_1479 = arith.mulf %parallel_loop3A_1478, %parallel_loop3A_1474 : vector<16xf32>
          %parallel_loop3A_1480 = arith.addf %parallel_loop3A_1468, %parallel_loop3A_1479 : vector<16xf32>
          %parallel_loop3A_1481 = arith.index_cast %parallel_loop3A_1092 : i32 to index
          %parallel_loop3A_1482 = arith.constant 368 : index
          %parallel_loop3A_1483 = tpu.vector_load %arg14[%parallel_loop3A_1481, %parallel_loop3A_1482] {strides = array<i32>} : memref<16x512xf32, #tpu.memory_space<vmem>>, vector<16xf32>,
          %parallel_loop3A_1484 = vector.bitcast %parallel_loop3A_1483 : vector<16xf32> to vector<32xbf16>
          %parallel_loop3A_1485 = tpu.unpack_subelements %parallel_loop3A_1484, 0 {pack_format = #tpu.pack_format<interleaved>} : vector<32xbf16> -> vector<16xf32>
          %parallel_loop3A_1486 = tpu.unpack_subelements %parallel_loop3A_1484, 1 {pack_format = #tpu.pack_format<interleaved>} : vector<32xbf16> -> vector<16xf32>
          %parallel_loop3A_1487 = vector.broadcast %parallel_loop3A_1120 : f32 to vector<16xf32>
          %parallel_loop3A_1488 = arith.mulf %parallel_loop3A_1487, %parallel_loop3A_1485 : vector<16xf32>
          %parallel_loop3A_1489 = arith.addf %parallel_loop3A_1477, %parallel_loop3A_1488 : vector<16xf32>
          %parallel_loop3A_1490 = vector.broadcast %parallel_loop3A_1120 : f32 to vector<16xf32>
          %parallel_loop3A_1491 = arith.mulf %parallel_loop3A_1490, %parallel_loop3A_1486 : vector<16xf32>
          %parallel_loop3A_1492 = arith.addf %parallel_loop3A_1480, %parallel_loop3A_1491 : vector<16xf32>
          %parallel_loop3A_1493 = arith.index_cast %parallel_loop3A_1092 : i32 to index
          %parallel_loop3A_1494 = arith.constant 432 : index
          %parallel_loop3A_1495 = tpu.vector_load %arg14[%parallel_loop3A_1493, %parallel_loop3A_1494] {strides = array<i32>} : memref<16x512xf32, #tpu.memory_space<vmem>>, vector<16xf32>,
          %parallel_loop3A_1496 = vector.bitcast %parallel_loop3A_1495 : vector<16xf32> to vector<32xbf16>
          %parallel_loop3A_1497 = tpu.unpack_subelements %parallel_loop3A_1496, 0 {pack_format = #tpu.pack_format<interleaved>} : vector<32xbf16> -> vector<16xf32>
          %parallel_loop3A_1498 = tpu.unpack_subelements %parallel_loop3A_1496, 1 {pack_format = #tpu.pack_format<interleaved>} : vector<32xbf16> -> vector<16xf32>
          %parallel_loop3A_1499 = vector.broadcast %parallel_loop3A_1121 : f32 to vector<16xf32>
          %parallel_loop3A_1500 = arith.mulf %parallel_loop3A_1499, %parallel_loop3A_1497 : vector<16xf32>
          %parallel_loop3A_1501 = arith.addf %parallel_loop3A_1489, %parallel_loop3A_1500 : vector<16xf32>
          %parallel_loop3A_1502 = vector.broadcast %parallel_loop3A_1121 : f32 to vector<16xf32>
          %parallel_loop3A_1503 = arith.mulf %parallel_loop3A_1502, %parallel_loop3A_1498 : vector<16xf32>
          %parallel_loop3A_1504 = arith.addf %parallel_loop3A_1492, %parallel_loop3A_1503 : vector<16xf32>
          %parallel_loop3A_1505 = arith.index_cast %parallel_loop3A_1092 : i32 to index
          %parallel_loop3A_1506 = arith.constant 496 : index
          %parallel_loop3A_1507 = tpu.vector_load %arg14[%parallel_loop3A_1505, %parallel_loop3A_1506] {strides = array<i32>} : memref<16x512xf32, #tpu.memory_space<vmem>>, vector<16xf32>,
          %parallel_loop3A_1508 = vector.bitcast %parallel_loop3A_1507 : vector<16xf32> to vector<32xbf16>
          %parallel_loop3A_1509 = tpu.unpack_subelements %parallel_loop3A_1508, 0 {pack_format = #tpu.pack_format<interleaved>} : vector<32xbf16> -> vector<16xf32>
          %parallel_loop3A_1510 = tpu.unpack_subelements %parallel_loop3A_1508, 1 {pack_format = #tpu.pack_format<interleaved>} : vector<32xbf16> -> vector<16xf32>
          %parallel_loop3A_1511 = vector.broadcast %parallel_loop3A_1122 : f32 to vector<16xf32>
          %parallel_loop3A_1512 = arith.mulf %parallel_loop3A_1511, %parallel_loop3A_1509 : vector<16xf32>
          %parallel_loop3A_1513 = arith.addf %parallel_loop3A_1501, %parallel_loop3A_1512 : vector<16xf32>
          %parallel_loop3A_1514 = vector.broadcast %parallel_loop3A_1122 : f32 to vector<16xf32>
          %parallel_loop3A_1515 = arith.mulf %parallel_loop3A_1514, %parallel_loop3A_1510 : vector<16xf32>
          %parallel_loop3A_1516 = arith.addf %parallel_loop3A_1504, %parallel_loop3A_1515 : vector<16xf32>
          %parallel_loop3A_1517 = arith.index_cast %parallel_loop3A_1092 : i32 to index
          %parallel_loop3A_1518 = arith.constant 96 : index
          %parallel_loop3A_1519 = tpu.vector_load %arg16[%parallel_loop3A_1517, %parallel_loop3A_1518] {strides = array<i32>} : memref<16x128xf32, #tpu.memory_space<vmem>>, vector<16xf32>,
          tpu.vector_store %arg16[%parallel_loop3A_1517, %parallel_loop3A_1518], %parallel_loop3A_1513 {strides = array<i32>} : memref<16x128xf32, #tpu.memory_space<vmem>>, vector<16xf32>,
          %parallel_loop3A_1520 = arith.index_cast %parallel_loop3A_1092 : i32 to index
          %parallel_loop3A_1521 = arith.constant 112 : index
          %parallel_loop3A_1522 = tpu.vector_load %arg16[%parallel_loop3A_1520, %parallel_loop3A_1521] {strides = array<i32>} : memref<16x128xf32, #tpu.memory_space<vmem>>, vector<16xf32>,
          tpu.vector_store %arg16[%parallel_loop3A_1520, %parallel_loop3A_1521], %parallel_loop3A_1516 {strides = array<i32>} : memref<16x128xf32, #tpu.memory_space<vmem>>, vector<16xf32>,
        } {sc.loop_unroll_factor = 4 : i64, sc.parallel_access}
        %dma_start3A_709 = arith.constant 0 : i32
        %dma_start3A_710 = tpu.memref_slice %arg11[%mul3A_348, %dma_start3A_709] : memref<32x16xi32, #tpu.memory_space<vmem>> -> memref<1x16xi32, #tpu.memory_space<vmem>>
        %dma_start3A_711 = tpu.memref_squeeze %dma_start3A_710 : memref<1x16xi32, #tpu.memory_space<vmem>> -> memref<16xi32, #tpu.memory_space<vmem>>
        %dma_start3A_712 = arith.constant 0 : i32
        %dma_start3A_713 = arith.constant 0 : i32
        %dma_start3A_714 = tpu.memref_slice %arg20[%dma_start3A_712, %dma_start3A_713] : memref<10240x128xf32, #tpu.memory_space<vmem_shared>> -> memref<10240x128xf32, #tpu.memory_space<vmem_shared>>
        tpu.enqueue_indirect_dma source(%arg16 : memref<16x128xf32, #tpu.memory_space<vmem>>) target(%dma_start3A_714 : memref<10240x128xf32, #tpu.memory_space<vmem_shared>>) offsets(%dma_start3A_711 : memref<16xi32, #tpu.memory_space<vmem>>) semaphore(%arg23 : memref<!tpu.dma_semaphore, #tpu.memory_space<semaphore_mem>>) {add = true}
        %add3A_715 = arith.constant 1 : i32
        %add3A_716 = arith.addi %scan3A_346, %add3A_715 : i32
        %lt3A = arith.constant 16 : i32
        %lt3A_717 = arith.cmpi slt, %add3A_716, %lt3A : i32
        %convert_element_type3A_718 = arith.extui %lt3A_717 : i1 to i32
        %cond3A_719 = arith.constant 0 : i32
        %cond3A_720 = arith.cmpi ne, %convert_element_type3A_718, %cond3A_719 : i32
        scf.if %cond3A_720 {
          %add3A_1092 = arith.constant 2 : i32
          %add3A_1093 = arith.addi %mul3A_348, %add3A_1092 : i32
          %dma_start3A_1094 = arith.constant 0 : i32
          %dma_start3A_1095 = tpu.memref_slice %arg10[%add3A_1093, %dma_start3A_1094] : memref<32x16xi32, #tpu.memory_space<vmem>> -> memref<1x16xi32, #tpu.memory_space<vmem>>
          %dma_start3A_1096 = tpu.memref_squeeze %dma_start3A_1095 : memref<1x16xi32, #tpu.memory_space<vmem>> -> memref<16xi32, #tpu.memory_space<vmem>>
          %dma_start3A_1097 = arith.constant 0 : i32
          %dma_start3A_1098 = arith.constant 0 : i32
          %dma_start3A_1099 = tpu.memref_slice %arg2[%dma_start3A_1097, %dma_start3A_1098] : memref<10000x512xf32, #tpu.memory_space<hbm>> -> memref<10000x512xf32, #tpu.memory_space<hbm>>
          tpu.enqueue_indirect_dma source(%dma_start3A_1099 : memref<10000x512xf32, #tpu.memory_space<hbm>>) target(%arg14 : memref<16x512xf32, #tpu.memory_space<vmem>>) offsets(%dma_start3A_1096 : memref<16xi32, #tpu.memory_space<vmem>>) semaphore(%arg21 : memref<!tpu.dma_semaphore, #tpu.memory_space<semaphore_mem>>)
        } else {
        }
        %add3A_721 = arith.constant 1 : i32
        %add3A_722 = arith.addi %mul3A_348, %add3A_721 : i32
        %dma_wait3A_723 = arith.constant 0 : i32
        %dma_wait3A_724 = tpu.memref_slice %arg10[%add3A_722, %dma_wait3A_723] : memref<32x16xi32, #tpu.memory_space<vmem>> -> memref<1x16xi32, #tpu.memory_space<vmem>>
        %dma_wait3A_725 = tpu.memref_squeeze %dma_wait3A_724 : memref<1x16xi32, #tpu.memory_space<vmem>> -> memref<16xi32, #tpu.memory_space<vmem>>
        %dma_wait3A_726 = arith.constant 0 : i32
        %dma_wait3A_727 = arith.constant 0 : i32
        %dma_wait3A_728 = tpu.memref_slice %arg2[%dma_wait3A_726, %dma_wait3A_727] : memref<10000x512xf32, #tpu.memory_space<hbm>> -> memref<10000x512xf32, #tpu.memory_space<hbm>>
        tpu.wait_indirect_dma semaphore(%arg22 : memref<!tpu.dma_semaphore, #tpu.memory_space<semaphore_mem>>) src(%dma_wait3A_728 : memref<10000x512xf32, #tpu.memory_space<hbm>>) dst(%arg15 : memref<16x512xf32, #tpu.memory_space<vmem>>)
        %gt3A_729 = arith.constant 0 : i32
        %gt3A_730 = arith.cmpi sgt, %scan3A_346, %gt3A_729 : i32
        %convert_element_type3A_731 = arith.extui %gt3A_730 : i1 to i32
        %cond3A_732 = arith.constant 0 : i32
        %cond3A_733 = arith.cmpi ne, %convert_element_type3A_731, %cond3A_732 : i32
        scf.if %cond3A_733 {
          %add3A_1092 = arith.constant 1 : i32
          %add3A_1093 = arith.addi %mul3A_348, %add3A_1092 : i32
          %dma_wait3A_1094 = arith.constant 0 : i32
          %dma_wait3A_1095 = tpu.memref_slice %arg11[%add3A_1093, %dma_wait3A_1094] : memref<32x16xi32, #tpu.memory_space<vmem>> -> memref<1x16xi32, #tpu.memory_space<vmem>>
          %dma_wait3A_1096 = tpu.memref_squeeze %dma_wait3A_1095 : memref<1x16xi32, #tpu.memory_space<vmem>> -> memref<16xi32, #tpu.memory_space<vmem>>
          %dma_wait3A_1097 = arith.constant 0 : i32
          %dma_wait3A_1098 = arith.constant 0 : i32
          %dma_wait3A_1099 = tpu.memref_slice %arg20[%dma_wait3A_1097, %dma_wait3A_1098] : memref<10240x128xf32, #tpu.memory_space<vmem_shared>> -> memref<10240x128xf32, #tpu.memory_space<vmem_shared>>
          tpu.wait_indirect_dma semaphore(%arg24 : memref<!tpu.dma_semaphore, #tpu.memory_space<semaphore_mem>>) src(%arg17 : memref<16x128xf32, #tpu.memory_space<vmem>>) dst(%dma_wait3A_1099 : memref<10240x128xf32, #tpu.memory_space<vmem_shared>>)
        } else {
        }
        %add3A_734 = arith.constant 1 : i32
        %add3A_735 = arith.addi %mul3A_348, %add3A_734 : i32
        %get3A_736 = arith.index_cast %add3A_735 : i32 to index
        %get3A_737 = arith.constant 0 : index
        %get3A_738 = tpu.vector_load %arg12[%get3A_736, %get3A_737] {strides = array<i32>} : memref<32x128xf32, #tpu.memory_space<vmem>>, vector<16xf32>,
        %get3A_739 = arith.index_cast %add3A_735 : i32 to index
        %get3A_740 = arith.constant 16 : index
        %get3A_741 = tpu.vector_load %arg12[%get3A_739, %get3A_740] {strides = array<i32>} : memref<32x128xf32, #tpu.memory_space<vmem>>, vector<16xf32>,
        %get3A_742 = arith.index_cast %add3A_735 : i32 to index
        %get3A_743 = arith.constant 32 : index
        %get3A_744 = tpu.vector_load %arg12[%get3A_742, %get3A_743] {strides = array<i32>} : memref<32x128xf32, #tpu.memory_space<vmem>>, vector<16xf32>,
        %slice3A_745 = vector.extract_strided_slice %get3A_738 {offsets = [0], sizes = [1], strides = [1]} : vector<16xf32> to vector<1xf32>
        %squeeze3A_746 = vector.extract %slice3A_745[0] : f32 from vector<1xf32>
        %swap3A_747 = arith.constant 0 : i32
        %swap3A_748 = arith.constant 0 : i32
        %swap3A_749 = arith.index_cast %swap3A_747 : i32 to index
        %swap3A_750 = arith.index_cast %swap3A_748 : i32 to index
        %swap3A_751 = memref.load %arg19[%swap3A_749, %swap3A_750] : memref<3x16xf32, #tpu.memory_space<smem>>
        memref.store %squeeze3A_746, %arg19[%swap3A_749, %swap3A_750] : memref<3x16xf32, #tpu.memory_space<smem>>
        %slice3A_752 = vector.extract_strided_slice %get3A_741 {offsets = [0], sizes = [1], strides = [1]} : vector<16xf32> to vector<1xf32>
        %squeeze3A_753 = vector.extract %slice3A_752[0] : f32 from vector<1xf32>
        %swap3A_754 = arith.constant 1 : i32
        %swap3A_755 = arith.constant 0 : i32
        %swap3A_756 = arith.index_cast %swap3A_754 : i32 to index
        %swap3A_757 = arith.index_cast %swap3A_755 : i32 to index
        %swap3A_758 = memref.load %arg19[%swap3A_756, %swap3A_757] : memref<3x16xf32, #tpu.memory_space<smem>>
        memref.store %squeeze3A_753, %arg19[%swap3A_756, %swap3A_757] : memref<3x16xf32, #tpu.memory_space<smem>>
        %slice3A_759 = vector.extract_strided_slice %get3A_744 {offsets = [0], sizes = [1], strides = [1]} : vector<16xf32> to vector<1xf32>
        %squeeze3A_760 = vector.extract %slice3A_759[0] : f32 from vector<1xf32>
        %swap3A_761 = arith.constant 2 : i32
        %swap3A_762 = arith.constant 0 : i32
        %swap3A_763 = arith.index_cast %swap3A_761 : i32 to index
        %swap3A_764 = arith.index_cast %swap3A_762 : i32 to index
        %swap3A_765 = memref.load %arg19[%swap3A_763, %swap3A_764] : memref<3x16xf32, #tpu.memory_space<smem>>
        memref.store %squeeze3A_760, %arg19[%swap3A_763, %swap3A_764] : memref<3x16xf32, #tpu.memory_space<smem>>
        %slice3A_766 = vector.extract_strided_slice %get3A_738 {offsets = [1], sizes = [1], strides = [1]} : vector<16xf32> to vector<1xf32>
        %squeeze3A_767 = vector.extract %slice3A_766[0] : f32 from vector<1xf32>
        %swap3A_768 = arith.constant 0 : i32
        %swap3A_769 = arith.constant 1 : i32
        %swap3A_770 = arith.index_cast %swap3A_768 : i32 to index
        %swap3A_771 = arith.index_cast %swap3A_769 : i32 to index
        %swap3A_772 = memref.load %arg19[%swap3A_770, %swap3A_771] : memref<3x16xf32, #tpu.memory_space<smem>>
        memref.store %squeeze3A_767, %arg19[%swap3A_770, %swap3A_771] : memref<3x16xf32, #tpu.memory_space<smem>>
        %slice3A_773 = vector.extract_strided_slice %get3A_741 {offsets = [1], sizes = [1], strides = [1]} : vector<16xf32> to vector<1xf32>
        %squeeze3A_774 = vector.extract %slice3A_773[0] : f32 from vector<1xf32>
        %swap3A_775 = arith.constant 1 : i32
        %swap3A_776 = arith.constant 1 : i32
        %swap3A_777 = arith.index_cast %swap3A_775 : i32 to index
        %swap3A_778 = arith.index_cast %swap3A_776 : i32 to index
        %swap3A_779 = memref.load %arg19[%swap3A_777, %swap3A_778] : memref<3x16xf32, #tpu.memory_space<smem>>
        memref.store %squeeze3A_774, %arg19[%swap3A_777, %swap3A_778] : memref<3x16xf32, #tpu.memory_space<smem>>
        %slice3A_780 = vector.extract_strided_slice %get3A_744 {offsets = [1], sizes = [1], strides = [1]} : vector<16xf32> to vector<1xf32>
        %squeeze3A_781 = vector.extract %slice3A_780[0] : f32 from vector<1xf32>
        %swap3A_782 = arith.constant 2 : i32
        %swap3A_783 = arith.constant 1 : i32
        %swap3A_784 = arith.index_cast %swap3A_782 : i32 to index
        %swap3A_785 = arith.index_cast %swap3A_783 : i32 to index
        %swap3A_786 = memref.load %arg19[%swap3A_784, %swap3A_785] : memref<3x16xf32, #tpu.memory_space<smem>>
        memref.store %squeeze3A_781, %arg19[%swap3A_784, %swap3A_785] : memref<3x16xf32, #tpu.memory_space<smem>>
        %slice3A_787 = vector.extract_strided_slice %get3A_738 {offsets = [2], sizes = [1], strides = [1]} : vector<16xf32> to vector<1xf32>
        %squeeze3A_788 = vector.extract %slice3A_787[0] : f32 from vector<1xf32>
        %swap3A_789 = arith.constant 0 : i32
        %swap3A_790 = arith.constant 2 : i32
        %swap3A_791 = arith.index_cast %swap3A_789 : i32 to index
        %swap3A_792 = arith.index_cast %swap3A_790 : i32 to index
        %swap3A_793 = memref.load %arg19[%swap3A_791, %swap3A_792] : memref<3x16xf32, #tpu.memory_space<smem>>
        memref.store %squeeze3A_788, %arg19[%swap3A_791, %swap3A_792] : memref<3x16xf32, #tpu.memory_space<smem>>
        %slice3A_794 = vector.extract_strided_slice %get3A_741 {offsets = [2], sizes = [1], strides = [1]} : vector<16xf32> to vector<1xf32>
        %squeeze3A_795 = vector.extract %slice3A_794[0] : f32 from vector<1xf32>
        %swap3A_796 = arith.constant 1 : i32
        %swap3A_797 = arith.constant 2 : i32
        %swap3A_798 = arith.index_cast %swap3A_796 : i32 to index
        %swap3A_799 = arith.index_cast %swap3A_797 : i32 to index
        %swap3A_800 = memref.load %arg19[%swap3A_798, %swap3A_799] : memref<3x16xf32, #tpu.memory_space<smem>>
        memref.store %squeeze3A_795, %arg19[%swap3A_798, %swap3A_799] : memref<3x16xf32, #tpu.memory_space<smem>>
        %slice3A_801 = vector.extract_strided_slice %get3A_744 {offsets = [2], sizes = [1], strides = [1]} : vector<16xf32> to vector<1xf32>
        %squeeze3A_802 = vector.extract %slice3A_801[0] : f32 from vector<1xf32>
        %swap3A_803 = arith.constant 2 : i32
        %swap3A_804 = arith.constant 2 : i32
        %swap3A_805 = arith.index_cast %swap3A_803 : i32 to index
        %swap3A_806 = arith.index_cast %swap3A_804 : i32 to index
        %swap3A_807 = memref.load %arg19[%swap3A_805, %swap3A_806] : memref<3x16xf32, #tpu.memory_space<smem>>
        memref.store %squeeze3A_802, %arg19[%swap3A_805, %swap3A_806] : memref<3x16xf32, #tpu.memory_space<smem>>
        %slice3A_808 = vector.extract_strided_slice %get3A_738 {offsets = [3], sizes = [1], strides = [1]} : vector<16xf32> to vector<1xf32>
        %squeeze3A_809 = vector.extract %slice3A_808[0] : f32 from vector<1xf32>
        %swap3A_810 = arith.constant 0 : i32
        %swap3A_811 = arith.constant 3 : i32
        %swap3A_812 = arith.index_cast %swap3A_810 : i32 to index
        %swap3A_813 = arith.index_cast %swap3A_811 : i32 to index
        %swap3A_814 = memref.load %arg19[%swap3A_812, %swap3A_813] : memref<3x16xf32, #tpu.memory_space<smem>>
        memref.store %squeeze3A_809, %arg19[%swap3A_812, %swap3A_813] : memref<3x16xf32, #tpu.memory_space<smem>>
        %slice3A_815 = vector.extract_strided_slice %get3A_741 {offsets = [3], sizes = [1], strides = [1]} : vector<16xf32> to vector<1xf32>
        %squeeze3A_816 = vector.extract %slice3A_815[0] : f32 from vector<1xf32>
        %swap3A_817 = arith.constant 1 : i32
        %swap3A_818 = arith.constant 3 : i32
        %swap3A_819 = arith.index_cast %swap3A_817 : i32 to index
        %swap3A_820 = arith.index_cast %swap3A_818 : i32 to index
        %swap3A_821 = memref.load %arg19[%swap3A_819, %swap3A_820] : memref<3x16xf32, #tpu.memory_space<smem>>
        memref.store %squeeze3A_816, %arg19[%swap3A_819, %swap3A_820] : memref<3x16xf32, #tpu.memory_space<smem>>
        %slice3A_822 = vector.extract_strided_slice %get3A_744 {offsets = [3], sizes = [1], strides = [1]} : vector<16xf32> to vector<1xf32>
        %squeeze3A_823 = vector.extract %slice3A_822[0] : f32 from vector<1xf32>
        %swap3A_824 = arith.constant 2 : i32
        %swap3A_825 = arith.constant 3 : i32
        %swap3A_826 = arith.index_cast %swap3A_824 : i32 to index
        %swap3A_827 = arith.index_cast %swap3A_825 : i32 to index
        %swap3A_828 = memref.load %arg19[%swap3A_826, %swap3A_827] : memref<3x16xf32, #tpu.memory_space<smem>>
        memref.store %squeeze3A_823, %arg19[%swap3A_826, %swap3A_827] : memref<3x16xf32, #tpu.memory_space<smem>>
        %slice3A_829 = vector.extract_strided_slice %get3A_738 {offsets = [4], sizes = [1], strides = [1]} : vector<16xf32> to vector<1xf32>
        %squeeze3A_830 = vector.extract %slice3A_829[0] : f32 from vector<1xf32>
        %swap3A_831 = arith.constant 0 : i32
        %swap3A_832 = arith.constant 4 : i32
        %swap3A_833 = arith.index_cast %swap3A_831 : i32 to index
        %swap3A_834 = arith.index_cast %swap3A_832 : i32 to index
        %swap3A_835 = memref.load %arg19[%swap3A_833, %swap3A_834] : memref<3x16xf32, #tpu.memory_space<smem>>
        memref.store %squeeze3A_830, %arg19[%swap3A_833, %swap3A_834] : memref<3x16xf32, #tpu.memory_space<smem>>
        %slice3A_836 = vector.extract_strided_slice %get3A_741 {offsets = [4], sizes = [1], strides = [1]} : vector<16xf32> to vector<1xf32>
        %squeeze3A_837 = vector.extract %slice3A_836[0] : f32 from vector<1xf32>
        %swap3A_838 = arith.constant 1 : i32
        %swap3A_839 = arith.constant 4 : i32
        %swap3A_840 = arith.index_cast %swap3A_838 : i32 to index
        %swap3A_841 = arith.index_cast %swap3A_839 : i32 to index
        %swap3A_842 = memref.load %arg19[%swap3A_840, %swap3A_841] : memref<3x16xf32, #tpu.memory_space<smem>>
        memref.store %squeeze3A_837, %arg19[%swap3A_840, %swap3A_841] : memref<3x16xf32, #tpu.memory_space<smem>>
        %slice3A_843 = vector.extract_strided_slice %get3A_744 {offsets = [4], sizes = [1], strides = [1]} : vector<16xf32> to vector<1xf32>
        %squeeze3A_844 = vector.extract %slice3A_843[0] : f32 from vector<1xf32>
        %swap3A_845 = arith.constant 2 : i32
        %swap3A_846 = arith.constant 4 : i32
        %swap3A_847 = arith.index_cast %swap3A_845 : i32 to index
        %swap3A_848 = arith.index_cast %swap3A_846 : i32 to index
        %swap3A_849 = memref.load %arg19[%swap3A_847, %swap3A_848] : memref<3x16xf32, #tpu.memory_space<smem>>
        memref.store %squeeze3A_844, %arg19[%swap3A_847, %swap3A_848] : memref<3x16xf32, #tpu.memory_space<smem>>
        %slice3A_850 = vector.extract_strided_slice %get3A_738 {offsets = [5], sizes = [1], strides = [1]} : vector<16xf32> to vector<1xf32>
        %squeeze3A_851 = vector.extract %slice3A_850[0] : f32 from vector<1xf32>
        %swap3A_852 = arith.constant 0 : i32
        %swap3A_853 = arith.constant 5 : i32
        %swap3A_854 = arith.index_cast %swap3A_852 : i32 to index
        %swap3A_855 = arith.index_cast %swap3A_853 : i32 to index
        %swap3A_856 = memref.load %arg19[%swap3A_854, %swap3A_855] : memref<3x16xf32, #tpu.memory_space<smem>>
        memref.store %squeeze3A_851, %arg19[%swap3A_854, %swap3A_855] : memref<3x16xf32, #tpu.memory_space<smem>>
        %slice3A_857 = vector.extract_strided_slice %get3A_741 {offsets = [5], sizes = [1], strides = [1]} : vector<16xf32> to vector<1xf32>
        %squeeze3A_858 = vector.extract %slice3A_857[0] : f32 from vector<1xf32>
        %swap3A_859 = arith.constant 1 : i32
        %swap3A_860 = arith.constant 5 : i32
        %swap3A_861 = arith.index_cast %swap3A_859 : i32 to index
        %swap3A_862 = arith.index_cast %swap3A_860 : i32 to index
        %swap3A_863 = memref.load %arg19[%swap3A_861, %swap3A_862] : memref<3x16xf32, #tpu.memory_space<smem>>
        memref.store %squeeze3A_858, %arg19[%swap3A_861, %swap3A_862] : memref<3x16xf32, #tpu.memory_space<smem>>
        %slice3A_864 = vector.extract_strided_slice %get3A_744 {offsets = [5], sizes = [1], strides = [1]} : vector<16xf32> to vector<1xf32>
        %squeeze3A_865 = vector.extract %slice3A_864[0] : f32 from vector<1xf32>
        %swap3A_866 = arith.constant 2 : i32
        %swap3A_867 = arith.constant 5 : i32
        %swap3A_868 = arith.index_cast %swap3A_866 : i32 to index
        %swap3A_869 = arith.index_cast %swap3A_867 : i32 to index
        %swap3A_870 = memref.load %arg19[%swap3A_868, %swap3A_869] : memref<3x16xf32, #tpu.memory_space<smem>>
        memref.store %squeeze3A_865, %arg19[%swap3A_868, %swap3A_869] : memref<3x16xf32, #tpu.memory_space<smem>>
        %slice3A_871 = vector.extract_strided_slice %get3A_738 {offsets = [6], sizes = [1], strides = [1]} : vector<16xf32> to vector<1xf32>
        %squeeze3A_872 = vector.extract %slice3A_871[0] : f32 from vector<1xf32>
        %swap3A_873 = arith.constant 0 : i32
        %swap3A_874 = arith.constant 6 : i32
        %swap3A_875 = arith.index_cast %swap3A_873 : i32 to index
        %swap3A_876 = arith.index_cast %swap3A_874 : i32 to index
        %swap3A_877 = memref.load %arg19[%swap3A_875, %swap3A_876] : memref<3x16xf32, #tpu.memory_space<smem>>
        memref.store %squeeze3A_872, %arg19[%swap3A_875, %swap3A_876] : memref<3x16xf32, #tpu.memory_space<smem>>
        %slice3A_878 = vector.extract_strided_slice %get3A_741 {offsets = [6], sizes = [1], strides = [1]} : vector<16xf32> to vector<1xf32>
        %squeeze3A_879 = vector.extract %slice3A_878[0] : f32 from vector<1xf32>
        %swap3A_880 = arith.constant 1 : i32
        %swap3A_881 = arith.constant 6 : i32
        %swap3A_882 = arith.index_cast %swap3A_880 : i32 to index
        %swap3A_883 = arith.index_cast %swap3A_881 : i32 to index
        %swap3A_884 = memref.load %arg19[%swap3A_882, %swap3A_883] : memref<3x16xf32, #tpu.memory_space<smem>>
        memref.store %squeeze3A_879, %arg19[%swap3A_882, %swap3A_883] : memref<3x16xf32, #tpu.memory_space<smem>>
        %slice3A_885 = vector.extract_strided_slice %get3A_744 {offsets = [6], sizes = [1], strides = [1]} : vector<16xf32> to vector<1xf32>
        %squeeze3A_886 = vector.extract %slice3A_885[0] : f32 from vector<1xf32>
        %swap3A_887 = arith.constant 2 : i32
        %swap3A_888 = arith.constant 6 : i32
        %swap3A_889 = arith.index_cast %swap3A_887 : i32 to index
        %swap3A_890 = arith.index_cast %swap3A_888 : i32 to index
        %swap3A_891 = memref.load %arg19[%swap3A_889, %swap3A_890] : memref<3x16xf32, #tpu.memory_space<smem>>
        memref.store %squeeze3A_886, %arg19[%swap3A_889, %swap3A_890] : memref<3x16xf32, #tpu.memory_space<smem>>
        %slice3A_892 = vector.extract_strided_slice %get3A_738 {offsets = [7], sizes = [1], strides = [1]} : vector<16xf32> to vector<1xf32>
        %squeeze3A_893 = vector.extract %slice3A_892[0] : f32 from vector<1xf32>
        %swap3A_894 = arith.constant 0 : i32
        %swap3A_895 = arith.constant 7 : i32
        %swap3A_896 = arith.index_cast %swap3A_894 : i32 to index
        %swap3A_897 = arith.index_cast %swap3A_895 : i32 to index
        %swap3A_898 = memref.load %arg19[%swap3A_896, %swap3A_897] : memref<3x16xf32, #tpu.memory_space<smem>>
        memref.store %squeeze3A_893, %arg19[%swap3A_896, %swap3A_897] : memref<3x16xf32, #tpu.memory_space<smem>>
        %slice3A_899 = vector.extract_strided_slice %get3A_741 {offsets = [7], sizes = [1], strides = [1]} : vector<16xf32> to vector<1xf32>
        %squeeze3A_900 = vector.extract %slice3A_899[0] : f32 from vector<1xf32>
        %swap3A_901 = arith.constant 1 : i32
        %swap3A_902 = arith.constant 7 : i32
        %swap3A_903 = arith.index_cast %swap3A_901 : i32 to index
        %swap3A_904 = arith.index_cast %swap3A_902 : i32 to index
        %swap3A_905 = memref.load %arg19[%swap3A_903, %swap3A_904] : memref<3x16xf32, #tpu.memory_space<smem>>
        memref.store %squeeze3A_900, %arg19[%swap3A_903, %swap3A_904] : memref<3x16xf32, #tpu.memory_space<smem>>
        %slice3A_906 = vector.extract_strided_slice %get3A_744 {offsets = [7], sizes = [1], strides = [1]} : vector<16xf32> to vector<1xf32>
        %squeeze3A_907 = vector.extract %slice3A_906[0] : f32 from vector<1xf32>
        %swap3A_908 = arith.constant 2 : i32
        %swap3A_909 = arith.constant 7 : i32
        %swap3A_910 = arith.index_cast %swap3A_908 : i32 to index
        %swap3A_911 = arith.index_cast %swap3A_909 : i32 to index
        %swap3A_912 = memref.load %arg19[%swap3A_910, %swap3A_911] : memref<3x16xf32, #tpu.memory_space<smem>>
        memref.store %squeeze3A_907, %arg19[%swap3A_910, %swap3A_911] : memref<3x16xf32, #tpu.memory_space<smem>>
        %slice3A_913 = vector.extract_strided_slice %get3A_738 {offsets = [8], sizes = [1], strides = [1]} : vector<16xf32> to vector<1xf32>
        %squeeze3A_914 = vector.extract %slice3A_913[0] : f32 from vector<1xf32>
        %swap3A_915 = arith.constant 0 : i32
        %swap3A_916 = arith.constant 8 : i32
        %swap3A_917 = arith.index_cast %swap3A_915 : i32 to index
        %swap3A_918 = arith.index_cast %swap3A_916 : i32 to index
        %swap3A_919 = memref.load %arg19[%swap3A_917, %swap3A_918] : memref<3x16xf32, #tpu.memory_space<smem>>
        memref.store %squeeze3A_914, %arg19[%swap3A_917, %swap3A_918] : memref<3x16xf32, #tpu.memory_space<smem>>
        %slice3A_920 = vector.extract_strided_slice %get3A_741 {offsets = [8], sizes = [1], strides = [1]} : vector<16xf32> to vector<1xf32>
        %squeeze3A_921 = vector.extract %slice3A_920[0] : f32 from vector<1xf32>
        %swap3A_922 = arith.constant 1 : i32
        %swap3A_923 = arith.constant 8 : i32
        %swap3A_924 = arith.index_cast %swap3A_922 : i32 to index
        %swap3A_925 = arith.index_cast %swap3A_923 : i32 to index
        %swap3A_926 = memref.load %arg19[%swap3A_924, %swap3A_925] : memref<3x16xf32, #tpu.memory_space<smem>>
        memref.store %squeeze3A_921, %arg19[%swap3A_924, %swap3A_925] : memref<3x16xf32, #tpu.memory_space<smem>>
        %slice3A_927 = vector.extract_strided_slice %get3A_744 {offsets = [8], sizes = [1], strides = [1]} : vector<16xf32> to vector<1xf32>
        %squeeze3A_928 = vector.extract %slice3A_927[0] : f32 from vector<1xf32>
        %swap3A_929 = arith.constant 2 : i32
        %swap3A_930 = arith.constant 8 : i32
        %swap3A_931 = arith.index_cast %swap3A_929 : i32 to index
        %swap3A_932 = arith.index_cast %swap3A_930 : i32 to index
        %swap3A_933 = memref.load %arg19[%swap3A_931, %swap3A_932] : memref<3x16xf32, #tpu.memory_space<smem>>
        memref.store %squeeze3A_928, %arg19[%swap3A_931, %swap3A_932] : memref<3x16xf32, #tpu.memory_space<smem>>
        %slice3A_934 = vector.extract_strided_slice %get3A_738 {offsets = [9], sizes = [1], strides = [1]} : vector<16xf32> to vector<1xf32>
        %squeeze3A_935 = vector.extract %slice3A_934[0] : f32 from vector<1xf32>
        %swap3A_936 = arith.constant 0 : i32
        %swap3A_937 = arith.constant 9 : i32
        %swap3A_938 = arith.index_cast %swap3A_936 : i32 to index
        %swap3A_939 = arith.index_cast %swap3A_937 : i32 to index
        %swap3A_940 = memref.load %arg19[%swap3A_938, %swap3A_939] : memref<3x16xf32, #tpu.memory_space<smem>>
        memref.store %squeeze3A_935, %arg19[%swap3A_938, %swap3A_939] : memref<3x16xf32, #tpu.memory_space<smem>>
        %slice3A_941 = vector.extract_strided_slice %get3A_741 {offsets = [9], sizes = [1], strides = [1]} : vector<16xf32> to vector<1xf32>
        %squeeze3A_942 = vector.extract %slice3A_941[0] : f32 from vector<1xf32>
        %swap3A_943 = arith.constant 1 : i32
        %swap3A_944 = arith.constant 9 : i32
        %swap3A_945 = arith.index_cast %swap3A_943 : i32 to index
        %swap3A_946 = arith.index_cast %swap3A_944 : i32 to index
        %swap3A_947 = memref.load %arg19[%swap3A_945, %swap3A_946] : memref<3x16xf32, #tpu.memory_space<smem>>
        memref.store %squeeze3A_942, %arg19[%swap3A_945, %swap3A_946] : memref<3x16xf32, #tpu.memory_space<smem>>
        %slice3A_948 = vector.extract_strided_slice %get3A_744 {offsets = [9], sizes = [1], strides = [1]} : vector<16xf32> to vector<1xf32>
        %squeeze3A_949 = vector.extract %slice3A_948[0] : f32 from vector<1xf32>
        %swap3A_950 = arith.constant 2 : i32
        %swap3A_951 = arith.constant 9 : i32
        %swap3A_952 = arith.index_cast %swap3A_950 : i32 to index
        %swap3A_953 = arith.index_cast %swap3A_951 : i32 to index
        %swap3A_954 = memref.load %arg19[%swap3A_952, %swap3A_953] : memref<3x16xf32, #tpu.memory_space<smem>>
        memref.store %squeeze3A_949, %arg19[%swap3A_952, %swap3A_953] : memref<3x16xf32, #tpu.memory_space<smem>>
        %slice3A_955 = vector.extract_strided_slice %get3A_738 {offsets = [10], sizes = [1], strides = [1]} : vector<16xf32> to vector<1xf32>
        %squeeze3A_956 = vector.extract %slice3A_955[0] : f32 from vector<1xf32>
        %swap3A_957 = arith.constant 0 : i32
        %swap3A_958 = arith.constant 10 : i32
        %swap3A_959 = arith.index_cast %swap3A_957 : i32 to index
        %swap3A_960 = arith.index_cast %swap3A_958 : i32 to index
        %swap3A_961 = memref.load %arg19[%swap3A_959, %swap3A_960] : memref<3x16xf32, #tpu.memory_space<smem>>
        memref.store %squeeze3A_956, %arg19[%swap3A_959, %swap3A_960] : memref<3x16xf32, #tpu.memory_space<smem>>
        %slice3A_962 = vector.extract_strided_slice %get3A_741 {offsets = [10], sizes = [1], strides = [1]} : vector<16xf32> to vector<1xf32>
        %squeeze3A_963 = vector.extract %slice3A_962[0] : f32 from vector<1xf32>
        %swap3A_964 = arith.constant 1 : i32
        %swap3A_965 = arith.constant 10 : i32
        %swap3A_966 = arith.index_cast %swap3A_964 : i32 to index
        %swap3A_967 = arith.index_cast %swap3A_965 : i32 to index
        %swap3A_968 = memref.load %arg19[%swap3A_966, %swap3A_967] : memref<3x16xf32, #tpu.memory_space<smem>>
        memref.store %squeeze3A_963, %arg19[%swap3A_966, %swap3A_967] : memref<3x16xf32, #tpu.memory_space<smem>>
        %slice3A_969 = vector.extract_strided_slice %get3A_744 {offsets = [10], sizes = [1], strides = [1]} : vector<16xf32> to vector<1xf32>
        %squeeze3A_970 = vector.extract %slice3A_969[0] : f32 from vector<1xf32>
        %swap3A_971 = arith.constant 2 : i32
        %swap3A_972 = arith.constant 10 : i32
        %swap3A_973 = arith.index_cast %swap3A_971 : i32 to index
        %swap3A_974 = arith.index_cast %swap3A_972 : i32 to index
        %swap3A_975 = memref.load %arg19[%swap3A_973, %swap3A_974] : memref<3x16xf32, #tpu.memory_space<smem>>
        memref.store %squeeze3A_970, %arg19[%swap3A_973, %swap3A_974] : memref<3x16xf32, #tpu.memory_space<smem>>
        %slice3A_976 = vector.extract_strided_slice %get3A_738 {offsets = [11], sizes = [1], strides = [1]} : vector<16xf32> to vector<1xf32>
        %squeeze3A_977 = vector.extract %slice3A_976[0] : f32 from vector<1xf32>
        %swap3A_978 = arith.constant 0 : i32
        %swap3A_979 = arith.constant 11 : i32
        %swap3A_980 = arith.index_cast %swap3A_978 : i32 to index
        %swap3A_981 = arith.index_cast %swap3A_979 : i32 to index
        %swap3A_982 = memref.load %arg19[%swap3A_980, %swap3A_981] : memref<3x16xf32, #tpu.memory_space<smem>>
        memref.store %squeeze3A_977, %arg19[%swap3A_980, %swap3A_981] : memref<3x16xf32, #tpu.memory_space<smem>>
        %slice3A_983 = vector.extract_strided_slice %get3A_741 {offsets = [11], sizes = [1], strides = [1]} : vector<16xf32> to vector<1xf32>
        %squeeze3A_984 = vector.extract %slice3A_983[0] : f32 from vector<1xf32>
        %swap3A_985 = arith.constant 1 : i32
        %swap3A_986 = arith.constant 11 : i32
        %swap3A_987 = arith.index_cast %swap3A_985 : i32 to index
        %swap3A_988 = arith.index_cast %swap3A_986 : i32 to index
        %swap3A_989 = memref.load %arg19[%swap3A_987, %swap3A_988] : memref<3x16xf32, #tpu.memory_space<smem>>
        memref.store %squeeze3A_984, %arg19[%swap3A_987, %swap3A_988] : memref<3x16xf32, #tpu.memory_space<smem>>
        %slice3A_990 = vector.extract_strided_slice %get3A_744 {offsets = [11], sizes = [1], strides = [1]} : vector<16xf32> to vector<1xf32>
        %squeeze3A_991 = vector.extract %slice3A_990[0] : f32 from vector<1xf32>
        %swap3A_992 = arith.constant 2 : i32
        %swap3A_993 = arith.constant 11 : i32
        %swap3A_994 = arith.index_cast %swap3A_992 : i32 to index
        %swap3A_995 = arith.index_cast %swap3A_993 : i32 to index
        %swap3A_996 = memref.load %arg19[%swap3A_994, %swap3A_995] : memref<3x16xf32, #tpu.memory_space<smem>>
        memref.store %squeeze3A_991, %arg19[%swap3A_994, %swap3A_995] : memref<3x16xf32, #tpu.memory_space<smem>>
        %slice3A_997 = vector.extract_strided_slice %get3A_738 {offsets = [12], sizes = [1], strides = [1]} : vector<16xf32> to vector<1xf32>
        %squeeze3A_998 = vector.extract %slice3A_997[0] : f32 from vector<1xf32>
        %swap3A_999 = arith.constant 0 : i32
        %swap3A_1000 = arith.constant 12 : i32
        %swap3A_1001 = arith.index_cast %swap3A_999 : i32 to index
        %swap3A_1002 = arith.index_cast %swap3A_1000 : i32 to index
        %swap3A_1003 = memref.load %arg19[%swap3A_1001, %swap3A_1002] : memref<3x16xf32, #tpu.memory_space<smem>>
        memref.store %squeeze3A_998, %arg19[%swap3A_1001, %swap3A_1002] : memref<3x16xf32, #tpu.memory_space<smem>>
        %slice3A_1004 = vector.extract_strided_slice %get3A_741 {offsets = [12], sizes = [1], strides = [1]} : vector<16xf32> to vector<1xf32>
        %squeeze3A_1005 = vector.extract %slice3A_1004[0] : f32 from vector<1xf32>
        %swap3A_1006 = arith.constant 1 : i32
        %swap3A_1007 = arith.constant 12 : i32
        %swap3A_1008 = arith.index_cast %swap3A_1006 : i32 to index
        %swap3A_1009 = arith.index_cast %swap3A_1007 : i32 to index
        %swap3A_1010 = memref.load %arg19[%swap3A_1008, %swap3A_1009] : memref<3x16xf32, #tpu.memory_space<smem>>
        memref.store %squeeze3A_1005, %arg19[%swap3A_1008, %swap3A_1009] : memref<3x16xf32, #tpu.memory_space<smem>>
        %slice3A_1011 = vector.extract_strided_slice %get3A_744 {offsets = [12], sizes = [1], strides = [1]} : vector<16xf32> to vector<1xf32>
        %squeeze3A_1012 = vector.extract %slice3A_1011[0] : f32 from vector<1xf32>
        %swap3A_1013 = arith.constant 2 : i32
        %swap3A_1014 = arith.constant 12 : i32
        %swap3A_1015 = arith.index_cast %swap3A_1013 : i32 to index
        %swap3A_1016 = arith.index_cast %swap3A_1014 : i32 to index
        %swap3A_1017 = memref.load %arg19[%swap3A_1015, %swap3A_1016] : memref<3x16xf32, #tpu.memory_space<smem>>
        memref.store %squeeze3A_1012, %arg19[%swap3A_1015, %swap3A_1016] : memref<3x16xf32, #tpu.memory_space<smem>>
        %slice3A_1018 = vector.extract_strided_slice %get3A_738 {offsets = [13], sizes = [1], strides = [1]} : vector<16xf32> to vector<1xf32>
        %squeeze3A_1019 = vector.extract %slice3A_1018[0] : f32 from vector<1xf32>
        %swap3A_1020 = arith.constant 0 : i32
        %swap3A_1021 = arith.constant 13 : i32
        %swap3A_1022 = arith.index_cast %swap3A_1020 : i32 to index
        %swap3A_1023 = arith.index_cast %swap3A_1021 : i32 to index
        %swap3A_1024 = memref.load %arg19[%swap3A_1022, %swap3A_1023] : memref<3x16xf32, #tpu.memory_space<smem>>
        memref.store %squeeze3A_1019, %arg19[%swap3A_1022, %swap3A_1023] : memref<3x16xf32, #tpu.memory_space<smem>>
        %slice3A_1025 = vector.extract_strided_slice %get3A_741 {offsets = [13], sizes = [1], strides = [1]} : vector<16xf32> to vector<1xf32>
        %squeeze3A_1026 = vector.extract %slice3A_1025[0] : f32 from vector<1xf32>
        %swap3A_1027 = arith.constant 1 : i32
        %swap3A_1028 = arith.constant 13 : i32
        %swap3A_1029 = arith.index_cast %swap3A_1027 : i32 to index
        %swap3A_1030 = arith.index_cast %swap3A_1028 : i32 to index
        %swap3A_1031 = memref.load %arg19[%swap3A_1029, %swap3A_1030] : memref<3x16xf32, #tpu.memory_space<smem>>
        memref.store %squeeze3A_1026, %arg19[%swap3A_1029, %swap3A_1030] : memref<3x16xf32, #tpu.memory_space<smem>>
        %slice3A_1032 = vector.extract_strided_slice %get3A_744 {offsets = [13], sizes = [1], strides = [1]} : vector<16xf32> to vector<1xf32>
        %squeeze3A_1033 = vector.extract %slice3A_1032[0] : f32 from vector<1xf32>
        %swap3A_1034 = arith.constant 2 : i32
        %swap3A_1035 = arith.constant 13 : i32
        %swap3A_1036 = arith.index_cast %swap3A_1034 : i32 to index
        %swap3A_1037 = arith.index_cast %swap3A_1035 : i32 to index
        %swap3A_1038 = memref.load %arg19[%swap3A_1036, %swap3A_1037] : memref<3x16xf32, #tpu.memory_space<smem>>
        memref.store %squeeze3A_1033, %arg19[%swap3A_1036, %swap3A_1037] : memref<3x16xf32, #tpu.memory_space<smem>>
        %slice3A_1039 = vector.extract_strided_slice %get3A_738 {offsets = [14], sizes = [1], strides = [1]} : vector<16xf32> to vector<1xf32>
        %squeeze3A_1040 = vector.extract %slice3A_1039[0] : f32 from vector<1xf32>
        %swap3A_1041 = arith.constant 0 : i32
        %swap3A_1042 = arith.constant 14 : i32
        %swap3A_1043 = arith.index_cast %swap3A_1041 : i32 to index
        %swap3A_1044 = arith.index_cast %swap3A_1042 : i32 to index
        %swap3A_1045 = memref.load %arg19[%swap3A_1043, %swap3A_1044] : memref<3x16xf32, #tpu.memory_space<smem>>
        memref.store %squeeze3A_1040, %arg19[%swap3A_1043, %swap3A_1044] : memref<3x16xf32, #tpu.memory_space<smem>>
        %slice3A_1046 = vector.extract_strided_slice %get3A_741 {offsets = [14], sizes = [1], strides = [1]} : vector<16xf32> to vector<1xf32>
        %squeeze3A_1047 = vector.extract %slice3A_1046[0] : f32 from vector<1xf32>
        %swap3A_1048 = arith.constant 1 : i32
        %swap3A_1049 = arith.constant 14 : i32
        %swap3A_1050 = arith.index_cast %swap3A_1048 : i32 to index
        %swap3A_1051 = arith.index_cast %swap3A_1049 : i32 to index
        %swap3A_1052 = memref.load %arg19[%swap3A_1050, %swap3A_1051] : memref<3x16xf32, #tpu.memory_space<smem>>
        memref.store %squeeze3A_1047, %arg19[%swap3A_1050, %swap3A_1051] : memref<3x16xf32, #tpu.memory_space<smem>>
        %slice3A_1053 = vector.extract_strided_slice %get3A_744 {offsets = [14], sizes = [1], strides = [1]} : vector<16xf32> to vector<1xf32>
        %squeeze3A_1054 = vector.extract %slice3A_1053[0] : f32 from vector<1xf32>
        %swap3A_1055 = arith.constant 2 : i32
        %swap3A_1056 = arith.constant 14 : i32
        %swap3A_1057 = arith.index_cast %swap3A_1055 : i32 to index
        %swap3A_1058 = arith.index_cast %swap3A_1056 : i32 to index
        %swap3A_1059 = memref.load %arg19[%swap3A_1057, %swap3A_1058] : memref<3x16xf32, #tpu.memory_space<smem>>
        memref.store %squeeze3A_1054, %arg19[%swap3A_1057, %swap3A_1058] : memref<3x16xf32, #tpu.memory_space<smem>>
        %slice3A_1060 = vector.extract_strided_slice %get3A_738 {offsets = [15], sizes = [1], strides = [1]} : vector<16xf32> to vector<1xf32>
        %squeeze3A_1061 = vector.extract %slice3A_1060[0] : f32 from vector<1xf32>
        %swap3A_1062 = arith.constant 0 : i32
        %swap3A_1063 = arith.constant 15 : i32
        %swap3A_1064 = arith.index_cast %swap3A_1062 : i32 to index
        %swap3A_1065 = arith.index_cast %swap3A_1063 : i32 to index
        %swap3A_1066 = memref.load %arg19[%swap3A_1064, %swap3A_1065] : memref<3x16xf32, #tpu.memory_space<smem>>
        memref.store %squeeze3A_1061, %arg19[%swap3A_1064, %swap3A_1065] : memref<3x16xf32, #tpu.memory_space<smem>>
        %slice3A_1067 = vector.extract_strided_slice %get3A_741 {offsets = [15], sizes = [1], strides = [1]} : vector<16xf32> to vector<1xf32>
        %squeeze3A_1068 = vector.extract %slice3A_1067[0] : f32 from vector<1xf32>
        %swap3A_1069 = arith.constant 1 : i32
        %swap3A_1070 = arith.constant 15 : i32
        %swap3A_1071 = arith.index_cast %swap3A_1069 : i32 to index
        %swap3A_1072 = arith.index_cast %swap3A_1070 : i32 to index
        %swap3A_1073 = memref.load %arg19[%swap3A_1071, %swap3A_1072] : memref<3x16xf32, #tpu.memory_space<smem>>
        memref.store %squeeze3A_1068, %arg19[%swap3A_1071, %swap3A_1072] : memref<3x16xf32, #tpu.memory_space<smem>>
        %slice3A_1074 = vector.extract_strided_slice %get3A_744 {offsets = [15], sizes = [1], strides = [1]} : vector<16xf32> to vector<1xf32>
        %squeeze3A_1075 = vector.extract %slice3A_1074[0] : f32 from vector<1xf32>
        %swap3A_1076 = arith.constant 2 : i32
        %swap3A_1077 = arith.constant 15 : i32
        %swap3A_1078 = arith.index_cast %swap3A_1076 : i32 to index
        %swap3A_1079 = arith.index_cast %swap3A_1077 : i32 to index
        %swap3A_1080 = memref.load %arg19[%swap3A_1078, %swap3A_1079] : memref<3x16xf32, #tpu.memory_space<smem>>
        memref.store %squeeze3A_1075, %arg19[%swap3A_1078, %swap3A_1079] : memref<3x16xf32, #tpu.memory_space<smem>>
        %parallel_loop3A_1081 = arith.constant 0 : i32
        %parallel_loop3A_1082 = arith.constant 16 : i32
        %parallel_loop3A_1083 = arith.constant 1 : i32
        scf.for %parallel_loop3A_1092 = %parallel_loop3A_1081 to %parallel_loop3A_1082 step %parallel_loop3A_1083  : i32 {
          %parallel_loop3A_1093 = arith.constant 0 : i32
          %parallel_loop3A_1094 = arith.index_cast %parallel_loop3A_1093 : i32 to index
          %parallel_loop3A_1095 = arith.index_cast %parallel_loop3A_1092 : i32 to index
          %parallel_loop3A_1096 = memref.load %arg19[%parallel_loop3A_1094, %parallel_loop3A_1095] : memref<3x16xf32, #tpu.memory_space<smem>>
          %parallel_loop3A_1097 = arith.constant 1 : i32
          %parallel_loop3A_1098 = arith.index_cast %parallel_loop3A_1097 : i32 to index
          %parallel_loop3A_1099 = arith.index_cast %parallel_loop3A_1092 : i32 to index
          %parallel_loop3A_1100 = memref.load %arg19[%parallel_loop3A_1098, %parallel_loop3A_1099] : memref<3x16xf32, #tpu.memory_space<smem>>
          %parallel_loop3A_1101 = arith.constant 2 : i32
          %parallel_loop3A_1102 = arith.index_cast %parallel_loop3A_1101 : i32 to index
          %parallel_loop3A_1103 = arith.index_cast %parallel_loop3A_1092 : i32 to index
          %parallel_loop3A_1104 = memref.load %arg19[%parallel_loop3A_1102, %parallel_loop3A_1103] : memref<3x16xf32, #tpu.memory_space<smem>>
          %parallel_loop3A_1105 = arith.constant 1.000000e+00 : f32
          %parallel_loop3A_1106 = arith.subf %parallel_loop3A_1105, %parallel_loop3A_1096 : f32
          %parallel_loop3A_1107 = arith.constant 1.000000e+00 : f32
          %parallel_loop3A_1108 = arith.subf %parallel_loop3A_1107, %parallel_loop3A_1100 : f32
          %parallel_loop3A_1109 = arith.constant 1.000000e+00 : f32
          %parallel_loop3A_1110 = arith.subf %parallel_loop3A_1109, %parallel_loop3A_1104 : f32
          %parallel_loop3A_1111 = arith.mulf %parallel_loop3A_1108, %parallel_loop3A_1110 : f32
          %parallel_loop3A_1112 = arith.mulf %parallel_loop3A_1100, %parallel_loop3A_1110 : f32
          %parallel_loop3A_1113 = arith.mulf %parallel_loop3A_1108, %parallel_loop3A_1104 : f32
          %parallel_loop3A_1114 = arith.mulf %parallel_loop3A_1100, %parallel_loop3A_1104 : f32
          %parallel_loop3A_1115 = arith.mulf %parallel_loop3A_1106, %parallel_loop3A_1111 : f32
          %parallel_loop3A_1116 = arith.mulf %parallel_loop3A_1096, %parallel_loop3A_1111 : f32
          %parallel_loop3A_1117 = arith.mulf %parallel_loop3A_1106, %parallel_loop3A_1112 : f32
          %parallel_loop3A_1118 = arith.mulf %parallel_loop3A_1096, %parallel_loop3A_1112 : f32
          %parallel_loop3A_1119 = arith.mulf %parallel_loop3A_1106, %parallel_loop3A_1113 : f32
          %parallel_loop3A_1120 = arith.mulf %parallel_loop3A_1096, %parallel_loop3A_1113 : f32
          %parallel_loop3A_1121 = arith.mulf %parallel_loop3A_1106, %parallel_loop3A_1114 : f32
          %parallel_loop3A_1122 = arith.mulf %parallel_loop3A_1096, %parallel_loop3A_1114 : f32
          %parallel_loop3A_1123 = arith.index_cast %parallel_loop3A_1092 : i32 to index
          %parallel_loop3A_1124 = arith.constant 0 : index
          %parallel_loop3A_1125 = tpu.vector_load %arg15[%parallel_loop3A_1123, %parallel_loop3A_1124] {strides = array<i32>} : memref<16x512xf32, #tpu.memory_space<vmem>>, vector<16xf32>,
          %parallel_loop3A_1126 = vector.bitcast %parallel_loop3A_1125 : vector<16xf32> to vector<32xbf16>
          %parallel_loop3A_1127 = tpu.unpack_subelements %parallel_loop3A_1126, 0 {pack_format = #tpu.pack_format<interleaved>} : vector<32xbf16> -> vector<16xf32>
          %parallel_loop3A_1128 = tpu.unpack_subelements %parallel_loop3A_1126, 1 {pack_format = #tpu.pack_format<interleaved>} : vector<32xbf16> -> vector<16xf32>
          %parallel_loop3A_1129 = vector.broadcast %parallel_loop3A_1115 : f32 to vector<16xf32>
          %parallel_loop3A_1130 = arith.mulf %parallel_loop3A_1129, %parallel_loop3A_1127 : vector<16xf32>
          %parallel_loop3A_1131 = vector.broadcast %parallel_loop3A_1115 : f32 to vector<16xf32>
          %parallel_loop3A_1132 = arith.mulf %parallel_loop3A_1131, %parallel_loop3A_1128 : vector<16xf32>
          %parallel_loop3A_1133 = arith.index_cast %parallel_loop3A_1092 : i32 to index
          %parallel_loop3A_1134 = arith.constant 64 : index
          %parallel_loop3A_1135 = tpu.vector_load %arg15[%parallel_loop3A_1133, %parallel_loop3A_1134] {strides = array<i32>} : memref<16x512xf32, #tpu.memory_space<vmem>>, vector<16xf32>,
          %parallel_loop3A_1136 = vector.bitcast %parallel_loop3A_1135 : vector<16xf32> to vector<32xbf16>
          %parallel_loop3A_1137 = tpu.unpack_subelements %parallel_loop3A_1136, 0 {pack_format = #tpu.pack_format<interleaved>} : vector<32xbf16> -> vector<16xf32>
          %parallel_loop3A_1138 = tpu.unpack_subelements %parallel_loop3A_1136, 1 {pack_format = #tpu.pack_format<interleaved>} : vector<32xbf16> -> vector<16xf32>
          %parallel_loop3A_1139 = vector.broadcast %parallel_loop3A_1116 : f32 to vector<16xf32>
          %parallel_loop3A_1140 = arith.mulf %parallel_loop3A_1139, %parallel_loop3A_1137 : vector<16xf32>
          %parallel_loop3A_1141 = arith.addf %parallel_loop3A_1130, %parallel_loop3A_1140 : vector<16xf32>
          %parallel_loop3A_1142 = vector.broadcast %parallel_loop3A_1116 : f32 to vector<16xf32>
          %parallel_loop3A_1143 = arith.mulf %parallel_loop3A_1142, %parallel_loop3A_1138 : vector<16xf32>
          %parallel_loop3A_1144 = arith.addf %parallel_loop3A_1132, %parallel_loop3A_1143 : vector<16xf32>
          %parallel_loop3A_1145 = arith.index_cast %parallel_loop3A_1092 : i32 to index
          %parallel_loop3A_1146 = arith.constant 128 : index
          %parallel_loop3A_1147 = tpu.vector_load %arg15[%parallel_loop3A_1145, %parallel_loop3A_1146] {strides = array<i32>} : memref<16x512xf32, #tpu.memory_space<vmem>>, vector<16xf32>,
          %parallel_loop3A_1148 = vector.bitcast %parallel_loop3A_1147 : vector<16xf32> to vector<32xbf16>
          %parallel_loop3A_1149 = tpu.unpack_subelements %parallel_loop3A_1148, 0 {pack_format = #tpu.pack_format<interleaved>} : vector<32xbf16> -> vector<16xf32>
          %parallel_loop3A_1150 = tpu.unpack_subelements %parallel_loop3A_1148, 1 {pack_format = #tpu.pack_format<interleaved>} : vector<32xbf16> -> vector<16xf32>
          %parallel_loop3A_1151 = vector.broadcast %parallel_loop3A_1117 : f32 to vector<16xf32>
          %parallel_loop3A_1152 = arith.mulf %parallel_loop3A_1151, %parallel_loop3A_1149 : vector<16xf32>
          %parallel_loop3A_1153 = arith.addf %parallel_loop3A_1141, %parallel_loop3A_1152 : vector<16xf32>
          %parallel_loop3A_1154 = vector.broadcast %parallel_loop3A_1117 : f32 to vector<16xf32>
          %parallel_loop3A_1155 = arith.mulf %parallel_loop3A_1154, %parallel_loop3A_1150 : vector<16xf32>
          %parallel_loop3A_1156 = arith.addf %parallel_loop3A_1144, %parallel_loop3A_1155 : vector<16xf32>
          %parallel_loop3A_1157 = arith.index_cast %parallel_loop3A_1092 : i32 to index
          %parallel_loop3A_1158 = arith.constant 192 : index
          %parallel_loop3A_1159 = tpu.vector_load %arg15[%parallel_loop3A_1157, %parallel_loop3A_1158] {strides = array<i32>} : memref<16x512xf32, #tpu.memory_space<vmem>>, vector<16xf32>,
          %parallel_loop3A_1160 = vector.bitcast %parallel_loop3A_1159 : vector<16xf32> to vector<32xbf16>
          %parallel_loop3A_1161 = tpu.unpack_subelements %parallel_loop3A_1160, 0 {pack_format = #tpu.pack_format<interleaved>} : vector<32xbf16> -> vector<16xf32>
          %parallel_loop3A_1162 = tpu.unpack_subelements %parallel_loop3A_1160, 1 {pack_format = #tpu.pack_format<interleaved>} : vector<32xbf16> -> vector<16xf32>
          %parallel_loop3A_1163 = vector.broadcast %parallel_loop3A_1118 : f32 to vector<16xf32>
          %parallel_loop3A_1164 = arith.mulf %parallel_loop3A_1163, %parallel_loop3A_1161 : vector<16xf32>
          %parallel_loop3A_1165 = arith.addf %parallel_loop3A_1153, %parallel_loop3A_1164 : vector<16xf32>
          %parallel_loop3A_1166 = vector.broadcast %parallel_loop3A_1118 : f32 to vector<16xf32>
          %parallel_loop3A_1167 = arith.mulf %parallel_loop3A_1166, %parallel_loop3A_1162 : vector<16xf32>
          %parallel_loop3A_1168 = arith.addf %parallel_loop3A_1156, %parallel_loop3A_1167 : vector<16xf32>
          %parallel_loop3A_1169 = arith.index_cast %parallel_loop3A_1092 : i32 to index
          %parallel_loop3A_1170 = arith.constant 256 : index
          %parallel_loop3A_1171 = tpu.vector_load %arg15[%parallel_loop3A_1169, %parallel_loop3A_1170] {strides = array<i32>} : memref<16x512xf32, #tpu.memory_space<vmem>>, vector<16xf32>,
          %parallel_loop3A_1172 = vector.bitcast %parallel_loop3A_1171 : vector<16xf32> to vector<32xbf16>
          %parallel_loop3A_1173 = tpu.unpack_subelements %parallel_loop3A_1172, 0 {pack_format = #tpu.pack_format<interleaved>} : vector<32xbf16> -> vector<16xf32>
          %parallel_loop3A_1174 = tpu.unpack_subelements %parallel_loop3A_1172, 1 {pack_format = #tpu.pack_format<interleaved>} : vector<32xbf16> -> vector<16xf32>
          %parallel_loop3A_1175 = vector.broadcast %parallel_loop3A_1119 : f32 to vector<16xf32>
          %parallel_loop3A_1176 = arith.mulf %parallel_loop3A_1175, %parallel_loop3A_1173 : vector<16xf32>
          %parallel_loop3A_1177 = arith.addf %parallel_loop3A_1165, %parallel_loop3A_1176 : vector<16xf32>
          %parallel_loop3A_1178 = vector.broadcast %parallel_loop3A_1119 : f32 to vector<16xf32>
          %parallel_loop3A_1179 = arith.mulf %parallel_loop3A_1178, %parallel_loop3A_1174 : vector<16xf32>
          %parallel_loop3A_1180 = arith.addf %parallel_loop3A_1168, %parallel_loop3A_1179 : vector<16xf32>
          %parallel_loop3A_1181 = arith.index_cast %parallel_loop3A_1092 : i32 to index
          %parallel_loop3A_1182 = arith.constant 320 : index
          %parallel_loop3A_1183 = tpu.vector_load %arg15[%parallel_loop3A_1181, %parallel_loop3A_1182] {strides = array<i32>} : memref<16x512xf32, #tpu.memory_space<vmem>>, vector<16xf32>,
          %parallel_loop3A_1184 = vector.bitcast %parallel_loop3A_1183 : vector<16xf32> to vector<32xbf16>
          %parallel_loop3A_1185 = tpu.unpack_subelements %parallel_loop3A_1184, 0 {pack_format = #tpu.pack_format<interleaved>} : vector<32xbf16> -> vector<16xf32>
          %parallel_loop3A_1186 = tpu.unpack_subelements %parallel_loop3A_1184, 1 {pack_format = #tpu.pack_format<interleaved>} : vector<32xbf16> -> vector<16xf32>
          %parallel_loop3A_1187 = vector.broadcast %parallel_loop3A_1120 : f32 to vector<16xf32>
          %parallel_loop3A_1188 = arith.mulf %parallel_loop3A_1187, %parallel_loop3A_1185 : vector<16xf32>
          %parallel_loop3A_1189 = arith.addf %parallel_loop3A_1177, %parallel_loop3A_1188 : vector<16xf32>
          %parallel_loop3A_1190 = vector.broadcast %parallel_loop3A_1120 : f32 to vector<16xf32>
          %parallel_loop3A_1191 = arith.mulf %parallel_loop3A_1190, %parallel_loop3A_1186 : vector<16xf32>
          %parallel_loop3A_1192 = arith.addf %parallel_loop3A_1180, %parallel_loop3A_1191 : vector<16xf32>
          %parallel_loop3A_1193 = arith.index_cast %parallel_loop3A_1092 : i32 to index
          %parallel_loop3A_1194 = arith.constant 384 : index
          %parallel_loop3A_1195 = tpu.vector_load %arg15[%parallel_loop3A_1193, %parallel_loop3A_1194] {strides = array<i32>} : memref<16x512xf32, #tpu.memory_space<vmem>>, vector<16xf32>,
          %parallel_loop3A_1196 = vector.bitcast %parallel_loop3A_1195 : vector<16xf32> to vector<32xbf16>
          %parallel_loop3A_1197 = tpu.unpack_subelements %parallel_loop3A_1196, 0 {pack_format = #tpu.pack_format<interleaved>} : vector<32xbf16> -> vector<16xf32>
          %parallel_loop3A_1198 = tpu.unpack_subelements %parallel_loop3A_1196, 1 {pack_format = #tpu.pack_format<interleaved>} : vector<32xbf16> -> vector<16xf32>
          %parallel_loop3A_1199 = vector.broadcast %parallel_loop3A_1121 : f32 to vector<16xf32>
          %parallel_loop3A_1200 = arith.mulf %parallel_loop3A_1199, %parallel_loop3A_1197 : vector<16xf32>
          %parallel_loop3A_1201 = arith.addf %parallel_loop3A_1189, %parallel_loop3A_1200 : vector<16xf32>
          %parallel_loop3A_1202 = vector.broadcast %parallel_loop3A_1121 : f32 to vector<16xf32>
          %parallel_loop3A_1203 = arith.mulf %parallel_loop3A_1202, %parallel_loop3A_1198 : vector<16xf32>
          %parallel_loop3A_1204 = arith.addf %parallel_loop3A_1192, %parallel_loop3A_1203 : vector<16xf32>
          %parallel_loop3A_1205 = arith.index_cast %parallel_loop3A_1092 : i32 to index
          %parallel_loop3A_1206 = arith.constant 448 : index
          %parallel_loop3A_1207 = tpu.vector_load %arg15[%parallel_loop3A_1205, %parallel_loop3A_1206] {strides = array<i32>} : memref<16x512xf32, #tpu.memory_space<vmem>>, vector<16xf32>,
          %parallel_loop3A_1208 = vector.bitcast %parallel_loop3A_1207 : vector<16xf32> to vector<32xbf16>
          %parallel_loop3A_1209 = tpu.unpack_subelements %parallel_loop3A_1208, 0 {pack_format = #tpu.pack_format<interleaved>} : vector<32xbf16> -> vector<16xf32>
          %parallel_loop3A_1210 = tpu.unpack_subelements %parallel_loop3A_1208, 1 {pack_format = #tpu.pack_format<interleaved>} : vector<32xbf16> -> vector<16xf32>
          %parallel_loop3A_1211 = vector.broadcast %parallel_loop3A_1122 : f32 to vector<16xf32>
          %parallel_loop3A_1212 = arith.mulf %parallel_loop3A_1211, %parallel_loop3A_1209 : vector<16xf32>
          %parallel_loop3A_1213 = arith.addf %parallel_loop3A_1201, %parallel_loop3A_1212 : vector<16xf32>
          %parallel_loop3A_1214 = vector.broadcast %parallel_loop3A_1122 : f32 to vector<16xf32>
          %parallel_loop3A_1215 = arith.mulf %parallel_loop3A_1214, %parallel_loop3A_1210 : vector<16xf32>
          %parallel_loop3A_1216 = arith.addf %parallel_loop3A_1204, %parallel_loop3A_1215 : vector<16xf32>
          %parallel_loop3A_1217 = arith.index_cast %parallel_loop3A_1092 : i32 to index
          %parallel_loop3A_1218 = arith.constant 0 : index
          %parallel_loop3A_1219 = tpu.vector_load %arg17[%parallel_loop3A_1217, %parallel_loop3A_1218] {strides = array<i32>} : memref<16x128xf32, #tpu.memory_space<vmem>>, vector<16xf32>,
          tpu.vector_store %arg17[%parallel_loop3A_1217, %parallel_loop3A_1218], %parallel_loop3A_1213 {strides = array<i32>} : memref<16x128xf32, #tpu.memory_space<vmem>>, vector<16xf32>,
          %parallel_loop3A_1220 = arith.index_cast %parallel_loop3A_1092 : i32 to index
          %parallel_loop3A_1221 = arith.constant 16 : index
          %parallel_loop3A_1222 = tpu.vector_load %arg17[%parallel_loop3A_1220, %parallel_loop3A_1221] {strides = array<i32>} : memref<16x128xf32, #tpu.memory_space<vmem>>, vector<16xf32>,
          tpu.vector_store %arg17[%parallel_loop3A_1220, %parallel_loop3A_1221], %parallel_loop3A_1216 {strides = array<i32>} : memref<16x128xf32, #tpu.memory_space<vmem>>, vector<16xf32>,
          %parallel_loop3A_1223 = arith.index_cast %parallel_loop3A_1092 : i32 to index
          %parallel_loop3A_1224 = arith.constant 16 : index
          %parallel_loop3A_1225 = tpu.vector_load %arg15[%parallel_loop3A_1223, %parallel_loop3A_1224] {strides = array<i32>} : memref<16x512xf32, #tpu.memory_space<vmem>>, vector<16xf32>,
          %parallel_loop3A_1226 = vector.bitcast %parallel_loop3A_1225 : vector<16xf32> to vector<32xbf16>
          %parallel_loop3A_1227 = tpu.unpack_subelements %parallel_loop3A_1226, 0 {pack_format = #tpu.pack_format<interleaved>} : vector<32xbf16> -> vector<16xf32>
          %parallel_loop3A_1228 = tpu.unpack_subelements %parallel_loop3A_1226, 1 {pack_format = #tpu.pack_format<interleaved>} : vector<32xbf16> -> vector<16xf32>
          %parallel_loop3A_1229 = vector.broadcast %parallel_loop3A_1115 : f32 to vector<16xf32>
          %parallel_loop3A_1230 = arith.mulf %parallel_loop3A_1229, %parallel_loop3A_1227 : vector<16xf32>
          %parallel_loop3A_1231 = vector.broadcast %parallel_loop3A_1115 : f32 to vector<16xf32>
          %parallel_loop3A_1232 = arith.mulf %parallel_loop3A_1231, %parallel_loop3A_1228 : vector<16xf32>
          %parallel_loop3A_1233 = arith.index_cast %parallel_loop3A_1092 : i32 to index
          %parallel_loop3A_1234 = arith.constant 80 : index
          %parallel_loop3A_1235 = tpu.vector_load %arg15[%parallel_loop3A_1233, %parallel_loop3A_1234] {strides = array<i32>} : memref<16x512xf32, #tpu.memory_space<vmem>>, vector<16xf32>,
          %parallel_loop3A_1236 = vector.bitcast %parallel_loop3A_1235 : vector<16xf32> to vector<32xbf16>
          %parallel_loop3A_1237 = tpu.unpack_subelements %parallel_loop3A_1236, 0 {pack_format = #tpu.pack_format<interleaved>} : vector<32xbf16> -> vector<16xf32>
          %parallel_loop3A_1238 = tpu.unpack_subelements %parallel_loop3A_1236, 1 {pack_format = #tpu.pack_format<interleaved>} : vector<32xbf16> -> vector<16xf32>
          %parallel_loop3A_1239 = vector.broadcast %parallel_loop3A_1116 : f32 to vector<16xf32>
          %parallel_loop3A_1240 = arith.mulf %parallel_loop3A_1239, %parallel_loop3A_1237 : vector<16xf32>
          %parallel_loop3A_1241 = arith.addf %parallel_loop3A_1230, %parallel_loop3A_1240 : vector<16xf32>
          %parallel_loop3A_1242 = vector.broadcast %parallel_loop3A_1116 : f32 to vector<16xf32>
          %parallel_loop3A_1243 = arith.mulf %parallel_loop3A_1242, %parallel_loop3A_1238 : vector<16xf32>
          %parallel_loop3A_1244 = arith.addf %parallel_loop3A_1232, %parallel_loop3A_1243 : vector<16xf32>
          %parallel_loop3A_1245 = arith.index_cast %parallel_loop3A_1092 : i32 to index
          %parallel_loop3A_1246 = arith.constant 144 : index
          %parallel_loop3A_1247 = tpu.vector_load %arg15[%parallel_loop3A_1245, %parallel_loop3A_1246] {strides = array<i32>} : memref<16x512xf32, #tpu.memory_space<vmem>>, vector<16xf32>,
          %parallel_loop3A_1248 = vector.bitcast %parallel_loop3A_1247 : vector<16xf32> to vector<32xbf16>
          %parallel_loop3A_1249 = tpu.unpack_subelements %parallel_loop3A_1248, 0 {pack_format = #tpu.pack_format<interleaved>} : vector<32xbf16> -> vector<16xf32>
          %parallel_loop3A_1250 = tpu.unpack_subelements %parallel_loop3A_1248, 1 {pack_format = #tpu.pack_format<interleaved>} : vector<32xbf16> -> vector<16xf32>
          %parallel_loop3A_1251 = vector.broadcast %parallel_loop3A_1117 : f32 to vector<16xf32>
          %parallel_loop3A_1252 = arith.mulf %parallel_loop3A_1251, %parallel_loop3A_1249 : vector<16xf32>
          %parallel_loop3A_1253 = arith.addf %parallel_loop3A_1241, %parallel_loop3A_1252 : vector<16xf32>
          %parallel_loop3A_1254 = vector.broadcast %parallel_loop3A_1117 : f32 to vector<16xf32>
          %parallel_loop3A_1255 = arith.mulf %parallel_loop3A_1254, %parallel_loop3A_1250 : vector<16xf32>
          %parallel_loop3A_1256 = arith.addf %parallel_loop3A_1244, %parallel_loop3A_1255 : vector<16xf32>
          %parallel_loop3A_1257 = arith.index_cast %parallel_loop3A_1092 : i32 to index
          %parallel_loop3A_1258 = arith.constant 208 : index
          %parallel_loop3A_1259 = tpu.vector_load %arg15[%parallel_loop3A_1257, %parallel_loop3A_1258] {strides = array<i32>} : memref<16x512xf32, #tpu.memory_space<vmem>>, vector<16xf32>,
          %parallel_loop3A_1260 = vector.bitcast %parallel_loop3A_1259 : vector<16xf32> to vector<32xbf16>
          %parallel_loop3A_1261 = tpu.unpack_subelements %parallel_loop3A_1260, 0 {pack_format = #tpu.pack_format<interleaved>} : vector<32xbf16> -> vector<16xf32>
          %parallel_loop3A_1262 = tpu.unpack_subelements %parallel_loop3A_1260, 1 {pack_format = #tpu.pack_format<interleaved>} : vector<32xbf16> -> vector<16xf32>
          %parallel_loop3A_1263 = vector.broadcast %parallel_loop3A_1118 : f32 to vector<16xf32>
          %parallel_loop3A_1264 = arith.mulf %parallel_loop3A_1263, %parallel_loop3A_1261 : vector<16xf32>
          %parallel_loop3A_1265 = arith.addf %parallel_loop3A_1253, %parallel_loop3A_1264 : vector<16xf32>
          %parallel_loop3A_1266 = vector.broadcast %parallel_loop3A_1118 : f32 to vector<16xf32>
          %parallel_loop3A_1267 = arith.mulf %parallel_loop3A_1266, %parallel_loop3A_1262 : vector<16xf32>
          %parallel_loop3A_1268 = arith.addf %parallel_loop3A_1256, %parallel_loop3A_1267 : vector<16xf32>
          %parallel_loop3A_1269 = arith.index_cast %parallel_loop3A_1092 : i32 to index
          %parallel_loop3A_1270 = arith.constant 272 : index
          %parallel_loop3A_1271 = tpu.vector_load %arg15[%parallel_loop3A_1269, %parallel_loop3A_1270] {strides = array<i32>} : memref<16x512xf32, #tpu.memory_space<vmem>>, vector<16xf32>,
          %parallel_loop3A_1272 = vector.bitcast %parallel_loop3A_1271 : vector<16xf32> to vector<32xbf16>
          %parallel_loop3A_1273 = tpu.unpack_subelements %parallel_loop3A_1272, 0 {pack_format = #tpu.pack_format<interleaved>} : vector<32xbf16> -> vector<16xf32>
          %parallel_loop3A_1274 = tpu.unpack_subelements %parallel_loop3A_1272, 1 {pack_format = #tpu.pack_format<interleaved>} : vector<32xbf16> -> vector<16xf32>
          %parallel_loop3A_1275 = vector.broadcast %parallel_loop3A_1119 : f32 to vector<16xf32>
          %parallel_loop3A_1276 = arith.mulf %parallel_loop3A_1275, %parallel_loop3A_1273 : vector<16xf32>
          %parallel_loop3A_1277 = arith.addf %parallel_loop3A_1265, %parallel_loop3A_1276 : vector<16xf32>
          %parallel_loop3A_1278 = vector.broadcast %parallel_loop3A_1119 : f32 to vector<16xf32>
          %parallel_loop3A_1279 = arith.mulf %parallel_loop3A_1278, %parallel_loop3A_1274 : vector<16xf32>
          %parallel_loop3A_1280 = arith.addf %parallel_loop3A_1268, %parallel_loop3A_1279 : vector<16xf32>
          %parallel_loop3A_1281 = arith.index_cast %parallel_loop3A_1092 : i32 to index
          %parallel_loop3A_1282 = arith.constant 336 : index
          %parallel_loop3A_1283 = tpu.vector_load %arg15[%parallel_loop3A_1281, %parallel_loop3A_1282] {strides = array<i32>} : memref<16x512xf32, #tpu.memory_space<vmem>>, vector<16xf32>,
          %parallel_loop3A_1284 = vector.bitcast %parallel_loop3A_1283 : vector<16xf32> to vector<32xbf16>
          %parallel_loop3A_1285 = tpu.unpack_subelements %parallel_loop3A_1284, 0 {pack_format = #tpu.pack_format<interleaved>} : vector<32xbf16> -> vector<16xf32>
          %parallel_loop3A_1286 = tpu.unpack_subelements %parallel_loop3A_1284, 1 {pack_format = #tpu.pack_format<interleaved>} : vector<32xbf16> -> vector<16xf32>
          %parallel_loop3A_1287 = vector.broadcast %parallel_loop3A_1120 : f32 to vector<16xf32>
          %parallel_loop3A_1288 = arith.mulf %parallel_loop3A_1287, %parallel_loop3A_1285 : vector<16xf32>
          %parallel_loop3A_1289 = arith.addf %parallel_loop3A_1277, %parallel_loop3A_1288 : vector<16xf32>
          %parallel_loop3A_1290 = vector.broadcast %parallel_loop3A_1120 : f32 to vector<16xf32>
          %parallel_loop3A_1291 = arith.mulf %parallel_loop3A_1290, %parallel_loop3A_1286 : vector<16xf32>
          %parallel_loop3A_1292 = arith.addf %parallel_loop3A_1280, %parallel_loop3A_1291 : vector<16xf32>
          %parallel_loop3A_1293 = arith.index_cast %parallel_loop3A_1092 : i32 to index
          %parallel_loop3A_1294 = arith.constant 400 : index
          %parallel_loop3A_1295 = tpu.vector_load %arg15[%parallel_loop3A_1293, %parallel_loop3A_1294] {strides = array<i32>} : memref<16x512xf32, #tpu.memory_space<vmem>>, vector<16xf32>,
          %parallel_loop3A_1296 = vector.bitcast %parallel_loop3A_1295 : vector<16xf32> to vector<32xbf16>
          %parallel_loop3A_1297 = tpu.unpack_subelements %parallel_loop3A_1296, 0 {pack_format = #tpu.pack_format<interleaved>} : vector<32xbf16> -> vector<16xf32>
          %parallel_loop3A_1298 = tpu.unpack_subelements %parallel_loop3A_1296, 1 {pack_format = #tpu.pack_format<interleaved>} : vector<32xbf16> -> vector<16xf32>
          %parallel_loop3A_1299 = vector.broadcast %parallel_loop3A_1121 : f32 to vector<16xf32>
          %parallel_loop3A_1300 = arith.mulf %parallel_loop3A_1299, %parallel_loop3A_1297 : vector<16xf32>
          %parallel_loop3A_1301 = arith.addf %parallel_loop3A_1289, %parallel_loop3A_1300 : vector<16xf32>
          %parallel_loop3A_1302 = vector.broadcast %parallel_loop3A_1121 : f32 to vector<16xf32>
          %parallel_loop3A_1303 = arith.mulf %parallel_loop3A_1302, %parallel_loop3A_1298 : vector<16xf32>
          %parallel_loop3A_1304 = arith.addf %parallel_loop3A_1292, %parallel_loop3A_1303 : vector<16xf32>
          %parallel_loop3A_1305 = arith.index_cast %parallel_loop3A_1092 : i32 to index
          %parallel_loop3A_1306 = arith.constant 464 : index
          %parallel_loop3A_1307 = tpu.vector_load %arg15[%parallel_loop3A_1305, %parallel_loop3A_1306] {strides = array<i32>} : memref<16x512xf32, #tpu.memory_space<vmem>>, vector<16xf32>,
          %parallel_loop3A_1308 = vector.bitcast %parallel_loop3A_1307 : vector<16xf32> to vector<32xbf16>
          %parallel_loop3A_1309 = tpu.unpack_subelements %parallel_loop3A_1308, 0 {pack_format = #tpu.pack_format<interleaved>} : vector<32xbf16> -> vector<16xf32>
          %parallel_loop3A_1310 = tpu.unpack_subelements %parallel_loop3A_1308, 1 {pack_format = #tpu.pack_format<interleaved>} : vector<32xbf16> -> vector<16xf32>
          %parallel_loop3A_1311 = vector.broadcast %parallel_loop3A_1122 : f32 to vector<16xf32>
          %parallel_loop3A_1312 = arith.mulf %parallel_loop3A_1311, %parallel_loop3A_1309 : vector<16xf32>
          %parallel_loop3A_1313 = arith.addf %parallel_loop3A_1301, %parallel_loop3A_1312 : vector<16xf32>
          %parallel_loop3A_1314 = vector.broadcast %parallel_loop3A_1122 : f32 to vector<16xf32>
          %parallel_loop3A_1315 = arith.mulf %parallel_loop3A_1314, %parallel_loop3A_1310 : vector<16xf32>
          %parallel_loop3A_1316 = arith.addf %parallel_loop3A_1304, %parallel_loop3A_1315 : vector<16xf32>
          %parallel_loop3A_1317 = arith.index_cast %parallel_loop3A_1092 : i32 to index
          %parallel_loop3A_1318 = arith.constant 32 : index
          %parallel_loop3A_1319 = tpu.vector_load %arg17[%parallel_loop3A_1317, %parallel_loop3A_1318] {strides = array<i32>} : memref<16x128xf32, #tpu.memory_space<vmem>>, vector<16xf32>,
          tpu.vector_store %arg17[%parallel_loop3A_1317, %parallel_loop3A_1318], %parallel_loop3A_1313 {strides = array<i32>} : memref<16x128xf32, #tpu.memory_space<vmem>>, vector<16xf32>,
          %parallel_loop3A_1320 = arith.index_cast %parallel_loop3A_1092 : i32 to index
          %parallel_loop3A_1321 = arith.constant 48 : index
          %parallel_loop3A_1322 = tpu.vector_load %arg17[%parallel_loop3A_1320, %parallel_loop3A_1321] {strides = array<i32>} : memref<16x128xf32, #tpu.memory_space<vmem>>, vector<16xf32>,
          tpu.vector_store %arg17[%parallel_loop3A_1320, %parallel_loop3A_1321], %parallel_loop3A_1316 {strides = array<i32>} : memref<16x128xf32, #tpu.memory_space<vmem>>, vector<16xf32>,
          %parallel_loop3A_1323 = arith.index_cast %parallel_loop3A_1092 : i32 to index
          %parallel_loop3A_1324 = arith.constant 32 : index
          %parallel_loop3A_1325 = tpu.vector_load %arg15[%parallel_loop3A_1323, %parallel_loop3A_1324] {strides = array<i32>} : memref<16x512xf32, #tpu.memory_space<vmem>>, vector<16xf32>,
          %parallel_loop3A_1326 = vector.bitcast %parallel_loop3A_1325 : vector<16xf32> to vector<32xbf16>
          %parallel_loop3A_1327 = tpu.unpack_subelements %parallel_loop3A_1326, 0 {pack_format = #tpu.pack_format<interleaved>} : vector<32xbf16> -> vector<16xf32>
          %parallel_loop3A_1328 = tpu.unpack_subelements %parallel_loop3A_1326, 1 {pack_format = #tpu.pack_format<interleaved>} : vector<32xbf16> -> vector<16xf32>
          %parallel_loop3A_1329 = vector.broadcast %parallel_loop3A_1115 : f32 to vector<16xf32>
          %parallel_loop3A_1330 = arith.mulf %parallel_loop3A_1329, %parallel_loop3A_1327 : vector<16xf32>
          %parallel_loop3A_1331 = vector.broadcast %parallel_loop3A_1115 : f32 to vector<16xf32>
          %parallel_loop3A_1332 = arith.mulf %parallel_loop3A_1331, %parallel_loop3A_1328 : vector<16xf32>
          %parallel_loop3A_1333 = arith.index_cast %parallel_loop3A_1092 : i32 to index
          %parallel_loop3A_1334 = arith.constant 96 : index
          %parallel_loop3A_1335 = tpu.vector_load %arg15[%parallel_loop3A_1333, %parallel_loop3A_1334] {strides = array<i32>} : memref<16x512xf32, #tpu.memory_space<vmem>>, vector<16xf32>,
          %parallel_loop3A_1336 = vector.bitcast %parallel_loop3A_1335 : vector<16xf32> to vector<32xbf16>
          %parallel_loop3A_1337 = tpu.unpack_subelements %parallel_loop3A_1336, 0 {pack_format = #tpu.pack_format<interleaved>} : vector<32xbf16> -> vector<16xf32>
          %parallel_loop3A_1338 = tpu.unpack_subelements %parallel_loop3A_1336, 1 {pack_format = #tpu.pack_format<interleaved>} : vector<32xbf16> -> vector<16xf32>
          %parallel_loop3A_1339 = vector.broadcast %parallel_loop3A_1116 : f32 to vector<16xf32>
          %parallel_loop3A_1340 = arith.mulf %parallel_loop3A_1339, %parallel_loop3A_1337 : vector<16xf32>
          %parallel_loop3A_1341 = arith.addf %parallel_loop3A_1330, %parallel_loop3A_1340 : vector<16xf32>
          %parallel_loop3A_1342 = vector.broadcast %parallel_loop3A_1116 : f32 to vector<16xf32>
          %parallel_loop3A_1343 = arith.mulf %parallel_loop3A_1342, %parallel_loop3A_1338 : vector<16xf32>
          %parallel_loop3A_1344 = arith.addf %parallel_loop3A_1332, %parallel_loop3A_1343 : vector<16xf32>
          %parallel_loop3A_1345 = arith.index_cast %parallel_loop3A_1092 : i32 to index
          %parallel_loop3A_1346 = arith.constant 160 : index
          %parallel_loop3A_1347 = tpu.vector_load %arg15[%parallel_loop3A_1345, %parallel_loop3A_1346] {strides = array<i32>} : memref<16x512xf32, #tpu.memory_space<vmem>>, vector<16xf32>,
          %parallel_loop3A_1348 = vector.bitcast %parallel_loop3A_1347 : vector<16xf32> to vector<32xbf16>
          %parallel_loop3A_1349 = tpu.unpack_subelements %parallel_loop3A_1348, 0 {pack_format = #tpu.pack_format<interleaved>} : vector<32xbf16> -> vector<16xf32>
          %parallel_loop3A_1350 = tpu.unpack_subelements %parallel_loop3A_1348, 1 {pack_format = #tpu.pack_format<interleaved>} : vector<32xbf16> -> vector<16xf32>
          %parallel_loop3A_1351 = vector.broadcast %parallel_loop3A_1117 : f32 to vector<16xf32>
          %parallel_loop3A_1352 = arith.mulf %parallel_loop3A_1351, %parallel_loop3A_1349 : vector<16xf32>
          %parallel_loop3A_1353 = arith.addf %parallel_loop3A_1341, %parallel_loop3A_1352 : vector<16xf32>
          %parallel_loop3A_1354 = vector.broadcast %parallel_loop3A_1117 : f32 to vector<16xf32>
          %parallel_loop3A_1355 = arith.mulf %parallel_loop3A_1354, %parallel_loop3A_1350 : vector<16xf32>
          %parallel_loop3A_1356 = arith.addf %parallel_loop3A_1344, %parallel_loop3A_1355 : vector<16xf32>
          %parallel_loop3A_1357 = arith.index_cast %parallel_loop3A_1092 : i32 to index
          %parallel_loop3A_1358 = arith.constant 224 : index
          %parallel_loop3A_1359 = tpu.vector_load %arg15[%parallel_loop3A_1357, %parallel_loop3A_1358] {strides = array<i32>} : memref<16x512xf32, #tpu.memory_space<vmem>>, vector<16xf32>,
          %parallel_loop3A_1360 = vector.bitcast %parallel_loop3A_1359 : vector<16xf32> to vector<32xbf16>
          %parallel_loop3A_1361 = tpu.unpack_subelements %parallel_loop3A_1360, 0 {pack_format = #tpu.pack_format<interleaved>} : vector<32xbf16> -> vector<16xf32>
          %parallel_loop3A_1362 = tpu.unpack_subelements %parallel_loop3A_1360, 1 {pack_format = #tpu.pack_format<interleaved>} : vector<32xbf16> -> vector<16xf32>
          %parallel_loop3A_1363 = vector.broadcast %parallel_loop3A_1118 : f32 to vector<16xf32>
          %parallel_loop3A_1364 = arith.mulf %parallel_loop3A_1363, %parallel_loop3A_1361 : vector<16xf32>
          %parallel_loop3A_1365 = arith.addf %parallel_loop3A_1353, %parallel_loop3A_1364 : vector<16xf32>
          %parallel_loop3A_1366 = vector.broadcast %parallel_loop3A_1118 : f32 to vector<16xf32>
          %parallel_loop3A_1367 = arith.mulf %parallel_loop3A_1366, %parallel_loop3A_1362 : vector<16xf32>
          %parallel_loop3A_1368 = arith.addf %parallel_loop3A_1356, %parallel_loop3A_1367 : vector<16xf32>
          %parallel_loop3A_1369 = arith.index_cast %parallel_loop3A_1092 : i32 to index
          %parallel_loop3A_1370 = arith.constant 288 : index
          %parallel_loop3A_1371 = tpu.vector_load %arg15[%parallel_loop3A_1369, %parallel_loop3A_1370] {strides = array<i32>} : memref<16x512xf32, #tpu.memory_space<vmem>>, vector<16xf32>,
          %parallel_loop3A_1372 = vector.bitcast %parallel_loop3A_1371 : vector<16xf32> to vector<32xbf16>
          %parallel_loop3A_1373 = tpu.unpack_subelements %parallel_loop3A_1372, 0 {pack_format = #tpu.pack_format<interleaved>} : vector<32xbf16> -> vector<16xf32>
          %parallel_loop3A_1374 = tpu.unpack_subelements %parallel_loop3A_1372, 1 {pack_format = #tpu.pack_format<interleaved>} : vector<32xbf16> -> vector<16xf32>
          %parallel_loop3A_1375 = vector.broadcast %parallel_loop3A_1119 : f32 to vector<16xf32>
          %parallel_loop3A_1376 = arith.mulf %parallel_loop3A_1375, %parallel_loop3A_1373 : vector<16xf32>
          %parallel_loop3A_1377 = arith.addf %parallel_loop3A_1365, %parallel_loop3A_1376 : vector<16xf32>
          %parallel_loop3A_1378 = vector.broadcast %parallel_loop3A_1119 : f32 to vector<16xf32>
          %parallel_loop3A_1379 = arith.mulf %parallel_loop3A_1378, %parallel_loop3A_1374 : vector<16xf32>
          %parallel_loop3A_1380 = arith.addf %parallel_loop3A_1368, %parallel_loop3A_1379 : vector<16xf32>
          %parallel_loop3A_1381 = arith.index_cast %parallel_loop3A_1092 : i32 to index
          %parallel_loop3A_1382 = arith.constant 352 : index
          %parallel_loop3A_1383 = tpu.vector_load %arg15[%parallel_loop3A_1381, %parallel_loop3A_1382] {strides = array<i32>} : memref<16x512xf32, #tpu.memory_space<vmem>>, vector<16xf32>,
          %parallel_loop3A_1384 = vector.bitcast %parallel_loop3A_1383 : vector<16xf32> to vector<32xbf16>
          %parallel_loop3A_1385 = tpu.unpack_subelements %parallel_loop3A_1384, 0 {pack_format = #tpu.pack_format<interleaved>} : vector<32xbf16> -> vector<16xf32>
          %parallel_loop3A_1386 = tpu.unpack_subelements %parallel_loop3A_1384, 1 {pack_format = #tpu.pack_format<interleaved>} : vector<32xbf16> -> vector<16xf32>
          %parallel_loop3A_1387 = vector.broadcast %parallel_loop3A_1120 : f32 to vector<16xf32>
          %parallel_loop3A_1388 = arith.mulf %parallel_loop3A_1387, %parallel_loop3A_1385 : vector<16xf32>
          %parallel_loop3A_1389 = arith.addf %parallel_loop3A_1377, %parallel_loop3A_1388 : vector<16xf32>
          %parallel_loop3A_1390 = vector.broadcast %parallel_loop3A_1120 : f32 to vector<16xf32>
          %parallel_loop3A_1391 = arith.mulf %parallel_loop3A_1390, %parallel_loop3A_1386 : vector<16xf32>
          %parallel_loop3A_1392 = arith.addf %parallel_loop3A_1380, %parallel_loop3A_1391 : vector<16xf32>
          %parallel_loop3A_1393 = arith.index_cast %parallel_loop3A_1092 : i32 to index
          %parallel_loop3A_1394 = arith.constant 416 : index
          %parallel_loop3A_1395 = tpu.vector_load %arg15[%parallel_loop3A_1393, %parallel_loop3A_1394] {strides = array<i32>} : memref<16x512xf32, #tpu.memory_space<vmem>>, vector<16xf32>,
          %parallel_loop3A_1396 = vector.bitcast %parallel_loop3A_1395 : vector<16xf32> to vector<32xbf16>
          %parallel_loop3A_1397 = tpu.unpack_subelements %parallel_loop3A_1396, 0 {pack_format = #tpu.pack_format<interleaved>} : vector<32xbf16> -> vector<16xf32>
          %parallel_loop3A_1398 = tpu.unpack_subelements %parallel_loop3A_1396, 1 {pack_format = #tpu.pack_format<interleaved>} : vector<32xbf16> -> vector<16xf32>
          %parallel_loop3A_1399 = vector.broadcast %parallel_loop3A_1121 : f32 to vector<16xf32>
          %parallel_loop3A_1400 = arith.mulf %parallel_loop3A_1399, %parallel_loop3A_1397 : vector<16xf32>
          %parallel_loop3A_1401 = arith.addf %parallel_loop3A_1389, %parallel_loop3A_1400 : vector<16xf32>
          %parallel_loop3A_1402 = vector.broadcast %parallel_loop3A_1121 : f32 to vector<16xf32>
          %parallel_loop3A_1403 = arith.mulf %parallel_loop3A_1402, %parallel_loop3A_1398 : vector<16xf32>
          %parallel_loop3A_1404 = arith.addf %parallel_loop3A_1392, %parallel_loop3A_1403 : vector<16xf32>
          %parallel_loop3A_1405 = arith.index_cast %parallel_loop3A_1092 : i32 to index
          %parallel_loop3A_1406 = arith.constant 480 : index
          %parallel_loop3A_1407 = tpu.vector_load %arg15[%parallel_loop3A_1405, %parallel_loop3A_1406] {strides = array<i32>} : memref<16x512xf32, #tpu.memory_space<vmem>>, vector<16xf32>,
          %parallel_loop3A_1408 = vector.bitcast %parallel_loop3A_1407 : vector<16xf32> to vector<32xbf16>
          %parallel_loop3A_1409 = tpu.unpack_subelements %parallel_loop3A_1408, 0 {pack_format = #tpu.pack_format<interleaved>} : vector<32xbf16> -> vector<16xf32>
          %parallel_loop3A_1410 = tpu.unpack_subelements %parallel_loop3A_1408, 1 {pack_format = #tpu.pack_format<interleaved>} : vector<32xbf16> -> vector<16xf32>
          %parallel_loop3A_1411 = vector.broadcast %parallel_loop3A_1122 : f32 to vector<16xf32>
          %parallel_loop3A_1412 = arith.mulf %parallel_loop3A_1411, %parallel_loop3A_1409 : vector<16xf32>
          %parallel_loop3A_1413 = arith.addf %parallel_loop3A_1401, %parallel_loop3A_1412 : vector<16xf32>
          %parallel_loop3A_1414 = vector.broadcast %parallel_loop3A_1122 : f32 to vector<16xf32>
          %parallel_loop3A_1415 = arith.mulf %parallel_loop3A_1414, %parallel_loop3A_1410 : vector<16xf32>
          %parallel_loop3A_1416 = arith.addf %parallel_loop3A_1404, %parallel_loop3A_1415 : vector<16xf32>
          %parallel_loop3A_1417 = arith.index_cast %parallel_loop3A_1092 : i32 to index
          %parallel_loop3A_1418 = arith.constant 64 : index
          %parallel_loop3A_1419 = tpu.vector_load %arg17[%parallel_loop3A_1417, %parallel_loop3A_1418] {strides = array<i32>} : memref<16x128xf32, #tpu.memory_space<vmem>>, vector<16xf32>,
          tpu.vector_store %arg17[%parallel_loop3A_1417, %parallel_loop3A_1418], %parallel_loop3A_1413 {strides = array<i32>} : memref<16x128xf32, #tpu.memory_space<vmem>>, vector<16xf32>,
          %parallel_loop3A_1420 = arith.index_cast %parallel_loop3A_1092 : i32 to index
          %parallel_loop3A_1421 = arith.constant 80 : index
          %parallel_loop3A_1422 = tpu.vector_load %arg17[%parallel_loop3A_1420, %parallel_loop3A_1421] {strides = array<i32>} : memref<16x128xf32, #tpu.memory_space<vmem>>, vector<16xf32>,
          tpu.vector_store %arg17[%parallel_loop3A_1420, %parallel_loop3A_1421], %parallel_loop3A_1416 {strides = array<i32>} : memref<16x128xf32, #tpu.memory_space<vmem>>, vector<16xf32>,
          %parallel_loop3A_1423 = arith.index_cast %parallel_loop3A_1092 : i32 to index
          %parallel_loop3A_1424 = arith.constant 48 : index
          %parallel_loop3A_1425 = tpu.vector_load %arg15[%parallel_loop3A_1423, %parallel_loop3A_1424] {strides = array<i32>} : memref<16x512xf32, #tpu.memory_space<vmem>>, vector<16xf32>,
          %parallel_loop3A_1426 = vector.bitcast %parallel_loop3A_1425 : vector<16xf32> to vector<32xbf16>
          %parallel_loop3A_1427 = tpu.unpack_subelements %parallel_loop3A_1426, 0 {pack_format = #tpu.pack_format<interleaved>} : vector<32xbf16> -> vector<16xf32>
          %parallel_loop3A_1428 = tpu.unpack_subelements %parallel_loop3A_1426, 1 {pack_format = #tpu.pack_format<interleaved>} : vector<32xbf16> -> vector<16xf32>
          %parallel_loop3A_1429 = vector.broadcast %parallel_loop3A_1115 : f32 to vector<16xf32>
          %parallel_loop3A_1430 = arith.mulf %parallel_loop3A_1429, %parallel_loop3A_1427 : vector<16xf32>
          %parallel_loop3A_1431 = vector.broadcast %parallel_loop3A_1115 : f32 to vector<16xf32>
          %parallel_loop3A_1432 = arith.mulf %parallel_loop3A_1431, %parallel_loop3A_1428 : vector<16xf32>
          %parallel_loop3A_1433 = arith.index_cast %parallel_loop3A_1092 : i32 to index
          %parallel_loop3A_1434 = arith.constant 112 : index
          %parallel_loop3A_1435 = tpu.vector_load %arg15[%parallel_loop3A_1433, %parallel_loop3A_1434] {strides = array<i32>} : memref<16x512xf32, #tpu.memory_space<vmem>>, vector<16xf32>,
          %parallel_loop3A_1436 = vector.bitcast %parallel_loop3A_1435 : vector<16xf32> to vector<32xbf16>
          %parallel_loop3A_1437 = tpu.unpack_subelements %parallel_loop3A_1436, 0 {pack_format = #tpu.pack_format<interleaved>} : vector<32xbf16> -> vector<16xf32>
          %parallel_loop3A_1438 = tpu.unpack_subelements %parallel_loop3A_1436, 1 {pack_format = #tpu.pack_format<interleaved>} : vector<32xbf16> -> vector<16xf32>
          %parallel_loop3A_1439 = vector.broadcast %parallel_loop3A_1116 : f32 to vector<16xf32>
          %parallel_loop3A_1440 = arith.mulf %parallel_loop3A_1439, %parallel_loop3A_1437 : vector<16xf32>
          %parallel_loop3A_1441 = arith.addf %parallel_loop3A_1430, %parallel_loop3A_1440 : vector<16xf32>
          %parallel_loop3A_1442 = vector.broadcast %parallel_loop3A_1116 : f32 to vector<16xf32>
          %parallel_loop3A_1443 = arith.mulf %parallel_loop3A_1442, %parallel_loop3A_1438 : vector<16xf32>
          %parallel_loop3A_1444 = arith.addf %parallel_loop3A_1432, %parallel_loop3A_1443 : vector<16xf32>
          %parallel_loop3A_1445 = arith.index_cast %parallel_loop3A_1092 : i32 to index
          %parallel_loop3A_1446 = arith.constant 176 : index
          %parallel_loop3A_1447 = tpu.vector_load %arg15[%parallel_loop3A_1445, %parallel_loop3A_1446] {strides = array<i32>} : memref<16x512xf32, #tpu.memory_space<vmem>>, vector<16xf32>,
          %parallel_loop3A_1448 = vector.bitcast %parallel_loop3A_1447 : vector<16xf32> to vector<32xbf16>
          %parallel_loop3A_1449 = tpu.unpack_subelements %parallel_loop3A_1448, 0 {pack_format = #tpu.pack_format<interleaved>} : vector<32xbf16> -> vector<16xf32>
          %parallel_loop3A_1450 = tpu.unpack_subelements %parallel_loop3A_1448, 1 {pack_format = #tpu.pack_format<interleaved>} : vector<32xbf16> -> vector<16xf32>
          %parallel_loop3A_1451 = vector.broadcast %parallel_loop3A_1117 : f32 to vector<16xf32>
          %parallel_loop3A_1452 = arith.mulf %parallel_loop3A_1451, %parallel_loop3A_1449 : vector<16xf32>
          %parallel_loop3A_1453 = arith.addf %parallel_loop3A_1441, %parallel_loop3A_1452 : vector<16xf32>
          %parallel_loop3A_1454 = vector.broadcast %parallel_loop3A_1117 : f32 to vector<16xf32>
          %parallel_loop3A_1455 = arith.mulf %parallel_loop3A_1454, %parallel_loop3A_1450 : vector<16xf32>
          %parallel_loop3A_1456 = arith.addf %parallel_loop3A_1444, %parallel_loop3A_1455 : vector<16xf32>
          %parallel_loop3A_1457 = arith.index_cast %parallel_loop3A_1092 : i32 to index
          %parallel_loop3A_1458 = arith.constant 240 : index
          %parallel_loop3A_1459 = tpu.vector_load %arg15[%parallel_loop3A_1457, %parallel_loop3A_1458] {strides = array<i32>} : memref<16x512xf32, #tpu.memory_space<vmem>>, vector<16xf32>,
          %parallel_loop3A_1460 = vector.bitcast %parallel_loop3A_1459 : vector<16xf32> to vector<32xbf16>
          %parallel_loop3A_1461 = tpu.unpack_subelements %parallel_loop3A_1460, 0 {pack_format = #tpu.pack_format<interleaved>} : vector<32xbf16> -> vector<16xf32>
          %parallel_loop3A_1462 = tpu.unpack_subelements %parallel_loop3A_1460, 1 {pack_format = #tpu.pack_format<interleaved>} : vector<32xbf16> -> vector<16xf32>
          %parallel_loop3A_1463 = vector.broadcast %parallel_loop3A_1118 : f32 to vector<16xf32>
          %parallel_loop3A_1464 = arith.mulf %parallel_loop3A_1463, %parallel_loop3A_1461 : vector<16xf32>
          %parallel_loop3A_1465 = arith.addf %parallel_loop3A_1453, %parallel_loop3A_1464 : vector<16xf32>
          %parallel_loop3A_1466 = vector.broadcast %parallel_loop3A_1118 : f32 to vector<16xf32>
          %parallel_loop3A_1467 = arith.mulf %parallel_loop3A_1466, %parallel_loop3A_1462 : vector<16xf32>
          %parallel_loop3A_1468 = arith.addf %parallel_loop3A_1456, %parallel_loop3A_1467 : vector<16xf32>
          %parallel_loop3A_1469 = arith.index_cast %parallel_loop3A_1092 : i32 to index
          %parallel_loop3A_1470 = arith.constant 304 : index
          %parallel_loop3A_1471 = tpu.vector_load %arg15[%parallel_loop3A_1469, %parallel_loop3A_1470] {strides = array<i32>} : memref<16x512xf32, #tpu.memory_space<vmem>>, vector<16xf32>,
          %parallel_loop3A_1472 = vector.bitcast %parallel_loop3A_1471 : vector<16xf32> to vector<32xbf16>
          %parallel_loop3A_1473 = tpu.unpack_subelements %parallel_loop3A_1472, 0 {pack_format = #tpu.pack_format<interleaved>} : vector<32xbf16> -> vector<16xf32>
          %parallel_loop3A_1474 = tpu.unpack_subelements %parallel_loop3A_1472, 1 {pack_format = #tpu.pack_format<interleaved>} : vector<32xbf16> -> vector<16xf32>
          %parallel_loop3A_1475 = vector.broadcast %parallel_loop3A_1119 : f32 to vector<16xf32>
          %parallel_loop3A_1476 = arith.mulf %parallel_loop3A_1475, %parallel_loop3A_1473 : vector<16xf32>
          %parallel_loop3A_1477 = arith.addf %parallel_loop3A_1465, %parallel_loop3A_1476 : vector<16xf32>
          %parallel_loop3A_1478 = vector.broadcast %parallel_loop3A_1119 : f32 to vector<16xf32>
          %parallel_loop3A_1479 = arith.mulf %parallel_loop3A_1478, %parallel_loop3A_1474 : vector<16xf32>
          %parallel_loop3A_1480 = arith.addf %parallel_loop3A_1468, %parallel_loop3A_1479 : vector<16xf32>
          %parallel_loop3A_1481 = arith.index_cast %parallel_loop3A_1092 : i32 to index
          %parallel_loop3A_1482 = arith.constant 368 : index
          %parallel_loop3A_1483 = tpu.vector_load %arg15[%parallel_loop3A_1481, %parallel_loop3A_1482] {strides = array<i32>} : memref<16x512xf32, #tpu.memory_space<vmem>>, vector<16xf32>,
          %parallel_loop3A_1484 = vector.bitcast %parallel_loop3A_1483 : vector<16xf32> to vector<32xbf16>
          %parallel_loop3A_1485 = tpu.unpack_subelements %parallel_loop3A_1484, 0 {pack_format = #tpu.pack_format<interleaved>} : vector<32xbf16> -> vector<16xf32>
          %parallel_loop3A_1486 = tpu.unpack_subelements %parallel_loop3A_1484, 1 {pack_format = #tpu.pack_format<interleaved>} : vector<32xbf16> -> vector<16xf32>
          %parallel_loop3A_1487 = vector.broadcast %parallel_loop3A_1120 : f32 to vector<16xf32>
          %parallel_loop3A_1488 = arith.mulf %parallel_loop3A_1487, %parallel_loop3A_1485 : vector<16xf32>
          %parallel_loop3A_1489 = arith.addf %parallel_loop3A_1477, %parallel_loop3A_1488 : vector<16xf32>
          %parallel_loop3A_1490 = vector.broadcast %parallel_loop3A_1120 : f32 to vector<16xf32>
          %parallel_loop3A_1491 = arith.mulf %parallel_loop3A_1490, %parallel_loop3A_1486 : vector<16xf32>
          %parallel_loop3A_1492 = arith.addf %parallel_loop3A_1480, %parallel_loop3A_1491 : vector<16xf32>
          %parallel_loop3A_1493 = arith.index_cast %parallel_loop3A_1092 : i32 to index
          %parallel_loop3A_1494 = arith.constant 432 : index
          %parallel_loop3A_1495 = tpu.vector_load %arg15[%parallel_loop3A_1493, %parallel_loop3A_1494] {strides = array<i32>} : memref<16x512xf32, #tpu.memory_space<vmem>>, vector<16xf32>,
          %parallel_loop3A_1496 = vector.bitcast %parallel_loop3A_1495 : vector<16xf32> to vector<32xbf16>
          %parallel_loop3A_1497 = tpu.unpack_subelements %parallel_loop3A_1496, 0 {pack_format = #tpu.pack_format<interleaved>} : vector<32xbf16> -> vector<16xf32>
          %parallel_loop3A_1498 = tpu.unpack_subelements %parallel_loop3A_1496, 1 {pack_format = #tpu.pack_format<interleaved>} : vector<32xbf16> -> vector<16xf32>
          %parallel_loop3A_1499 = vector.broadcast %parallel_loop3A_1121 : f32 to vector<16xf32>
          %parallel_loop3A_1500 = arith.mulf %parallel_loop3A_1499, %parallel_loop3A_1497 : vector<16xf32>
          %parallel_loop3A_1501 = arith.addf %parallel_loop3A_1489, %parallel_loop3A_1500 : vector<16xf32>
          %parallel_loop3A_1502 = vector.broadcast %parallel_loop3A_1121 : f32 to vector<16xf32>
          %parallel_loop3A_1503 = arith.mulf %parallel_loop3A_1502, %parallel_loop3A_1498 : vector<16xf32>
          %parallel_loop3A_1504 = arith.addf %parallel_loop3A_1492, %parallel_loop3A_1503 : vector<16xf32>
          %parallel_loop3A_1505 = arith.index_cast %parallel_loop3A_1092 : i32 to index
          %parallel_loop3A_1506 = arith.constant 496 : index
          %parallel_loop3A_1507 = tpu.vector_load %arg15[%parallel_loop3A_1505, %parallel_loop3A_1506] {strides = array<i32>} : memref<16x512xf32, #tpu.memory_space<vmem>>, vector<16xf32>,
          %parallel_loop3A_1508 = vector.bitcast %parallel_loop3A_1507 : vector<16xf32> to vector<32xbf16>
          %parallel_loop3A_1509 = tpu.unpack_subelements %parallel_loop3A_1508, 0 {pack_format = #tpu.pack_format<interleaved>} : vector<32xbf16> -> vector<16xf32>
          %parallel_loop3A_1510 = tpu.unpack_subelements %parallel_loop3A_1508, 1 {pack_format = #tpu.pack_format<interleaved>} : vector<32xbf16> -> vector<16xf32>
          %parallel_loop3A_1511 = vector.broadcast %parallel_loop3A_1122 : f32 to vector<16xf32>
          %parallel_loop3A_1512 = arith.mulf %parallel_loop3A_1511, %parallel_loop3A_1509 : vector<16xf32>
          %parallel_loop3A_1513 = arith.addf %parallel_loop3A_1501, %parallel_loop3A_1512 : vector<16xf32>
          %parallel_loop3A_1514 = vector.broadcast %parallel_loop3A_1122 : f32 to vector<16xf32>
          %parallel_loop3A_1515 = arith.mulf %parallel_loop3A_1514, %parallel_loop3A_1510 : vector<16xf32>
          %parallel_loop3A_1516 = arith.addf %parallel_loop3A_1504, %parallel_loop3A_1515 : vector<16xf32>
          %parallel_loop3A_1517 = arith.index_cast %parallel_loop3A_1092 : i32 to index
          %parallel_loop3A_1518 = arith.constant 96 : index
          %parallel_loop3A_1519 = tpu.vector_load %arg17[%parallel_loop3A_1517, %parallel_loop3A_1518] {strides = array<i32>} : memref<16x128xf32, #tpu.memory_space<vmem>>, vector<16xf32>,
          tpu.vector_store %arg17[%parallel_loop3A_1517, %parallel_loop3A_1518], %parallel_loop3A_1513 {strides = array<i32>} : memref<16x128xf32, #tpu.memory_space<vmem>>, vector<16xf32>,
          %parallel_loop3A_1520 = arith.index_cast %parallel_loop3A_1092 : i32 to index
          %parallel_loop3A_1521 = arith.constant 112 : index
          %parallel_loop3A_1522 = tpu.vector_load %arg17[%parallel_loop3A_1520, %parallel_loop3A_1521] {strides = array<i32>} : memref<16x128xf32, #tpu.memory_space<vmem>>, vector<16xf32>,
          tpu.vector_store %arg17[%parallel_loop3A_1520, %parallel_loop3A_1521], %parallel_loop3A_1516 {strides = array<i32>} : memref<16x128xf32, #tpu.memory_space<vmem>>, vector<16xf32>,
        } {sc.loop_unroll_factor = 4 : i64, sc.parallel_access}
        %add3A_1084 = arith.constant 1 : i32
        %add3A_1085 = arith.addi %mul3A_348, %add3A_1084 : i32
        %dma_start3A_1086 = arith.constant 0 : i32
        %dma_start3A_1087 = tpu.memref_slice %arg11[%add3A_1085, %dma_start3A_1086] : memref<32x16xi32, #tpu.memory_space<vmem>> -> memref<1x16xi32, #tpu.memory_space<vmem>>
        %dma_start3A_1088 = tpu.memref_squeeze %dma_start3A_1087 : memref<1x16xi32, #tpu.memory_space<vmem>> -> memref<16xi32, #tpu.memory_space<vmem>>
        %dma_start3A_1089 = arith.constant 0 : i32
        %dma_start3A_1090 = arith.constant 0 : i32
        %dma_start3A_1091 = tpu.memref_slice %arg20[%dma_start3A_1089, %dma_start3A_1090] : memref<10240x128xf32, #tpu.memory_space<vmem_shared>> -> memref<10240x128xf32, #tpu.memory_space<vmem_shared>>
        tpu.enqueue_indirect_dma source(%arg17 : memref<16x128xf32, #tpu.memory_space<vmem>>) target(%dma_start3A_1091 : memref<10240x128xf32, #tpu.memory_space<vmem_shared>>) offsets(%dma_start3A_1088 : memref<16xi32, #tpu.memory_space<vmem>>) semaphore(%arg24 : memref<!tpu.dma_semaphore, #tpu.memory_space<semaphore_mem>>) {add = true}
      }
      %scan3A_331 = arith.constant 16 : i32
      %dma_wait3A_332 = arith.constant 30 : i32
      %dma_wait3A_333 = arith.constant 0 : i32
      %dma_wait3A_334 = tpu.memref_slice %arg11[%dma_wait3A_332, %dma_wait3A_333] : memref<32x16xi32, #tpu.memory_space<vmem>> -> memref<1x16xi32, #tpu.memory_space<vmem>>
      %dma_wait3A_335 = tpu.memref_squeeze %dma_wait3A_334 : memref<1x16xi32, #tpu.memory_space<vmem>> -> memref<16xi32, #tpu.memory_space<vmem>>
      %dma_wait3A_336 = arith.constant 0 : i32
      %dma_wait3A_337 = arith.constant 0 : i32
      %dma_wait3A_338 = tpu.memref_slice %arg20[%dma_wait3A_336, %dma_wait3A_337] : memref<10240x128xf32, #tpu.memory_space<vmem_shared>> -> memref<10240x128xf32, #tpu.memory_space<vmem_shared>>
      tpu.wait_indirect_dma semaphore(%arg23 : memref<!tpu.dma_semaphore, #tpu.memory_space<semaphore_mem>>) src(%arg16 : memref<16x128xf32, #tpu.memory_space<vmem>>) dst(%dma_wait3A_338 : memref<10240x128xf32, #tpu.memory_space<vmem_shared>>)
      %dma_wait3A_339 = arith.constant 31 : i32
      %dma_wait3A_340 = arith.constant 0 : i32
      %dma_wait3A_341 = tpu.memref_slice %arg11[%dma_wait3A_339, %dma_wait3A_340] : memref<32x16xi32, #tpu.memory_space<vmem>> -> memref<1x16xi32, #tpu.memory_space<vmem>>
      %dma_wait3A_342 = tpu.memref_squeeze %dma_wait3A_341 : memref<1x16xi32, #tpu.memory_space<vmem>> -> memref<16xi32, #tpu.memory_space<vmem>>
      %dma_wait3A_343 = arith.constant 0 : i32
      %dma_wait3A_344 = arith.constant 0 : i32
      %dma_wait3A_345 = tpu.memref_slice %arg20[%dma_wait3A_343, %dma_wait3A_344] : memref<10240x128xf32, #tpu.memory_space<vmem_shared>> -> memref<10240x128xf32, #tpu.memory_space<vmem_shared>>
      tpu.wait_indirect_dma semaphore(%arg24 : memref<!tpu.dma_semaphore, #tpu.memory_space<semaphore_mem>>) src(%arg17 : memref<16x128xf32, #tpu.memory_space<vmem>>) dst(%dma_wait3A_345 : memref<10240x128xf32, #tpu.memory_space<vmem_shared>>)
    }
    %scan3A_24 = arith.constant 20 : i32
    %barrier3A_25 = arith.constant 0 : index
    tpu.barrier barrier_id(%barrier3A_25)
    %mul3A_26 = arith.constant 640 : i32
    %mul3A_27 = arith.muli %arg1, %mul3A_26 : i32
    %mul3A_28 = arith.constant 640 : i32
    %mul3A_29 = arith.muli %arg1, %mul3A_28 : i32
    "tpu.region"() ({
      %run_scoped3A = tpu.sem_alloc : memref<!tpu.dma_semaphore, #tpu.memory_space<semaphore_mem>>
      %dma_start3A_30 = arith.constant 0 : i32
      %dma_start3A_31 = arith.constant 0 : i32
      %dma_start3A_32 = tpu.memref_slice %arg8[%arg0, %dma_start3A_30, %dma_start3A_31] : memref<2x10240x128xf32, #tpu.memory_space<hbm>> -> memref<1x10240x128xf32, #tpu.memory_space<hbm>>
      %dma_start3A_33 = tpu.memref_squeeze %dma_start3A_32 : memref<1x10240x128xf32, #tpu.memory_space<hbm>> -> memref<10240x128xf32, #tpu.memory_space<hbm>>
      %dma_start3A_34 = arith.constant 0 : i32
      %dma_start3A_35 = tpu.memref_slice %dma_start3A_33[%mul3A_29, %dma_start3A_34] : memref<10240x128xf32, #tpu.memory_space<hbm>> -> memref<640x128xf32, #tpu.memory_space<hbm>>
      %dma_start3A_36 = arith.constant 0 : i32
      %dma_start3A_37 = tpu.memref_slice %arg20[%mul3A_27, %dma_start3A_36] : memref<10240x128xf32, #tpu.memory_space<vmem_shared>> -> memref<640x128xf32, #tpu.memory_space<vmem_shared>>
      tpu.enqueue_dma source(%dma_start3A_37 : memref<640x128xf32, #tpu.memory_space<vmem_shared>>) target(%dma_start3A_35 : memref<640x128xf32, #tpu.memory_space<hbm>>) target_semaphore(%run_scoped3A : memref<!tpu.dma_semaphore, #tpu.memory_space<semaphore_mem>>)
      %dma_wait3A_38 = arith.constant 0 : i32
      %dma_wait3A_39 = arith.constant 0 : i32
      %dma_wait3A_40 = tpu.memref_slice %arg8[%arg0, %dma_wait3A_38, %dma_wait3A_39] : memref<2x10240x128xf32, #tpu.memory_space<hbm>> -> memref<1x10240x128xf32, #tpu.memory_space<hbm>>
      %dma_wait3A_41 = tpu.memref_squeeze %dma_wait3A_40 : memref<1x10240x128xf32, #tpu.memory_space<hbm>> -> memref<10240x128xf32, #tpu.memory_space<hbm>>
      %dma_wait3A_42 = arith.constant 0 : i32
      %dma_wait3A_43 = tpu.memref_slice %dma_wait3A_41[%mul3A_29, %dma_wait3A_42] : memref<10240x128xf32, #tpu.memory_space<hbm>> -> memref<640x128xf32, #tpu.memory_space<hbm>>
      %dma_wait3A_44 = arith.constant 0 : i32
      %dma_wait3A_45 = tpu.memref_slice %arg20[%mul3A_27, %dma_wait3A_44] : memref<10240x128xf32, #tpu.memory_space<vmem_shared>> -> memref<640x128xf32, #tpu.memory_space<vmem_shared>>
      tpu.wait_dma2 semaphore(%run_scoped3A : memref<!tpu.dma_semaphore, #tpu.memory_space<semaphore_mem>>) src(%dma_wait3A_45 : memref<640x128xf32, #tpu.memory_space<vmem_shared>>) dst(%dma_wait3A_43 : memref<640x128xf32, #tpu.memory_space<hbm>>)
      tpu.yield
    }) : () -> ()
    "tpu.region"() ({
      %run_scoped3A = tpu.sem_alloc : memref<!tpu.dma_semaphore, #tpu.memory_space<semaphore_mem>>
      %dma_start3A_30 = arith.constant 0 : i32
      %dma_start3A_31 = arith.constant 0 : i32
      %dma_start3A_32 = arith.constant 0 : i32
      %dma_start3A_33 = tpu.memref_slice %arg9[%arg0, %dma_start3A_30, %dma_start3A_31, %dma_start3A_32] : memref<2x16x80x128xf32, #tpu.memory_space<hbm>> -> memref<1x16x80x128xf32, #tpu.memory_space<hbm>>
      %dma_start3A_34 = tpu.memref_squeeze %dma_start3A_33 : memref<1x16x80x128xf32, #tpu.memory_space<hbm>> -> memref<16x80x128xf32, #tpu.memory_space<hbm>>
      %dma_start3A_35 = arith.constant 0 : i32
      %dma_start3A_36 = arith.constant 0 : i32
      %dma_start3A_37 = tpu.memref_slice %dma_start3A_34[%arg1, %dma_start3A_35, %dma_start3A_36] : memref<16x80x128xf32, #tpu.memory_space<hbm>> -> memref<1x80x128xf32, #tpu.memory_space<hbm>>
      %dma_start3A_38 = tpu.memref_squeeze %dma_start3A_37 : memref<1x80x128xf32, #tpu.memory_space<hbm>> -> memref<80x128xf32, #tpu.memory_space<hbm>>
      %dma_start3A_39 = arith.constant 0 : i32
      %dma_start3A_40 = arith.constant 0 : i32
      %dma_start3A_41 = arith.constant 0 : i32
      %dma_start3A_42 = tpu.memref_slice %arg9[%arg0, %dma_start3A_39, %dma_start3A_40, %dma_start3A_41] : memref<2x16x80x128xf32, #tpu.memory_space<hbm>> -> memref<1x16x80x128xf32, #tpu.memory_space<hbm>>
      %dma_start3A_43 = tpu.memref_squeeze %dma_start3A_42 : memref<1x16x80x128xf32, #tpu.memory_space<hbm>> -> memref<16x80x128xf32, #tpu.memory_space<hbm>>
      %dma_start3A_44 = arith.constant 0 : i32
      %dma_start3A_45 = arith.constant 0 : i32
      %dma_start3A_46 = tpu.memref_slice %dma_start3A_43[%arg1, %dma_start3A_44, %dma_start3A_45] : memref<16x80x128xf32, #tpu.memory_space<hbm>> -> memref<1x80x128xf32, #tpu.memory_space<hbm>>
      %dma_start3A_47 = tpu.memref_squeeze %dma_start3A_46 : memref<1x80x128xf32, #tpu.memory_space<hbm>> -> memref<80x128xf32, #tpu.memory_space<hbm>>
      tpu.enqueue_dma source(%arg18 : memref<80x128xf32, #tpu.memory_space<vmem>>) target(%dma_start3A_47 : memref<80x128xf32, #tpu.memory_space<hbm>>) target_semaphore(%run_scoped3A : memref<!tpu.dma_semaphore, #tpu.memory_space<semaphore_mem>>)
      %dma_wait3A_48 = arith.constant 0 : i32
      %dma_wait3A_49 = arith.constant 0 : i32
      %dma_wait3A_50 = arith.constant 0 : i32
      %dma_wait3A_51 = tpu.memref_slice %arg9[%arg0, %dma_wait3A_48, %dma_wait3A_49, %dma_wait3A_50] : memref<2x16x80x128xf32, #tpu.memory_space<hbm>> -> memref<1x16x80x128xf32, #tpu.memory_space<hbm>>
      %dma_wait3A_52 = tpu.memref_squeeze %dma_wait3A_51 : memref<1x16x80x128xf32, #tpu.memory_space<hbm>> -> memref<16x80x128xf32, #tpu.memory_space<hbm>>
      %dma_wait3A_53 = arith.constant 0 : i32
      %dma_wait3A_54 = arith.constant 0 : i32
      %dma_wait3A_55 = tpu.memref_slice %dma_wait3A_52[%arg1, %dma_wait3A_53, %dma_wait3A_54] : memref<16x80x128xf32, #tpu.memory_space<hbm>> -> memref<1x80x128xf32, #tpu.memory_space<hbm>>
      %dma_wait3A_56 = tpu.memref_squeeze %dma_wait3A_55 : memref<1x80x128xf32, #tpu.memory_space<hbm>> -> memref<80x128xf32, #tpu.memory_space<hbm>>
      %dma_wait3A_57 = arith.constant 0 : i32
      %dma_wait3A_58 = arith.constant 0 : i32
      %dma_wait3A_59 = arith.constant 0 : i32
      %dma_wait3A_60 = tpu.memref_slice %arg9[%arg0, %dma_wait3A_57, %dma_wait3A_58, %dma_wait3A_59] : memref<2x16x80x128xf32, #tpu.memory_space<hbm>> -> memref<1x16x80x128xf32, #tpu.memory_space<hbm>>
      %dma_wait3A_61 = tpu.memref_squeeze %dma_wait3A_60 : memref<1x16x80x128xf32, #tpu.memory_space<hbm>> -> memref<16x80x128xf32, #tpu.memory_space<hbm>>
      %dma_wait3A_62 = arith.constant 0 : i32
      %dma_wait3A_63 = arith.constant 0 : i32
      %dma_wait3A_64 = tpu.memref_slice %dma_wait3A_61[%arg1, %dma_wait3A_62, %dma_wait3A_63] : memref<16x80x128xf32, #tpu.memory_space<hbm>> -> memref<1x80x128xf32, #tpu.memory_space<hbm>>
      %dma_wait3A_65 = tpu.memref_squeeze %dma_wait3A_64 : memref<1x80x128xf32, #tpu.memory_space<hbm>> -> memref<80x128xf32, #tpu.memory_space<hbm>>
      tpu.wait_dma2 semaphore(%run_scoped3A : memref<!tpu.dma_semaphore, #tpu.memory_space<semaphore_mem>>) src(%arg18 : memref<80x128xf32, #tpu.memory_space<vmem>>) dst(%dma_wait3A_65 : memref<80x128xf32, #tpu.memory_space<hbm>>)
      tpu.yield
    }) : () -> ()
    return
  }
}

module attributes {stable_mosaic.version = 14 : i64} {
  func.func @_pre_body(%arg0: i32, %arg1: memref<2000x128xf32, #tpu.memory_space<vmem>>, %arg2: memref<128x1152xf32, #tpu.memory_space<vmem>>, %arg3: memref<2000x1024xbf16, #tpu.memory_space<vmem>>, %arg4: memref<2000x128xf32, #tpu.memory_space<vmem>>) attributes {dimension_semantics = [#tpu.dimension_semantics<arbitrary>], iteration_bounds = array<i64: 5>, scalar_prefetch = 0 : i64, scratch_operands = 0 : i64, tpu.core_type = #tpu.core_type<tc>, window_params = [{transform_indices = @transform_0, window_bounds = array<i64: 2000, 128>}, {pipeline_mode = #tpu.pipeline_mode<synchronous>, transform_indices = @transform_1, window_bounds = array<i64: 128, 1152>}, {transform_indices = @transform_2, window_bounds = array<i64: 2000, 1024>}, {transform_indices = @transform_3, window_bounds = array<i64: 2000, 128>}]} {
    %get3A = arith.constant 0 : index
    %get3A_0 = arith.constant 0 : index
    %get3A_1 = vector.load %arg1[%get3A, %get3A_0] : memref<2000x128xf32, #tpu.memory_space<vmem>>, vector<2000x128xf32>
    %get3A_2 = arith.constant 0 : index
    %get3A_3 = arith.constant 0 : index
    %get3A_4 = vector.load %arg2[%get3A_2, %get3A_3] : memref<128x1152xf32, #tpu.memory_space<vmem>>, vector<128x1152xf32>
    %dot_general3A = arith.constant dense<0.000000e+00> : vector<2000x1152xf32>
    %dot_general3A_5 = tpu.matmul %get3A_1, %get3A_4, %dot_general3A {dimension_numbers = #tpu.dot_dimension_numbers<[1], [0], [0], [1], [0, 0, 1, 1], [], []>, transpose_lhs_hint = false} : vector<2000x128xf32>, vector<128x1152xf32>, vector<2000x1152xf32> -> vector<2000x1152xf32>
    %slice3A = vector.extract_strided_slice %dot_general3A_5 {offsets = [0, 0], sizes = [2000, 1024], strides = [1, 1]} : vector<2000x1152xf32> to vector<2000x1024xf32>
    %convert_element_type3A = arith.truncf %slice3A : vector<2000x1024xf32> to vector<2000x1024xbf16>
    %swap3A = arith.constant 0 : index
    %swap3A_6 = arith.constant 0 : index
    %swap3A_7 = vector.load %arg3[%swap3A, %swap3A_6] : memref<2000x1024xbf16, #tpu.memory_space<vmem>>, vector<2000x1024xbf16>
    tpu.vector_store %arg3[%swap3A, %swap3A_6], %convert_element_type3A {strides = array<i32>} : memref<2000x1024xbf16, #tpu.memory_space<vmem>>, vector<2000x1024xbf16>,
    %slice3A_8 = vector.extract_strided_slice %dot_general3A_5 {offsets = [0, 1024], sizes = [2000, 128], strides = [1, 1]} : vector<2000x1152xf32> to vector<2000x128xf32>
    %swap3A_9 = arith.constant 0 : index
    %swap3A_10 = arith.constant 0 : index
    %swap3A_11 = vector.load %arg4[%swap3A_9, %swap3A_10] : memref<2000x128xf32, #tpu.memory_space<vmem>>, vector<2000x128xf32>
    tpu.vector_store %arg4[%swap3A_9, %swap3A_10], %slice3A_8 {strides = array<i32>} : memref<2000x128xf32, #tpu.memory_space<vmem>>, vector<2000x128xf32>,
    return
  }
  func.func @transform_0(%arg0: i32) -> (i32, i32) {
    %c0_i32 = arith.constant 0 : i32
    %c0_i32_0 = arith.constant 0 : i32
    return %arg0, %c0_i32 : i32, i32
  }
  func.func @transform_1(%arg0: i32) -> (i32, i32) {
    %c0_i32 = arith.constant 0 : i32
    %c0_i32_0 = arith.constant 0 : i32
    %c0_i32_1 = arith.constant 0 : i32
    return %c0_i32, %c0_i32_0 : i32, i32
  }
  func.func @transform_2(%arg0: i32) -> (i32, i32) {
    %c0_i32 = arith.constant 0 : i32
    %c0_i32_0 = arith.constant 0 : i32
    return %arg0, %c0_i32 : i32, i32
  }
  func.func @transform_3(%arg0: i32) -> (i32, i32) {
    %c0_i32 = arith.constant 0 : i32
    %c0_i32_0 = arith.constant 0 : i32
    return %arg0, %c0_i32 : i32, i32
  }
}

module attributes {stable_mosaic.version = 14 : i64} {
  func.func @_final_body(%arg0: memref<2x10240x128xf32, #tpu.memory_space<vmem>>, %arg1: memref<32x10240xf32, #tpu.memory_space<vmem>>, %arg2: memref<10000x128xf32, #tpu.memory_space<vmem>>, %arg3: memref<1x128xf32, #tpu.memory_space<vmem>>, %arg4: memref<1x128xf32, #tpu.memory_space<vmem>>, %arg5: memref<1x128xf32, #tpu.memory_space<vmem>>, %arg6: memref<10000x128xf32, #tpu.memory_space<vmem>>) attributes {dimension_semantics = [], scalar_prefetch = 0 : i64, scratch_operands = 0 : i64, tpu.core_type = #tpu.core_type<tc>} {
    %get3A = arith.constant 0 : index
    %get3A_0 = arith.constant 0 : index
    %get3A_1 = arith.constant 0 : index
    %get3A_2 = vector.load %arg0[%get3A, %get3A_0, %get3A_1] : memref<2x10240x128xf32, #tpu.memory_space<vmem>>, vector<1x10000x128xf32>
    %get3A_3 = vector.shape_cast %get3A_2 : vector<1x10000x128xf32> to vector<10000x128xf32>
    %get3A_4 = arith.constant 1 : index
    %get3A_5 = arith.constant 0 : index
    %get3A_6 = arith.constant 0 : index
    %get3A_7 = vector.load %arg0[%get3A_4, %get3A_5, %get3A_6] : memref<2x10240x128xf32, #tpu.memory_space<vmem>>, vector<1x10000x128xf32>
    %get3A_8 = vector.shape_cast %get3A_7 : vector<1x10000x128xf32> to vector<10000x128xf32>
    %add3A = arith.addf %get3A_3, %get3A_8 : vector<10000x128xf32>
    %get3A_9 = arith.constant 0 : index
    %get3A_10 = arith.constant 0 : index
    %get3A_11 = vector.load %arg1[%get3A_9, %get3A_10] : memref<32x10240xf32, #tpu.memory_space<vmem>>, vector<32x10240xf32>
    %transpose3A = tpu.transpose %get3A_11, [1, 0] : vector<32x10240xf32> -> vector<10240x32xf32>
    %slice3A = vector.extract_strided_slice %transpose3A {offsets = [0, 0], sizes = [10000, 32], strides = [1, 1]} : vector<10240x32xf32> to vector<10000x32xf32>
    %reduce_sum3A = arith.constant dense<0.000000e+00> : vector<10000xf32>
    %reduce_sum3A_12 = vector.multi_reduction <add>, %slice3A, %reduce_sum3A [1] : vector<10000x32xf32> to vector<10000xf32>
    %broadcast_in_dim3A = vector.shape_cast %reduce_sum3A_12 : vector<10000xf32> to vector<10000x1xf32>
    %max3A = arith.constant 1.000000e+00 : f32
    %max3A_13 = vector.broadcast %max3A : f32 to vector<10000x1xf32>
    %max3A_14 = arith.maximumf %broadcast_in_dim3A, %max3A_13 : vector<10000x1xf32>
    %div3A = vector.broadcast %max3A_14 : vector<10000x1xf32> to vector<10000x128xf32>
    %div3A_15 = arith.divf %add3A, %div3A : vector<10000x128xf32>
    %get3A_16 = arith.constant 0 : index
    %get3A_17 = arith.constant 0 : index
    %get3A_18 = vector.load %arg2[%get3A_16, %get3A_17] : memref<10000x128xf32, #tpu.memory_space<vmem>>, vector<10000x128xf32>
    %add3A_19 = arith.addf %div3A_15, %get3A_18 : vector<10000x128xf32>
    %get3A_20 = arith.constant 0 : index
    %get3A_21 = arith.constant 0 : index
    %get3A_22 = vector.load %arg3[%get3A_20, %get3A_21] : memref<1x128xf32, #tpu.memory_space<vmem>>, vector<1x128xf32>
    %add3A_23 = vector.broadcast %get3A_22 : vector<1x128xf32> to vector<10000x128xf32>
    %add3A_24 = arith.addf %add3A_19, %add3A_23 : vector<10000x128xf32>
    %gt3A = arith.constant 0.000000e+00 : f32
    %gt3A_25 = vector.broadcast %gt3A : f32 to vector<10000x128xf32>
    %gt3A_26 = arith.cmpf ogt, %add3A_24, %gt3A_25 : vector<10000x128xf32>
    %min3A = arith.constant 0.000000e+00 : f32
    %min3A_27 = vector.broadcast %min3A : f32 to vector<10000x128xf32>
    %min3A_28 = arith.minimumf %add3A_24, %min3A_27 : vector<10000x128xf32>
    %exp3A = math.exp %min3A_28 : vector<10000x128xf32>
    %sub3A = arith.constant 1.000000e+00 : f32
    %sub3A_29 = vector.broadcast %sub3A : f32 to vector<10000x128xf32>
    %sub3A_30 = arith.subf %exp3A, %sub3A_29 : vector<10000x128xf32>
    %select_n3A = arith.select %gt3A_26, %add3A_24, %sub3A_30 : vector<10000x128xi1>, vector<10000x128xf32>
    %reduce_sum3A_31 = arith.constant dense<0.000000e+00> : vector<128xf32>
    %reduce_sum3A_32 = vector.multi_reduction <add>, %select_n3A, %reduce_sum3A_31 [0] : vector<10000x128xf32> to vector<128xf32>
    %broadcast_in_dim3A_33 = vector.shape_cast %reduce_sum3A_32 : vector<128xf32> to vector<1x128xf32>
    %div3A_34 = arith.constant 1.000000e+04 : f32
    %div3A_35 = vector.broadcast %div3A_34 : f32 to vector<1x128xf32>
    %div3A_36 = arith.divf %broadcast_in_dim3A_33, %div3A_35 : vector<1x128xf32>
    %sub3A_37 = vector.broadcast %div3A_36 : vector<1x128xf32> to vector<10000x128xf32>
    %sub3A_38 = arith.subf %select_n3A, %sub3A_37 : vector<10000x128xf32>
    %integer_pow3A = arith.mulf %sub3A_38, %sub3A_38 : vector<10000x128xf32>
    %reduce_sum3A_39 = arith.constant dense<0.000000e+00> : vector<128xf32>
    %reduce_sum3A_40 = vector.multi_reduction <add>, %integer_pow3A, %reduce_sum3A_39 [0] : vector<10000x128xf32> to vector<128xf32>
    %broadcast_in_dim3A_41 = vector.shape_cast %reduce_sum3A_40 : vector<128xf32> to vector<1x128xf32>
    %div3A_42 = arith.constant 1.000000e+04 : f32
    %div3A_43 = vector.broadcast %div3A_42 : f32 to vector<1x128xf32>
    %div3A_44 = arith.divf %broadcast_in_dim3A_41, %div3A_43 : vector<1x128xf32>
    %sub3A_45 = vector.broadcast %div3A_36 : vector<1x128xf32> to vector<10000x128xf32>
    %sub3A_46 = arith.subf %select_n3A, %sub3A_45 : vector<10000x128xf32>
    %add3A_47 = arith.constant 9.99999974E-6 : f32
    %add3A_48 = vector.broadcast %add3A_47 : f32 to vector<1x128xf32>
    %add3A_49 = arith.addf %div3A_44, %add3A_48 : vector<1x128xf32>
    %sqrt3A = math.sqrt %add3A_49 : vector<1x128xf32>
    %div3A_50 = vector.broadcast %sqrt3A : vector<1x128xf32> to vector<10000x128xf32>
    %div3A_51 = arith.divf %sub3A_46, %div3A_50 : vector<10000x128xf32>
    %get3A_52 = arith.constant 0 : index
    %get3A_53 = arith.constant 0 : index
    %get3A_54 = vector.load %arg4[%get3A_52, %get3A_53] : memref<1x128xf32, #tpu.memory_space<vmem>>, vector<1x128xf32>
    %mul3A = vector.broadcast %get3A_54 : vector<1x128xf32> to vector<10000x128xf32>
    %mul3A_55 = arith.mulf %div3A_51, %mul3A : vector<10000x128xf32>
    %get3A_56 = arith.constant 0 : index
    %get3A_57 = arith.constant 0 : index
    %get3A_58 = vector.load %arg5[%get3A_56, %get3A_57] : memref<1x128xf32, #tpu.memory_space<vmem>>, vector<1x128xf32>
    %add3A_59 = vector.broadcast %get3A_58 : vector<1x128xf32> to vector<10000x128xf32>
    %add3A_60 = arith.addf %mul3A_55, %add3A_59 : vector<10000x128xf32>
    %swap3A = arith.constant 0 : index
    %swap3A_61 = arith.constant 0 : index
    %swap3A_62 = vector.load %arg6[%swap3A, %swap3A_61] : memref<10000x128xf32, #tpu.memory_space<vmem>>, vector<10000x128xf32>
    tpu.vector_store %arg6[%swap3A, %swap3A_61], %add3A_60 {strides = array<i32>} : memref<10000x128xf32, #tpu.memory_space<vmem>>, vector<10000x128xf32>,
    return
  }
}

</mosaic_0001>

<sc_bundles>
// kernel: kernel.5.cloned.1.call-start
scs
__scs_entry_jumppad:
0x0: {  	(pc) =	sbr.rel $0x88, $3  }
0x1: {  	(tag) =	ssettag $0x0;
	lr =	simm.s32 $0x1  }
0x2: {  	[smem:$0x3F99] =	sst lr;
	_ =	strace $0xD0000000  }
0x3: {  	_ = 	snop  }
0x4: {  	_ = 	snop  }
0x5: {  	_ = 	snop  }
0x6: {  	_ = 	snop  }
0x7: {  	_ = 	snop  }
__scs_overlays_trampoline_lowered:
0x8: {  	[smem:$0x3FA8] =	sst s0  }
0x9: {  	[smem:$0x3FA9] =	sst s1  }
0xa: {  	[smem:$0x3FAA] =	sst s2  }
0xb: {  	[smem:$0x3FAB] =	sst s3  }
0xc: {  	[smem:$0x3FAC] =	sst s4  }
0xd: {  	[smem:$0x3FAD] =	sst s5  }
0xe: {  	[smem:$0x3FAE] =	sst s6  }
0xf: {  	[smem:$0x3FAF] =	sst s7  }
0x10: {  	[smem:$0x3FB0] =	sst s8  }
0x11: {  	[smem:$0x3FB1] =	sst s9;
	s0 =	simm.s32 @!p0 $0x0  }
0x12: {  	s1 =	sld [smem:$0x3F97];
	s0 =	simm.s32 @p0 $0x1  }
0x13: {  	[smem:$0x3FB2] =	sst s0;
	s0 =	simm.s32 @!p1 $0x0  }
0x14: {  	s2 =	sld [smem:$0x3F96];
	s0 =	simm.s32 @p1 $0x1  }
0x15: {  	[smem:$0x3FB3] =	sst s0;
	s0 =	simm.s32 @!p2 $0x0  }
0x16: {  	s3 =	sld [smem:$0x3FDB];
	s0 =	simm.s32 @p2 $0x1  }
0x17: {  	s4 =	simm.s32 $0x1BF5;
	[smem:$0x3FB5] =	sst s0  }
0x18: {  	s0 =	sld [smem:$0x3F98];
	_ =	swait.ge [sflag:s4], $0x0  }
0x19: {  	s7 =	sld [smem:$0x3F99]  }
0x1a: {  	s8 =	sadd.s32 $0xFFFFE003, lr  }
0x1b: {  	s9 =	sadd.s32 $0xFFFFFEF7, lr;
	s5 =	simm.s32 $0xFFFFFFFF;
	p2 =	slt.u32 s8, $0xFFFFF086  }
0x1c: {  	p1 =	slt.u32 s9, $0xF7A;
	s5 =	simm.s32 @!p2 $0x0  }
0x1d: {  	s5 =	simm.s32 @p1 $0x1;
	p0 =	seq.s32 s7, s2  }
0x1e: {  	s7 =	smul.u32 @!p0 $0xF7A, s2;
	p2 =	seq.s32 @!p0 s5, $0x0  }
0x1f: {  	s9 =	smul.u32 $0xF7A, s1;
	s8 =	simm.s32 @!p0 $0x1BF5;
	p2 =	por !p2, p0  }
0x20: {  	[sflag:s8] =	ssyncset.s32 @!p0 $0xFFFFF086;
	s6 =	sadd.s32 @!p0 s3, s7;
	s7 =	simm.s32 @!p0 $0x108  }
0x21: {  	s3 =	sadd.s32 s3, s9;
	s6 =	sadd.s32 @!p0 $0x88, s6;
	s7 =	simm.s32 @p2 $0x1082  }
0x22: {  	[simem:s7], [sflag:s8] =	dma.local @!p0 [hbm:s6], $0xF7A  }
0x23: {  	s9 =	sor.u32 $0xD0000000, s2;
	s6 =	simm.s32 $0x108;
	_ =	swait.ge @!p0 [sflag:s8], $0x0  }
0x24: {  	s3 =	sadd.s32 $0x88, s3;
	s6 =	simm.s32 @!p1 $0x1082;
	[sflag:s4] =	ssyncset.s32 $0xFFFFF086  }
0x25: {  	[simem:s6], [sflag:s4] =	dma.local [hbm:s3], $0xF7A  }
0x26: {  	[smem:$0x3F99] =	sst s1;
	(tag) =	ssettag s2;
	_ =	strace s9  }
0x27: {  	s1 =	sld [smem:$0x3FA9]  }
0x28: {  	s2 =	sld [smem:$0x3FAA]  }
0x29: {  	s4 =	sld [smem:$0x3FAC]  }
0x2a: {  	p0 =	seq.s32 s5, $0x0;
	s5 =	sld [smem:$0x3FAD]  }
0x2b: {  	s6 =	sld [smem:$0x3FAE]  }
0x2c: {  	s7 =	sld [smem:$0x3FAF]  }
0x2d: {  	s3 =	simm.s32 $0x108;
	s8 =	sld [smem:$0x3FB0]  }
0x2e: {  	s3 =	simm.s32 @!p0 $0x1082;
	s9 =	sld [smem:$0x3FB1]  }
0x2f: {  	lr =	sadd.s32 s0, s3;
	s0 =	sld [smem:$0x3FA8]  }
0x30: {  	s3 =	sld [smem:$0x3FAB]  }
0x31: {  	[smem:$0x3FB4] =	sst s10  }
0x32: {  	s10 =	sld [smem:$0x3FB2];
	_ =	sdelay $0x3  }
0x33: {  	p0 =	seq.s32 s10, $0x1;
	s10 =	sld [smem:$0x3FB4];
	_ =	sdelay $0x3  }
0x34: {  	[smem:$0x3FB4] =	sst s10  }
0x35: {  	s10 =	sld [smem:$0x3FB3];
	_ =	sdelay $0x3  }
0x36: {  	p1 =	seq.s32 s10, $0x1;
	s10 =	sld [smem:$0x3FB4];
	_ =	sdelay $0x3  }
0x37: {  	[smem:$0x3FB4] =	sst s10  }
0x38: {  	s10 =	sld [smem:$0x3FB5]  }
0x39: {  	_ = 	snop;
	(pc) =	sbr.ind lr, $3  }
0x3a: {  	_ = 	snop  }
0x3b: {  	_ = 	snop  }
0x3c: {  	p2 =	seq.s32 s10, $0x1;
	s10 =	sld [smem:$0x3FB4]  }
0x3d: {  	_ =	shalt  }
0x3e: {  	_ =	shalt  }
0x3f: {  	_ =	shalt  }
0x40: {  	_ =	shalt  }
0x41: {  	_ =	shalt  }
0x42: {  	_ =	shalt  }
0x43: {  	_ =	shalt  }
0x44: {  	_ =	shalt  }
0x45: {  	_ =	shalt  }
0x46: {  	_ =	shalt  }
0x47: {  	_ =	shalt  }
0x48: {  	_ =	shalt  }
0x49: {  	_ =	shalt  }
0x4a: {  	_ =	shalt  }
0x4b: {  	_ =	shalt  }
0x4c: {  	_ =	shalt  }
0x4d: {  	_ =	shalt  }
0x4e: {  	_ =	shalt  }
0x4f: {  	_ =	shalt  }
0x50: {  	_ =	shalt  }
0x51: {  	_ =	shalt  }
0x52: {  	_ =	shalt  }
0x53: {  	_ =	shalt  }
0x54: {  	_ =	shalt  }
0x55: {  	_ =	shalt  }
0x56: {  	_ =	shalt  }
0x57: {  	_ =	shalt  }
0x58: {  	_ =	shalt  }
0x59: {  	_ =	shalt  }
0x5a: {  	_ =	shalt  }
0x5b: {  	_ =	shalt  }
0x5c: {  	_ =	shalt  }
0x5d: {  	_ =	shalt  }
0x5e: {  	_ =	shalt  }
0x5f: {  	_ =	shalt  }
0x60: {  	_ =	shalt  }
0x61: {  	_ =	shalt  }
0x62: {  	_ =	shalt  }
0x63: {  	_ =	shalt  }
0x64: {  	_ =	shalt  }
0x65: {  	_ =	shalt  }
0x66: {  	_ =	shalt  }
0x67: {  	_ =	shalt  }
0x68: {  	_ =	shalt  }
0x69: {  	_ =	shalt  }
0x6a: {  	_ =	shalt  }
0x6b: {  	_ =	shalt  }
0x6c: {  	_ =	shalt  }
0x6d: {  	_ =	shalt  }
0x6e: {  	_ =	shalt  }
0x6f: {  	_ =	shalt  }
0x70: {  	_ =	shalt  }
0x71: {  	_ =	shalt  }
0x72: {  	_ =	shalt  }
0x73: {  	_ =	shalt  }
0x74: {  	_ =	shalt  }
0x75: {  	_ =	shalt  }
0x76: {  	_ =	shalt  }
0x77: {  	_ =	shalt  }
0x78: {  	_ =	shalt  }
0x79: {  	_ =	shalt  }
0x7a: {  	_ =	shalt  }
0x7b: {  	_ =	shalt  }
0x7c: {  	_ =	shalt  }
0x7d: {  	_ =	shalt  }
0x7e: {  	_ =	shalt  }
0x7f: {  	_ =	shalt  }
0x80: {  	_ =	shalt  }
0x81: {  	_ =	shalt  }
0x82: {  	_ =	shalt  }
0x83: {  	_ =	shalt  }
0x84: {  	_ =	shalt  }
0x85: {  	_ =	shalt  }
0x86: {  	_ =	shalt  }
0x87: {  	_ =	shalt  }
.Lfunc_end0:
.L_simem_size_0:
called_computation.1_lowered:
.L_overlay_start_0:
0x88: {  	s2 =	sld [smem:$0x3FD9]  }
0x89: {  	s3 =	sld [smem:$0x3FFE];
	_ =	sdelay $0x1  }
0x8a: {  	s1 =	srdreg.scid  }
0x8b: {  	s0 =	sand.u32 $0x1, s1  }
0x8c: {  	s16 =	sshll.u32 s0, $0xA;
	s2 =	sadd.s32 s3, s2  }
0x8d: {  	s2 =	sadd.s32 s2, s16  }
0x8e: {  	[smem:$0x3FC0] =	sst s2  }
0x8f: {  	_ = 	snop  }
0x90: {  	(tm) =	ssettm $0x1  }
0x91: {  	s17 =	sld [smem:$0x3FFB];
	_ =	sdelay $0x3  }
0x92: {  	_ =	strace s17  }
0x93: {  	s2 =	sld [smem:$0x3FFC];
	_ =	sdelay $0x3  }
0x94: {  	_ =	strace s2  }
0x95: {  	s2 =	sld [smem:$0x3FFD];
	_ =	sdelay $0x3  }
0x96: {  	_ =	strace s2  }
0x97: {  	_ =	strace $0x8FFFFFFF  }
0x98: {  	s18 =	sld [smem:$0x3FDB];
	_ =	sdelay $0x1  }
0x99: {  	s19 =	simm.s32 $_scs_section_size  }
0x9a: {  	s4 =	simm.s32 $_size__tile_overlayer_lowered;
	s5 =	simm.s32 $_tile_overlayer_lowered  }
0x9b: {  	s22 =	simm.s32 $0x1BFF;
	s21 =	sshll.u32 s5, $0x1;
	s2 =	sadd.s32 s19, s18  }
0x9c: {  	s6 =	simm.s32 $0x0;
	s20 =	sshll.u32 s4, $0x1;
	s4 =	sadd.s32 s21, s2  }
0x9d: {  	[timem:s6], [sflag:s22] =	dma.local [hbm:s4], s20  }
0x9e: {  	_ =	swait.ge [sflag:s22], s20  }
0x9f: {  	s3 =	ssub.s32 $0x0, s20;
	[sflag:s22] =	ssyncset.done $0x0  }
0xa0: {  	[sflag:s22] =	ssyncadd.s32 s3;
	_ =	sdelay $0x1  }
0xa1: {  	s23 =	simm.s32 $0x1B8B  }
0xa2: {  	_ =	swait.ge [sflag:s23], $0x1  }
0xa3: {  	[sflag:s23] =	ssyncset.done $0x0  }
0xa4: {  	s25 =	simm.s32 $0x1B8E;
	s24 =	sld [smem:$0x3FFE];
	[sflag:s23] =	ssyncadd.s32 $0xFFFFFFFF  }
0xa5: {  	s26 =	simm.s32 $execute0_lowered;
	[smem:$0x3FD2] =	sst s25  }
0xa6: {  	s4 =	sshll.u32 s26, $0x1;
	_ =	strace $0x80000049;
	[dreg:$0x1] =	wrdreg $0xFFFFFFFF  }
0xa7: {  	s28 =	simm.s32 $_size_execute0_lowered;
	s2 =	sadd.s32 s2, s4;
	[dreg:$0x0] =	wrdreg $0x0  }
0xa8: {  	s4 =	sshll.u32 s28, $0x1;
	[dreg:$0x2] =	wrdreg s2  }
0xa9: {  	[dreg:$0x3] =	wrdreg s4  }
0xaa: {  	[dreg:$0x4] =	wrdreg $0xC0  }
0xab: {  	_ =	task [dreg:s6], $0x5FFFF  }
0xac: {  	[dreg:$0x1] =	wrdreg $0xFFFFFFFF  }
0xad: {  	[dreg:$0x0] =	wrdreg $0x60  }
0xae: {  	[dreg:$0x2] =	wrdreg s24  }
0xaf: {  	[dreg:$0x3] =	wrdreg $0xAA000  }
0xb0: {  	[dreg:$0x4] =	wrdreg $0x9  }
0xb1: {  	_ =	task.clear_ibuf [dreg:s6], $0x5FFFF;
	_ =	strace $0x90000049  }
0xb2: {  	s29 =	simm.s32 $0x9;
	_ =	strace $0x8000004B  }
0xb3: {  	_ =	swait.ge [sflag:s29], $0x1  }
0xb4: {  	[sflag:s29] =	ssyncadd.s32 $0xFFFFFFFF  }
0xb5: {  	_ =	strace $0x9000004B  }
0xb6: {  	_ =	sfence  }
0xb7: {  	s30 =	sld [smem:$0x0];
	_ =	sdelay $0x2  }
0xb8: {  	s31 =	sshll.u32 s1, $0xD;
	s1 =	sshrl.u32 s1, $0x2  }
0xb9: {  	s3 =	sand.u32 $0x4000, s31;
	s1 =	sadd.s32 s1, s30  }
0xba: {  	s0 =	sor.u32 s3, s0;
	s1 =	sshll.u32 s1, $0x11  }
0xbb: {  	s0 =	sor.u32 s1, s0  }
0xbc: {  	s0 =	sadd.s32 $0x8F2B, s0  }
0xbd: {  	[sflag:s0] =	ssyncadd.remote.s32 $0x1  }
0xbe: {  	_ =	sfence.sel $0xFFFF  }
0xbf: {  	[dreg:$0x0] =	wrdreg $0xFFFFFFFF;
	(pc) =	sbr.abs _section_cstart, $3  }
0xc0: {  	[dreg:$0x1] =	wrdreg $0xFFFFFFFF  }
0xc1: {  	_ =	task.clear_ibuf [dreg:s6], $0x2FFFF;
	_ =	strace $0x9FFFFFFF  }
0xc2: {  	(tm) =	ssettm $0x7FFFFFFF  }
0xc3: {  	_ =	shalt  }
tec
execute0_lowered:
.L_overlay_start_1:
0x0: {  	(tag) =	ssettag $0x1  }
0x1: {  	s0 =	rddreg [dreg:$0x0]  }
0x2: {  	s7 =	rddreg [dreg:$0x1];
	s8 =	simm.s32 $0x0;
	s1 =	srdreg.scid  }
0x3: {  	s9 =	stileid.u32;
	[smem:$0x7FF] =	sst s8;
	s2 =	sadd.s32 $0xF8400, s0  }
0x4: {  	s17 =	sadd.s32 $0x2000, s0;
	s1 =	sand.u32 $0x1, s1;
	s18 =	sadd.s32 $0x312C00, s0  }
0x5: {  	s19 =	sadd.s32 $0x52000, s0;
	_ =	strace $0x8000004A;
	[dreg:$0x3] =	wrdreg s2  }
0x6: {  	s3 =	sadd.s32 $0x362C00, s0;
	s5 =	smul.u32 $0x50000, s9;
	[dreg:$0x4] =	wrdreg s17  }
0x7: {  	s4 =	sadd.s32 $0x5C000, s0;
	s28 =	smul.u32 $0x2800, s9;
	[dreg:$0x5] =	wrdreg s18  }
0x8: {  	s23 =	sshll.u32 s9, $0x1;
	s30 =	smul.u32 $0x500, s9;
	[dreg:$0x6] =	wrdreg s19  }
0x9: {  	s24 =	sshll.u32 s9, $0x6;
	s20 =	smul.u32 $0x28000, s1;
	[dreg:$0x7] =	wrdreg s3  }
0xa: {  	s21 =	smul.u32 $0x5000, s1;
	[dreg:$0x8] =	wrdreg s4;
	s22 =	ssub.s32 $0x2, s1  }
0xb: {  	s1 =	sor.u32 s1, s23;
	[dreg:$0x9] =	wrdreg s24;
	s25 =	sor.u32 $0x1C05, s24  }
0xc: {  	s6 =	sshrl.u32 s22, $0x1;
	s5 =	sshrl.u32 s5, $0x2;
	s1 =	smul.u32 $0x280, s1  }
0xd: {  	[dreg:$0xa] =	wrdreg s25;
	s2 =	sadd.s32 s20, s0;
	s3 =	sadd.s32 s21, s0  }
0xe: {  	s4 =	ssub.s32 s22, s6;
	s0 =	sadd.s32 $0xF8500, s0;
	[dreg:$0xb] =	wrdreg s1  }
0xf: {  	[dreg:$0xc] =	wrdreg s0;
	s26 =	sadd.s32 $0x68800, s2;
	s4 =	smax.u32 s4, $0x1  }
0x10: {  	s29 =	sadd.s32 $0x5E800, s3;
	[dreg:$0xd] =	wrdreg s4;
	s0 =	sadd.s32 s28, s26  }
0x11: {  	v2 =	vlaneseq.u32;
	s5 =	sadd.s32 s5, s7;
	s31 =	sadd.s32 s30, s29;
	[dreg:$0xf] =	wrdreg s0  }
0x12: {  	vm0 =	vmmov $0xffff;
	v3 =	vimm.f32 $1.000000000e+00;
	v1 =	vshrl.u32 v2, $0x3;
	s4 =	sshrl.u32 s5, $0x3;
	[dreg:$0x10] =	wrdreg s31  }
0x13: {  	v0 =	vand.u32 $0x7, v2;
	v2 =	vor.u32 $0x8, v2;
	v1 =	vmul.u32 $0x8, v1;
	s2 =	simm.s32 $0x0;
	s5 =	simm.s32 $0x8200;
	[dreg:$0xe] =	wrdreg s4  }
.LBB2_1:
0x14: {  	[dreg:$0x11] =	wrdreg s2  }
0x15: {  	s0 =	rddreg [dreg:$0x8]  }
0x16: {  	s1 =	rddreg [dreg:$0xa];
	s31 =	simm.s32 $0x5  }
0x17: {  	[spmem:s4], [sflag:s1] =	dma.local [hbm:s0], $0x2800  }
0x18: {  	[tilespmem:s5], [sflag:$0x5] =	stream.linear.gather [hbm4b:s0+s8], $0x2800, $0x38;
	[tilespmem:$0x1EA00] =	vst v63  }
0x19: {  	_ =	swait.ge [sflag:s31], $0x2800  }
0x1a: {  	[sflag:s31] =	ssyncset.done $0x0  }
0x1b: {  	[sflag:s31] =	ssyncadd.s32 $0xFFFFD800  }
0x1c: {  	_ =	swait.ge [sflag:s31], $0x2800  }
0x1d: {  	[sflag:s31] =	ssyncset.done $0x0  }
0x1e: {  	[sflag:s31] =	ssyncadd.s32 $0xFFFFD800  }
0x1f: {  	s1 =	simm.s32 $0x0;
	[bflag:$0x0] =	sbarrier.arrive $0xFFFF  }
.LBB2_2:
0x20: {  	s0 =	sshll.u32 s1, $0x5;
	s18 =	rddreg [dreg:$0xb]  }
0x21: {  	[dreg:$0x12] =	wrdreg s1;
	s0 =	sadd.s32 s18, s0  }
0x22: {  	s2 =	rddreg [dreg:$0x4];
	s4 =	simm.s32 $0x0;
	s1 =	sshll.u32 s0, $0x4  }
0x23: {  	s19 =	rddreg [dreg:$0x5];
	s3 =	simm.s32 $0x1000;
	s2 =	sadd.s32 s2, s1  }
0x24: {  	[tilespmem:s4], [sflag:$0x5] =	stream.linear.gather [hbm4b:s2+s4], $0x1000, $0x38;
	[tilespmem:$0x1EA00] =	vst v63  }
0x25: {  	s20 =	rddreg [dreg:$0x7];
	s21 =	simm.s32 $0x2000;
	s2 =	sadd.s32 s19, s1  }
0x26: {  	[tilespmem:s3], [sflag:$0x5] =	stream.linear.gather [hbm4b:s2+s4], $0x1000, $0x38;
	[tilespmem:$0x1EA00] =	vst v63  }
0x27: {  	s22 =	rddreg [dreg:$0x6];
	s0 =	sshll.u32 s0, $0x1;
	s1 =	sadd.s32 s20, s1  }
0x28: {  	[tilespmem:s21], [sflag:$0x5] =	stream.linear.gather [hbm4b:s1+s4], $0x1000, $0x38;
	[tilespmem:$0x1EA00] =	vst v63  }
0x29: {  	s23 =	simm.s32 $0x3000;
	s24 =	simm.s32 $0x5;
	s0 =	sadd.s32 s22, s0  }
0x2a: {  	[tilespmem:s23], [sflag:$0x5] =	stream.linear.gather [hbm4b:s0+s4], $0x200, $0x38;
	[tilespmem:$0x1EA00] =	vst v63  }
0x2b: {  	_ =	swait.ge [sflag:s24], $0x1000  }
0x2c: {  	[sflag:s24] =	ssyncset.done $0x0  }
0x2d: {  	[sflag:s24] =	ssyncadd.s32 $0xFFFFF000  }
0x2e: {  	_ =	swait.ge [sflag:s24], $0x1000  }
0x2f: {  	[sflag:s24] =	ssyncset.done $0x0  }
0x30: {  	[sflag:s24] =	ssyncadd.s32 $0xFFFFF000  }
0x31: {  	_ =	swait.ge [sflag:s24], $0x1000  }
0x32: {  	[sflag:s24] =	ssyncset.done $0x0  }
0x33: {  	[sflag:s24] =	ssyncadd.s32 $0xFFFFF000  }
0x34: {  	_ =	swait.ge [sflag:s24], $0x200  }
0x35: {  	[sflag:s24] =	ssyncset.done $0x0  }
0x36: {  	[sflag:s24] =	ssyncadd.s32 $0xFFFFFE00  }
0x37: {  	v4 =	vld [tilespmem:$0x0];
	_ =	sdelay $0x4  }
0x38: {  	v5 =	vshll.u32 v4, $0x2  }
0x39: {  	v4 =	vand.u32 $0x7, v4;
	v5 =	vand.u32 $0xFFFFFFE0, v5  }
0x3a: {  	v4 =	vor.u32 v4, v5  }
0x3b: {  	v5 =	vperm.xlane v4, v0;
	_ =	sdelay $0x1  }
0x3c: {  	v5 =	vadd.s32 v1, v5;
	_ =	sdelay $0x1  }
0x3d: {  	v4 =	vperm.xlane v4, v2;
	_ =	sdelay $0x1  }
0x3e: {  	s26 =	simm.s32 $0x3200;
	s25 =	rddreg [dreg:$0x3];
	v4 =	vadd.s32 v1, v4  }
0x3f: {  	[tilespmem:s26], [sflag:$0x1] =	stream.indirect_vreg.gather [hbm4b:s25+s4], $0x80, v5, vm0, $0xb8;
	[tilespmem:$0x1EA00] =	vst v63  }
0x40: {  	s29 =	simm.s32 $0x3A00;
	s28 =	rddreg [dreg:$0xc]  }
0x41: {  	[tilespmem:s29], [sflag:$0x1] =	stream.indirect_vreg.gather [hbm4b:s28+s4], $0x80, v5, vm0, $0xb8;
	[tilespmem:$0x1EA00] =	vst v63  }
0x42: {  	s30 =	simm.s32 $0x4200  }
0x43: {  	[tilespmem:s30], [sflag:$0x1] =	stream.indirect_vreg.gather [hbm4b:s25+s4], $0x80, v4, vm0, $0xb8;
	[tilespmem:$0x1EA00] =	vst v63  }
0x44: {  	s31 =	simm.s32 $0x4A00  }
0x45: {  	[tilespmem:s31], [sflag:$0x1] =	stream.indirect_vreg.gather [hbm4b:s28+s4], $0x80, v4, vm0, $0xb8;
	[tilespmem:$0x1EA00] =	vst v63  }
0x46: {  	v4 =	vld [tilespmem:$0x3000];
	_ =	sdelay $0x7  }
0x47: {  	[tilespmem:v4+s5+$0x0] =	vst.idx.add.f32.msk $0xffff, v3  }
0x48: {  	v4 =	vld [tilespmem:$0x3010];
	_ =	sdelay $0x7  }
0x49: {  	[tilespmem:v4+s5+$0x0] =	vst.idx.add.f32.msk $0xffff, v3  }
0x4a: {  	v4 =	vld [tilespmem:$0x3020];
	_ =	sdelay $0x7  }
0x4b: {  	[tilespmem:v4+s5+$0x0] =	vst.idx.add.f32.msk $0xffff, v3  }
0x4c: {  	v4 =	vld [tilespmem:$0x3030];
	_ =	sdelay $0x7  }
0x4d: {  	[tilespmem:v4+s5+$0x0] =	vst.idx.add.f32.msk $0xffff, v3  }
0x4e: {  	v4 =	vld [tilespmem:$0x3040];
	_ =	sdelay $0x7  }
0x4f: {  	[tilespmem:v4+s5+$0x0] =	vst.idx.add.f32.msk $0xffff, v3  }
0x50: {  	v4 =	vld [tilespmem:$0x3050];
	_ =	sdelay $0x7  }
0x51: {  	[tilespmem:v4+s5+$0x0] =	vst.idx.add.f32.msk $0xffff, v3  }
0x52: {  	v4 =	vld [tilespmem:$0x3060];
	_ =	sdelay $0x7  }
0x53: {  	[tilespmem:v4+s5+$0x0] =	vst.idx.add.f32.msk $0xffff, v3  }
0x54: {  	v4 =	vld [tilespmem:$0x3070];
	_ =	sdelay $0x7  }
0x55: {  	[tilespmem:v4+s5+$0x0] =	vst.idx.add.f32.msk $0xffff, v3  }
0x56: {  	v4 =	vld [tilespmem:$0x3080];
	_ =	sdelay $0x7  }
0x57: {  	[tilespmem:v4+s5+$0x0] =	vst.idx.add.f32.msk $0xffff, v3  }
0x58: {  	v4 =	vld [tilespmem:$0x3090];
	_ =	sdelay $0x7  }
0x59: {  	[tilespmem:v4+s5+$0x0] =	vst.idx.add.f32.msk $0xffff, v3  }
0x5a: {  	v4 =	vld [tilespmem:$0x30A0];
	_ =	sdelay $0x7  }
0x5b: {  	[tilespmem:v4+s5+$0x0] =	vst.idx.add.f32.msk $0xffff, v3  }
0x5c: {  	v4 =	vld [tilespmem:$0x30B0];
	_ =	sdelay $0x7  }
0x5d: {  	[tilespmem:v4+s5+$0x0] =	vst.idx.add.f32.msk $0xffff, v3  }
0x5e: {  	v4 =	vld [tilespmem:$0x30C0];
	_ =	sdelay $0x7  }
0x5f: {  	[tilespmem:v4+s5+$0x0] =	vst.idx.add.f32.msk $0xffff, v3  }
0x60: {  	v4 =	vld [tilespmem:$0x30D0];
	_ =	sdelay $0x7  }
0x61: {  	[tilespmem:v4+s5+$0x0] =	vst.idx.add.f32.msk $0xffff, v3  }
0x62: {  	v4 =	vld [tilespmem:$0x30E0];
	_ =	sdelay $0x7  }
0x63: {  	[tilespmem:v4+s5+$0x0] =	vst.idx.add.f32.msk $0xffff, v3  }
0x64: {  	v4 =	vld [tilespmem:$0x30F0];
	_ =	sdelay $0x7  }
0x65: {  	[tilespmem:v4+s5+$0x0] =	vst.idx.add.f32.msk $0xffff, v3  }
0x66: {  	v4 =	vld [tilespmem:$0x3100];
	_ =	sdelay $0x7  }
0x67: {  	[tilespmem:v4+s5+$0x0] =	vst.idx.add.f32.msk $0xffff, v3  }
0x68: {  	v4 =	vld [tilespmem:$0x3110];
	_ =	sdelay $0x7  }
0x69: {  	[tilespmem:v4+s5+$0x0] =	vst.idx.add.f32.msk $0xffff, v3  }
0x6a: {  	v4 =	vld [tilespmem:$0x3120];
	_ =	sdelay $0x7  }
0x6b: {  	[tilespmem:v4+s5+$0x0] =	vst.idx.add.f32.msk $0xffff, v3  }
0x6c: {  	v4 =	vld [tilespmem:$0x3130];
	_ =	sdelay $0x7  }
0x6d: {  	[tilespmem:v4+s5+$0x0] =	vst.idx.add.f32.msk $0xffff, v3  }
0x6e: {  	v4 =	vld [tilespmem:$0x3140];
	_ =	sdelay $0x7  }
0x6f: {  	[tilespmem:v4+s5+$0x0] =	vst.idx.add.f32.msk $0xffff, v3  }
0x70: {  	v4 =	vld [tilespmem:$0x3150];
	_ =	sdelay $0x7  }
0x71: {  	[tilespmem:v4+s5+$0x0] =	vst.idx.add.f32.msk $0xffff, v3  }
0x72: {  	v4 =	vld [tilespmem:$0x3160];
	_ =	sdelay $0x7  }
0x73: {  	[tilespmem:v4+s5+$0x0] =	vst.idx.add.f32.msk $0xffff, v3  }
0x74: {  	v4 =	vld [tilespmem:$0x3170];
	_ =	sdelay $0x7  }
0x75: {  	[tilespmem:v4+s5+$0x0] =	vst.idx.add.f32.msk $0xffff, v3  }
0x76: {  	v4 =	vld [tilespmem:$0x3180];
	_ =	sdelay $0x7  }
0x77: {  	[tilespmem:v4+s5+$0x0] =	vst.idx.add.f32.msk $0xffff, v3  }
0x78: {  	v4 =	vld [tilespmem:$0x3190];
	_ =	sdelay $0x7  }
0x79: {  	[tilespmem:v4+s5+$0x0] =	vst.idx.add.f32.msk $0xffff, v3  }
0x7a: {  	v4 =	vld [tilespmem:$0x31A0];
	_ =	sdelay $0x7  }
0x7b: {  	[tilespmem:v4+s5+$0x0] =	vst.idx.add.f32.msk $0xffff, v3  }
0x7c: {  	v4 =	vld [tilespmem:$0x31B0];
	_ =	sdelay $0x7  }
0x7d: {  	[tilespmem:v4+s5+$0x0] =	vst.idx.add.f32.msk $0xffff, v3  }
0x7e: {  	v4 =	vld [tilespmem:$0x31C0];
	_ =	sdelay $0x7  }
0x7f: {  	[tilespmem:v4+s5+$0x0] =	vst.idx.add.f32.msk $0xffff, v3  }
0x80: {  	v4 =	vld [tilespmem:$0x31D0];
	_ =	sdelay $0x7  }
0x81: {  	[tilespmem:v4+s5+$0x0] =	vst.idx.add.f32.msk $0xffff, v3  }
0x82: {  	v4 =	vld [tilespmem:$0x31E0];
	_ =	sdelay $0x7  }
0x83: {  	[tilespmem:v4+s5+$0x0] =	vst.idx.add.f32.msk $0xffff, v3  }
0x84: {  	v4 =	vld [tilespmem:$0x31F0];
	_ =	sdelay $0x7  }
0x85: {  	[tilespmem:v4+s5+$0x0] =	vst.idx.add.f32.msk $0xffff, v3  }
.LBB2_3:
0x86: {  	s3 =	sshll.u32 s4, $0x8  }
0x87: {  	v4 =	vld [tilespmem:s3+$0x80];
	_ =	sdelay $0x4  }
0x88: {  	v5 =	vshll.u32 v4, $0x2  }
0x89: {  	v4 =	vand.u32 $0x7, v4;
	v5 =	vand.u32 $0xFFFFFFE0, v5  }
0x8a: {  	v4 =	vor.u32 v4, v5  }
0x8b: {  	v5 =	vperm.xlane v4, v0;
	_ =	sdelay $0x1  }
0x8c: {  	v5 =	vadd.s32 v1, v5;
	_ =	sdelay $0x1  }
0x8d: {  	v4 =	vperm.xlane v4, v2;
	_ =	sdelay $0x1  }
0x8e: {  	s0 =	rddreg [dreg:$0x3];
	s1 =	simm.s32 $0x5200;
	v4 =	vadd.s32 v1, v4  }
0x8f: {  	[tilespmem:s1], [sflag:$0x2] =	stream.indirect_vreg.gather [hbm4b:s0+s8], $0x80, v5, vm0, $0xb8;
	[tilespmem:$0x1EA00] =	vst v63  }
0x90: {  	s6 =	rddreg [dreg:$0xc];
	s2 =	simm.s32 $0x5A00  }
0x91: {  	[tilespmem:s2], [sflag:$0x2] =	stream.indirect_vreg.gather [hbm4b:s6+s8], $0x80, v5, vm0, $0xb8;
	[tilespmem:$0x1EA00] =	vst v63  }
0x92: {  	s7 =	simm.s32 $0x6200  }
0x93: {  	[tilespmem:s7], [sflag:$0x2] =	stream.indirect_vreg.gather [hbm4b:s0+s8], $0x80, v4, vm0, $0xb8;
	[tilespmem:$0x1EA00] =	vst v63  }
0x94: {  	s9 =	simm.s32 $0x6A00;
	s10 =	simm.s32 $0x1  }
0x95: {  	[tilespmem:s9], [sflag:$0x2] =	stream.indirect_vreg.gather [hbm4b:s6+s8], $0x80, v4, vm0, $0xb8;
	[tilespmem:$0x1EA00] =	vst v63  }
0x96: {  	_ =	swait.ge [sflag:s10], $0x2000  }
0x97: {  	p0 =	seq.s32 s4, $0x0;
	[sflag:s10] =	ssyncset.done $0x0  }
0x98: {  	s0 =	simm.s32 @!p0 $0x3;
	[dreg:$0x13] =	wrdreg s4;
	[sflag:s10] =	ssyncadd.s32 $0xFFFFE000  }
0x99: {  	_ =	swait.ge @!p0 [sflag:s0], $0x800  }
0x9a: {  	[sflag:s0] =	ssyncset.done @!p0 $0x0  }
0x9b: {  	[sflag:s0] =	ssyncadd.s32 @!p0 $0xFFFFF800  }
0x9c: {  	v4 =	vld [tilespmem:s3+$0x2000]  }
0x9d: {  	v5 =	vld [tilespmem:s3+$0x2010]  }
0x9e: {  	v6 =	vld [tilespmem:s3+$0x2020];
	_ =	sdelay $0x2  }
0x9f: {  	(v2sf) =	vpush v4, $0x0  }
0xa0: {  	(v2sf) =	vpush v5, $0x0  }
0xa1: {  	(v2sf) =	vpush v6, $0x0  }
0xa2: {  	(v2sf) =	vpush v4, $0x1  }
0xa3: {  	(v2sf) =	vpush v5, $0x1  }
0xa4: {  	(v2sf) =	vpush v6, $0x1  }
0xa5: {  	(v2sf) =	vpush v4, $0x2  }
0xa6: {  	(v2sf) =	vpush v5, $0x2  }
0xa7: {  	(v2sf) =	vpush v6, $0x2  }
0xa8: {  	(v2sf) =	vpush v4, $0x3  }
0xa9: {  	(v2sf) =	vpush v5, $0x3  }
0xaa: {  	(v2sf) =	vpush v6, $0x3  }
0xab: {  	(v2sf) =	vpush v4, $0x4  }
0xac: {  	(v2sf) =	vpush v5, $0x4  }
0xad: {  	(v2sf) =	vpush v6, $0x4  }
0xae: {  	[dreg:$0x15] =	wrdreg s3;
	s11 =	spop (v2sf);
	(v2sf) =	vpush v4, $0x5  }
0xaf: {  	[smem:$0x0] =	sst s11;
	s12 =	spop (v2sf);
	(v2sf) =	vpush v5, $0x5  }
0xb0: {  	[smem:$0x80] =	sst s12;
	s13 =	spop (v2sf);
	(v2sf) =	vpush v6, $0x5  }
0xb1: {  	[smem:$0x100] =	sst s13;
	s14 =	spop (v2sf);
	(v2sf) =	vpush v4, $0x6  }
0xb2: {  	[smem:$0x1] =	sst s14;
	s15 =	spop (v2sf);
	(v2sf) =	vpush v5, $0x6  }
0xb3: {  	[smem:$0x81] =	sst s15;
	s16 =	spop (v2sf);
	(v2sf) =	vpush v6, $0x6  }
0xb4: {  	[smem:$0x101] =	sst s16;
	s17 =	spop (v2sf)  }
0xb5: {  	(v2sf) =	vpush v4, $0x7;
	[smem:$0x2] =	sst s17;
	s18 =	spop (v2sf)  }
0xb6: {  	(v2sf) =	vpush v5, $0x7;
	[smem:$0x82] =	sst s18;
	s19 =	spop (v2sf)  }
0xb7: {  	(v2sf) =	vpush v6, $0x7;
	[smem:$0x102] =	sst s19;
	s20 =	spop (v2sf)  }
0xb8: {  	(v2sf) =	vpush v4, $0x8;
	[smem:$0x3] =	sst s20;
	s21 =	spop (v2sf)  }
0xb9: {  	(v2sf) =	vpush v5, $0x8;
	[smem:$0x83] =	sst s21;
	s22 =	spop (v2sf)  }
0xba: {  	(v2sf) =	vpush v6, $0x8;
	[smem:$0x103] =	sst s22;
	s23 =	spop (v2sf)  }
0xbb: {  	(v2sf) =	vpush v4, $0x9;
	[smem:$0x4] =	sst s23;
	s24 =	spop (v2sf)  }
0xbc: {  	(v2sf) =	vpush v5, $0x9;
	[smem:$0x84] =	sst s24;
	s25 =	spop (v2sf)  }
0xbd: {  	(v2sf) =	vpush v6, $0x9;
	[smem:$0x104] =	sst s25;
	s26 =	spop (v2sf)  }
0xbe: {  	(v2sf) =	vpush v4, $0xA;
	[smem:$0x5] =	sst s26;
	s28 =	spop (v2sf)  }
0xbf: {  	(v2sf) =	vpush v5, $0xA;
	[smem:$0x85] =	sst s28;
	s29 =	spop (v2sf)  }
0xc0: {  	(v2sf) =	vpush v6, $0xA;
	[smem:$0x105] =	sst s29;
	s30 =	spop (v2sf)  }
0xc1: {  	(v2sf) =	vpush v4, $0xB;
	[smem:$0x6] =	sst s30;
	s31 =	spop (v2sf)  }
0xc2: {  	(v2sf) =	vpush v5, $0xB;
	[smem:$0x86] =	sst s31;
	s1 =	spop (v2sf)  }
0xc3: {  	(v2sf) =	vpush v6, $0xB;
	s31 =	sor.u32 $0x80, s3;
	[smem:$0x106] =	sst s1  }
0xc4: {  	s2 =	spop (v2sf);
	(v2sf) =	vpush v4, $0xC;
	[dreg:$0x14] =	wrdreg s31  }
0xc5: {  	[smem:$0x7] =	sst s2;
	s4 =	spop (v2sf);
	(v2sf) =	vpush v5, $0xC  }
0xc6: {  	[smem:$0x87] =	sst s4;
	s5 =	spop (v2sf);
	(v2sf) =	vpush v6, $0xC  }
0xc7: {  	[smem:$0x107] =	sst s5;
	s6 =	spop (v2sf);
	(v2sf) =	vpush v4, $0xD  }
0xc8: {  	[smem:$0x8] =	sst s6;
	s7 =	spop (v2sf);
	(v2sf) =	vpush v5, $0xD  }
0xc9: {  	[smem:$0x88] =	sst s7;
	s8 =	spop (v2sf);
	(v2sf) =	vpush v6, $0xD  }
0xca: {  	[smem:$0x108] =	sst s8;
	s9 =	spop (v2sf);
	(v2sf) =	vpush v4, $0xE  }
0xcb: {  	[smem:$0x9] =	sst s9;
	s10 =	spop (v2sf);
	(v2sf) =	vpush v5, $0xE  }
0xcc: {  	[smem:$0x89] =	sst s10;
	s11 =	spop (v2sf);
	(v2sf) =	vpush v6, $0xE  }
0xcd: {  	[smem:$0x109] =	sst s11;
	s12 =	spop (v2sf);
	(v2sf) =	vpush v4, $0xF  }
0xce: {  	[smem:$0xA] =	sst s12;
	s13 =	spop (v2sf);
	(v2sf) =	vpush v5, $0xF  }
0xcf: {  	[smem:$0x8A] =	sst s13;
	s14 =	spop (v2sf);
	(v2sf) =	vpush v6, $0xF  }
0xd0: {  	s15 =	spop (v2sf);
	[smem:$0x10A] =	sst s14  }
0xd1: {  	s16 =	spop (v2sf);
	[smem:$0xB] =	sst s15  }
0xd2: {  	s17 =	spop (v2sf);
	[smem:$0x8B] =	sst s16  }
0xd3: {  	s18 =	spop (v2sf);
	[smem:$0x10B] =	sst s17  }
0xd4: {  	s19 =	spop (v2sf);
	[smem:$0xC] =	sst s18  }
0xd5: {  	s20 =	spop (v2sf);
	[smem:$0x8C] =	sst s19  }
0xd6: {  	s21 =	spop (v2sf);
	[smem:$0x10C] =	sst s20  }
0xd7: {  	s22 =	spop (v2sf);
	[smem:$0xD] =	sst s21  }
0xd8: {  	s23 =	spop (v2sf);
	[smem:$0x8D] =	sst s22  }
0xd9: {  	s24 =	spop (v2sf);
	[smem:$0x10D] =	sst s23  }
0xda: {  	p1 =	por $0x0, $0x0;
	s25 =	spop (v2sf);
	[smem:$0xE] =	sst s24  }
0xdb: {  	s0 =	simm.s32 $0xFFFFFFFC;
	s26 =	spop (v2sf);
	[smem:$0x8E] =	sst s25  }
0xdc: {  	s4 =	simm.s32 $0x82;
	s28 =	spop (v2sf);
	[smem:$0x10E] =	sst s26  }
0xdd: {  	s5 =	simm.s32 $0x0;
	s29 =	spop (v2sf);
	[smem:$0xF] =	sst s28  }
0xde: {  	s7 =	simm.s32 $0x0;
	[smem:$0x8F] =	sst s29;
	s30 =	spop (v2sf)  }
0xdf: {  	s8 =	simm.s32 $0x0;
	s12 =	simm.s32 $0x0;
	[smem:$0x10F] =	sst s30  }
.LBB2_4:
0xe0: {  	s23 =	sld [smem:s4+$0xFFFFFFFE]  }
0xe1: {  	s9 =	sld [smem:s4+$0x7E];
	s1 =	sand.u32 $0x1000, s12  }
0xe2: {  	s2 =	sld [smem:s4+$0xFFFFFF7E];
	s3 =	sand.u32 $0x200, s5;
	s21 =	sadd.s32 $0x3200, s1  }
0xe3: {  	s22 =	sadd.s32 s3, s21;
	s10 =	ssub.f32 $1.000000000e+00, s23  }
0xe4: {  	s24 =	ssub.f32 $1.000000000e+00, s9;
	v4 =	vld [tilespmem:s22+$0x0]  }
0xe5: {  	v5 =	vld [tilespmem:s22+$0x40]  }
0xe6: {  	s3 =	simm.s32 $0x1;
	s13 =	ssub.f32 $1.000000000e+00, s2;
	s11 =	smul.f32 s24, s10  }
0xe7: {  	s3 =	simm.s32 @!p1 $0x0;
	v6 =	vld [tilespmem:s22+$0x400];
	s14 =	smul.f32 s24, s23  }
0xe8: {  	s25 =	sshll.u32 s3, $0x9;
	s6 =	smul.f32 s11, s13  }
0xe9: {  	v7 =	vld [tilespmem:s22+$0x440];
	s25 =	sadd.s32 s25, s12;
	s11 =	smul.f32 s11, s2  }
0xea: {  	s26 =	sor.u32 $0x800, s25;
	v8 =	vunpack.i.u.bf16.f32 v4;
	v4 =	vunpack.i.l.bf16.f32 v4;
	v9 =	vunpack.i.l.bf16.f32 v5  }
0xeb: {  	s1 =	smul.f32 s14, s13;
	v10 =	vld [tilespmem:s26+$0x3200];
	v5 =	vunpack.i.u.bf16.f32 v5;
	v4 =	vmul.f32 s6, v4;
	v9 =	vmul.f32 s11, v9  }
0xec: {  	s10 =	smul.f32 s9, s10;
	s15 =	sor.u32 $0x840, s25;
	v11 =	vunpack.i.l.bf16.f32 v6;
	v8 =	vmul.f32 s6, v8;
	v5 =	vmul.f32 s11, v5  }
0xed: {  	s3 =	smul.f32 s14, s2;
	v61 =	vld [tilespmem:s15+$0x3200];
	v6 =	vunpack.i.u.bf16.f32 v6;
	v60 =	vmul.f32 s1, v11;
	v4 =	vadd.f32 v9, v4  }
0xee: {  	s28 =	sor.u32 $0xC00, s25;
	v62 =	vunpack.i.l.bf16.f32 v7;
	v6 =	vmul.f32 s1, v6;
	v5 =	vadd.f32 v5, v8  }
0xef: {  	s26 =	smul.f32 s10, s13;
	v63 =	vld [tilespmem:s28+$0x3200];
	v7 =	vunpack.i.u.bf16.f32 v7;
	v8 =	vmul.f32 s3, v62;
	v4 =	vadd.f32 v60, v4  }
0xf0: {  	s9 =	smul.f32 s9, s23;
	s29 =	sor.u32 $0xC40, s25;
	v12 =	vmul.f32 s3, v7;
	v13 =	vunpack.i.l.bf16.f32 v10;
	v5 =	vadd.f32 v6, v5  }
0xf1: {  	[dreg:$0x16] =	wrdreg s0;
	s0 =	smul.f32 s10, s2;
	v15 =	vld [tilespmem:s29+$0x3200];
	v14 =	vunpack.i.u.bf16.f32 v10;
	v7 =	vmul.f32 s26, v13;
	v4 =	vadd.f32 v8, v4  }
0xf2: {  	v17 =	vunpack.i.l.bf16.f32 v61;
	v16 =	vmul.f32 s26, v14;
	v5 =	vadd.f32 v12, v5  }
0xf3: {  	s16 =	smul.f32 s9, s13;
	v18 =	vunpack.i.u.bf16.f32 v61;
	v8 =	vmul.f32 s0, v17;
	v4 =	vadd.f32 v7, v4  }
0xf4: {  	v20 =	vunpack.i.l.bf16.f32 v63;
	v19 =	vmul.f32 s0, v18;
	v5 =	vadd.f32 v16, v5  }
0xf5: {  	s23 =	smul.f32 s9, s2;
	v21 =	vunpack.i.u.bf16.f32 v63;
	v7 =	vmul.f32 s16, v20;
	v4 =	vadd.f32 v8, v4  }
0xf6: {  	v23 =	vunpack.i.l.bf16.f32 v15;
	v22 =	vmul.f32 s16, v21;
	v5 =	vadd.f32 v19, v5  }
0xf7: {  	v24 =	vunpack.i.u.bf16.f32 v15;
	v8 =	vmul.f32 s23, v23;
	v4 =	vadd.f32 v7, v4  }
0xf8: {  	v25 =	vmul.f32 s23, v24;
	v5 =	vadd.f32 v22, v5  }
0xf9: {  	v4 =	vadd.f32 v8, v4  }
0xfa: {  	s10 =	sshra.s32 s12, $0x2;
	v5 =	vadd.f32 v25, v5  }
0xfb: {  	[tilespmem:s10+$0x7200] =	vst v4  }
0xfc: {  	[tilespmem:s10+$0x7210] =	vst v5  }
0xfd: {  	v4 =	vld [tilespmem:s22+$0x10]  }
0xfe: {  	v5 =	vld [tilespmem:s22+$0x50];
	_ =	sdelay $0x1  }
0xff: {  	v26 =	vld [tilespmem:s22+$0x410];
	_ =	sdelay $0x1  }
0x100: {  	v27 =	vld [tilespmem:s22+$0x450]  }
0x101: {  	s30 =	sor.u32 $0x810, s25;
	v28 =	vunpack.i.u.bf16.f32 v4;
	v4 =	vunpack.i.l.bf16.f32 v4;
	v29 =	vunpack.i.l.bf16.f32 v5  }
0x102: {  	v30 =	vld [tilespmem:s30+$0x3200];
	v5 =	vunpack.i.u.bf16.f32 v5;
	v4 =	vmul.f32 s6, v4;
	v9 =	vmul.f32 s11, v29  }
0x103: {  	s31 =	sor.u32 $0x850, s25;
	v31 =	vunpack.i.l.bf16.f32 v26;
	v8 =	vmul.f32 s6, v28;
	v5 =	vmul.f32 s11, v5  }
0x104: {  	v33 =	vld [tilespmem:s31+$0x3200];
	v6 =	vunpack.i.u.bf16.f32 v26;
	v32 =	vmul.f32 s1, v31;
	v4 =	vadd.f32 v9, v4  }
0x105: {  	s9 =	sor.u32 $0xC10, s25;
	v34 =	vunpack.i.l.bf16.f32 v27;
	v6 =	vmul.f32 s1, v6;
	v5 =	vadd.f32 v5, v8  }
0x106: {  	v35 =	vld [tilespmem:s9+$0x3200];
	v7 =	vunpack.i.u.bf16.f32 v27;
	v8 =	vmul.f32 s3, v34;
	v4 =	vadd.f32 v32, v4  }
0x107: {  	s13 =	sor.u32 $0xC50, s25;
	v37 =	vunpack.i.l.bf16.f32 v30;
	v36 =	vmul.f32 s3, v7;
	v5 =	vadd.f32 v6, v5  }
0x108: {  	v39 =	vld [tilespmem:s13+$0x3200];
	v38 =	vunpack.i.u.bf16.f32 v30;
	v7 =	vmul.f32 s26, v37;
	v4 =	vadd.f32 v8, v4  }
0x109: {  	v41 =	vunpack.i.l.bf16.f32 v33;
	v40 =	vmul.f32 s26, v38;
	v5 =	vadd.f32 v36, v5  }
0x10a: {  	v42 =	vunpack.i.u.bf16.f32 v33;
	v8 =	vmul.f32 s0, v41;
	v4 =	vadd.f32 v7, v4  }
0x10b: {  	v44 =	vunpack.i.l.bf16.f32 v35;
	v43 =	vmul.f32 s0, v42;
	v5 =	vadd.f32 v40, v5  }
0x10c: {  	v45 =	vunpack.i.u.bf16.f32 v35;
	v7 =	vmul.f32 s16, v44;
	v4 =	vadd.f32 v8, v4  }
0x10d: {  	v47 =	vunpack.i.l.bf16.f32 v39;
	v46 =	vmul.f32 s16, v45;
	v5 =	vadd.f32 v43, v5  }
0x10e: {  	v48 =	vunpack.i.u.bf16.f32 v39;
	v8 =	vmul.f32 s23, v47;
	v4 =	vadd.f32 v7, v4  }
0x10f: {  	v49 =	vmul.f32 s23, v48;
	v5 =	vadd.f32 v46, v5  }
0x110: {  	s19 =	sadd.s32 $0x80, s5;
	v4 =	vadd.f32 v8, v4  }
0x111: {  	s13 =	sand.u32 $0x280, s19;
	v5 =	vadd.f32 v49, v5  }
0x112: {  	s13 =	sadd.s32 s13, s21;
	[tilespmem:s10+$0x7220] =	vst v4  }
0x113: {  	v17 =	vld [tilespmem:s13+$0x0];
	[tilespmem:s10+$0x7230] =	vst v5  }
0x114: {  	v4 =	vld [tilespmem:s22+$0x20]  }
0x115: {  	v5 =	vld [tilespmem:s22+$0x60]  }
0x116: {  	v50 =	vld [tilespmem:s22+$0x420]  }
0x117: {  	s14 =	sor.u32 $0x820, s25;
	v51 =	vld [tilespmem:s22+$0x460]  }
0x118: {  	s15 =	sor.u32 $0x860, s25;
	v54 =	vld [tilespmem:s14+$0x3200]  }
0x119: {  	s17 =	sor.u32 $0xC20, s25;
	v57 =	vld [tilespmem:s15+$0x3200]  }
0x11a: {  	v59 =	vld [tilespmem:s17+$0x3200]  }
0x11b: {  	s18 =	sor.u32 $0xC60, s25;
	s28 =	sld [smem:s4+$0x7F];
	v25 =	vunpack.i.u.bf16.f32 v17;
	v11 =	vunpack.i.l.bf16.f32 v17;
	v52 =	vunpack.i.u.bf16.f32 v4  }
0x11c: {  	v63 =	vld [tilespmem:s18+$0x3200];
	v4 =	vunpack.i.l.bf16.f32 v4;
	v53 =	vunpack.i.l.bf16.f32 v5;
	v5 =	vunpack.i.u.bf16.f32 v5  }
0x11d: {  	s2 =	sld [smem:s4+$0xFFFFFFFF];
	v55 =	vunpack.i.l.bf16.f32 v50;
	v6 =	vunpack.i.u.bf16.f32 v50;
	v58 =	vunpack.i.l.bf16.f32 v51  }
0x11e: {  	s20 =	ssub.f32 $1.000000000e+00, s28;
	v7 =	vunpack.i.u.bf16.f32 v51;
	v61 =	vunpack.i.l.bf16.f32 v54;
	v62 =	vunpack.i.u.bf16.f32 v54  }
0x11f: {  	s9 =	sld [smem:s4+$0xFFFFFF7F];
	v13 =	vunpack.i.l.bf16.f32 v57;
	v14 =	vunpack.i.u.bf16.f32 v57;
	v16 =	vunpack.i.l.bf16.f32 v59  }
0x120: {  	s14 =	ssub.f32 $1.000000000e+00, s2;
	v19 =	vunpack.i.u.bf16.f32 v59;
	v4 =	vmul.f32 s6, v4;
	v9 =	vmul.f32 s11, v53  }
0x121: {  	v20 =	vunpack.i.l.bf16.f32 v63;
	v8 =	vmul.f32 s6, v52;
	v5 =	vmul.f32 s11, v5  }
0x122: {  	v22 =	vld [tilespmem:s13+$0x400];
	s29 =	ssub.f32 $1.000000000e+00, s9;
	s18 =	smul.f32 s20, s14;
	v10 =	vunpack.i.u.bf16.f32 v63;
	v56 =	vmul.f32 s1, v55;
	v6 =	vmul.f32 s1, v6  }
0x123: {  	s30 =	smul.f32 s20, s2;
	s17 =	sand.u32 $0x7, s8;
	v60 =	vmul.f32 s3, v7;
	v7 =	vmul.f32 s26, v61;
	v4 =	vadd.f32 v9, v4  }
0x124: {  	s17 =	sshll.u32 s17, $0x7;
	s15 =	smul.f32 s18, s29;
	v12 =	vmul.f32 s26, v62;
	v15 =	vmul.f32 s0, v14;
	v5 =	vadd.f32 v5, v8  }
0x125: {  	v18 =	vld [tilespmem:s13+$0x40];
	s24 =	sadd.s32 s12, s17;
	v21 =	vmul.f32 s23, v20;
	v8 =	vmul.f32 s3, v58;
	v4 =	vadd.f32 v56, v4  }
0x126: {  	s19 =	smul.f32 s30, s29;
	s17 =	sadd.s32 $0x80, s24;
	v23 =	vmul.f32 s23, v10;
	v11 =	vmul.f32 s15, v11;
	v5 =	vadd.f32 v6, v5  }
0x127: {  	[dreg:$0x1a] =	wrdreg s8;
	v24 =	vld [tilespmem:s13+$0x440];
	s8 =	sor.u32 $0x840, s17;
	v10 =	vmul.f32 s15, v25;
	v14 =	vunpack.i.l.bf16.f32 v22;
	v4 =	vadd.f32 v8, v4  }
0x128: {  	[dreg:$0x1c] =	wrdreg s24;
	s24 =	sor.u32 $0xC00, s17;
	v27 =	vld [tilespmem:s8+$0x3200];
	v26 =	vmul.f32 s19, v14;
	v9 =	vunpack.i.u.bf16.f32 v22;
	v5 =	vadd.f32 v60, v5  }
0x129: {  	s20 =	smul.f32 s18, s9;
	v29 =	vld [tilespmem:s24+$0x3200];
	v9 =	vmul.f32 s19, v9;
	v8 =	vmul.f32 s0, v13;
	v4 =	vadd.f32 v7, v4  }
0x12a: {  	s31 =	sor.u32 $0x800, s17;
	v6 =	vmul.f32 s16, v19;
	v5 =	vadd.f32 v12, v5;
	v12 =	vunpack.i.l.bf16.f32 v18  }
0x12b: {  	v13 =	vld [tilespmem:s31+$0x3200];
	v12 =	vmul.f32 s20, v12;
	v4 =	vadd.f32 v8, v4;
	v8 =	vunpack.i.u.bf16.f32 v18  }
0x12c: {  	v28 =	vunpack.i.l.bf16.f32 v24;
	s18 =	smul.f32 s30, s9;
	v7 =	vmul.f32 s16, v16;
	v8 =	vmul.f32 s20, v8  }
0x12d: {  	s24 =	sor.u32 $0xC40, s17;
	v34 =	vunpack.i.l.bf16.f32 v27;
	v35 =	vunpack.i.u.bf16.f32 v27;
	s31 =	smul.f32 s28, s14;
	v11 =	vadd.f32 v12, v11  }
0x12e: {  	v32 =	vld [tilespmem:s24+$0x3200];
	v37 =	vunpack.i.l.bf16.f32 v29;
	v4 =	vadd.f32 v7, v4;
	v8 =	vadd.f32 v8, v10  }
0x12f: {  	s14 =	smul.f32 s31, s29;
	v7 =	vunpack.i.u.bf16.f32 v24;
	v11 =	vadd.f32 v26, v11;
	v10 =	vmul.f32 s18, v28  }
0x130: {  	s8 =	smul.f32 s28, s2;
	v30 =	vunpack.i.l.bf16.f32 v13;
	v7 =	vmul.f32 s18, v7;
	v8 =	vadd.f32 v9, v8  }
0x131: {  	s2 =	smul.f32 s31, s9;
	v31 =	vunpack.i.u.bf16.f32 v13;
	v10 =	vadd.f32 v10, v11;
	v9 =	vmul.f32 s14, v30  }
0x132: {  	v38 =	vunpack.i.u.bf16.f32 v29;
	v33 =	vmul.f32 s14, v31;
	v7 =	vadd.f32 v7, v8  }
0x133: {  	v40 =	vunpack.i.l.bf16.f32 v32;
	s28 =	smul.f32 s8, s29;
	v11 =	vmul.f32 s2, v34;
	v9 =	vadd.f32 v9, v10  }
0x134: {  	v5 =	vadd.f32 v15, v5;
	v36 =	vmul.f32 s2, v35;
	v7 =	vadd.f32 v33, v7  }
0x135: {  	v41 =	vunpack.i.u.bf16.f32 v32;
	s9 =	smul.f32 s8, s9;
	v10 =	vmul.f32 s28, v37;
	v9 =	vadd.f32 v11, v9  }
0x136: {  	v39 =	vmul.f32 s28, v38;
	v5 =	vadd.f32 v6, v5;
	v7 =	vadd.f32 v36, v7  }
0x137: {  	v4 =	vadd.f32 v21, v4;
	v11 =	vmul.f32 s9, v40;
	v9 =	vadd.f32 v10, v9  }
0x138: {  	v43 =	vmul.f32 s9, v41;
	v5 =	vadd.f32 v23, v5;
	v42 =	vadd.f32 v39, v7  }
0x139: {  	[tilespmem:s10+$0x7240] =	vst v4;
	v4 =	vadd.f32 v11, v9  }
0x13a: {  	[tilespmem:s10+$0x7250] =	vst v5;
	v5 =	vadd.f32 v43, v42  }
0x13b: {  	[tilespmem:s10+$0x7280] =	vst v4  }
0x13c: {  	[tilespmem:s10+$0x7290] =	vst v5  }
0x13d: {  	v5 =	vld [tilespmem:s13+$0x10]  }
0x13e: {  	v44 =	vld [tilespmem:s13+$0x50];
	_ =	sdelay $0x1  }
0x13f: {  	v45 =	vld [tilespmem:s13+$0x410];
	_ =	sdelay $0x1  }
0x140: {  	v47 =	vld [tilespmem:s13+$0x450]  }
0x141: {  	s31 =	sor.u32 $0x810, s17;
	v48 =	vunpack.i.u.bf16.f32 v5;
	v5 =	vunpack.i.l.bf16.f32 v5;
	v49 =	vunpack.i.l.bf16.f32 v44  }
0x142: {  	v50 =	vld [tilespmem:s31+$0x3200];
	v6 =	vunpack.i.u.bf16.f32 v44;
	v5 =	vmul.f32 s15, v5;
	v11 =	vmul.f32 s20, v49  }
0x143: {  	s8 =	sor.u32 $0x850, s17;
	v51 =	vunpack.i.l.bf16.f32 v45;
	v10 =	vmul.f32 s15, v48;
	v6 =	vmul.f32 s20, v6  }
0x144: {  	v53 =	vld [tilespmem:s8+$0x3200];
	v7 =	vunpack.i.u.bf16.f32 v45;
	v52 =	vmul.f32 s19, v51;
	v5 =	vadd.f32 v11, v5  }
0x145: {  	s24 =	sor.u32 $0xC10, s17;
	v54 =	vunpack.i.l.bf16.f32 v47;
	v7 =	vmul.f32 s19, v7;
	v6 =	vadd.f32 v6, v10  }
0x146: {  	v55 =	vld [tilespmem:s24+$0x3200];
	v9 =	vunpack.i.u.bf16.f32 v47;
	v10 =	vmul.f32 s18, v54;
	v5 =	vadd.f32 v52, v5  }
0x147: {  	s30 =	sor.u32 $0xC50, s17;
	v57 =	vunpack.i.l.bf16.f32 v50;
	v56 =	vmul.f32 s18, v9;
	v6 =	vadd.f32 v7, v6  }
0x148: {  	v59 =	vld [tilespmem:s30+$0x3200];
	v58 =	vunpack.i.u.bf16.f32 v50;
	v9 =	vmul.f32 s14, v57;
	v5 =	vadd.f32 v10, v5  }
0x149: {  	v61 =	vunpack.i.l.bf16.f32 v53;
	v60 =	vmul.f32 s14, v58;
	v6 =	vadd.f32 v56, v6  }
0x14a: {  	v62 =	vunpack.i.u.bf16.f32 v53;
	v10 =	vmul.f32 s2, v61;
	v5 =	vadd.f32 v9, v5  }
0x14b: {  	v63 =	vld [tilespmem:s22+$0x70];
	v17 =	vunpack.i.l.bf16.f32 v55;
	v16 =	vmul.f32 s2, v62;
	v6 =	vadd.f32 v60, v6  }
0x14c: {  	v4 =	vld [tilespmem:s22+$0x30];
	v18 =	vunpack.i.u.bf16.f32 v55;
	v9 =	vmul.f32 s28, v17;
	v5 =	vadd.f32 v10, v5  }
0x14d: {  	v19 =	vld [tilespmem:s22+$0x430];
	v21 =	vunpack.i.l.bf16.f32 v59;
	v20 =	vmul.f32 s28, v18;
	v6 =	vadd.f32 v16, v6  }
0x14e: {  	v23 =	vld [tilespmem:s22+$0x470];
	v22 =	vunpack.i.u.bf16.f32 v59;
	v10 =	vmul.f32 s9, v21;
	v5 =	vadd.f32 v9, v5  }
0x14f: {  	v24 =	vmul.f32 s9, v22;
	v6 =	vadd.f32 v20, v6  }
0x150: {  	v25 =	vunpack.i.l.bf16.f32 v63;
	v26 =	vunpack.i.u.bf16.f32 v63;
	v5 =	vadd.f32 v10, v5  }
0x151: {  	s31 =	sor.u32 $0x830, s25;
	v46 =	vunpack.i.u.bf16.f32 v4;
	v4 =	vunpack.i.l.bf16.f32 v4;
	v6 =	vadd.f32 v24, v6  }
0x152: {  	v30 =	vunpack.i.l.bf16.f32 v19;
	v27 =	vld [tilespmem:s31+$0x3200];
	v4 =	vmul.f32 s6, v4;
	v9 =	vmul.f32 s11, v25;
	[tilespmem:s10+$0x72A0] =	vst v5  }
0x153: {  	v33 =	vunpack.i.l.bf16.f32 v23;
	v29 =	vmul.f32 s11, v26;
	v28 =	vmul.f32 s6, v46;
	[tilespmem:s10+$0x72B0] =	vst v6  }
0x154: {  	v36 =	vunpack.i.u.bf16.f32 v23;
	v31 =	vmul.f32 s1, v30;
	v4 =	vadd.f32 v9, v4;
	v34 =	vld [tilespmem:s13+$0x20]  }
0x155: {  	v32 =	vadd.f32 v29, v28;
	v7 =	vmul.f32 s3, v33;
	v5 =	vunpack.i.u.bf16.f32 v19;
	v35 =	vld [tilespmem:s13+$0x60]  }
0x156: {  	v4 =	vadd.f32 v31, v4;
	v6 =	vmul.f32 s3, v36;
	s3 =	sor.u32 $0x870, s25;
	v5 =	vmul.f32 s1, v5;
	v39 =	vld [tilespmem:s13+$0x420]  }
0x157: {  	s31 =	sld [smem:s4+$0x80];
	v37 =	vunpack.i.l.bf16.f32 v27;
	v42 =	vld [tilespmem:s3+$0x3200]  }
0x158: {  	s6 =	sadd.s32 $0x100, s5;
	v38 =	vmul.f32 s26, v37;
	v45 =	vld [tilespmem:s13+$0x460];
	v4 =	vadd.f32 v7, v4;
	v5 =	vadd.f32 v5, v32  }
0x159: {  	s30 =	sld [smem:s4+$0x0];
	v40 =	vunpack.i.u.bf16.f32 v27;
	s1 =	sand.u32 $0x300, s6  }
0x15a: {  	s8 =	ssub.f32 $1.000000000e+00, s31;
	v41 =	vmul.f32 s26, v40;
	s1 =	sadd.s32 s1, s21;
	v4 =	vadd.f32 v38, v4;
	v5 =	vadd.f32 v6, v5  }
0x15b: {  	s26 =	sld [smem:s4+$0xFFFFFF80];
	v48 =	vld [tilespmem:s1+$0x0];
	v43 =	vunpack.i.u.bf16.f32 v34;
	v8 =	vunpack.i.l.bf16.f32 v34;
	v44 =	vunpack.i.l.bf16.f32 v35  }
0x15c: {  	s6 =	ssub.f32 $1.000000000e+00, s30;
	v49 =	vld [tilespmem:s1+$0x40];
	v9 =	vunpack.i.u.bf16.f32 v35;
	v46 =	vunpack.i.l.bf16.f32 v39;
	v10 =	vunpack.i.u.bf16.f32 v39  }
0x15d: {  	v52 =	vld [tilespmem:s1+$0x400];
	v15 =	vunpack.i.l.bf16.f32 v42;
	v50 =	vunpack.i.u.bf16.f32 v45;
	v8 =	vmul.f32 s15, v8  }
0x15e: {  	s22 =	sand.u32 $0x3, s7;
	s24 =	ssub.f32 $1.000000000e+00, s26;
	s29 =	smul.f32 s8, s6;
	v55 =	vld [tilespmem:s1+$0x440];
	v13 =	vunpack.i.l.bf16.f32 v45;
	v12 =	vmul.f32 s20, v44;
	v11 =	vmul.f32 s15, v43  }
0x15f: {  	[dreg:$0x18] =	wrdreg s7;
	s7 =	smul.f32 s8, s30;
	s11 =	sshll.u32 s22, $0x8;
	v53 =	vunpack.i.u.bf16.f32 v42;
	v9 =	vmul.f32 s20, v9;
	v47 =	vmul.f32 s19, v46  }
0x160: {  	s11 =	sadd.s32 s12, s11;
	s3 =	smul.f32 s29, s24;
	v10 =	vmul.f32 s19, v10;
	v51 =	vmul.f32 s18, v13;
	v5 =	vadd.f32 v41, v5  }
0x161: {  	s22 =	smul.f32 s29, s26;
	s29 =	sadd.s32 $0x100, s11;
	v54 =	vmul.f32 s0, v15;
	v6 =	vmul.f32 s0, v53;
	v56 =	vunpack.i.u.bf16.f32 v48  }
0x162: {  	s8 =	sor.u32 $0x800, s29;
	s0 =	smul.f32 s7, s24;
	v14 =	vunpack.i.l.bf16.f32 v48;
	v57 =	vunpack.i.l.bf16.f32 v49;
	v17 =	vunpack.i.l.bf16.f32 v52  }
0x163: {  	v16 =	vld [tilespmem:s8+$0x3200];
	s8 =	smul.f32 s31, s6;
	v13 =	vunpack.i.u.bf16.f32 v52;
	v60 =	vunpack.i.l.bf16.f32 v55;
	v8 =	vadd.f32 v12, v8  }
0x164: {  	s11 =	sor.u32 $0x840, s29;
	s6 =	smul.f32 s7, s26;
	v9 =	vadd.f32 v9, v11;
	v12 =	vmul.f32 s18, v50;
	v14 =	vmul.f32 s3, v14  }
0x165: {  	v18 =	vld [tilespmem:s11+$0x3200];
	v11 =	vunpack.i.u.bf16.f32 v49;
	v15 =	vmul.f32 s22, v57;
	v58 =	vmul.f32 s0, v17  }
0x166: {  	v59 =	vmul.f32 s0, v13;
	v13 =	vmul.f32 s6, v60;
	v9 =	vadd.f32 v10, v9  }
0x167: {  	s11 =	sor.u32 $0xC00, s29;
	v7 =	vadd.f32 v54, v4;
	v11 =	vmul.f32 s22, v11;
	v8 =	vadd.f32 v47, v8  }
0x168: {  	s7 =	smul.f32 s31, s30;
	s31 =	sor.u32 $0xC40, s29;
	v61 =	vld [tilespmem:s11+$0x3200];
	v10 =	vunpack.i.u.bf16.f32 v55;
	v9 =	vadd.f32 v12, v9;
	v12 =	vmul.f32 s3, v56  }
0x169: {  	v63 =	vld [tilespmem:s31+$0x3200];
	s11 =	smul.f32 s8, s24;
	v14 =	vadd.f32 v15, v14;
	v10 =	vmul.f32 s6, v10;
	v62 =	vunpack.i.l.bf16.f32 v16  }
0x16a: {  	s31 =	sor.u32 $0x820, s17;
	s30 =	smul.f32 s8, s26;
	v21 =	vunpack.i.u.bf16.f32 v16;
	v23 =	vunpack.i.l.bf16.f32 v18;
	v11 =	vadd.f32 v11, v12  }
0x16b: {  	v24 =	vld [tilespmem:s31+$0x3200];
	v25 =	vunpack.i.u.bf16.f32 v18;
	v8 =	vadd.f32 v51, v8;
	v14 =	vadd.f32 v58, v14  }
0x16c: {  	v22 =	vmul.f32 s11, v21;
	v26 =	vmul.f32 s30, v25;
	v11 =	vadd.f32 v59, v11  }
0x16d: {  	s31 =	smul.f32 s7, s24;
	s24 =	sor.u32 $0x860, s17;
	v27 =	vunpack.i.l.bf16.f32 v61;
	v13 =	vadd.f32 v13, v14;
	v12 =	vmul.f32 s11, v62  }
0x16e: {  	s8 =	sor.u32 $0xC60, s17;
	v28 =	vld [tilespmem:s24+$0x3200];
	v29 =	vunpack.i.u.bf16.f32 v61;
	v31 =	vunpack.i.l.bf16.f32 v63;
	v10 =	vadd.f32 v10, v11  }
0x16f: {  	s26 =	smul.f32 s7, s26;
	v37 =	vld [tilespmem:s8+$0x3200];
	v33 =	vunpack.i.u.bf16.f32 v63;
	v14 =	vmul.f32 s30, v23;
	v12 =	vadd.f32 v12, v13  }
0x170: {  	v30 =	vmul.f32 s31, v29;
	v34 =	vunpack.i.l.bf16.f32 v24;
	v10 =	vadd.f32 v22, v10  }
0x171: {  	s24 =	sor.u32 $0xC20, s17;
	v35 =	vmul.f32 s26, v33;
	v13 =	vmul.f32 s31, v27;
	v12 =	vadd.f32 v14, v12  }
0x172: {  	v32 =	vld [tilespmem:s24+$0x3200];
	v36 =	vunpack.i.u.bf16.f32 v24;
	v15 =	vmul.f32 s14, v34;
	v10 =	vadd.f32 v26, v10  }
0x173: {  	s24 =	sor.u32 $0xC30, s25;
	v38 =	vunpack.i.l.bf16.f32 v28;
	v14 =	vmul.f32 s26, v31;
	v12 =	vadd.f32 v13, v12  }
0x174: {  	v41 =	vld [tilespmem:s24+$0x3200];
	v39 =	vunpack.i.u.bf16.f32 v28;
	v47 =	vunpack.i.u.bf16.f32 v37;
	v10 =	vadd.f32 v30, v10  }
0x175: {  	v48 =	vunpack.i.l.bf16.f32 v37;
	v13 =	vmul.f32 s14, v36;
	v12 =	vadd.f32 v14, v12  }
0x176: {  	v40 =	vmul.f32 s2, v38;
	v8 =	vadd.f32 v15, v8;
	v10 =	vadd.f32 v35, v10  }
0x177: {  	v42 =	vunpack.i.l.bf16.f32 v32;
	v11 =	vmul.f32 s2, v39;
	v9 =	vadd.f32 v13, v9;
	[tilespmem:s10+$0x7300] =	vst v12  }
0x178: {  	v43 =	vunpack.i.u.bf16.f32 v32;
	v8 =	vadd.f32 v40, v8;
	v13 =	vmul.f32 s28, v42;
	[tilespmem:s10+$0x7310] =	vst v10  }
0x179: {  	v45 =	vmul.f32 s28, v43;
	v50 =	vunpack.i.l.bf16.f32 v41;
	v4 =	vadd.f32 v11, v9;
	v44 =	vld [tilespmem:s1+$0x10]  }
0x17a: {  	v8 =	vadd.f32 v13, v8;
	v13 =	vmul.f32 s9, v48;
	v11 =	vmul.f32 s9, v47;
	v46 =	vld [tilespmem:s1+$0x50]  }
0x17b: {  	v9 =	vadd.f32 v45, v4;
	v4 =	vadd.f32 v6, v5;
	v5 =	vunpack.i.u.bf16.f32 v41;
	v49 =	vld [tilespmem:s1+$0x410]  }
0x17c: {  	v6 =	vmul.f32 s16, v50;
	v5 =	vmul.f32 s16, v5  }
0x17d: {  	v8 =	vadd.f32 v13, v8;
	v9 =	vadd.f32 v11, v9;
	v51 =	vld [tilespmem:s1+$0x450]  }
0x17e: {  	s8 =	sor.u32 $0x810, s29;
	v7 =	vadd.f32 v6, v7;
	v4 =	vadd.f32 v5, v4;
	v52 =	vunpack.i.u.bf16.f32 v44  }
0x17f: {  	v55 =	vld [tilespmem:s8+$0x3200];
	v53 =	vunpack.i.l.bf16.f32 v44;
	v54 =	vunpack.i.l.bf16.f32 v46;
	v10 =	vunpack.i.u.bf16.f32 v46  }
0x180: {  	s24 =	sor.u32 $0x850, s29;
	v56 =	vunpack.i.l.bf16.f32 v49;
	v13 =	vmul.f32 s3, v53;
	v15 =	vmul.f32 s22, v54  }
0x181: {  	v57 =	vld [tilespmem:s24+$0x3200];
	v14 =	vunpack.i.u.bf16.f32 v49;
	v12 =	vmul.f32 s3, v52;
	v10 =	vmul.f32 s22, v10  }
0x182: {  	v60 =	vunpack.i.l.bf16.f32 v51;
	v58 =	vmul.f32 s0, v56;
	v13 =	vadd.f32 v15, v13  }
0x183: {  	s8 =	sor.u32 $0xC10, s29;
	v11 =	vunpack.i.u.bf16.f32 v51;
	v59 =	vmul.f32 s0, v14;
	v10 =	vadd.f32 v10, v12  }
0x184: {  	s24 =	sor.u32 $0xC50, s29;
	v61 =	vld [tilespmem:s8+$0x3200];
	v62 =	vunpack.i.l.bf16.f32 v55;
	v14 =	vmul.f32 s6, v60;
	v13 =	vadd.f32 v58, v13  }
0x185: {  	v63 =	vld [tilespmem:s24+$0x3200];
	v19 =	vunpack.i.u.bf16.f32 v55;
	v11 =	vmul.f32 s6, v11;
	v10 =	vadd.f32 v59, v10  }
0x186: {  	[tilespmem:s10+$0x72C0] =	vst v8;
	s8 =	sor.u32 $0xC70, s25;
	v22 =	vunpack.i.l.bf16.f32 v57;
	v12 =	vmul.f32 s11, v62;
	v13 =	vadd.f32 v14, v13  }
0x187: {  	[tilespmem:s10+$0x72D0] =	vst v9;
	v23 =	vld [tilespmem:s8+$0x3200];
	v25 =	vunpack.i.u.bf16.f32 v57;
	v21 =	vmul.f32 s11, v19;
	v20 =	vadd.f32 v11, v10  }
0x188: {  	v26 =	vld [tilespmem:s13+$0x30];
	v27 =	vmul.f32 s30, v25;
	v11 =	vmul.f32 s30, v22;
	v24 =	vadd.f32 v12, v13  }
0x189: {  	v29 =	vld [tilespmem:s13+$0x70];
	v28 =	vunpack.i.l.bf16.f32 v61;
	v30 =	vunpack.i.u.bf16.f32 v61;
	v8 =	vadd.f32 v21, v20  }
0x18a: {  	v32 =	vunpack.i.l.bf16.f32 v63;
	v12 =	vmul.f32 s31, v28;
	v9 =	vadd.f32 v11, v24  }
0x18b: {  	v34 =	vld [tilespmem:s13+$0x430];
	v33 =	vunpack.i.u.bf16.f32 v63;
	v31 =	vmul.f32 s31, v30;
	v8 =	vadd.f32 v27, v8  }
0x18c: {  	v35 =	vmul.f32 s26, v33;
	v11 =	vmul.f32 s26, v32;
	v9 =	vadd.f32 v12, v9  }
0x18d: {  	v42 =	vld [tilespmem:s13+$0x470];
	v36 =	vunpack.i.u.bf16.f32 v23;
	v37 =	vunpack.i.u.bf16.f32 v26;
	v8 =	vadd.f32 v31, v8  }
0x18e: {  	s13 =	sor.u32 $0x830, s17;
	v38 =	vunpack.i.l.bf16.f32 v26;
	v39 =	vunpack.i.l.bf16.f32 v29;
	v9 =	vadd.f32 v11, v9  }
0x18f: {  	v45 =	vld [tilespmem:s13+$0x3200];
	v41 =	vunpack.i.u.bf16.f32 v29;
	v43 =	vunpack.i.l.bf16.f32 v23;
	v8 =	vadd.f32 v35, v8  }
0x190: {  	s16 =	sor.u32 $0x870, s17;
	v46 =	vunpack.i.u.bf16.f32 v34;
	v40 =	vmul.f32 s15, v38;
	v44 =	vmul.f32 s15, v37;
	[tilespmem:s10+$0x7320] =	vst v9  }
0x191: {  	v55 =	vld [tilespmem:s16+$0x3200];
	v47 =	vunpack.i.l.bf16.f32 v34;
	v13 =	vmul.f32 s20, v39;
	v11 =	vmul.f32 s20, v41;
	[tilespmem:s10+$0x7330] =	vst v8  }
0x192: {  	v50 =	vunpack.i.l.bf16.f32 v42;
	v52 =	vunpack.i.u.bf16.f32 v42;
	v49 =	vmul.f32 s19, v46;
	v48 =	vld [tilespmem:s1+$0x20]  }
0x193: {  	v10 =	vadd.f32 v13, v40;
	v13 =	vmul.f32 s19, v47;
	v11 =	vadd.f32 v11, v44;
	v19 =	vld [tilespmem:s1+$0x60]  }
0x194: {  	v6 =	vmul.f32 s23, v36;
	v16 =	vmul.f32 s18, v50;
	v53 =	vunpack.i.l.bf16.f32 v45;
	v51 =	vld [tilespmem:s1+$0x420]  }
0x195: {  	s19 =	sld [smem:s4+$0x1];
	v15 =	vadd.f32 v13, v10;
	v9 =	vadd.f32 v49, v11;
	v11 =	vmul.f32 s18, v52;
	s18 =	sadd.s32 $0x180, s5  }
0x196: {  	s25 =	sld [smem:s4+$0x81];
	v54 =	vunpack.i.u.bf16.f32 v45;
	v23 =	vunpack.i.l.bf16.f32 v55;
	v61 =	vunpack.i.u.bf16.f32 v55;
	v21 =	vld [tilespmem:s1+$0x460];
	s7 =	sand.u32 $0x380, s18  }
0x197: {  	v10 =	vmul.f32 s14, v53;
	v13 =	vmul.f32 s2, v61;
	v15 =	vadd.f32 v16, v15;
	s15 =	sadd.s32 s7, s21  }
0x198: {  	s8 =	ssub.f32 $1.000000000e+00, s19;
	v8 =	vmul.f32 s23, v43;
	v58 =	vld [tilespmem:s15+$0x0];
	v56 =	vunpack.i.u.bf16.f32 v48;
	v18 =	vunpack.i.l.bf16.f32 v48  }
0x199: {  	s20 =	ssub.f32 $1.000000000e+00, s25;
	v59 =	vld [tilespmem:s15+$0x40];
	v20 =	vunpack.i.l.bf16.f32 v19;
	v19 =	vunpack.i.u.bf16.f32 v19;
	v22 =	vunpack.i.l.bf16.f32 v51  }
0x19a: {  	s23 =	sld [smem:s4+$0xFFFFFF81];
	v25 =	vld [tilespmem:s15+$0x400];
	v12 =	vunpack.i.u.bf16.f32 v51;
	v18 =	vmul.f32 s3, v18;
	v20 =	vmul.f32 s22, v20  }
0x19b: {  	s18 =	rddreg [dreg:$0x1c];
	v60 =	vunpack.i.u.bf16.f32 v21;
	v14 =	vmul.f32 s3, v56;
	v19 =	vmul.f32 s22, v19  }
0x19c: {  	s24 =	smul.f32 s20, s8;
	s13 =	sadd.s32 $0x180, s18;
	v21 =	vunpack.i.l.bf16.f32 v21;
	v57 =	vmul.f32 s0, v22;
	v12 =	vmul.f32 s0, v12  }
0x19d: {  	s7 =	smul.f32 s20, s19;
	v30 =	vld [tilespmem:s15+$0x440];
	s20 =	sor.u32 $0x800, s13;
	v21 =	vmul.f32 s6, v21;
	v18 =	vadd.f32 v20, v18;
	v14 =	vadd.f32 v19, v14  }
0x19e: {  	s8 =	smul.f32 s25, s8;
	s21 =	ssub.f32 $1.000000000e+00, s23;
	v33 =	vld [tilespmem:s20+$0x3200];
	v20 =	vmul.f32 s6, v60;
	v31 =	vunpack.i.u.bf16.f32 v58;
	v22 =	vunpack.i.l.bf16.f32 v58  }
0x19f: {  	s16 =	smul.f32 s24, s23;
	v32 =	vunpack.i.l.bf16.f32 v59;
	v19 =	vunpack.i.u.bf16.f32 v59;
	v26 =	vunpack.i.l.bf16.f32 v25  }
0x1a0: {  	v34 =	vunpack.i.u.bf16.f32 v25;
	v24 =	vadd.f32 v12, v14;
	v14 =	vmul.f32 s14, v54;
	s14 =	smul.f32 s24, s21  }
0x1a1: {  	s18 =	smul.f32 s7, s23;
	v18 =	vadd.f32 v57, v18;
	v12 =	vmul.f32 s2, v23;
	v23 =	vmul.f32 s16, v32  }
0x1a2: {  	v38 =	vunpack.i.l.bf16.f32 v30;
	s2 =	smul.f32 s7, s21;
	v19 =	vmul.f32 s16, v19;
	s24 =	sor.u32 $0x840, s13;
	v22 =	vmul.f32 s14, v22  }
0x1a3: {  	s7 =	smul.f32 s25, s19;
	v39 =	vunpack.i.l.bf16.f32 v33;
	s25 =	sor.u32 $0xC40, s13;
	v36 =	vld [tilespmem:s24+$0x3200];
	v62 =	vadd.f32 v21, v18;
	v21 =	vmul.f32 s14, v31  }
0x1a4: {  	v40 =	vunpack.i.u.bf16.f32 v33;
	v41 =	vld [tilespmem:s25+$0x3200];
	v35 =	vmul.f32 s2, v26;
	v22 =	vadd.f32 v23, v22  }
0x1a5: {  	s20 =	smul.f32 s8, s21;
	s24 =	sor.u32 $0xC00, s13;
	v63 =	vadd.f32 v20, v24;
	v37 =	vmul.f32 s2, v34;
	v19 =	vadd.f32 v19, v21  }
0x1a6: {  	v27 =	vld [tilespmem:s24+$0x3200];
	v20 =	vunpack.i.u.bf16.f32 v30;
	v23 =	vmul.f32 s18, v38;
	v22 =	vadd.f32 v35, v22  }
0x1a7: {  	s25 =	sor.u32 $0x820, s29;
	v42 =	vmul.f32 s20, v40;
	v20 =	vmul.f32 s18, v20;
	v19 =	vadd.f32 v37, v19  }
0x1a8: {  	s19 =	smul.f32 s8, s23;
	v44 =	vld [tilespmem:s25+$0x3200];
	v21 =	vmul.f32 s20, v39;
	v43 =	vunpack.i.l.bf16.f32 v36;
	v22 =	vadd.f32 v23, v22  }
0x1a9: {  	v45 =	vunpack.i.u.bf16.f32 v36;
	v51 =	vunpack.i.l.bf16.f32 v41;
	v19 =	vadd.f32 v20, v19  }
0x1aa: {  	s21 =	smul.f32 s7, s21;
	s24 =	sor.u32 $0x860, s29;
	v53 =	vunpack.i.u.bf16.f32 v41;
	v23 =	vmul.f32 s19, v43;
	v21 =	vadd.f32 v21, v22  }
0x1ab: {  	v48 =	vld [tilespmem:s24+$0x3200];
	v46 =	vmul.f32 s19, v45;
	v47 =	vunpack.i.l.bf16.f32 v27;
	v19 =	vadd.f32 v42, v19  }
0x1ac: {  	s23 =	smul.f32 s7, s23;
	v49 =	vunpack.i.u.bf16.f32 v27;
	v22 =	vmul.f32 s21, v47;
	v21 =	vadd.f32 v23, v21  }
0x1ad: {  	s25 =	sor.u32 $0xC20, s29;
	v54 =	vunpack.i.l.bf16.f32 v44;
	v50 =	vmul.f32 s21, v49;
	v19 =	vadd.f32 v46, v19  }
0x1ae: {  	v52 =	vld [tilespmem:s25+$0x3200];
	s25 =	sor.u32 $0xC60, s29;
	v55 =	vmul.f32 s23, v53;
	v23 =	vmul.f32 s23, v51;
	v21 =	vadd.f32 v22, v21  }
0x1af: {  	v57 =	vld [tilespmem:s25+$0x3200];
	v25 =	vunpack.i.u.bf16.f32 v44;
	v24 =	vmul.f32 s11, v54;
	v19 =	vadd.f32 v50, v19  }
0x1b0: {  	s24 =	sor.u32 $0xC30, s17;
	v25 =	vmul.f32 s11, v25;
	v28 =	vunpack.i.l.bf16.f32 v48;
	v21 =	vadd.f32 v23, v21  }
0x1b1: {  	v56 =	vld [tilespmem:s24+$0x3200];
	v58 =	vunpack.i.u.bf16.f32 v48;
	v59 =	vmul.f32 s30, v28;
	v19 =	vadd.f32 v55, v19  }
0x1b2: {  	v20 =	vmul.f32 s30, v58;
	v17 =	vadd.f32 v24, v62;
	v18 =	vadd.f32 v25, v63;
	[tilespmem:s10+$0x7380] =	vst v21  }
0x1b3: {  	v10 =	vadd.f32 v10, v15;
	v60 =	vunpack.i.l.bf16.f32 v52;
	v61 =	vunpack.i.u.bf16.f32 v52;
	[tilespmem:s10+$0x7390] =	vst v19  }
0x1b4: {  	v29 =	vunpack.i.u.bf16.f32 v57;
	v17 =	vadd.f32 v59, v17;
	v18 =	vadd.f32 v20, v18;
	v62 =	vld [tilespmem:s15+$0x10]  }
0x1b5: {  	v23 =	vunpack.i.l.bf16.f32 v57;
	v21 =	vmul.f32 s31, v60;
	v19 =	vmul.f32 s31, v61;
	v28 =	vld [tilespmem:s15+$0x50]  }
0x1b6: {  	v32 =	vunpack.i.u.bf16.f32 v56;
	v63 =	vunpack.i.l.bf16.f32 v56;
	v30 =	vmul.f32 s26, v23;
	v31 =	vld [tilespmem:s15+$0x410]  }
0x1b7: {  	v17 =	vadd.f32 v21, v17;
	v18 =	vadd.f32 v19, v18;
	v21 =	vmul.f32 s26, v29  }
0x1b8: {  	v9 =	vadd.f32 v11, v9;
	v16 =	vmul.f32 s28, v32;
	v33 =	vmul.f32 s28, v63;
	v34 =	vld [tilespmem:s15+$0x450]  }
0x1b9: {  	s28 =	sor.u32 $0x810, s13;
	v17 =	vadd.f32 v30, v17;
	v18 =	vadd.f32 v21, v18;
	v35 =	vunpack.i.u.bf16.f32 v62  }
0x1ba: {  	v37 =	vld [tilespmem:s28+$0x3200];
	v24 =	vunpack.i.l.bf16.f32 v62;
	v36 =	vunpack.i.l.bf16.f32 v28;
	v20 =	vunpack.i.u.bf16.f32 v28  }
0x1bb: {  	s24 =	sor.u32 $0x850, s13;
	v38 =	vunpack.i.l.bf16.f32 v31;
	v24 =	vmul.f32 s14, v24;
	v25 =	vmul.f32 s16, v36  }
0x1bc: {  	v40 =	vld [tilespmem:s24+$0x3200];
	v23 =	vunpack.i.u.bf16.f32 v31;
	v21 =	vmul.f32 s14, v35;
	v20 =	vmul.f32 s16, v20  }
0x1bd: {  	s25 =	sor.u32 $0xC10, s13;
	v42 =	vunpack.i.l.bf16.f32 v34;
	v39 =	vmul.f32 s2, v38;
	v24 =	vadd.f32 v25, v24  }
0x1be: {  	v43 =	vld [tilespmem:s25+$0x3200];
	v19 =	vunpack.i.u.bf16.f32 v34;
	v41 =	vmul.f32 s2, v23;
	v20 =	vadd.f32 v20, v21  }
0x1bf: {  	v44 =	vunpack.i.l.bf16.f32 v37;
	v23 =	vmul.f32 s18, v42;
	v24 =	vadd.f32 v39, v24  }
0x1c0: {  	s28 =	sor.u32 $0xC50, s13;
	[tilespmem:s10+$0x7340] =	vst v17;
	v47 =	vunpack.i.u.bf16.f32 v37;
	v19 =	vmul.f32 s18, v19;
	v20 =	vadd.f32 v41, v20  }
0x1c1: {  	v45 =	vld [tilespmem:s28+$0x3200];
	[tilespmem:s10+$0x7350] =	vst v18;
	v50 =	vunpack.i.l.bf16.f32 v40;
	v21 =	vmul.f32 s20, v44;
	v46 =	vadd.f32 v23, v24  }
0x1c2: {  	v52 =	vunpack.i.u.bf16.f32 v40;
	v49 =	vmul.f32 s20, v47;
	v51 =	vld [tilespmem:s1+$0x30];
	v48 =	vadd.f32 v19, v20  }
0x1c3: {  	v54 =	vunpack.i.l.bf16.f32 v43;
	v56 =	vld [tilespmem:s1+$0x70];
	v20 =	vmul.f32 s19, v50;
	v17 =	vadd.f32 v21, v46  }
0x1c4: {  	v55 =	vunpack.i.u.bf16.f32 v43;
	v53 =	vmul.f32 s19, v52;
	v63 =	vld [tilespmem:s1+$0x470];
	v18 =	vadd.f32 v49, v48  }
0x1c5: {  	v57 =	vmul.f32 s21, v55;
	v23 =	vmul.f32 s21, v54;
	v17 =	vadd.f32 v20, v17  }
0x1c6: {  	v58 =	vunpack.i.l.bf16.f32 v45;
	v59 =	vunpack.i.u.bf16.f32 v45;
	v18 =	vadd.f32 v53, v18  }
0x1c7: {  	v61 =	vld [tilespmem:s1+$0x430];
	v60 =	vunpack.i.l.bf16.f32 v51;
	v20 =	vmul.f32 s23, v58;
	v17 =	vadd.f32 v23, v17  }
0x1c8: {  	v5 =	vunpack.i.l.bf16.f32 v56;
	v18 =	vadd.f32 v57, v18;
	v23 =	vmul.f32 s23, v59  }
0x1c9: {  	v34 =	vunpack.i.u.bf16.f32 v63;
	v15 =	vunpack.i.l.bf16.f32 v63;
	v17 =	vadd.f32 v20, v17  }
0x1ca: {  	v19 =	vmul.f32 s3, v60;
	v24 =	vmul.f32 s22, v5;
	v62 =	vadd.f32 v23, v18  }
0x1cb: {  	v9 =	vadd.f32 v14, v9;
	v35 =	vmul.f32 s6, v15;
	v36 =	vmul.f32 s6, v34;
	s6 =	sor.u32 $0xC70, s17;
	s17 =	sor.u32 $0x870, s29;
	[tilespmem:s10+$0x73A0] =	vst v17  }
0x1cc: {  	v4 =	vadd.f32 v6, v4;
	v29 =	vunpack.i.l.bf16.f32 v61;
	v60 =	vld [tilespmem:s17+$0x3200];
	[tilespmem:s10+$0x73B0] =	vst v62  }
0x1cd: {  	v28 =	vadd.f32 v13, v9;
	v9 =	vmul.f32 s0, v29;
	v32 =	vadd.f32 v24, v19;
	v27 =	vld [tilespmem:s15+$0x20]  }
0x1ce: {  	v26 =	vadd.f32 v12, v10;
	v31 =	vunpack.i.u.bf16.f32 v61;
	v5 =	vadd.f32 v8, v7;
	v30 =	vld [tilespmem:s15+$0x60]  }
0x1cf: {  	v21 =	vunpack.i.u.bf16.f32 v51;
	v9 =	vadd.f32 v9, v32;
	v23 =	vunpack.i.u.bf16.f32 v56  }
0x1d0: {  	v7 =	vadd.f32 v33, v26;
	v21 =	vmul.f32 s3, v21;
	v25 =	vmul.f32 s22, v23;
	v33 =	vld [tilespmem:s15+$0x420]  }
0x1d1: {  	v6 =	vadd.f32 v16, v28;
	v12 =	vmul.f32 s0, v31;
	v9 =	vadd.f32 v35, v9  }
0x1d2: {  	v28 =	vunpack.i.l.bf16.f32 v60;
	v29 =	vunpack.i.u.bf16.f32 v60;
	v11 =	vadd.f32 v25, v21;
	v37 =	vld [tilespmem:s15+$0x460]  }
0x1d3: {  	s24 =	sor.u32 $0x820, s13;
	v38 =	vunpack.i.u.bf16.f32 v27;
	v8 =	vunpack.i.l.bf16.f32 v27;
	v39 =	vunpack.i.l.bf16.f32 v30  }
0x1d4: {  	v40 =	vld [tilespmem:s24+$0x3200];
	v10 =	vunpack.i.u.bf16.f32 v30;
	v8 =	vmul.f32 s14, v8;
	v18 =	vmul.f32 s16, v39  }
0x1d5: {  	s25 =	sor.u32 $0x860, s13;
	v41 =	vunpack.i.l.bf16.f32 v33;
	v17 =	vmul.f32 s14, v38;
	v10 =	vmul.f32 s16, v10  }
0x1d6: {  	v43 =	vld [tilespmem:s25+$0x3200];
	v14 =	vunpack.i.u.bf16.f32 v33;
	v42 =	vmul.f32 s2, v41;
	v8 =	vadd.f32 v18, v8  }
0x1d7: {  	s28 =	sor.u32 $0xC20, s13;
	v44 =	vunpack.i.l.bf16.f32 v37;
	v14 =	vmul.f32 s2, v14;
	v10 =	vadd.f32 v10, v17  }
0x1d8: {  	v45 =	vld [tilespmem:s28+$0x3200];
	v16 =	vunpack.i.u.bf16.f32 v37;
	v17 =	vmul.f32 s18, v44;
	v8 =	vadd.f32 v42, v8  }
0x1d9: {  	s1 =	sor.u32 $0xC60, s13;
	v47 =	vunpack.i.l.bf16.f32 v40;
	v46 =	vmul.f32 s18, v16;
	v10 =	vadd.f32 v14, v10  }
0x1da: {  	v49 =	vld [tilespmem:s1+$0x3200];
	v48 =	vunpack.i.u.bf16.f32 v40;
	v16 =	vmul.f32 s20, v47;
	v8 =	vadd.f32 v17, v8  }
0x1db: {  	s3 =	sor.u32 $0x830, s29;
	v51 =	vunpack.i.l.bf16.f32 v43;
	v50 =	vmul.f32 s20, v48;
	v10 =	vadd.f32 v46, v10  }
0x1dc: {  	v52 =	vld [tilespmem:s3+$0x3200];
	v53 =	vunpack.i.u.bf16.f32 v43;
	v17 =	vmul.f32 s19, v51;
	v8 =	vadd.f32 v16, v8  }
0x1dd: {  	v55 =	vunpack.i.l.bf16.f32 v45;
	v54 =	vmul.f32 s19, v53;
	v10 =	vadd.f32 v50, v10  }
0x1de: {  	v57 =	vld [tilespmem:s6+$0x3200];
	v56 =	vunpack.i.u.bf16.f32 v45;
	v16 =	vmul.f32 s21, v55;
	v8 =	vadd.f32 v17, v8  }
0x1df: {  	s22 =	sor.u32 $0xC30, s29;
	v59 =	vunpack.i.l.bf16.f32 v49;
	v58 =	vmul.f32 s21, v56;
	v10 =	vadd.f32 v54, v10  }
0x1e0: {  	v24 =	vld [tilespmem:s22+$0x3200];
	s24 =	sor.u32 $0xC70, s29;
	v19 =	vunpack.i.u.bf16.f32 v49;
	v17 =	vmul.f32 s23, v59;
	v8 =	vadd.f32 v16, v8  }
0x1e1: {  	v61 =	vunpack.i.l.bf16.f32 v52;
	v26 =	vld [tilespmem:s24+$0x3200];
	v19 =	vmul.f32 s23, v19;
	v10 =	vadd.f32 v58, v10  }
0x1e2: {  	v62 =	vunpack.i.u.bf16.f32 v52;
	v11 =	vadd.f32 v12, v11;
	v8 =	vadd.f32 v17, v8  }
0x1e3: {  	v25 =	vunpack.i.u.bf16.f32 v57;
	v14 =	vmul.f32 s11, v61;
	v10 =	vadd.f32 v19, v10  }
0x1e4: {  	v63 =	vmul.f32 s11, v62;
	v12 =	vmul.f32 s9, v25;
	v11 =	vadd.f32 v36, v11;
	[tilespmem:s10+$0x73C0] =	vst v8  }
0x1e5: {  	v34 =	vunpack.i.l.bf16.f32 v24;
	v30 =	vmul.f32 s30, v28;
	v9 =	vadd.f32 v14, v9;
	[tilespmem:s10+$0x73D0] =	vst v10  }
0x1e6: {  	v35 =	vmul.f32 s31, v34;
	v11 =	vadd.f32 v63, v11;
	v37 =	vunpack.i.l.bf16.f32 v26;
	v31 =	vld [tilespmem:s15+$0x30]  }
0x1e7: {  	v18 =	vunpack.i.l.bf16.f32 v57;
	v9 =	vadd.f32 v30, v9;
	v10 =	vmul.f32 s30, v29;
	v32 =	vld [tilespmem:s15+$0x70]  }
0x1e8: {  	v33 =	vunpack.i.u.bf16.f32 v24;
	v38 =	vmul.f32 s26, v37;
	v27 =	vmul.f32 s9, v18  }
0x1e9: {  	v14 =	vmul.f32 s31, v33;
	v9 =	vadd.f32 v35, v9;
	v36 =	vld [tilespmem:s15+$0x430];
	v10 =	vadd.f32 v10, v11  }
0x1ea: {  	v6 =	vadd.f32 v12, v6;
	v7 =	vadd.f32 v27, v7;
	v8 =	vunpack.i.u.bf16.f32 v26  }
0x1eb: {  	[tilespmem:s10+$0x7260] =	vst v5;
	v9 =	vadd.f32 v38, v9;
	v39 =	vld [tilespmem:s15+$0x470];
	v5 =	vmul.f32 s26, v8;
	v10 =	vadd.f32 v14, v10  }
0x1ec: {  	s25 =	sor.u32 $0x830, s13;
	v40 =	vunpack.i.u.bf16.f32 v31;
	v41 =	vunpack.i.l.bf16.f32 v31;
	v42 =	vunpack.i.l.bf16.f32 v32  }
0x1ed: {  	v43 =	vld [tilespmem:s25+$0x3200];
	v16 =	vunpack.i.u.bf16.f32 v32;
	v14 =	vmul.f32 s14, v41;
	v15 =	vmul.f32 s16, v42  }
0x1ee: {  	s28 =	sor.u32 $0x870, s13;
	v44 =	vunpack.i.l.bf16.f32 v36;
	v13 =	vmul.f32 s14, v40;
	v16 =	vmul.f32 s16, v16  }
0x1ef: {  	v47 =	vld [tilespmem:s28+$0x3200];
	v45 =	vunpack.i.u.bf16.f32 v36;
	v46 =	vmul.f32 s2, v44;
	v14 =	vadd.f32 v15, v14  }
0x1f0: {  	s29 =	sor.u32 $0xC30, s13;
	v48 =	vunpack.i.l.bf16.f32 v39;
	v13 =	vadd.f32 v16, v13;
	v15 =	vmul.f32 s2, v45  }
0x1f1: {  	v50 =	vld [tilespmem:s29+$0x3200];
	v12 =	vunpack.i.u.bf16.f32 v39;
	v16 =	vmul.f32 s18, v48;
	v14 =	vadd.f32 v46, v14  }
0x1f2: {  	s30 =	sor.u32 $0xC70, s13;
	v49 =	vunpack.i.l.bf16.f32 v43;
	v12 =	vmul.f32 s18, v12;
	v13 =	vadd.f32 v15, v13  }
0x1f3: {  	v54 =	vld [tilespmem:s30+$0x3200];
	v51 =	vunpack.i.u.bf16.f32 v43;
	v15 =	vmul.f32 s20, v49;
	v14 =	vadd.f32 v16, v14  }
0x1f4: {  	v53 =	vunpack.i.l.bf16.f32 v47;
	v52 =	vmul.f32 s20, v51;
	v12 =	vadd.f32 v12, v13  }
0x1f5: {  	v57 =	vunpack.i.u.bf16.f32 v47;
	v56 =	vmul.f32 s19, v53;
	v55 =	vadd.f32 v15, v14  }
0x1f6: {  	v58 =	vunpack.i.l.bf16.f32 v50;
	v13 =	vmul.f32 s19, v57;
	v12 =	vadd.f32 v52, v12  }
0x1f7: {  	s31 =	rddreg [dreg:$0x16];
	v59 =	vunpack.i.u.bf16.f32 v50;
	v14 =	vmul.f32 s21, v58;
	v11 =	vadd.f32 v56, v55  }
0x1f8: {  	[tilespmem:s10+$0x7270] =	vst v4;
	s0 =	sadd.s32 $0x4, s31;
	v60 =	vunpack.i.l.bf16.f32 v54;
	v8 =	vmul.f32 s21, v59;
	v4 =	vadd.f32 v13, v12  }
0x1f9: {  	[tilespmem:s10+$0x72F0] =	vst v6;
	p2 =	slt.u32 s0, $0xC;
	v62 =	vunpack.i.u.bf16.f32 v54;
	v12 =	vmul.f32 s23, v60;
	v61 =	vadd.f32 v14, v11  }
.Ltmp0:
0x1fa: {  	[tilespmem:s10+$0x72E0] =	vst v7;
	v5 =	vadd.f32 v5, v10;
	v63 =	vmul.f32 s23, v62;
	v4 =	vadd.f32 v8, v4;
	(pc) =	sbr.rel @p2 .LBB2_4-.Ltmp0, $4  }
0x1fb: {  	[tilespmem:s10+$0x7360] =	vst v9;
	v7 =	vadd.f32 v12, v61  }
0x1fc: {  	p1 =	por !p1, !p1;
	s8 =	rddreg [dreg:$0x1a];
	[tilespmem:s10+$0x7370] =	vst v5;
	v4 =	vadd.f32 v63, v4  }
0x1fd: {  	s12 =	sadd.s32 $0x800, s12;
	s4 =	sadd.s32 $0x4, s4;
	s7 =	rddreg [dreg:$0x18];
	[tilespmem:s10+$0x73E0] =	vst v7  }
0x1fe: {  	s5 =	sadd.s32 $0x200, s5;
	s8 =	sadd.s32 $0x4, s8;
	s7 =	sadd.s32 $0x2, s7;
	[tilespmem:s10+$0x73F0] =	vst v4  }
0x1ff: {  	s4 =	rddreg [dreg:$0x13]  }
0x200: {  	p1 =	sne.s32 s4, $0xF  }
.Ltmp1:
0x201: {  	_ = 	snop;
	(pc) =	sbr.rel @p1 .LBB2_7-.Ltmp1, $4  }
0x202: {  	s5 =	rddreg [dreg:$0x15]  }
0x203: {  	s1 =	rddreg [dreg:$0x1]  }
0x204: {  	s2 =	simm.s32 $0x10;
	s3 =	simm.s32 $0x7200;
	s0 =	sadd.s32 $0x1000, s5  }
0x205: {  	[spmem:s1] =	stream.indirect.scatter.add.f32 [tilespmem:s3], [sflag:$0x3], $0x80, s0, s2, $0xb8;
	[tilespmem:$0x1EA00] =	vst v63  }
.Ltmp2:
0x206: {  	(pc) =	sbr.rel .LBB2_8-.Ltmp2, $4  }
0x207: {  	s0 =	simm.s32 $0x2  }
0x208: {  	_ =	swait.ge [sflag:s0], $0x2000  }
0x209: {  	[sflag:s0] =	ssyncset.done $0x0  }
0x20a: {  	[sflag:s0] =	ssyncadd.s32 $0xFFFFE000  }
.LBB2_7:
0x20b: {  	s0 =	sand.u32 $0x3FFFFF00, s5  }
0x20c: {  	v4 =	vld [tilespmem:s0+$0x100];
	_ =	sdelay $0x4  }
0x20d: {  	v5 =	vshll.u32 v4, $0x2  }
0x20e: {  	v4 =	vand.u32 $0x7, v4;
	v5 =	vand.u32 $0xFFFFFFE0, v5  }
0x20f: {  	v4 =	vor.u32 v4, v5  }
0x210: {  	v5 =	vperm.xlane v4, v0;
	_ =	sdelay $0x1  }
0x211: {  	v5 =	vadd.s32 v1, v5;
	_ =	sdelay $0x1  }
0x212: {  	v4 =	vperm.xlane v4, v2;
	_ =	sdelay $0x1  }
0x213: {  	s26 =	simm.s32 $0x0;
	s1 =	rddreg [dreg:$0x3];
	s2 =	simm.s32 $0x3200;
	v4 =	vadd.s32 v1, v4  }
0x214: {  	[tilespmem:s2], [sflag:$0x1] =	stream.indirect_vreg.gather [hbm4b:s1+s26], $0x80, v5, vm0, $0xb8;
	[tilespmem:$0x1EA00] =	vst v63  }
0x215: {  	s28 =	rddreg [dreg:$0xc];
	s3 =	simm.s32 $0x3A00  }
0x216: {  	[tilespmem:s3], [sflag:$0x1] =	stream.indirect_vreg.gather [hbm4b:s28+s26], $0x80, v5, vm0, $0xb8;
	[tilespmem:$0x1EA00] =	vst v63  }
0x217: {  	s29 =	simm.s32 $0x4200  }
0x218: {  	[tilespmem:s29], [sflag:$0x1] =	stream.indirect_vreg.gather [hbm4b:s1+s26], $0x80, v4, vm0, $0xb8;
	[tilespmem:$0x1EA00] =	vst v63  }
.Ltmp3:
0x219: {  	s30 =	simm.s32 $0x4A00;
	s31 =	simm.s32 $0x2;
	(pc) =	sbr.rel @p0 .LBB2_9-.Ltmp3, $4  }
0x21a: {  	[tilespmem:s30], [sflag:$0x1] =	stream.indirect_vreg.gather [hbm4b:s28+s26], $0x80, v4, vm0, $0xb8;
	[tilespmem:$0x1EA00] =	vst v63  }
0x21b: {  	_ =	swait.ge [sflag:s31], $0x2000  }
0x21c: {  	[sflag:s31] =	ssyncset.done $0x0  }
0x21d: {  	[sflag:s31] =	ssyncadd.s32 $0xFFFFE000  }
.LBB2_8:
0x21e: {  	s0 =	simm.s32 $0x4  }
0x21f: {  	_ =	swait.ge [sflag:s0], $0x800  }
0x220: {  	[sflag:s0] =	ssyncset.done $0x0  }
0x221: {  	[sflag:s0] =	ssyncadd.s32 $0xFFFFF800  }
.LBB2_9:
0x222: {  	s0 =	rddreg [dreg:$0x14]  }
0x223: {  	v4 =	vld [tilespmem:s0+$0x2000]  }
0x224: {  	v5 =	vld [tilespmem:s5+$0x2090]  }
0x225: {  	v6 =	vld [tilespmem:s5+$0x20A0];
	_ =	sdelay $0x2  }
0x226: {  	(v2sf) =	vpush v4, $0x0  }
0x227: {  	(v2sf) =	vpush v5, $0x0  }
0x228: {  	(v2sf) =	vpush v6, $0x0  }
0x229: {  	(v2sf) =	vpush v4, $0x1  }
0x22a: {  	(v2sf) =	vpush v5, $0x1  }
0x22b: {  	(v2sf) =	vpush v6, $0x1  }
0x22c: {  	(v2sf) =	vpush v4, $0x2  }
0x22d: {  	(v2sf) =	vpush v5, $0x2  }
0x22e: {  	(v2sf) =	vpush v6, $0x2  }
0x22f: {  	(v2sf) =	vpush v4, $0x3  }
0x230: {  	(v2sf) =	vpush v5, $0x3  }
0x231: {  	(v2sf) =	vpush v6, $0x3  }
0x232: {  	(v2sf) =	vpush v4, $0x4  }
0x233: {  	(v2sf) =	vpush v5, $0x4  }
0x234: {  	s4 =	sadd.s32 $0x1, s4;
	(v2sf) =	vpush v6, $0x4  }
0x235: {  	[dreg:$0x13] =	wrdreg s4;
	s13 =	spop (v2sf);
	(v2sf) =	vpush v4, $0x5  }
0x236: {  	[smem:$0x0] =	sst s13;
	s14 =	spop (v2sf);
	(v2sf) =	vpush v5, $0x5  }
0x237: {  	[smem:$0x80] =	sst s14;
	s15 =	spop (v2sf);
	(v2sf) =	vpush v6, $0x5  }
0x238: {  	[smem:$0x100] =	sst s15;
	s16 =	spop (v2sf);
	(v2sf) =	vpush v4, $0x6  }
0x239: {  	[smem:$0x1] =	sst s16;
	s17 =	spop (v2sf);
	(v2sf) =	vpush v5, $0x6  }
0x23a: {  	[smem:$0x81] =	sst s17;
	s18 =	spop (v2sf);
	(v2sf) =	vpush v6, $0x6  }
0x23b: {  	[smem:$0x101] =	sst s18;
	s19 =	spop (v2sf);
	(v2sf) =	vpush v4, $0x7  }
0x23c: {  	[smem:$0x2] =	sst s19;
	s20 =	spop (v2sf);
	(v2sf) =	vpush v5, $0x7  }
0x23d: {  	[smem:$0x82] =	sst s20;
	s21 =	spop (v2sf);
	(v2sf) =	vpush v6, $0x7  }
0x23e: {  	[smem:$0x102] =	sst s21;
	s22 =	spop (v2sf);
	(v2sf) =	vpush v4, $0x8  }
0x23f: {  	[smem:$0x3] =	sst s22;
	s23 =	spop (v2sf);
	(v2sf) =	vpush v5, $0x8  }
0x240: {  	[smem:$0x83] =	sst s23;
	s24 =	spop (v2sf);
	(v2sf) =	vpush v6, $0x8  }
0x241: {  	[smem:$0x103] =	sst s24;
	s25 =	spop (v2sf);
	(v2sf) =	vpush v4, $0x9  }
0x242: {  	[smem:$0x4] =	sst s25;
	s26 =	spop (v2sf);
	(v2sf) =	vpush v5, $0x9  }
0x243: {  	[smem:$0x84] =	sst s26;
	s28 =	spop (v2sf);
	(v2sf) =	vpush v6, $0x9  }
0x244: {  	[smem:$0x104] =	sst s28;
	s29 =	spop (v2sf);
	(v2sf) =	vpush v4, $0xA  }
0x245: {  	[smem:$0x5] =	sst s29;
	s30 =	spop (v2sf);
	(v2sf) =	vpush v5, $0xA  }
0x246: {  	[smem:$0x85] =	sst s30;
	s31 =	spop (v2sf);
	(v2sf) =	vpush v6, $0xA  }
0x247: {  	[smem:$0x105] =	sst s31;
	s1 =	spop (v2sf);
	(v2sf) =	vpush v4, $0xB  }
0x248: {  	[smem:$0x6] =	sst s1;
	s2 =	spop (v2sf);
	(v2sf) =	vpush v5, $0xB  }
0x249: {  	[smem:$0x86] =	sst s2;
	s3 =	spop (v2sf);
	(v2sf) =	vpush v6, $0xB  }
0x24a: {  	[smem:$0x106] =	sst s3;
	s5 =	spop (v2sf);
	(v2sf) =	vpush v4, $0xC  }
0x24b: {  	[smem:$0x7] =	sst s5;
	s6 =	spop (v2sf);
	(v2sf) =	vpush v5, $0xC  }
0x24c: {  	[smem:$0x87] =	sst s6;
	s7 =	spop (v2sf);
	(v2sf) =	vpush v6, $0xC  }
0x24d: {  	[smem:$0x107] =	sst s7;
	s8 =	spop (v2sf);
	(v2sf) =	vpush v4, $0xD  }
0x24e: {  	[smem:$0x8] =	sst s8;
	s9 =	spop (v2sf);
	(v2sf) =	vpush v5, $0xD  }
0x24f: {  	[smem:$0x88] =	sst s9;
	s10 =	spop (v2sf);
	(v2sf) =	vpush v6, $0xD  }
0x250: {  	[smem:$0x108] =	sst s10;
	s11 =	spop (v2sf);
	(v2sf) =	vpush v4, $0xE  }
0x251: {  	[smem:$0x9] =	sst s11;
	s12 =	spop (v2sf);
	(v2sf) =	vpush v5, $0xE  }
0x252: {  	[smem:$0x89] =	sst s12;
	s13 =	spop (v2sf);
	(v2sf) =	vpush v6, $0xE  }
0x253: {  	[smem:$0x109] =	sst s13;
	s14 =	spop (v2sf);
	(v2sf) =	vpush v4, $0xF  }
0x254: {  	[smem:$0xA] =	sst s14;
	s15 =	spop (v2sf);
	(v2sf) =	vpush v5, $0xF  }
0x255: {  	[smem:$0x8A] =	sst s15;
	s16 =	spop (v2sf);
	(v2sf) =	vpush v6, $0xF  }
0x256: {  	s1 =	spop (v2sf);
	[smem:$0x10A] =	sst s16  }
0x257: {  	s17 =	spop (v2sf);
	[smem:$0xB] =	sst s1  }
0x258: {  	s18 =	spop (v2sf);
	[smem:$0x8B] =	sst s17  }
0x259: {  	s19 =	spop (v2sf);
	[smem:$0x10B] =	sst s18  }
0x25a: {  	s20 =	spop (v2sf);
	[smem:$0xC] =	sst s19  }
0x25b: {  	s21 =	spop (v2sf);
	[smem:$0x8C] =	sst s20  }
0x25c: {  	s22 =	spop (v2sf);
	[smem:$0x10C] =	sst s21  }
0x25d: {  	s23 =	spop (v2sf);
	[smem:$0xD] =	sst s22  }
0x25e: {  	s24 =	spop (v2sf);
	[smem:$0x8D] =	sst s23  }
0x25f: {  	s25 =	spop (v2sf);
	[smem:$0x10D] =	sst s24  }
0x260: {  	p0 =	por $0x0, $0x0;
	s26 =	spop (v2sf);
	[smem:$0xE] =	sst s25  }
0x261: {  	s0 =	simm.s32 $0xFFFFFFFC;
	s28 =	spop (v2sf);
	[smem:$0x8E] =	sst s26  }
0x262: {  	s4 =	simm.s32 $0x0;
	s29 =	spop (v2sf);
	[smem:$0x10E] =	sst s28  }
0x263: {  	s5 =	simm.s32 $0x82;
	s30 =	spop (v2sf);
	[smem:$0xF] =	sst s29  }
0x264: {  	s7 =	simm.s32 $0x0;
	[smem:$0x8F] =	sst s30;
	s31 =	spop (v2sf)  }
0x265: {  	s8 =	simm.s32 $0x0;
	s12 =	simm.s32 $0x0;
	[smem:$0x10F] =	sst s31  }
.LBB2_10:
0x266: {  	s21 =	sld [smem:s5+$0xFFFFFFFE]  }
0x267: {  	s9 =	sld [smem:s5+$0x7E];
	s1 =	sand.u32 $0x1000, s12  }
0x268: {  	s2 =	sld [smem:s5+$0xFFFFFF7E];
	s3 =	sand.u32 $0x200, s4;
	s20 =	sadd.s32 $0x5200, s1  }
0x269: {  	s22 =	sadd.s32 s3, s20;
	s10 =	ssub.f32 $1.000000000e+00, s21  }
0x26a: {  	s23 =	ssub.f32 $1.000000000e+00, s9;
	v4 =	vld [tilespmem:s22+$0x0]  }
0x26b: {  	v5 =	vld [tilespmem:s22+$0x40]  }
0x26c: {  	s3 =	simm.s32 $0x1;
	s13 =	ssub.f32 $1.000000000e+00, s2;
	s11 =	smul.f32 s23, s10  }
0x26d: {  	s3 =	simm.s32 @!p0 $0x0;
	v6 =	vld [tilespmem:s22+$0x400];
	s14 =	smul.f32 s23, s21  }
0x26e: {  	s24 =	sshll.u32 s3, $0x9;
	s6 =	smul.f32 s11, s13  }
0x26f: {  	v7 =	vld [tilespmem:s22+$0x440];
	s23 =	sadd.s32 s24, s12;
	s11 =	smul.f32 s11, s2  }
0x270: {  	s25 =	sor.u32 $0x800, s23;
	v8 =	vunpack.i.u.bf16.f32 v4;
	v4 =	vunpack.i.l.bf16.f32 v4;
	v9 =	vunpack.i.l.bf16.f32 v5  }
0x271: {  	s1 =	smul.f32 s14, s13;
	v10 =	vld [tilespmem:s25+$0x5200];
	v5 =	vunpack.i.u.bf16.f32 v5;
	v4 =	vmul.f32 s6, v4;
	v9 =	vmul.f32 s11, v9  }
0x272: {  	s10 =	smul.f32 s9, s10;
	s15 =	sor.u32 $0x840, s23;
	v11 =	vunpack.i.l.bf16.f32 v6;
	v8 =	vmul.f32 s6, v8;
	v5 =	vmul.f32 s11, v5  }
0x273: {  	s3 =	smul.f32 s14, s2;
	v61 =	vld [tilespmem:s15+$0x5200];
	v6 =	vunpack.i.u.bf16.f32 v6;
	v60 =	vmul.f32 s1, v11;
	v4 =	vadd.f32 v9, v4  }
0x274: {  	s26 =	sor.u32 $0xC00, s23;
	v62 =	vunpack.i.l.bf16.f32 v7;
	v6 =	vmul.f32 s1, v6;
	v5 =	vadd.f32 v5, v8  }
0x275: {  	s25 =	smul.f32 s10, s13;
	v63 =	vld [tilespmem:s26+$0x5200];
	v7 =	vunpack.i.u.bf16.f32 v7;
	v8 =	vmul.f32 s3, v62;
	v4 =	vadd.f32 v60, v4  }
0x276: {  	s9 =	smul.f32 s9, s21;
	s28 =	sor.u32 $0xC40, s23;
	v12 =	vmul.f32 s3, v7;
	v13 =	vunpack.i.l.bf16.f32 v10;
	v5 =	vadd.f32 v6, v5  }
0x277: {  	[dreg:$0x17] =	wrdreg s0;
	s0 =	smul.f32 s10, s2;
	v15 =	vld [tilespmem:s28+$0x5200];
	v14 =	vunpack.i.u.bf16.f32 v10;
	v7 =	vmul.f32 s25, v13;
	v4 =	vadd.f32 v8, v4  }
0x278: {  	v17 =	vunpack.i.l.bf16.f32 v61;
	v16 =	vmul.f32 s25, v14;
	v5 =	vadd.f32 v12, v5  }
0x279: {  	s16 =	smul.f32 s9, s13;
	v18 =	vunpack.i.u.bf16.f32 v61;
	v8 =	vmul.f32 s0, v17;
	v4 =	vadd.f32 v7, v4  }
0x27a: {  	v20 =	vunpack.i.l.bf16.f32 v63;
	v19 =	vmul.f32 s0, v18;
	v5 =	vadd.f32 v16, v5  }
0x27b: {  	s21 =	smul.f32 s9, s2;
	v21 =	vunpack.i.u.bf16.f32 v63;
	v7 =	vmul.f32 s16, v20;
	v4 =	vadd.f32 v8, v4  }
0x27c: {  	v23 =	vunpack.i.l.bf16.f32 v15;
	v22 =	vmul.f32 s16, v21;
	v5 =	vadd.f32 v19, v5  }
0x27d: {  	v24 =	vunpack.i.u.bf16.f32 v15;
	v8 =	vmul.f32 s21, v23;
	v4 =	vadd.f32 v7, v4  }
0x27e: {  	v25 =	vmul.f32 s21, v24;
	v5 =	vadd.f32 v22, v5  }
0x27f: {  	v4 =	vadd.f32 v8, v4  }
0x280: {  	s10 =	sshra.s32 s12, $0x2;
	v5 =	vadd.f32 v25, v5  }
0x281: {  	[tilespmem:s10+$0x7A00] =	vst v4  }
0x282: {  	[tilespmem:s10+$0x7A10] =	vst v5  }
0x283: {  	v4 =	vld [tilespmem:s22+$0x10]  }
0x284: {  	v5 =	vld [tilespmem:s22+$0x50];
	_ =	sdelay $0x1  }
0x285: {  	v26 =	vld [tilespmem:s22+$0x410];
	_ =	sdelay $0x1  }
0x286: {  	v27 =	vld [tilespmem:s22+$0x450]  }
0x287: {  	s29 =	sor.u32 $0x810, s23;
	v28 =	vunpack.i.u.bf16.f32 v4;
	v4 =	vunpack.i.l.bf16.f32 v4;
	v29 =	vunpack.i.l.bf16.f32 v5  }
0x288: {  	v30 =	vld [tilespmem:s29+$0x5200];
	v5 =	vunpack.i.u.bf16.f32 v5;
	v4 =	vmul.f32 s6, v4;
	v9 =	vmul.f32 s11, v29  }
0x289: {  	s30 =	sor.u32 $0x850, s23;
	v31 =	vunpack.i.l.bf16.f32 v26;
	v8 =	vmul.f32 s6, v28;
	v5 =	vmul.f32 s11, v5  }
0x28a: {  	v33 =	vld [tilespmem:s30+$0x5200];
	v6 =	vunpack.i.u.bf16.f32 v26;
	v32 =	vmul.f32 s1, v31;
	v4 =	vadd.f32 v9, v4  }
0x28b: {  	s31 =	sor.u32 $0xC10, s23;
	v34 =	vunpack.i.l.bf16.f32 v27;
	v6 =	vmul.f32 s1, v6;
	v5 =	vadd.f32 v5, v8  }
0x28c: {  	v35 =	vld [tilespmem:s31+$0x5200];
	v7 =	vunpack.i.u.bf16.f32 v27;
	v8 =	vmul.f32 s3, v34;
	v4 =	vadd.f32 v32, v4  }
0x28d: {  	s9 =	sor.u32 $0xC50, s23;
	v37 =	vunpack.i.l.bf16.f32 v30;
	v36 =	vmul.f32 s3, v7;
	v5 =	vadd.f32 v6, v5  }
0x28e: {  	v39 =	vld [tilespmem:s9+$0x5200];
	v38 =	vunpack.i.u.bf16.f32 v30;
	v7 =	vmul.f32 s25, v37;
	v4 =	vadd.f32 v8, v4  }
0x28f: {  	v41 =	vunpack.i.l.bf16.f32 v33;
	v40 =	vmul.f32 s25, v38;
	v5 =	vadd.f32 v36, v5  }
0x290: {  	v42 =	vunpack.i.u.bf16.f32 v33;
	v8 =	vmul.f32 s0, v41;
	v4 =	vadd.f32 v7, v4  }
0x291: {  	v44 =	vunpack.i.l.bf16.f32 v35;
	v43 =	vmul.f32 s0, v42;
	v5 =	vadd.f32 v40, v5  }
0x292: {  	v45 =	vunpack.i.u.bf16.f32 v35;
	v7 =	vmul.f32 s16, v44;
	v4 =	vadd.f32 v8, v4  }
0x293: {  	v47 =	vunpack.i.l.bf16.f32 v39;
	v46 =	vmul.f32 s16, v45;
	v5 =	vadd.f32 v43, v5  }
0x294: {  	v48 =	vunpack.i.u.bf16.f32 v39;
	v8 =	vmul.f32 s21, v47;
	v4 =	vadd.f32 v7, v4  }
0x295: {  	v49 =	vmul.f32 s21, v48;
	v5 =	vadd.f32 v46, v5  }
0x296: {  	v4 =	vadd.f32 v8, v4  }
0x297: {  	v5 =	vadd.f32 v49, v5  }
0x298: {  	[tilespmem:s10+$0x7A20] =	vst v4  }
0x299: {  	[tilespmem:s10+$0x7A30] =	vst v5  }
0x29a: {  	v4 =	vld [tilespmem:s22+$0x20]  }
0x29b: {  	v5 =	vld [tilespmem:s22+$0x60]  }
0x29c: {  	v50 =	vld [tilespmem:s22+$0x420]  }
0x29d: {  	s13 =	sor.u32 $0x820, s23;
	v51 =	vld [tilespmem:s22+$0x460]  }
0x29e: {  	s14 =	sor.u32 $0x860, s23;
	v54 =	vld [tilespmem:s13+$0x5200]  }
0x29f: {  	s15 =	sor.u32 $0xC20, s23;
	v57 =	vld [tilespmem:s14+$0x5200]  }
0x2a0: {  	v59 =	vld [tilespmem:s15+$0x5200]  }
0x2a1: {  	s17 =	sor.u32 $0xC60, s23;
	v52 =	vunpack.i.u.bf16.f32 v4;
	v4 =	vunpack.i.l.bf16.f32 v4;
	v53 =	vunpack.i.l.bf16.f32 v5  }
0x2a2: {  	s26 =	sld [smem:s5+$0x7F];
	v63 =	vld [tilespmem:s17+$0x5200];
	v5 =	vunpack.i.u.bf16.f32 v5;
	v55 =	vunpack.i.l.bf16.f32 v50;
	v6 =	vunpack.i.u.bf16.f32 v50  }
0x2a3: {  	s18 =	sadd.s32 $0x80, s4;
	v58 =	vunpack.i.l.bf16.f32 v51;
	v7 =	vunpack.i.u.bf16.f32 v51;
	v61 =	vunpack.i.l.bf16.f32 v54  }
0x2a4: {  	s2 =	sld [smem:s5+$0xFFFFFFFF];
	s13 =	sand.u32 $0x280, s18;
	v62 =	vunpack.i.u.bf16.f32 v54;
	v13 =	vunpack.i.l.bf16.f32 v57;
	v14 =	vunpack.i.u.bf16.f32 v57  }
0x2a5: {  	s19 =	ssub.f32 $1.000000000e+00, s26;
	s13 =	sadd.s32 s13, s20;
	v16 =	vunpack.i.l.bf16.f32 v59;
	v4 =	vmul.f32 s6, v4;
	v9 =	vmul.f32 s11, v53  }
0x2a6: {  	s9 =	sld [smem:s5+$0xFFFFFF7F];
	v17 =	vld [tilespmem:s13+$0x0];
	v19 =	vunpack.i.u.bf16.f32 v59;
	v8 =	vmul.f32 s6, v52;
	v5 =	vmul.f32 s11, v5  }
0x2a7: {  	s14 =	ssub.f32 $1.000000000e+00, s2;
	v22 =	vld [tilespmem:s13+$0x400];
	v20 =	vunpack.i.l.bf16.f32 v63;
	v56 =	vmul.f32 s1, v55;
	v6 =	vmul.f32 s1, v6  }
0x2a8: {  	v10 =	vunpack.i.u.bf16.f32 v63;
	v60 =	vmul.f32 s3, v7;
	v7 =	vmul.f32 s25, v61  }
0x2a9: {  	s28 =	ssub.f32 $1.000000000e+00, s9;
	s17 =	sand.u32 $0x7, s8;
	s18 =	smul.f32 s19, s14;
	v12 =	vmul.f32 s25, v62;
	v15 =	vmul.f32 s0, v14;
	v4 =	vadd.f32 v9, v4  }
0x2aa: {  	s29 =	smul.f32 s19, s2;
	s17 =	sshll.u32 s17, $0x7;
	v21 =	vmul.f32 s21, v20;
	v23 =	vmul.f32 s21, v10;
	v5 =	vadd.f32 v5, v8  }
0x2ab: {  	v18 =	vld [tilespmem:s13+$0x40];
	s24 =	sadd.s32 s12, s17;
	s15 =	smul.f32 s18, s28;
	v25 =	vunpack.i.u.bf16.f32 v17;
	v8 =	vmul.f32 s3, v58;
	v4 =	vadd.f32 v56, v4  }
0x2ac: {  	s31 =	smul.f32 s29, s28;
	s17 =	sadd.s32 $0x80, s24;
	v11 =	vunpack.i.l.bf16.f32 v17;
	v14 =	vunpack.i.l.bf16.f32 v22;
	v5 =	vadd.f32 v6, v5  }
0x2ad: {  	[dreg:$0x1b] =	wrdreg s8;
	v24 =	vld [tilespmem:s13+$0x440];
	s8 =	sor.u32 $0x840, s17;
	v11 =	vmul.f32 s15, v11;
	v10 =	vmul.f32 s15, v25;
	v4 =	vadd.f32 v8, v4  }
0x2ae: {  	[dreg:$0x1d] =	wrdreg s24;
	s24 =	sor.u32 $0xC00, s17;
	v27 =	vld [tilespmem:s8+$0x5200];
	v9 =	vunpack.i.u.bf16.f32 v22;
	v26 =	vmul.f32 s31, v14;
	v5 =	vadd.f32 v60, v5  }
0x2af: {  	s19 =	smul.f32 s18, s9;
	v29 =	vld [tilespmem:s24+$0x5200];
	v9 =	vmul.f32 s31, v9;
	v8 =	vmul.f32 s0, v13;
	v4 =	vadd.f32 v7, v4  }
0x2b0: {  	s30 =	sor.u32 $0x800, s17;
	v6 =	vmul.f32 s16, v19;
	v5 =	vadd.f32 v12, v5;
	v12 =	vunpack.i.l.bf16.f32 v18  }
0x2b1: {  	v13 =	vld [tilespmem:s30+$0x5200];
	v12 =	vmul.f32 s19, v12;
	v4 =	vadd.f32 v8, v4;
	v8 =	vunpack.i.u.bf16.f32 v18  }
0x2b2: {  	s18 =	smul.f32 s29, s9;
	v28 =	vunpack.i.l.bf16.f32 v24;
	v7 =	vmul.f32 s16, v16;
	v8 =	vmul.f32 s19, v8  }
0x2b3: {  	s24 =	sor.u32 $0xC40, s17;
	v34 =	vunpack.i.l.bf16.f32 v27;
	v35 =	vunpack.i.u.bf16.f32 v27;
	s30 =	smul.f32 s26, s14;
	v11 =	vadd.f32 v12, v11  }
0x2b4: {  	v32 =	vld [tilespmem:s24+$0x5200];
	v37 =	vunpack.i.l.bf16.f32 v29;
	v4 =	vadd.f32 v7, v4;
	v8 =	vadd.f32 v8, v10  }
0x2b5: {  	s14 =	smul.f32 s30, s28;
	v7 =	vunpack.i.u.bf16.f32 v24;
	v11 =	vadd.f32 v26, v11;
	v10 =	vmul.f32 s18, v28  }
0x2b6: {  	s8 =	smul.f32 s26, s2;
	v30 =	vunpack.i.l.bf16.f32 v13;
	v7 =	vmul.f32 s18, v7;
	v8 =	vadd.f32 v9, v8  }
0x2b7: {  	s2 =	smul.f32 s30, s9;
	v31 =	vunpack.i.u.bf16.f32 v13;
	v10 =	vadd.f32 v10, v11;
	v9 =	vmul.f32 s14, v30  }
0x2b8: {  	v38 =	vunpack.i.u.bf16.f32 v29;
	v33 =	vmul.f32 s14, v31;
	v7 =	vadd.f32 v7, v8  }
0x2b9: {  	v40 =	vunpack.i.l.bf16.f32 v32;
	s26 =	smul.f32 s8, s28;
	v11 =	vmul.f32 s2, v34;
	v9 =	vadd.f32 v9, v10  }
0x2ba: {  	v5 =	vadd.f32 v15, v5;
	v36 =	vmul.f32 s2, v35;
	v7 =	vadd.f32 v33, v7  }
0x2bb: {  	v41 =	vunpack.i.u.bf16.f32 v32;
	s9 =	smul.f32 s8, s9;
	v10 =	vmul.f32 s26, v37;
	v9 =	vadd.f32 v11, v9  }
0x2bc: {  	v39 =	vmul.f32 s26, v38;
	v5 =	vadd.f32 v6, v5;
	v7 =	vadd.f32 v36, v7  }
0x2bd: {  	v4 =	vadd.f32 v21, v4;
	v11 =	vmul.f32 s9, v40;
	v9 =	vadd.f32 v10, v9  }
0x2be: {  	v43 =	vmul.f32 s9, v41;
	v5 =	vadd.f32 v23, v5;
	v42 =	vadd.f32 v39, v7  }
0x2bf: {  	[tilespmem:s10+$0x7A40] =	vst v4;
	v4 =	vadd.f32 v11, v9  }
0x2c0: {  	[tilespmem:s10+$0x7A50] =	vst v5;
	v5 =	vadd.f32 v43, v42  }
0x2c1: {  	v63 =	vld [tilespmem:s22+$0x70];
	[tilespmem:s10+$0x7A80] =	vst v4  }
0x2c2: {  	v4 =	vld [tilespmem:s22+$0x30];
	[tilespmem:s10+$0x7A90] =	vst v5  }
0x2c3: {  	v5 =	vld [tilespmem:s13+$0x10]  }
0x2c4: {  	v44 =	vld [tilespmem:s13+$0x50];
	_ =	sdelay $0x1  }
0x2c5: {  	v26 =	vunpack.i.u.bf16.f32 v63;
	v45 =	vld [tilespmem:s13+$0x410]  }
0x2c6: {  	v29 =	vmul.f32 s11, v26;
	v46 =	vunpack.i.u.bf16.f32 v4;
	v4 =	vunpack.i.l.bf16.f32 v4  }
0x2c7: {  	v25 =	vunpack.i.l.bf16.f32 v63;
	v47 =	vld [tilespmem:s13+$0x450];
	v4 =	vmul.f32 s6, v4;
	v28 =	vmul.f32 s6, v46  }
0x2c8: {  	s8 =	sor.u32 $0x810, s17;
	v48 =	vunpack.i.u.bf16.f32 v5;
	v5 =	vunpack.i.l.bf16.f32 v5;
	v49 =	vunpack.i.l.bf16.f32 v44  }
0x2c9: {  	v50 =	vld [tilespmem:s8+$0x5200];
	v6 =	vunpack.i.u.bf16.f32 v44;
	v5 =	vmul.f32 s15, v5;
	v11 =	vmul.f32 s19, v49  }
0x2ca: {  	s24 =	sor.u32 $0x850, s17;
	v51 =	vunpack.i.l.bf16.f32 v45;
	v10 =	vmul.f32 s15, v48;
	v6 =	vmul.f32 s19, v6  }
0x2cb: {  	v53 =	vld [tilespmem:s24+$0x5200];
	v7 =	vunpack.i.u.bf16.f32 v45;
	v52 =	vmul.f32 s31, v51;
	v5 =	vadd.f32 v11, v5  }
0x2cc: {  	s29 =	sor.u32 $0xC10, s17;
	v54 =	vunpack.i.l.bf16.f32 v47;
	v7 =	vmul.f32 s31, v7;
	v6 =	vadd.f32 v6, v10  }
0x2cd: {  	v55 =	vld [tilespmem:s29+$0x5200];
	v9 =	vunpack.i.u.bf16.f32 v47;
	v10 =	vmul.f32 s18, v54;
	v5 =	vadd.f32 v52, v5  }
0x2ce: {  	s30 =	sor.u32 $0xC50, s17;
	v57 =	vunpack.i.l.bf16.f32 v50;
	v56 =	vmul.f32 s18, v9;
	v6 =	vadd.f32 v7, v6  }
0x2cf: {  	v59 =	vld [tilespmem:s30+$0x5200];
	v58 =	vunpack.i.u.bf16.f32 v50;
	v9 =	vmul.f32 s14, v57;
	v5 =	vadd.f32 v10, v5  }
0x2d0: {  	v61 =	vunpack.i.l.bf16.f32 v53;
	v60 =	vmul.f32 s14, v58;
	v6 =	vadd.f32 v56, v6  }
0x2d1: {  	s29 =	sld [smem:s5+$0x0];
	v62 =	vunpack.i.u.bf16.f32 v53;
	v10 =	vmul.f32 s2, v61;
	v5 =	vadd.f32 v9, v5  }
0x2d2: {  	s30 =	sld [smem:s5+$0x80];
	v17 =	vunpack.i.l.bf16.f32 v55;
	v16 =	vmul.f32 s2, v62;
	v6 =	vadd.f32 v60, v6  }
0x2d3: {  	[dreg:$0x19] =	wrdreg s7;
	v19 =	vld [tilespmem:s22+$0x430];
	v18 =	vunpack.i.u.bf16.f32 v55;
	v9 =	vmul.f32 s26, v17;
	v5 =	vadd.f32 v10, v5  }
0x2d4: {  	v23 =	vld [tilespmem:s22+$0x470];
	s8 =	sor.u32 $0x830, s23;
	s6 =	ssub.f32 $1.000000000e+00, s29;
	v21 =	vunpack.i.l.bf16.f32 v59;
	v20 =	vmul.f32 s26, v18;
	v6 =	vadd.f32 v16, v6  }
0x2d5: {  	s7 =	sand.u32 $0x3, s7;
	v27 =	vld [tilespmem:s8+$0x5200];
	s28 =	ssub.f32 $1.000000000e+00, s30;
	v22 =	vunpack.i.u.bf16.f32 v59;
	v10 =	vmul.f32 s9, v21;
	v5 =	vadd.f32 v9, v5  }
0x2d6: {  	v24 =	vmul.f32 s9, v22;
	v6 =	vadd.f32 v20, v6;
	v9 =	vmul.f32 s11, v25;
	s11 =	sshll.u32 s7, $0x8  }
0x2d7: {  	s8 =	smul.f32 s28, s6;
	s11 =	sadd.s32 s12, s11;
	v5 =	vadd.f32 v10, v5  }
0x2d8: {  	v30 =	vunpack.i.l.bf16.f32 v19;
	s22 =	sor.u32 $0x870, s23;
	s7 =	smul.f32 s28, s29;
	v6 =	vadd.f32 v24, v6;
	s28 =	sadd.s32 $0x100, s11  }
0x2d9: {  	v33 =	vunpack.i.l.bf16.f32 v23;
	v31 =	vmul.f32 s1, v30;
	v42 =	vld [tilespmem:s22+$0x5200];
	v4 =	vadd.f32 v9, v4;
	s11 =	sor.u32 $0x800, s28;
	[tilespmem:s10+$0x7AA0] =	vst v5  }
0x2da: {  	v32 =	vadd.f32 v29, v28;
	v37 =	vunpack.i.l.bf16.f32 v27;
	v5 =	vunpack.i.u.bf16.f32 v19;
	[tilespmem:s10+$0x7AB0] =	vst v6;
	v16 =	vld [tilespmem:s11+$0x5200]  }
0x2db: {  	v7 =	vmul.f32 s3, v33;
	v4 =	vadd.f32 v31, v4;
	v5 =	vmul.f32 s1, v5;
	v34 =	vld [tilespmem:s13+$0x20]  }
0x2dc: {  	v36 =	vunpack.i.u.bf16.f32 v23;
	v40 =	vunpack.i.u.bf16.f32 v27;
	v38 =	vmul.f32 s25, v37;
	v35 =	vld [tilespmem:s13+$0x60]  }
0x2dd: {  	v6 =	vmul.f32 s3, v36;
	v39 =	vld [tilespmem:s13+$0x420];
	v4 =	vadd.f32 v7, v4;
	v5 =	vadd.f32 v5, v32  }
0x2de: {  	v15 =	vunpack.i.l.bf16.f32 v42;
	v53 =	vunpack.i.u.bf16.f32 v42;
	v41 =	vmul.f32 s25, v40;
	s11 =	sor.u32 $0x840, s28;
	v45 =	vld [tilespmem:s13+$0x460]  }
0x2df: {  	s24 =	sadd.s32 $0x100, s4;
	v54 =	vmul.f32 s0, v15;
	v18 =	vld [tilespmem:s11+$0x5200];
	v4 =	vadd.f32 v38, v4;
	v5 =	vadd.f32 v6, v5  }
0x2e0: {  	s1 =	sand.u32 $0x300, s24;
	s11 =	sor.u32 $0xC00, s28;
	v6 =	vmul.f32 s0, v53;
	v62 =	vunpack.i.l.bf16.f32 v16;
	v21 =	vunpack.i.u.bf16.f32 v16  }
0x2e1: {  	s1 =	sadd.s32 s1, s20;
	v61 =	vld [tilespmem:s11+$0x5200];
	v43 =	vunpack.i.u.bf16.f32 v34;
	v8 =	vunpack.i.l.bf16.f32 v34;
	v44 =	vunpack.i.l.bf16.f32 v35  }
0x2e2: {  	s25 =	sld [smem:s5+$0xFFFFFF80];
	v48 =	vld [tilespmem:s1+$0x0];
	v9 =	vunpack.i.u.bf16.f32 v35;
	v46 =	vunpack.i.l.bf16.f32 v39;
	v10 =	vunpack.i.u.bf16.f32 v39  }
0x2e3: {  	v49 =	vld [tilespmem:s1+$0x40];
	v50 =	vunpack.i.u.bf16.f32 v45;
	v13 =	vunpack.i.l.bf16.f32 v45;
	v8 =	vmul.f32 s15, v8  }
0x2e4: {  	v52 =	vld [tilespmem:s1+$0x400];
	v23 =	vunpack.i.l.bf16.f32 v18;
	v12 =	vmul.f32 s19, v44;
	v11 =	vmul.f32 s15, v43  }
0x2e5: {  	s24 =	ssub.f32 $1.000000000e+00, s25;
	v25 =	vunpack.i.u.bf16.f32 v18;
	v9 =	vmul.f32 s19, v9;
	v47 =	vmul.f32 s31, v46  }
0x2e6: {  	v7 =	vadd.f32 v54, v4;
	v10 =	vmul.f32 s31, v10;
	v51 =	vmul.f32 s18, v13  }
0x2e7: {  	s3 =	smul.f32 s8, s24;
	v5 =	vadd.f32 v41, v5;
	v27 =	vunpack.i.l.bf16.f32 v61;
	v29 =	vunpack.i.u.bf16.f32 v61  }
0x2e8: {  	v55 =	vld [tilespmem:s1+$0x440];
	s22 =	smul.f32 s7, s24;
	v56 =	vunpack.i.u.bf16.f32 v48;
	v14 =	vunpack.i.l.bf16.f32 v48;
	v9 =	vadd.f32 v9, v11  }
0x2e9: {  	s0 =	smul.f32 s8, s25;
	v57 =	vunpack.i.l.bf16.f32 v49;
	v17 =	vunpack.i.l.bf16.f32 v52;
	v13 =	vunpack.i.u.bf16.f32 v52  }
0x2ea: {  	s8 =	smul.f32 s30, s6;
	v8 =	vadd.f32 v12, v8;
	v12 =	vmul.f32 s18, v50;
	v9 =	vadd.f32 v10, v9  }
0x2eb: {  	s6 =	smul.f32 s7, s25;
	v14 =	vmul.f32 s3, v14;
	v11 =	vunpack.i.u.bf16.f32 v49;
	v15 =	vmul.f32 s0, v57  }
0x2ec: {  	s7 =	smul.f32 s30, s29;
	s30 =	sor.u32 $0xC40, s28;
	v11 =	vmul.f32 s0, v11;
	v9 =	vadd.f32 v12, v9;
	v12 =	vmul.f32 s3, v56  }
0x2ed: {  	v63 =	vld [tilespmem:s30+$0x5200];
	s11 =	smul.f32 s8, s24;
	v60 =	vunpack.i.l.bf16.f32 v55;
	v58 =	vmul.f32 s22, v17;
	v14 =	vadd.f32 v15, v14  }
0x2ee: {  	s30 =	sor.u32 $0x820, s17;
	s29 =	smul.f32 s8, s25;
	v59 =	vmul.f32 s22, v13;
	v13 =	vmul.f32 s6, v60;
	v11 =	vadd.f32 v11, v12  }
0x2ef: {  	v24 =	vld [tilespmem:s30+$0x5200];
	s30 =	smul.f32 s7, s24;
	v22 =	vmul.f32 s11, v21;
	v10 =	vunpack.i.u.bf16.f32 v55;
	v14 =	vadd.f32 v58, v14  }
0x2f0: {  	v26 =	vmul.f32 s29, v25;
	v10 =	vmul.f32 s6, v10;
	v11 =	vadd.f32 v59, v11  }
0x2f1: {  	s24 =	sor.u32 $0x860, s17;
	v30 =	vmul.f32 s30, v29;
	v13 =	vadd.f32 v13, v14;
	v12 =	vmul.f32 s11, v62  }
0x2f2: {  	s25 =	smul.f32 s7, s25;
	s8 =	sor.u32 $0xC60, s17;
	v28 =	vld [tilespmem:s24+$0x5200];
	v8 =	vadd.f32 v47, v8;
	v31 =	vunpack.i.l.bf16.f32 v63;
	v10 =	vadd.f32 v10, v11  }
0x2f3: {  	v37 =	vld [tilespmem:s8+$0x5200];
	v33 =	vunpack.i.u.bf16.f32 v63;
	v14 =	vmul.f32 s29, v23;
	v12 =	vadd.f32 v12, v13  }
0x2f4: {  	v34 =	vunpack.i.l.bf16.f32 v24;
	v35 =	vmul.f32 s25, v33;
	v10 =	vadd.f32 v22, v10  }
0x2f5: {  	s24 =	sor.u32 $0xC20, s17;
	v36 =	vunpack.i.u.bf16.f32 v24;
	v13 =	vmul.f32 s30, v27;
	v12 =	vadd.f32 v14, v12  }
0x2f6: {  	v32 =	vld [tilespmem:s24+$0x5200];
	v8 =	vadd.f32 v51, v8;
	v15 =	vmul.f32 s14, v34;
	v10 =	vadd.f32 v26, v10  }
0x2f7: {  	s24 =	sor.u32 $0xC30, s23;
	v38 =	vunpack.i.l.bf16.f32 v28;
	v14 =	vmul.f32 s25, v31;
	v12 =	vadd.f32 v13, v12  }
0x2f8: {  	v41 =	vld [tilespmem:s24+$0x5200];
	v39 =	vunpack.i.u.bf16.f32 v28;
	v47 =	vunpack.i.u.bf16.f32 v37;
	v10 =	vadd.f32 v30, v10  }
0x2f9: {  	v48 =	vunpack.i.l.bf16.f32 v37;
	v13 =	vmul.f32 s14, v36;
	v12 =	vadd.f32 v14, v12  }
0x2fa: {  	v40 =	vmul.f32 s2, v38;
	v8 =	vadd.f32 v15, v8;
	v10 =	vadd.f32 v35, v10  }
0x2fb: {  	v42 =	vunpack.i.l.bf16.f32 v32;
	v11 =	vmul.f32 s2, v39;
	v9 =	vadd.f32 v13, v9;
	[tilespmem:s10+$0x7B00] =	vst v12  }
0x2fc: {  	v43 =	vunpack.i.u.bf16.f32 v32;
	v8 =	vadd.f32 v40, v8;
	v13 =	vmul.f32 s26, v42;
	[tilespmem:s10+$0x7B10] =	vst v10  }
0x2fd: {  	v45 =	vmul.f32 s26, v43;
	v50 =	vunpack.i.l.bf16.f32 v41;
	v4 =	vadd.f32 v11, v9;
	v44 =	vld [tilespmem:s1+$0x10]  }
0x2fe: {  	v8 =	vadd.f32 v13, v8;
	v13 =	vmul.f32 s9, v48;
	v11 =	vmul.f32 s9, v47;
	v46 =	vld [tilespmem:s1+$0x50]  }
0x2ff: {  	v9 =	vadd.f32 v45, v4;
	v4 =	vadd.f32 v6, v5;
	v5 =	vunpack.i.u.bf16.f32 v41;
	v49 =	vld [tilespmem:s1+$0x410]  }
0x300: {  	v6 =	vmul.f32 s16, v50;
	v5 =	vmul.f32 s16, v5  }
0x301: {  	v8 =	vadd.f32 v13, v8;
	v9 =	vadd.f32 v11, v9;
	v51 =	vld [tilespmem:s1+$0x450]  }
0x302: {  	s8 =	sor.u32 $0x810, s28;
	v7 =	vadd.f32 v6, v7;
	v4 =	vadd.f32 v5, v4;
	v52 =	vunpack.i.u.bf16.f32 v44  }
0x303: {  	v55 =	vld [tilespmem:s8+$0x5200];
	v53 =	vunpack.i.l.bf16.f32 v44;
	v54 =	vunpack.i.l.bf16.f32 v46;
	v10 =	vunpack.i.u.bf16.f32 v46  }
0x304: {  	s24 =	sor.u32 $0x850, s28;
	v56 =	vunpack.i.l.bf16.f32 v49;
	v13 =	vmul.f32 s3, v53;
	v15 =	vmul.f32 s0, v54  }
0x305: {  	v57 =	vld [tilespmem:s24+$0x5200];
	v14 =	vunpack.i.u.bf16.f32 v49;
	v12 =	vmul.f32 s3, v52;
	v10 =	vmul.f32 s0, v10  }
0x306: {  	v60 =	vunpack.i.l.bf16.f32 v51;
	v58 =	vmul.f32 s22, v56;
	v13 =	vadd.f32 v15, v13  }
0x307: {  	s8 =	sor.u32 $0xC10, s28;
	v11 =	vunpack.i.u.bf16.f32 v51;
	v59 =	vmul.f32 s22, v14;
	v10 =	vadd.f32 v10, v12  }
0x308: {  	s24 =	sor.u32 $0xC50, s28;
	v61 =	vld [tilespmem:s8+$0x5200];
	v62 =	vunpack.i.l.bf16.f32 v55;
	v14 =	vmul.f32 s6, v60;
	v13 =	vadd.f32 v58, v13  }
0x309: {  	v63 =	vld [tilespmem:s24+$0x5200];
	v19 =	vunpack.i.u.bf16.f32 v55;
	v11 =	vmul.f32 s6, v11;
	v10 =	vadd.f32 v59, v10  }
0x30a: {  	[tilespmem:s10+$0x7AC0] =	vst v8;
	s8 =	sor.u32 $0xC70, s23;
	v22 =	vunpack.i.l.bf16.f32 v57;
	v12 =	vmul.f32 s11, v62;
	v13 =	vadd.f32 v14, v13  }
0x30b: {  	[tilespmem:s10+$0x7AD0] =	vst v9;
	v23 =	vld [tilespmem:s8+$0x5200];
	v25 =	vunpack.i.u.bf16.f32 v57;
	v21 =	vmul.f32 s11, v19;
	v20 =	vadd.f32 v11, v10  }
0x30c: {  	v26 =	vld [tilespmem:s13+$0x30];
	v27 =	vmul.f32 s29, v25;
	v11 =	vmul.f32 s29, v22;
	v24 =	vadd.f32 v12, v13  }
0x30d: {  	v29 =	vld [tilespmem:s13+$0x70];
	v28 =	vunpack.i.l.bf16.f32 v61;
	v30 =	vunpack.i.u.bf16.f32 v61;
	v8 =	vadd.f32 v21, v20  }
0x30e: {  	v32 =	vunpack.i.l.bf16.f32 v63;
	v12 =	vmul.f32 s30, v28;
	v9 =	vadd.f32 v11, v24  }
0x30f: {  	v34 =	vld [tilespmem:s13+$0x430];
	v33 =	vunpack.i.u.bf16.f32 v63;
	v31 =	vmul.f32 s30, v30;
	v8 =	vadd.f32 v27, v8  }
0x310: {  	v42 =	vld [tilespmem:s13+$0x470];
	v35 =	vmul.f32 s25, v33;
	v11 =	vmul.f32 s25, v32;
	v9 =	vadd.f32 v12, v9  }
0x311: {  	v36 =	vunpack.i.u.bf16.f32 v23;
	v37 =	vunpack.i.u.bf16.f32 v26;
	v8 =	vadd.f32 v31, v8  }
0x312: {  	s13 =	sor.u32 $0x830, s17;
	v38 =	vunpack.i.l.bf16.f32 v26;
	v39 =	vunpack.i.l.bf16.f32 v29;
	v9 =	vadd.f32 v11, v9  }
0x313: {  	v45 =	vld [tilespmem:s13+$0x5200];
	v41 =	vunpack.i.u.bf16.f32 v29;
	v43 =	vunpack.i.l.bf16.f32 v23;
	v8 =	vadd.f32 v35, v8  }
0x314: {  	s16 =	sor.u32 $0x870, s17;
	v46 =	vunpack.i.u.bf16.f32 v34;
	v47 =	vunpack.i.l.bf16.f32 v34;
	v40 =	vmul.f32 s15, v38;
	[tilespmem:s10+$0x7B20] =	vst v9  }
0x315: {  	v55 =	vld [tilespmem:s16+$0x5200];
	v50 =	vunpack.i.l.bf16.f32 v42;
	v44 =	vmul.f32 s15, v37;
	v11 =	vmul.f32 s19, v41;
	[tilespmem:s10+$0x7B30] =	vst v8  }
0x316: {  	v52 =	vunpack.i.u.bf16.f32 v42;
	v49 =	vmul.f32 s31, v46;
	v13 =	vmul.f32 s19, v39;
	v48 =	vld [tilespmem:s1+$0x20]  }
0x317: {  	v6 =	vmul.f32 s21, v36;
	v16 =	vmul.f32 s18, v50;
	v11 =	vadd.f32 v11, v44;
	v19 =	vld [tilespmem:s1+$0x60]  }
0x318: {  	v53 =	vunpack.i.l.bf16.f32 v45;
	v10 =	vadd.f32 v13, v40;
	v13 =	vmul.f32 s31, v47;
	v51 =	vld [tilespmem:s1+$0x420]  }
0x319: {  	v54 =	vunpack.i.u.bf16.f32 v45;
	v9 =	vadd.f32 v49, v11;
	v11 =	vmul.f32 s18, v52;
	s18 =	sadd.s32 $0x180, s4  }
0x31a: {  	v61 =	vunpack.i.u.bf16.f32 v55;
	v15 =	vadd.f32 v13, v10;
	v10 =	vmul.f32 s14, v53;
	s19 =	sld [smem:s5+$0x1];
	v21 =	vld [tilespmem:s1+$0x460];
	s7 =	sand.u32 $0x380, s18  }
0x31b: {  	v23 =	vunpack.i.l.bf16.f32 v55;
	v13 =	vmul.f32 s2, v61;
	v8 =	vmul.f32 s21, v43;
	s21 =	sld [smem:s5+$0x81];
	s15 =	sadd.s32 s7, s20  }
0x31c: {  	s23 =	sld [smem:s5+$0xFFFFFF81];
	v15 =	vadd.f32 v16, v15;
	v58 =	vld [tilespmem:s15+$0x0];
	v56 =	vunpack.i.u.bf16.f32 v48;
	v18 =	vunpack.i.l.bf16.f32 v48  }
0x31d: {  	s8 =	ssub.f32 $1.000000000e+00, s19;
	v59 =	vld [tilespmem:s15+$0x40];
	v20 =	vunpack.i.l.bf16.f32 v19;
	v19 =	vunpack.i.u.bf16.f32 v19;
	v22 =	vunpack.i.l.bf16.f32 v51  }
0x31e: {  	s20 =	ssub.f32 $1.000000000e+00, s21;
	v25 =	vld [tilespmem:s15+$0x400];
	v12 =	vunpack.i.u.bf16.f32 v51;
	v18 =	vmul.f32 s3, v18;
	v20 =	vmul.f32 s0, v20  }
0x31f: {  	s18 =	rddreg [dreg:$0x1d];
	v60 =	vunpack.i.u.bf16.f32 v21;
	v14 =	vmul.f32 s3, v56;
	v19 =	vmul.f32 s0, v19  }
0x320: {  	s13 =	sadd.s32 $0x180, s18;
	v21 =	vunpack.i.l.bf16.f32 v21;
	s31 =	smul.f32 s20, s8;
	v57 =	vmul.f32 s22, v22;
	v12 =	vmul.f32 s22, v12  }
0x321: {  	v30 =	vld [tilespmem:s15+$0x440];
	s7 =	smul.f32 s20, s19;
	s20 =	sor.u32 $0x800, s13;
	v21 =	vmul.f32 s6, v21;
	v18 =	vadd.f32 v20, v18;
	v14 =	vadd.f32 v19, v14  }
0x322: {  	s24 =	ssub.f32 $1.000000000e+00, s23;
	v33 =	vld [tilespmem:s20+$0x5200];
	v20 =	vmul.f32 s6, v60;
	v31 =	vunpack.i.u.bf16.f32 v58;
	v22 =	vunpack.i.l.bf16.f32 v58  }
0x323: {  	s16 =	smul.f32 s31, s23;
	v32 =	vunpack.i.l.bf16.f32 v59;
	v19 =	vunpack.i.u.bf16.f32 v59;
	v26 =	vunpack.i.l.bf16.f32 v25  }
0x324: {  	v34 =	vunpack.i.u.bf16.f32 v25;
	v24 =	vadd.f32 v12, v14;
	v14 =	vmul.f32 s14, v54;
	s14 =	smul.f32 s31, s24  }
0x325: {  	v18 =	vadd.f32 v57, v18;
	v12 =	vmul.f32 s2, v23;
	v23 =	vmul.f32 s16, v32  }
0x326: {  	s20 =	sor.u32 $0xC00, s13;
	v38 =	vunpack.i.l.bf16.f32 v30;
	s2 =	smul.f32 s7, s24;
	v19 =	vmul.f32 s16, v19;
	v22 =	vmul.f32 s14, v22  }
0x327: {  	s8 =	smul.f32 s21, s8;
	v27 =	vld [tilespmem:s20+$0x5200];
	s31 =	sor.u32 $0x840, s13;
	v39 =	vunpack.i.l.bf16.f32 v33;
	v62 =	vadd.f32 v21, v18;
	v21 =	vmul.f32 s14, v31  }
0x328: {  	s18 =	smul.f32 s7, s23;
	v36 =	vld [tilespmem:s31+$0x5200];
	v40 =	vunpack.i.u.bf16.f32 v33;
	v35 =	vmul.f32 s2, v26;
	v22 =	vadd.f32 v23, v22  }
0x329: {  	s20 =	smul.f32 s8, s24;
	v63 =	vadd.f32 v20, v24;
	v37 =	vmul.f32 s2, v34;
	v19 =	vadd.f32 v19, v21  }
0x32a: {  	s7 =	smul.f32 s21, s19;
	s21 =	sor.u32 $0x820, s28;
	v20 =	vunpack.i.u.bf16.f32 v30;
	v23 =	vmul.f32 s18, v38;
	v22 =	vadd.f32 v35, v22  }
0x32b: {  	s31 =	sor.u32 $0xC40, s13;
	v44 =	vld [tilespmem:s21+$0x5200];
	v42 =	vmul.f32 s20, v40;
	v20 =	vmul.f32 s18, v20;
	v19 =	vadd.f32 v37, v19  }
0x32c: {  	s19 =	smul.f32 s8, s23;
	v41 =	vld [tilespmem:s31+$0x5200];
	v47 =	vunpack.i.l.bf16.f32 v27;
	v21 =	vmul.f32 s20, v39;
	v22 =	vadd.f32 v23, v22  }
0x32d: {  	s21 =	smul.f32 s7, s24;
	v49 =	vunpack.i.u.bf16.f32 v27;
	v43 =	vunpack.i.l.bf16.f32 v36;
	v19 =	vadd.f32 v20, v19  }
0x32e: {  	s31 =	sor.u32 $0x860, s28;
	v45 =	vunpack.i.u.bf16.f32 v36;
	v23 =	vmul.f32 s19, v43;
	v21 =	vadd.f32 v21, v22  }
0x32f: {  	v48 =	vld [tilespmem:s31+$0x5200];
	v50 =	vmul.f32 s21, v49;
	v46 =	vmul.f32 s19, v45;
	v19 =	vadd.f32 v42, v19  }
0x330: {  	s23 =	smul.f32 s7, s23;
	v54 =	vunpack.i.l.bf16.f32 v44;
	v22 =	vmul.f32 s21, v47;
	v21 =	vadd.f32 v23, v21  }
0x331: {  	s24 =	sor.u32 $0xC20, s28;
	v25 =	vunpack.i.u.bf16.f32 v44;
	v51 =	vunpack.i.l.bf16.f32 v41;
	v19 =	vadd.f32 v46, v19  }
0x332: {  	v52 =	vld [tilespmem:s24+$0x5200];
	s31 =	sor.u32 $0xC30, s17;
	v53 =	vunpack.i.u.bf16.f32 v41;
	v23 =	vmul.f32 s23, v51;
	v21 =	vadd.f32 v22, v21  }
0x333: {  	s24 =	sor.u32 $0xC60, s28;
	v56 =	vld [tilespmem:s31+$0x5200];
	v24 =	vmul.f32 s11, v54;
	v55 =	vmul.f32 s23, v53;
	v19 =	vadd.f32 v50, v19  }
0x334: {  	v57 =	vld [tilespmem:s24+$0x5200];
	v25 =	vmul.f32 s11, v25;
	v28 =	vunpack.i.l.bf16.f32 v48;
	v21 =	vadd.f32 v23, v21  }
0x335: {  	v58 =	vunpack.i.u.bf16.f32 v48;
	v17 =	vadd.f32 v24, v62;
	v19 =	vadd.f32 v55, v19  }
0x336: {  	v59 =	vmul.f32 s29, v28;
	v18 =	vadd.f32 v25, v63;
	v20 =	vmul.f32 s29, v58;
	[tilespmem:s10+$0x7B80] =	vst v21  }
0x337: {  	v10 =	vadd.f32 v10, v15;
	v60 =	vunpack.i.l.bf16.f32 v52;
	v61 =	vunpack.i.u.bf16.f32 v52;
	[tilespmem:s10+$0x7B90] =	vst v19  }
0x338: {  	v63 =	vunpack.i.l.bf16.f32 v56;
	v17 =	vadd.f32 v59, v17;
	v18 =	vadd.f32 v20, v18;
	v62 =	vld [tilespmem:s15+$0x10]  }
0x339: {  	v23 =	vunpack.i.l.bf16.f32 v57;
	v21 =	vmul.f32 s30, v60;
	v19 =	vmul.f32 s30, v61;
	v28 =	vld [tilespmem:s15+$0x50]  }
0x33a: {  	v29 =	vunpack.i.u.bf16.f32 v57;
	v32 =	vunpack.i.u.bf16.f32 v56;
	v30 =	vmul.f32 s25, v23;
	v31 =	vld [tilespmem:s15+$0x410]  }
0x33b: {  	v17 =	vadd.f32 v21, v17;
	v18 =	vadd.f32 v19, v18;
	v21 =	vmul.f32 s25, v29  }
0x33c: {  	v9 =	vadd.f32 v11, v9;
	v33 =	vmul.f32 s26, v63;
	v16 =	vmul.f32 s26, v32;
	v34 =	vld [tilespmem:s15+$0x450]  }
0x33d: {  	s31 =	sor.u32 $0x810, s13;
	v17 =	vadd.f32 v30, v17;
	v18 =	vadd.f32 v21, v18;
	v35 =	vunpack.i.u.bf16.f32 v62  }
0x33e: {  	v37 =	vld [tilespmem:s31+$0x5200];
	v24 =	vunpack.i.l.bf16.f32 v62;
	v36 =	vunpack.i.l.bf16.f32 v28;
	v20 =	vunpack.i.u.bf16.f32 v28  }
0x33f: {  	s24 =	sor.u32 $0x850, s13;
	v38 =	vunpack.i.l.bf16.f32 v31;
	v24 =	vmul.f32 s14, v24;
	v25 =	vmul.f32 s16, v36  }
0x340: {  	v40 =	vld [tilespmem:s24+$0x5200];
	v23 =	vunpack.i.u.bf16.f32 v31;
	v21 =	vmul.f32 s14, v35;
	v20 =	vmul.f32 s16, v20  }
0x341: {  	s26 =	sor.u32 $0xC10, s13;
	v42 =	vunpack.i.l.bf16.f32 v34;
	v39 =	vmul.f32 s2, v38;
	v24 =	vadd.f32 v25, v24  }
0x342: {  	v43 =	vld [tilespmem:s26+$0x5200];
	v19 =	vunpack.i.u.bf16.f32 v34;
	v41 =	vmul.f32 s2, v23;
	v20 =	vadd.f32 v20, v21  }
0x343: {  	v44 =	vunpack.i.l.bf16.f32 v37;
	v23 =	vmul.f32 s18, v42;
	v24 =	vadd.f32 v39, v24  }
0x344: {  	s31 =	sor.u32 $0xC50, s13;
	[tilespmem:s10+$0x7B40] =	vst v17;
	v47 =	vunpack.i.u.bf16.f32 v37;
	v19 =	vmul.f32 s18, v19;
	v20 =	vadd.f32 v41, v20  }
0x345: {  	v45 =	vld [tilespmem:s31+$0x5200];
	[tilespmem:s10+$0x7B50] =	vst v18;
	v50 =	vunpack.i.l.bf16.f32 v40;
	v21 =	vmul.f32 s20, v44;
	v46 =	vadd.f32 v23, v24  }
0x346: {  	v52 =	vunpack.i.u.bf16.f32 v40;
	v49 =	vmul.f32 s20, v47;
	v51 =	vld [tilespmem:s1+$0x30];
	v48 =	vadd.f32 v19, v20  }
0x347: {  	v54 =	vunpack.i.l.bf16.f32 v43;
	v56 =	vld [tilespmem:s1+$0x70];
	v20 =	vmul.f32 s19, v50;
	v17 =	vadd.f32 v21, v46  }
0x348: {  	v55 =	vunpack.i.u.bf16.f32 v43;
	v53 =	vmul.f32 s19, v52;
	v63 =	vld [tilespmem:s1+$0x470];
	v18 =	vadd.f32 v49, v48  }
0x349: {  	v57 =	vmul.f32 s21, v55;
	v23 =	vmul.f32 s21, v54;
	v17 =	vadd.f32 v20, v17  }
0x34a: {  	v58 =	vunpack.i.l.bf16.f32 v45;
	v59 =	vunpack.i.u.bf16.f32 v45;
	v18 =	vadd.f32 v53, v18  }
0x34b: {  	v61 =	vld [tilespmem:s1+$0x430];
	v60 =	vunpack.i.l.bf16.f32 v51;
	v20 =	vmul.f32 s23, v58;
	v17 =	vadd.f32 v23, v17  }
0x34c: {  	v5 =	vunpack.i.l.bf16.f32 v56;
	v18 =	vadd.f32 v57, v18;
	v23 =	vmul.f32 s23, v59  }
0x34d: {  	v34 =	vunpack.i.u.bf16.f32 v63;
	v15 =	vunpack.i.l.bf16.f32 v63;
	v17 =	vadd.f32 v20, v17  }
0x34e: {  	v19 =	vmul.f32 s3, v60;
	v24 =	vmul.f32 s0, v5;
	v62 =	vadd.f32 v23, v18  }
0x34f: {  	v9 =	vadd.f32 v14, v9;
	v35 =	vmul.f32 s6, v15;
	v36 =	vmul.f32 s6, v34;
	s6 =	sor.u32 $0xC70, s17;
	s17 =	sor.u32 $0x870, s28;
	[tilespmem:s10+$0x7BA0] =	vst v17  }
0x350: {  	v4 =	vadd.f32 v6, v4;
	v29 =	vunpack.i.l.bf16.f32 v61;
	v60 =	vld [tilespmem:s17+$0x5200];
	[tilespmem:s10+$0x7BB0] =	vst v62  }
0x351: {  	v28 =	vadd.f32 v13, v9;
	v9 =	vmul.f32 s22, v29;
	v32 =	vadd.f32 v24, v19;
	v27 =	vld [tilespmem:s15+$0x20]  }
0x352: {  	v26 =	vadd.f32 v12, v10;
	v31 =	vunpack.i.u.bf16.f32 v61;
	v5 =	vadd.f32 v8, v7;
	v30 =	vld [tilespmem:s15+$0x60]  }
0x353: {  	v21 =	vunpack.i.u.bf16.f32 v51;
	v9 =	vadd.f32 v9, v32;
	v23 =	vunpack.i.u.bf16.f32 v56  }
0x354: {  	v7 =	vadd.f32 v33, v26;
	v21 =	vmul.f32 s3, v21;
	v25 =	vmul.f32 s0, v23;
	v33 =	vld [tilespmem:s15+$0x420]  }
0x355: {  	v6 =	vadd.f32 v16, v28;
	v12 =	vmul.f32 s22, v31;
	v9 =	vadd.f32 v35, v9  }
0x356: {  	v28 =	vunpack.i.l.bf16.f32 v60;
	v29 =	vunpack.i.u.bf16.f32 v60;
	v11 =	vadd.f32 v25, v21;
	v37 =	vld [tilespmem:s15+$0x460]  }
0x357: {  	s24 =	sor.u32 $0x820, s13;
	v38 =	vunpack.i.u.bf16.f32 v27;
	v8 =	vunpack.i.l.bf16.f32 v27;
	v39 =	vunpack.i.l.bf16.f32 v30  }
0x358: {  	v40 =	vld [tilespmem:s24+$0x5200];
	v10 =	vunpack.i.u.bf16.f32 v30;
	v8 =	vmul.f32 s14, v8;
	v18 =	vmul.f32 s16, v39  }
0x359: {  	s26 =	sor.u32 $0x860, s13;
	v41 =	vunpack.i.l.bf16.f32 v33;
	v17 =	vmul.f32 s14, v38;
	v10 =	vmul.f32 s16, v10  }
0x35a: {  	v43 =	vld [tilespmem:s26+$0x5200];
	v14 =	vunpack.i.u.bf16.f32 v33;
	v42 =	vmul.f32 s2, v41;
	v8 =	vadd.f32 v18, v8  }
0x35b: {  	s31 =	sor.u32 $0xC20, s13;
	v44 =	vunpack.i.l.bf16.f32 v37;
	v14 =	vmul.f32 s2, v14;
	v10 =	vadd.f32 v10, v17  }
0x35c: {  	v45 =	vld [tilespmem:s31+$0x5200];
	v16 =	vunpack.i.u.bf16.f32 v37;
	v17 =	vmul.f32 s18, v44;
	v8 =	vadd.f32 v42, v8  }
0x35d: {  	s1 =	sor.u32 $0xC60, s13;
	v47 =	vunpack.i.l.bf16.f32 v40;
	v46 =	vmul.f32 s18, v16;
	v10 =	vadd.f32 v14, v10  }
0x35e: {  	v49 =	vld [tilespmem:s1+$0x5200];
	v48 =	vunpack.i.u.bf16.f32 v40;
	v16 =	vmul.f32 s20, v47;
	v8 =	vadd.f32 v17, v8  }
0x35f: {  	s22 =	sor.u32 $0xC30, s28;
	v51 =	vunpack.i.l.bf16.f32 v43;
	v50 =	vmul.f32 s20, v48;
	v10 =	vadd.f32 v46, v10  }
0x360: {  	v24 =	vld [tilespmem:s22+$0x5200];
	s3 =	sor.u32 $0x830, s28;
	v53 =	vunpack.i.u.bf16.f32 v43;
	v17 =	vmul.f32 s19, v51;
	v8 =	vadd.f32 v16, v8  }
0x361: {  	v52 =	vld [tilespmem:s3+$0x5200];
	v55 =	vunpack.i.l.bf16.f32 v45;
	v54 =	vmul.f32 s19, v53;
	v10 =	vadd.f32 v50, v10  }
0x362: {  	v56 =	vunpack.i.u.bf16.f32 v45;
	v16 =	vmul.f32 s21, v55;
	v8 =	vadd.f32 v17, v8  }
0x363: {  	v59 =	vunpack.i.l.bf16.f32 v49;
	v58 =	vmul.f32 s21, v56;
	v10 =	vadd.f32 v54, v10  }
0x364: {  	v57 =	vld [tilespmem:s6+$0x5200];
	s24 =	sor.u32 $0xC70, s28;
	v19 =	vunpack.i.u.bf16.f32 v49;
	v17 =	vmul.f32 s23, v59;
	v8 =	vadd.f32 v16, v8  }
0x365: {  	v34 =	vunpack.i.l.bf16.f32 v24;
	v26 =	vld [tilespmem:s24+$0x5200];
	v19 =	vmul.f32 s23, v19;
	v10 =	vadd.f32 v58, v10  }
0x366: {  	v61 =	vunpack.i.l.bf16.f32 v52;
	v11 =	vadd.f32 v12, v11;
	v8 =	vadd.f32 v17, v8  }
0x367: {  	v62 =	vunpack.i.u.bf16.f32 v52;
	v14 =	vmul.f32 s11, v61;
	v10 =	vadd.f32 v19, v10  }
0x368: {  	v35 =	vmul.f32 s30, v34;
	v63 =	vmul.f32 s11, v62;
	v11 =	vadd.f32 v36, v11;
	[tilespmem:s10+$0x7BC0] =	vst v8  }
0x369: {  	v25 =	vunpack.i.u.bf16.f32 v57;
	v30 =	vmul.f32 s29, v28;
	v9 =	vadd.f32 v14, v9;
	[tilespmem:s10+$0x7BD0] =	vst v10  }
0x36a: {  	v12 =	vmul.f32 s9, v25;
	v11 =	vadd.f32 v63, v11;
	v37 =	vunpack.i.l.bf16.f32 v26;
	v31 =	vld [tilespmem:s15+$0x30]  }
0x36b: {  	v18 =	vunpack.i.l.bf16.f32 v57;
	v9 =	vadd.f32 v30, v9;
	v10 =	vmul.f32 s29, v29;
	v32 =	vld [tilespmem:s15+$0x70]  }
0x36c: {  	v33 =	vunpack.i.u.bf16.f32 v24;
	v38 =	vmul.f32 s25, v37;
	v27 =	vmul.f32 s9, v18  }
0x36d: {  	v14 =	vmul.f32 s30, v33;
	v9 =	vadd.f32 v35, v9;
	v36 =	vld [tilespmem:s15+$0x430];
	v10 =	vadd.f32 v10, v11  }
0x36e: {  	v6 =	vadd.f32 v12, v6;
	v7 =	vadd.f32 v27, v7;
	v8 =	vunpack.i.u.bf16.f32 v26  }
0x36f: {  	[tilespmem:s10+$0x7A60] =	vst v5;
	v9 =	vadd.f32 v38, v9;
	v39 =	vld [tilespmem:s15+$0x470];
	v5 =	vmul.f32 s25, v8;
	v10 =	vadd.f32 v14, v10  }
0x370: {  	s26 =	sor.u32 $0x830, s13;
	v40 =	vunpack.i.u.bf16.f32 v31;
	v41 =	vunpack.i.l.bf16.f32 v31;
	v42 =	vunpack.i.l.bf16.f32 v32  }
0x371: {  	v43 =	vld [tilespmem:s26+$0x5200];
	v16 =	vunpack.i.u.bf16.f32 v32;
	v14 =	vmul.f32 s14, v41;
	v15 =	vmul.f32 s16, v42  }
0x372: {  	s28 =	sor.u32 $0x870, s13;
	v44 =	vunpack.i.l.bf16.f32 v36;
	v13 =	vmul.f32 s14, v40;
	v16 =	vmul.f32 s16, v16  }
0x373: {  	v47 =	vld [tilespmem:s28+$0x5200];
	v45 =	vunpack.i.u.bf16.f32 v36;
	v46 =	vmul.f32 s2, v44;
	v14 =	vadd.f32 v15, v14  }
0x374: {  	s29 =	sor.u32 $0xC30, s13;
	v48 =	vunpack.i.l.bf16.f32 v39;
	v13 =	vadd.f32 v16, v13;
	v15 =	vmul.f32 s2, v45  }
0x375: {  	v50 =	vld [tilespmem:s29+$0x5200];
	v12 =	vunpack.i.u.bf16.f32 v39;
	v16 =	vmul.f32 s18, v48;
	v14 =	vadd.f32 v46, v14  }
0x376: {  	s30 =	sor.u32 $0xC70, s13;
	v49 =	vunpack.i.l.bf16.f32 v43;
	v12 =	vmul.f32 s18, v12;
	v13 =	vadd.f32 v15, v13  }
0x377: {  	v54 =	vld [tilespmem:s30+$0x5200];
	v51 =	vunpack.i.u.bf16.f32 v43;
	v15 =	vmul.f32 s20, v49;
	v14 =	vadd.f32 v16, v14  }
0x378: {  	v53 =	vunpack.i.l.bf16.f32 v47;
	v52 =	vmul.f32 s20, v51;
	v12 =	vadd.f32 v12, v13  }
0x379: {  	v57 =	vunpack.i.u.bf16.f32 v47;
	v56 =	vmul.f32 s19, v53;
	v55 =	vadd.f32 v15, v14  }
0x37a: {  	v58 =	vunpack.i.l.bf16.f32 v50;
	v13 =	vmul.f32 s19, v57;
	v12 =	vadd.f32 v52, v12  }
0x37b: {  	s31 =	rddreg [dreg:$0x17];
	v59 =	vunpack.i.u.bf16.f32 v50;
	v14 =	vmul.f32 s21, v58;
	v11 =	vadd.f32 v56, v55  }
0x37c: {  	[tilespmem:s10+$0x7A70] =	vst v4;
	s0 =	sadd.s32 $0x4, s31;
	v60 =	vunpack.i.l.bf16.f32 v54;
	v8 =	vmul.f32 s21, v59;
	v4 =	vadd.f32 v13, v12  }
0x37d: {  	p1 =	slt.u32 s0, $0xC;
	[tilespmem:s10+$0x7AF0] =	vst v6;
	v62 =	vunpack.i.u.bf16.f32 v54;
	v12 =	vmul.f32 s23, v60;
	v61 =	vadd.f32 v14, v11  }
.Ltmp4:
0x37e: {  	[tilespmem:s10+$0x7AE0] =	vst v7;
	v5 =	vadd.f32 v5, v10;
	v63 =	vmul.f32 s23, v62;
	v4 =	vadd.f32 v8, v4;
	(pc) =	sbr.rel @p1 .LBB2_10-.Ltmp4, $4  }
0x37f: {  	[tilespmem:s10+$0x7B60] =	vst v9;
	v7 =	vadd.f32 v12, v61  }
0x380: {  	p0 =	por !p0, !p0;
	s8 =	rddreg [dreg:$0x1b];
	[tilespmem:s10+$0x7B70] =	vst v5;
	v4 =	vadd.f32 v63, v4  }
0x381: {  	s12 =	sadd.s32 $0x800, s12;
	s5 =	sadd.s32 $0x4, s5;
	s7 =	rddreg [dreg:$0x19];
	[tilespmem:s10+$0x7BE0] =	vst v7  }
0x382: {  	s4 =	sadd.s32 $0x200, s4;
	s8 =	sadd.s32 $0x4, s8;
	s7 =	sadd.s32 $0x2, s7;
	[tilespmem:s10+$0x7BF0] =	vst v4  }
0x383: {  	s4 =	rddreg [dreg:$0x13]  }
0x384: {  	p0 =	sne.s32 s4, $0x10  }
.Ltmp5:
0x385: {  	_ = 	snop;
	(pc) =	sbr.rel @p0 .LBB2_3-.Ltmp5, $4  }
0x386: {  	s0 =	rddreg [dreg:$0x14]  }
0x387: {  	s1 =	rddreg [dreg:$0x1];
	s2 =	simm.s32 $0x10  }
0x388: {  	s3 =	simm.s32 $0x7A00;
	s8 =	simm.s32 $0x0;
	s0 =	sadd.s32 $0x1000, s0  }
0x389: {  	[spmem:s1] =	stream.indirect.scatter.add.f32 [tilespmem:s3], [sflag:$0x4], $0x80, s0, s2, $0xb8;
	[tilespmem:$0x1EA00] =	vst v63  }
0x38a: {  	s0 =	simm.s32 $0x3  }
0x38b: {  	_ =	swait.ge [sflag:s0], $0x800  }
0x38c: {  	[sflag:s0] =	ssyncset.done $0x0  }
0x38d: {  	s31 =	simm.s32 $0x4;
	[sflag:s0] =	ssyncadd.s32 $0xFFFFF800  }
0x38e: {  	_ =	swait.ge [sflag:s31], $0x800  }
0x38f: {  	s1 =	rddreg [dreg:$0x12]  }
0x390: {  	s1 =	sadd.s32 $0x1, s1  }
0x391: {  	p0 =	sne.s32 s1, $0x14  }
.Ltmp6:
0x392: {  	_ = 	snop;
	(pc) =	sbr.rel @p0 .LBB2_2-.Ltmp6, $3  }
0x393: {  	_ =	sdelay $0x1  }
0x394: {  	[sflag:s31] =	ssyncset.done $0x0  }
0x395: {  	s5 =	simm.s32 $0x8200;
	[sflag:s31] =	ssyncadd.s32 $0xFFFFF800  }
0x396: {  	[bflag:$0x0] =	sbarrier.arrive $0xFFFF  }
0x397: {  	s0 =	rddreg [dreg:$0x9]  }
0x398: {  	s4 =	rddreg [dreg:$0xe]  }
0x399: {  	s29 =	simm.s32 $0x6;
	s1 =	rddreg [dreg:$0xf];
	s0 =	sor.u32 $0x1C06, s0  }
0x39a: {  	[hbm:s1], [sflag:s0] =	dma.local [spmem:s4], $0x2800  }
0x39b: {  	_ =	swait.ge [sflag:s29], $0x2800  }
0x39c: {  	[sflag:s29] =	ssyncset.done $0x0  }
0x39d: {  	s30 =	rddreg [dreg:$0x10];
	[sflag:s29] =	ssyncadd.s32 $0xFFFFD800  }
0x39e: {  	[hbm4b:s30+s8] =	stream.linear.scatter [tilespmem:s5], [sflag:$0x6], $0x2800, $0x38;
	[tilespmem:$0x1EA00] =	vst v63  }
0x39f: {  	_ =	swait.ge [sflag:s29], $0x2800  }
0x3a0: {  	s2 =	rddreg [dreg:$0x11]  }
0x3a1: {  	s31 =	rddreg [dreg:$0xd];
	s2 =	sadd.s32 $0x1, s2  }
0x3a2: {  	p0 =	sne.s32 s2, s31  }
.Ltmp7:
0x3a3: {  	_ = 	snop;
	(pc) =	sbr.rel @p0 .LBB2_1-.Ltmp7, $3  }
0x3a4: {  	_ =	sdelay $0x1  }
0x3a5: {  	[sflag:s29] =	ssyncset.done $0x0  }
0x3a6: {  	[sflag:s29] =	ssyncadd.s32 $0xFFFFD800  }
0x3a7: {  	_ =	sfence.sel $0x180000  }
0x3a8: {  	[bflag:$0x0] =	sbarrier.arrive $0xFFFF  }
0x3a9: {  	_ =	strace $0x9000004A  }
0x3aa: {  	s0 =	stileid.u32;
	[bflag:$0x2] =	sbarrier.arrive $0xFFFF  }
0x3ab: {  	p0 =	sne.s32 s0, $0x0;
	s0 =	rddreg [dreg:$0x2]  }
0x3ac: {  	s0 =	sadd.s32 @!p0 $0x100000, s0  }
0x3ad: {  	[sflag:s0] =	ssyncadd.tile.s32 @!p0 $0x1;
	_ =	shalt  }
.Lfunc_end2:
_tile_overlayer_lowered:
.L_overlay_start_2:
0x3ae: {  	(tag) =	ssettag $0x2  }
0x3af: {  	s0 =	rddreg [dreg:$0x0];
	s2 =	stileid.u32  }
0x3b0: {  	s1 =	rddreg [dreg:$0x1];
	p0 =	sne.s32 s2, $0x0  }
0x3b1: {  	s3 =	rddreg [dreg:$0x2];
	[bflag:$0x3] =	sbarrier.arrive $0xFFFF;
	s2 =	simm.s32 @!p0 $0x1C06  }
0x3b2: {  	[timem:s3], [sflag:s2] =	dma.local @!p0 [hbm:s0], s1  }
0x3b3: {  	s0 =	simm.s32 @!p0 $0x6  }
0x3b4: {  	_ =	swait.ge @!p0 [sflag:s0], s1  }
0x3b5: {  	s1 =	ssub.s32 @!p0 $0x0, s1;
	[sflag:s0] =	ssyncset.done @!p0 $0x0  }
0x3b6: {  	[sflag:s0] =	ssyncadd.s32 @!p0 s1  }
0x3b7: {  	[bflag:$0x3] =	sbarrier.arrive $0xFFFF  }
0x3b8: {  	_ =	shalt  }

// kernel: sparse-core-data-format-call.cloned.1.call-start
scs
called_computation_lowered:
.L_overlay_start_0:
0x0: {  	s1 =	sld [smem:$0x3FD9]  }
0x1: {  	s2 =	sld [smem:$0x3FFE];
	_ =	sdelay $0x1  }
0x2: {  	s3 =	srdreg.scid  }
0x3: {  	s0 =	sand.u32 $0x1, s3  }
0x4: {  	s17 =	sshll.u32 s0, $0xA;
	s1 =	sadd.s32 s2, s1  }
0x5: {  	s1 =	sadd.s32 s1, s17  }
0x6: {  	[smem:$0x3FC0] =	sst s1  }
0x7: {  	_ = 	snop  }
0x8: {  	(tm) =	ssettm $0x1  }
0x9: {  	s18 =	sld [smem:$0x3FFB];
	_ =	sdelay $0x3  }
0xa: {  	_ =	strace s18  }
0xb: {  	s1 =	sld [smem:$0x3FFC];
	_ =	sdelay $0x3  }
0xc: {  	_ =	strace s1  }
0xd: {  	s1 =	sld [smem:$0x3FFD];
	_ =	sdelay $0x3  }
0xe: {  	_ =	strace s1  }
0xf: {  	_ =	strace $0x8FFFFFFF  }
0x10: {  	s19 =	sld [smem:$0x3FDB];
	_ =	sdelay $0x1  }
0x11: {  	s20 =	simm.s32 $_scs_section_size  }
0x12: {  	s4 =	simm.s32 $_size__tile_overlayer_lowered;
	s5 =	simm.s32 $_tile_overlayer_lowered  }
0x13: {  	s23 =	simm.s32 $0x1BFF;
	s22 =	sshll.u32 s5, $0x1;
	s1 =	sadd.s32 s20, s19  }
0x14: {  	s6 =	simm.s32 $0x0;
	s21 =	sshll.u32 s4, $0x1;
	s4 =	sadd.s32 s22, s1  }
0x15: {  	[timem:s6], [sflag:s23] =	dma.local [hbm:s4], s21  }
0x16: {  	_ =	swait.ge [sflag:s23], s21  }
0x17: {  	s2 =	ssub.s32 $0x0, s21;
	[sflag:s23] =	ssyncset.done $0x0  }
0x18: {  	[sflag:s23] =	ssyncadd.s32 s2;
	_ =	sdelay $0x1  }
0x19: {  	s24 =	simm.s32 $0x1B8B  }
0x1a: {  	_ =	swait.ge [sflag:s24], $0x1  }
0x1b: {  	[sflag:s24] =	ssyncset.done $0x0  }
0x1c: {  	s26 =	simm.s32 $0x1B8E;
	s25 =	sld [smem:$0x3FFE];
	[sflag:s24] =	ssyncadd.s32 $0xFFFFFFFF  }
0x1d: {  	s27 =	simm.s32 $execute0_lowered;
	[smem:$0x3FD2] =	sst s26  }
0x1e: {  	s4 =	sshll.u32 s27, $0x1;
	_ =	strace $0x80000046;
	[dreg:$0x1] =	wrdreg $0xFFFFFFFF  }
0x1f: {  	s28 =	simm.s32 $_size_execute0_lowered;
	s1 =	sadd.s32 s1, s4;
	[dreg:$0x0] =	wrdreg $0x0  }
0x20: {  	s4 =	sshll.u32 s28, $0x1;
	[dreg:$0x2] =	wrdreg s1  }
0x21: {  	[dreg:$0x3] =	wrdreg s4  }
0x22: {  	[dreg:$0x4] =	wrdreg $0xC0  }
0x23: {  	_ =	task [dreg:s6], $0x5FFFF  }
0x24: {  	[dreg:$0x1] =	wrdreg $0xFFFFFFFF  }
0x25: {  	[dreg:$0x0] =	wrdreg $0x60  }
0x26: {  	[dreg:$0x2] =	wrdreg s25  }
0x27: {  	[dreg:$0x3] =	wrdreg $0x9  }
0x28: {  	_ =	task.clear_ibuf [dreg:s6], $0x4FFFF;
	_ =	strace $0x90000046  }
0x29: {  	s29 =	simm.s32 $0x9;
	_ =	strace $0x80000048  }
0x2a: {  	_ =	swait.ge [sflag:s29], $0x1  }
0x2b: {  	[sflag:s29] =	ssyncadd.s32 $0xFFFFFFFF  }
0x2c: {  	_ =	strace $0x90000048  }
0x2d: {  	_ =	sfence  }
0x2e: {  	s30 =	sld [smem:$0x0];
	_ =	sdelay $0x2  }
0x2f: {  	s31 =	sshll.u32 s3, $0xD;
	s3 =	sshrl.u32 s3, $0x2  }
0x30: {  	s2 =	sand.u32 $0x4000, s31;
	s1 =	sadd.s32 s3, s30  }
0x31: {  	s0 =	sor.u32 s2, s0;
	s1 =	sshll.u32 s1, $0x11  }
0x32: {  	s0 =	sor.u32 s1, s0  }
0x33: {  	s0 =	sadd.s32 $0x8F2B, s0  }
0x34: {  	[sflag:s0] =	ssyncadd.remote.s32 $0x1  }
0x35: {  	_ =	sfence.sel $0xFFFF  }
0x36: {  	[dreg:$0x0] =	wrdreg $0xFFFFFFFF;
	(pc) =	sbr.abs _section_cstart, $3  }
0x37: {  	[dreg:$0x1] =	wrdreg $0xFFFFFFFF  }
0x38: {  	_ =	task.clear_ibuf [dreg:s6], $0x2FFFF;
	_ =	strace $0x9FFFFFFF  }
0x39: {  	(tm) =	ssettm $0x7FFFFFFF  }
tec
execute0_lowered:
.L_overlay_start_1:
0x0: {  	(tag) =	ssettag $0x1  }
0x1: {  	s0 =	srdreg.scid  }
0x2: {  	s1 =	sshll.u32 s0, $0x4  }
0x3: {  	s7 =	rddreg [dreg:$0x0];
	s0 =	stileid.u32;
	s1 =	sand.u32 $0x10, s1  }
0x4: {  	s31 =	simm.s32 $0x2;
	s14 =	simm.s32 $0x0;
	s8 =	sor.u32 s0, s1  }
0x5: {  	s13 =	simm.s32 $0x0;
	s12 =	simm.s32 $0x0;
	s2 =	sshll.u32 s8, $0x5  }
0x6: {  	s3 =	sadd.s32 $0x9E400, s7;
	s4 =	sshll.u32 s0, $0x7;
	s2 =	sand.u32 $0x380, s2  }
0x7: {  	s1 =	rddreg [dreg:$0x1];
	s4 =	sand.u32 $0x180, s4;
	s5 =	ssub.s32 $0x400, s2  }
0x8: {  	_ =	strace $0x80000047;
	s9 =	ssub.s32 $0x2700, s4;
	s6 =	sand.u32 $0x380, s5  }
0x9: {  	s9 =	sshrl.u32 s9, $0x9;
	p0 =	sne.s32 s6, $0x0;
	s6 =	simm.s32 $0x1  }
.Ltmp0:
0xa: {  	s10 =	sshrl.u32 s5, $0xA;
	s6 =	simm.s32 @!p0 $0x0;
	(pc) =	sbr.rel .LBB1_1-.Ltmp0, $4  }
0xb: {  	s9 =	sadd.s32 $0x1, s9;
	s5 =	simm.s32 $0x1;
	s6 =	sadd.s32 s6, s10  }
0xc: {  	s7 =	sadd.s32 $0x1D6C00, s7;
	[sflag:s5] =	ssyncpa.u1 $0x0;
	s6 =	smul.u32 s9, s6  }
0xd: {  	s8 =	sshll.u32 s8, $0x8;
	s11 =	smov.u32 s4;
	[sflag:s31] =	ssyncpa.u1 $0x0  }
0xe: {  	p0 =	por $0x0, $0x0;
	s10 =	simm.s32 $0x13C00;
	s9 =	sadd.s32 $0x1, s6  }
.LBB1_4:
0xf: {  	s14 =	sshrl.u32 s14, $0x3  }
0x10: {  	s20 =	sshll.u32 s13, $0x3;
	s14 =	smul.u32 $0x13C00, s14  }
0x11: {  	v5 =	vld [tilespmem:s18+$0xFFFFFFD0];
	[tilespmem:s17+$0x2040 ss:$0x81] =	vst.msk $0xffff, v4;
	s20 =	sand.u32 $0xFFFFFC00, s20  }
0x12: {  	v58 =	vld [tilespmem:s18+$0xFFFFFFE0];
	[tilespmem:s17+$0x2850 ss:$0x81] =	vst.msk $0xffff, v3;
	s30 =	sand.u32 $0x7F, s13;
	s14 =	sadd.s32 s20, s14  }
0x13: {  	s19 =	sshra.s32 s19, $0x2;
	v59 =	vld [tilespmem:s18+$0xFFFFFFF0];
	[tilespmem:s17+$0x3060 ss:$0x81] =	vst.msk $0xffff, v2;
	s13 =	sor.u32 s30, s14  }
0x14: {  	v60 =	vld [tilespmem:s18+$0x0];
	[tilespmem:s17+$0x0 ss:$0x81] =	vst.msk $0xffff, v0;
	s16 =	sadd.s32 s19, s16;
	s31 =	smulhi.u32 $0xCF6474A9, s13  }
0x15: {  	v61 =	vld [tilespmem:s18+$0x10];
	[tilespmem:s16+$0x3870 ss:$0x81] =	vst.msk $0xffff, v1  }
0x16: {  	v62 =	vld [tilespmem:s18+$0x20];
	s14 =	smulhi.u32 $0xCF6474A9, s14;
	[tilespmem:s16+$0x810 ss:$0x81] =	vst.msk $0xffff, v5;
	s17 =	sshrl.u32 s31, $0xD  }
0x17: {  	v63 =	vld [tilespmem:s18+$0xFFFFFFC0];
	[tilespmem:s16+$0x1020 ss:$0x81] =	vst.msk $0xffff, v58;
	s17 =	smul.u32 $0x2780, s17  }
0x18: {  	[tilespmem:s16+$0x1830 ss:$0x81] =	vst.msk $0xffff, v59;
	s14 =	sshrl.u32 s14, $0xD  }
0x19: {  	[tilespmem:s16+$0x2040 ss:$0x81] =	vst.msk $0xffff, v60;
	s14 =	sand.u32 $0x3FF, s14;
	s13 =	ssub.s32 s13, s17  }
0x1a: {  	[tilespmem:s16+$0x2850 ss:$0x81] =	vst.msk $0xffff, v61;
	s14 =	smul.u32 $0x4F0, s14;
	s17 =	sshrl.u32 s13, $0x3;
	s13 =	sand.u32 $0x7, s13  }
0x1b: {  	[tilespmem:s16+$0x3060 ss:$0x81] =	vst.msk $0xffff, v62;
	s17 =	sadd.s32 s7, s17;
	s13 =	sshll.u32 s13, $0x12  }
0x1c: {  	[tilespmem:s16+$0x0 ss:$0x81] =	vst.msk $0xffff, v63;
	s14 =	sadd.s32 s14, s17;
	s13 =	sor.u32 $0x400, s13  }
0x1d: {  	[hbm4b:s14+s13] =	stream.strided.scatter [tilespmem:s15], [sflag:$0x2], $0x4000, s10, s13, $0x20;
	[tilespmem:$0x10100] =	vst v63  }
.LBB1_5:
0x1e: {  	s15 =	sadd.s32 $0x200, s11  }
0x1f: {  	p2 =	sgt.s32 s15, $0x270F  }
0x20: {  	s15 =	smov.u32 @p2 s4;
	p2 =	sne.s32 s12, s9  }
.Ltmp1:
0x21: {  	p1 =	slt.u32 s12, $0x2;
	(pc) =	sbr.rel @!p2 .LBB1_6-.Ltmp1, $4  }
0x22: {  	s14 =	simm.s32 @!p1 $0x2  }
0x23: {  	s16 =	sadd.s32 $0x1, s12;
	s13 =	smov.u32 s11;
	_ =	swait.ge @!p1 [sflag:s14], $0x4000  }
0x24: {  	p0 =	por !p0, !p0;
	s12 =	smov.u32 s16;
	[sflag:s14] =	ssyncset.done @!p1 $0x0  }
0x25: {  	s11 =	smov.u32 s15;
	[sflag:s14] =	ssyncadd.s32 @!p1 $0xFFFFC000;
	s14 =	smov.u32 s2  }
.LBB1_1:
0x26: {  	p1 =	sge.u32 s12, s6  }
0x27: {  	s15 =	sshll.u32 @!p1 s11, $0xA  }
0x28: {  	s15 =	sand.u32 @!p1 $0xFFFFE000, s15  }
0x29: {  	s15 =	sor.u32 @!p1 s8, s15  }
0x2a: {  	s17 =	smov.u32 s11;
	p2 =	sgt.s32 @!p1 s11, $0x2690;
	s15 =	sshrl.u32 @!p1 s15, $0xA  }
0x2b: {  	s18 =	sshra.s32 @!p1 s11, $0x1F;
	p2 =	por !p2, p1;
	s16 =	smulhi.u32 @!p1 $0x1A36E3, s15  }
0x2c: {  	s31 =	sadd.s32 $0xFFFFFFFF, s12;
	s18 =	sand.u32 @!p1 s18, s11;
	s17 =	simm.s32 @p2 $0x2690  }
0x2d: {  	s19 =	sxor.u32 @!p1 $0xFFFFFFFF, s12;
	s17 =	ssub.s32 @!p1 s17, s18;
	s16 =	sshrl.u32 @!p1 s16, $0x2  }
0x2e: {  	s18 =	sshll.u32 @!p1 s19, $0xE;
	s17 =	sadd.s32 @!p1 $0xFFFFD970, s17;
	s16 =	smul.u32 @!p1 $0x2710, s16  }
0x2f: {  	s19 =	simm.s32 @!p1 $0x2000;
	s18 =	sand.u32 @!p1 $0x4000, s18;
	p2 =	sgt.s32 @!p1 s17, $0x7F  }
0x30: {  	s15 =	ssub.s32 @!p1 s15, s16;
	s16 =	sshll.u32 @!p1 s17, $0x7;
	s17 =	sshll.u32 @!p1 s11, $0x4  }
0x31: {  	p2 =	por !p2, p1;
	s16 =	ssub.s32 @!p1 $0x4000, s16;
	s17 =	sand.u32 @!p1 $0x70, s17  }
0x32: {  	s15 =	sshll.u32 @!p1 s15, $0x7;
	s16 =	sand.u32 @!p1 $0x3FFFFF80, s16;
	s17 =	sadd.s32 @!p1 s3, s17  }
0x33: {  	s16 =	simm.s32 @!p2 $0x0;
	s15 =	sadd.s32 @!p1 s15, s17;
	s17 =	simm.s32 @!p1 $0x400  }
0x34: {  	[tilespmem:s18], [sflag:$0x1] =	stream.strided.gather @!p1 [hbm4b:s15+s17], s16, s19, s17, $0x38;
	[tilespmem:$0x10100] =	vst v63  }
0x35: {  	p1 =	sge.u32 s31, s6  }
.Ltmp2:
0x36: {  	_ = 	snop;
	(pc) =	sbr.rel @p1 .LBB1_5-.Ltmp2, $1  }
0x37: {  	_ =	sdelay $0x3  }
0x38: {  	p1 =	sgt.s32 s13, $0x2690;
	s15 =	smov.u32 s13;
	s16 =	sshra.s32 s13, $0x1F  }
0x39: {  	s15 =	simm.s32 @!p1 $0x2690;
	s16 =	sand.u32 s16, s13  }
0x3a: {  	s15 =	ssub.s32 s15, s16  }
0x3b: {  	s15 =	sadd.s32 $0xFFFFD970, s15  }
0x3c: {  	s29 =	sshll.u32 s15, $0x7  }
0x3d: {  	s16 =	ssub.s32 $0x4000, s29  }
0x3e: {  	p1 =	sgt.s32 s15, $0x7F;
	s15 =	sand.u32 $0x3FFFFF80, s16  }
0x3f: {  	s16 =	simm.s32 $0x1;
	s15 =	simm.s32 @p1 $0x0  }
0x40: {  	s16 =	simm.s32 @!p0 $0x0;
	_ =	swait.ge [sflag:s5], s15  }
0x41: {  	s17 =	sshll.u32 s16, $0xE;
	s15 =	ssub.s32 $0x0, s15;
	[sflag:s5] =	ssyncset.done $0x0  }
0x42: {  	s18 =	sor.u32 $0x40, s17;
	[sflag:s5] =	ssyncadd.s32 s15  }
0x43: {  	s30 =	smul.u32 $0x10200, s16;
	v0 =	vld [tilespmem:s18+$0x30]  }
0x44: {  	v1 =	vld [tilespmem:s18+$0xFFFFFFD0]  }
0x45: {  	s15 =	sshrl.u32 s30, $0x2;
	v5 =	vld [tilespmem:s18+$0xFFFFFFE0]  }
0x46: {  	s16 =	sor.u32 $0x8000, s15;
	v6 =	vld [tilespmem:s18+$0xFFFFFFF0]  }
0x47: {  	s31 =	sand.u32 $0x1, s12;
	v4 =	vld [tilespmem:s18+$0x0];
	s17 =	sadd.s32 $0x0, s16  }
0x48: {  	s15 =	smul.u32 $0x10200, s31;
	v3 =	vld [tilespmem:s18+$0x10];
	[tilespmem:s17+$0x3870 ss:$0x81] =	vst.msk $0xffff, v0  }
0x49: {  	v2 =	vld [tilespmem:s18+$0x20];
	[tilespmem:s17+$0x810 ss:$0x81] =	vst.msk $0xffff, v1  }
0x4a: {  	s15 =	sshrl.u32 s15, $0x2;
	v0 =	vld [tilespmem:s18+$0xFFFFFFC0];
	[tilespmem:s17+$0x1020 ss:$0x81] =	vst.msk $0xffff, v5;
	s18 =	sadd.s32 $0x80, s18  }
0x4b: {  	s19 =	simm.s32 $0x4;
	s20 =	simm.s32 $0x8;
	s15 =	sor.u32 $0x8000, s15;
	[tilespmem:s17+$0x1830 ss:$0x81] =	vst.msk $0xffff, v6;
	v1 =	vld [tilespmem:s18+$0x30]  }
.LBB1_3:
0x4c: {  	p1 =	sne.s32 s20, $0x1FC;
	v5 =	vld [tilespmem:s18+$0xFFFFFFD0];
	[tilespmem:s17+$0x2040 ss:$0x81] =	vst.msk $0xffff, v4  }
0x4d: {  	v6 =	vld [tilespmem:s18+$0xFFFFFFE0];
	[tilespmem:s17+$0x2850 ss:$0x81] =	vst.msk $0xffff, v3  }
0x4e: {  	s21 =	sshra.s32 s19, $0x2;
	s19 =	smov.u32 s20;
	v7 =	vld [tilespmem:s18+$0xFFFFFFF0];
	[tilespmem:s17+$0x3060 ss:$0x81] =	vst.msk $0xffff, v2  }
.Ltmp3:
0x4f: {  	v4 =	vld [tilespmem:s18+$0x0];
	[tilespmem:s17+$0x0 ss:$0x81] =	vst.msk $0xffff, v0;
	s17 =	sadd.s32 s21, s16;
	(pc) =	sbr.rel @p1 .LBB1_3-.Ltmp3, $4  }
0x50: {  	v3 =	vld [tilespmem:s18+$0x10];
	[tilespmem:s17+$0x3870 ss:$0x81] =	vst.msk $0xffff, v1  }
0x51: {  	[tilespmem:s17+$0x810 ss:$0x81] =	vst.msk $0xffff, v5;
	v2 =	vld [tilespmem:s18+$0x20]  }
0x52: {  	v0 =	vld [tilespmem:s18+$0xFFFFFFC0];
	[tilespmem:s17+$0x1020 ss:$0x81] =	vst.msk $0xffff, v6;
	s18 =	sadd.s32 $0x80, s18  }
0x53: {  	s20 =	sadd.s32 $0x4, s20;
	v1 =	vld [tilespmem:s18+$0x30];
	[tilespmem:s17+$0x1830 ss:$0x81] =	vst.msk $0xffff, v7  }
.Ltmp4:
0x54: {  	_ = 	snop;
	(pc) =	sbr.rel .LBB1_4-.Ltmp4, $1  }
0x55: {  	_ =	sdelay $0x3  }
.LBB1_6:
0x56: {  	_ =	sfence.sel $0x180000  }
0x57: {  	s2 =	simm.s32 $0x1;
	[bflag:$0x0] =	sbarrier.arrive $0xFFFF  }
0x58: {  	s31 =	simm.s32 $0x2;
	[sflag:s2] =	ssyncpa.u1 $0x1  }
0x59: {  	[sflag:s31] =	ssyncpa.u1 $0x1  }
0x5a: {  	p0 =	sne.s32 s0, $0x0;
	_ =	strace $0x90000047  }
0x5b: {  	s0 =	sadd.s32 @!p0 $0x100000, s1;
	[bflag:$0x2] =	sbarrier.arrive $0xFFFF  }
0x5c: {  	[sflag:s0] =	ssyncadd.tile.s32 @!p0 $0x1;
	_ =	shalt  }
.Lfunc_end1:
_tile_overlayer_lowered:
.L_overlay_start_2:
0x5d: {  	(tag) =	ssettag $0x2  }
0x5e: {  	s0 =	rddreg [dreg:$0x0];
	s2 =	stileid.u32  }
0x5f: {  	s1 =	rddreg [dreg:$0x1];
	p0 =	sne.s32 s2, $0x0  }
0x60: {  	s3 =	rddreg [dreg:$0x2];
	[bflag:$0x3] =	sbarrier.arrive $0xFFFF;
	s2 =	simm.s32 @!p0 $0x1C01  }
0x61: {  	[timem:s3], [sflag:s2] =	dma.local @!p0 [hbm:s0], s1  }
0x62: {  	s0 =	simm.s32 @!p0 $0x1  }
0x63: {  	_ =	swait.ge @!p0 [sflag:s0], s1  }
0x64: {  	s1 =	ssub.s32 @!p0 $0x0, s1;
	[sflag:s0] =	ssyncset.done @!p0 $0x0  }
0x65: {  	[sflag:s0] =	ssyncadd.s32 @!p0 s1  }
0x66: {  	[bflag:$0x3] =	sbarrier.arrive $0xFFFF  }
0x67: {  	_ =	shalt  }

</sc_bundles>
